<compile_context>
chip_gen: v7x
topology: tpu7x:2x2x1
jax: 0.10.2.dev20260603
libtpu: 0.0.44.dev20260713+nightly
codegen_flags: <defaults>
</compile_context>

<pallas_src>
import functools

import jax
import jax.numpy as jnp
from jax import lax
from jax.experimental import pallas as pl
from jax.experimental.pallas import tpu as pltpu
from jax.experimental.pallas import tpu_sc as plsc

N_LAT = 32
LANES = 16
SR = 128
IDX_CHUNK = 128
TC_BLK = 2048


def _repack(table, k_stride):
    table_t = table.T
    nb = k_stride // TC_BLK
    last = (table.shape[0] - 1) // TC_BLK

    def body(x0, x1, x2, x3, out_ref):
        x_cat = jnp.concatenate([x[...] for x in (x0, x1, x2, x3)], axis=0)
        out_ref[...] = jnp.transpose(x_cat)

    in_specs = [
        pl.BlockSpec(
            (N_LAT, TC_BLK),
            functools.partial(lambda k, b: (0, jnp.minimum(nb * k + b, last)), k),
        )
        for k in range(4)
    ]
    return pl.pallas_call(
        body,
        grid=(nb,),
        in_specs=in_specs,
        out_specs=pl.BlockSpec((TC_BLK, SR), lambda b: (b, 0)),
        out_shape=jax.ShapeDtypeStruct((k_stride, SR), jnp.float32),
    )(table_t, table_t, table_t, table_t)


def _mf_sc_call(R, ku, kx):
    info = plsc.get_sparse_core_info()
    NC, NS = info.num_cores, info.num_subcores
    NW = NC * NS
    RW = R // NW
    NCH = RW // IDX_CHUNK
    HALF = RW // 2
    NGH = HALF // LANES
    ushift = ku.bit_length() - 1
    xshift = kx.bit_length() - 1

    mesh = plsc.VectorSubcoreMesh(core_axis_name="c", subcore_axis_name="s")

    @functools.partial(
        pl.kernel,
        out_type=[
            jax.ShapeDtypeStruct((R,), jnp.float32),
            jax.ShapeDtypeStruct((NC, LANES), jnp.float32),
        ],
        mesh=mesh,
        compiler_params=pltpu.CompilerParams(
            needs_layout_passes=False, use_tc_tiling_on_sc=False),
        scratch_types=[
            pltpu.VMEM((NCH, IDX_CHUNK), jnp.int32),
            pltpu.VMEM((NCH, IDX_CHUNK), jnp.int32),
            pltpu.VMEM((NCH, IDX_CHUNK), jnp.int32),
            pltpu.VMEM((NCH, IDX_CHUNK), jnp.int32),
            pltpu.VMEM((HALF, SR), jnp.float32),
            pltpu.VMEM((HALF, SR), jnp.float32),
            pltpu.VMEM((RW,), jnp.float32),
            pltpu.VMEM((RW,), jnp.float32),
            pltpu.VMEM((LANES,), jnp.float32),
            pltpu.VMEM((NS, LANES), jnp.float32),
            pltpu.VMEM((LANES,), jnp.float32),
            pltpu.VMEM_SHARED((NS, LANES), jnp.float32),
            pltpu.SemaphoreType.DMA,
        ],
    )
    def mf(theta_h, x_h, ui_h, ii_h, rat_h, pred_h, loss_h,
           ui_v, ii_v, sui_v, sii_v, u_rows, x_rows, rat_v, pred_v,
           sq_v, accv, lossv, shared, sem):
        cid = lax.axis_index("c")
        sid = lax.axis_index("s")
        wid = sid * NC + cid
        base = wid * RW

        for j in range(NCH):
            pltpu.sync_copy(ui_h.at[pl.ds(base + j * IDX_CHUNK, IDX_CHUNK)], ui_v.at[j])
            pltpu.sync_copy(ii_h.at[pl.ds(base + j * IDX_CHUNK, IDX_CHUNK)], ii_v.at[j])
        pltpu.sync_copy(rat_h.at[pl.ds(base, RW)], rat_v)

        for j in range(NCH):
            for k in range(IDX_CHUNK // LANES):
                sl = pl.ds(k * LANES, LANES)
                sui_v[j, sl] = ui_v[j, sl] & (ku - 1)
                sii_v[j, sl] = ii_v[j, sl] & (kx - 1)

        iota = lax.iota(jnp.int32, LANES)

        for half in range(2):
            cps = []
            for j in range(2):
                ch = 2 * half + j
                cps.append(pltpu.async_copy(
                    theta_h.at[sui_v.at[ch]],
                    u_rows.at[pl.ds(j * IDX_CHUNK, IDX_CHUNK)], sem))
                cps.append(pltpu.async_copy(
                    x_h.at[sii_v.at[ch]],
                    x_rows.at[pl.ds(j * IDX_CHUNK, IDX_CHUNK)], sem))
            for cp in cps:
                cp.wait()

            def group_body(g, sq):
                lrow0 = g * LANES
                row0 = half * HALF + lrow0
                ch = 2 * half + lrow0 // IDX_CHUNK
                col0 = lrow0 % IDX_CHUNK
                uo_vec = lax.shift_right_logical(
                    ui_v[ch, pl.ds(col0, LANES)], ushift) * N_LAT
                xo_vec = lax.shift_right_logical(
                    ii_v[ch, pl.ds(col0, LANES)], xshift) * N_LAT
                svec = jnp.zeros((LANES,), jnp.float32)
                for r in range(LANES):
                    uo = uo_vec[r]
                    xo = xo_vec[r]
                    u0 = u_rows[lrow0 + r, pl.ds(uo, LANES)]
                    u1 = u_rows[lrow0 + r, pl.ds(uo + LANES, LANES)]
                    x0 = x_rows[lrow0 + r, pl.ds(xo, LANES)]
                    x1 = x_rows[lrow0 + r, pl.ds(xo + LANES, LANES)]
                    w = u0 * x0 + u1 * x1
                    s = jnp.sum(w)
                    svec = jnp.where(iota == r, s, svec)
                pred_v[pl.ds(row0, LANES)] = svec
                d = svec - rat_v[pl.ds(row0, LANES)]
                return sq + d * d

            init = sq_v[...] if half else jnp.zeros((LANES,), jnp.float32)
            sq_v[...] = lax.fori_loop(0, NGH, group_body, init)

        pltpu.sync_copy(pred_v, pred_h.at[pl.ds(base, RW)])

        pltpu.sync_copy(sq_v, shared.at[sid])
        plsc.subcore_barrier()

        @pl.when(sid == 0)
        def _():
            pltpu.sync_copy(shared, accv)
            tot = accv[0]
            for i in range(1, NS):
                tot = tot + accv[i]
            lossv[...] = tot
            pltpu.sync_copy(lossv, loss_h.at[cid])

    return mf


def kernel(theta, X, user_indices, item_indices, ratings):
    R = user_indices.shape[0]
    ku = max(1 << (theta.shape[0] - 1).bit_length(), 4 * TC_BLK) // 4
    kx = max(1 << (X.shape[0] - 1).bit_length(), 4 * TC_BLK) // 4
    theta_q = _repack(theta, ku)
    x_q = _repack(X, kx)
    mf = _mf_sc_call(R, ku, kx)
    pred, loss_parts = mf(
        theta_q, x_q,
        user_indices.astype(jnp.int32),
        item_indices.astype(jnp.int32),
        ratings,
    )
    loss = jnp.sum(loss_parts) / R
    return pred, loss

# --- scband reference (transcript-rebuilt; emitter-appended) ---
"""Pipeline reference for scband-matrix-factorization-58360015618738 (READ-ONLY COPY).

The authoritative reference and input builder live on the scoring server;
editing this copy changes nothing except your own understanding.
"""

import jax, jax.numpy as jnp
import numpy as np

N_USERS = 1000000
N_ITEMS = 100000
N_LATENT = 32
N_REVIEWS = 16384


def setup_inputs(seed: int = 0) -> dict:
    key = jax.random.key(seed)
    k1, k2, k3, k4, k5 = jax.random.split(key, 5)
    eps = 0.1
    theta = jax.random.uniform(k1, (N_USERS, N_LATENT), dtype=jnp.float32, minval=-eps, maxval=eps)
    X = jax.random.uniform(k2, (N_ITEMS, N_LATENT), dtype=jnp.float32, minval=-eps, maxval=eps)
    user_indices = jax.random.randint(k3, (N_REVIEWS,), 0, N_USERS, dtype=jnp.int64 if jax.config.read('jax_enable_x64') else jnp.int32)
    item_indices = jax.random.randint(k4, (N_REVIEWS,), 0, N_ITEMS, dtype=jnp.int64 if jax.config.read('jax_enable_x64') else jnp.int32)
    ratings = jax.random.uniform(k5, (N_REVIEWS,), dtype=jnp.float32)
    return {"theta": theta, "X": X, "user_indices": user_indices, "item_indices": item_indices, "ratings": ratings}


def reference(theta, X, user_indices, item_indices, ratings):
    # Matrix factorization prediction: dot product of user and item latent factors.
    # prediction = sum(theta[user_idx] * X[item_idx], axis=1)
    user_factors = jnp.take(theta, user_indices, axis=0)  # [R, n_latent] gather
    item_factors = jnp.take(X, item_indices, axis=0)      # [R, n_latent] gather
    prediction = jnp.sum(user_factors * item_factors, axis=1)  # [R]
    loss = jnp.mean((prediction - ratings) ** 2)  # MSE criterion
    return prediction, loss

if __name__ == "__main__":
    import jax
    _d = setup_inputs()
    print(jax.jit(kernel)(*tuple(_d.values())))

</pallas_src>

<mosaic_0001>
#map = affine_map<(d0, d1) -> (0, 0)>
#map1 = affine_map<(d0, d1) -> (0)>
module attributes {stable_mosaic.version = 14 : i64} {
  func.func @mf(%arg0: i32, %arg1: i32, %arg2: memref<262144x128xf32, #tpu.memory_space<hbm>>, %arg3: memref<32768x128xf32, #tpu.memory_space<hbm>>, %arg4: memref<16384xi32, #tpu.memory_space<hbm>>, %arg5: memref<16384xi32, #tpu.memory_space<hbm>>, %arg6: memref<16384xf32, #tpu.memory_space<hbm>>, %arg7: memref<16384xf32, #tpu.memory_space<hbm>>, %arg8: memref<2x16xf32, #tpu.memory_space<hbm>>, %arg9: memref<4x128xi32, #tpu.memory_space<vmem>>, %arg10: memref<4x128xi32, #tpu.memory_space<vmem>>, %arg11: memref<4x128xi32, #tpu.memory_space<vmem>>, %arg12: memref<4x128xi32, #tpu.memory_space<vmem>>, %arg13: memref<256x128xf32, #tpu.memory_space<vmem>>, %arg14: memref<256x128xf32, #tpu.memory_space<vmem>>, %arg15: memref<512xf32, #tpu.memory_space<vmem>>, %arg16: memref<512xf32, #tpu.memory_space<vmem>>, %arg17: memref<16xf32, #tpu.memory_space<vmem>>, %arg18: memref<16x16xf32, #tpu.memory_space<vmem>>, %arg19: memref<16xf32, #tpu.memory_space<vmem>>, %arg20: memref<16x16xf32, #tpu.memory_space<vmem_shared>>, %arg21: memref<!tpu.dma_semaphore, #tpu.memory_space<semaphore_mem>>) attributes {dimension_semantics = [#tpu.dimension_semantics<core_parallel>, #tpu.dimension_semantics<subcore_parallel>], iteration_bounds = array<i64: 2, 16>, scalar_prefetch = 0 : i64, scratch_operands = 13 : i64, tpu.core_type = #tpu.core_type<sc_vector_subcore>, window_params = [{transform_indices = #map}, {transform_indices = #map}, {transform_indices = #map1}, {transform_indices = #map1}, {transform_indices = #map1}, {transform_indices = #map1}, {transform_indices = #map}]} {
    %mul3A = arith.constant 2 : i32
    %mul3A_0 = arith.muli %arg1, %mul3A : i32
    %add3A = arith.addi %mul3A_0, %arg0 : i32
    %mul3A_1 = arith.constant 512 : i32
    %mul3A_2 = arith.muli %add3A, %mul3A_1 : i32
    %add3A_3 = arith.constant 0 : i32
    %add3A_4 = arith.addi %mul3A_2, %add3A_3 : i32
    %run_scoped3A = arith.constant 0 : i32
    "tpu.region"() ({
      %run_scoped3A_905 = tpu.sem_alloc : memref<!tpu.dma_semaphore, #tpu.memory_space<semaphore_mem>>
      %dma_start3A_906 = arith.constant 0 : i32
      %dma_start3A_907 = tpu.memref_slice %arg9[%run_scoped3A, %dma_start3A_906] : memref<4x128xi32, #tpu.memory_space<vmem>> -> memref<1x128xi32, #tpu.memory_space<vmem>>
      %dma_start3A_908 = tpu.memref_squeeze %dma_start3A_907 : memref<1x128xi32, #tpu.memory_space<vmem>> -> memref<128xi32, #tpu.memory_space<vmem>>
      %dma_start3A_909 = tpu.memref_slice %arg4[%add3A_4] : memref<16384xi32, #tpu.memory_space<hbm>> -> memref<128xi32, #tpu.memory_space<hbm>>
      %dma_start3A_910 = arith.constant 0 : i32
      %dma_start3A_911 = tpu.memref_slice %arg9[%run_scoped3A, %dma_start3A_910] : memref<4x128xi32, #tpu.memory_space<vmem>> -> memref<1x128xi32, #tpu.memory_space<vmem>>
      %dma_start3A_912 = tpu.memref_squeeze %dma_start3A_911 : memref<1x128xi32, #tpu.memory_space<vmem>> -> memref<128xi32, #tpu.memory_space<vmem>>
      %dma_start3A_913 = tpu.memref_slice %arg4[%add3A_4] : memref<16384xi32, #tpu.memory_space<hbm>> -> memref<128xi32, #tpu.memory_space<hbm>>
      tpu.enqueue_dma source(%dma_start3A_913 : memref<128xi32, #tpu.memory_space<hbm>>) target(%dma_start3A_912 : memref<128xi32, #tpu.memory_space<vmem>>) target_semaphore(%run_scoped3A_905 : memref<!tpu.dma_semaphore, #tpu.memory_space<semaphore_mem>>)
      %dma_wait3A_914 = arith.constant 0 : i32
      %dma_wait3A_915 = tpu.memref_slice %arg9[%run_scoped3A, %dma_wait3A_914] : memref<4x128xi32, #tpu.memory_space<vmem>> -> memref<1x128xi32, #tpu.memory_space<vmem>>
      %dma_wait3A_916 = tpu.memref_squeeze %dma_wait3A_915 : memref<1x128xi32, #tpu.memory_space<vmem>> -> memref<128xi32, #tpu.memory_space<vmem>>
      %dma_wait3A_917 = tpu.memref_slice %arg4[%add3A_4] : memref<16384xi32, #tpu.memory_space<hbm>> -> memref<128xi32, #tpu.memory_space<hbm>>
      %dma_wait3A_918 = arith.constant 0 : i32
      %dma_wait3A_919 = tpu.memref_slice %arg9[%run_scoped3A, %dma_wait3A_918] : memref<4x128xi32, #tpu.memory_space<vmem>> -> memref<1x128xi32, #tpu.memory_space<vmem>>
      %dma_wait3A_920 = tpu.memref_squeeze %dma_wait3A_919 : memref<1x128xi32, #tpu.memory_space<vmem>> -> memref<128xi32, #tpu.memory_space<vmem>>
      %dma_wait3A_921 = tpu.memref_slice %arg4[%add3A_4] : memref<16384xi32, #tpu.memory_space<hbm>> -> memref<128xi32, #tpu.memory_space<hbm>>
      tpu.wait_dma2 semaphore(%run_scoped3A_905 : memref<!tpu.dma_semaphore, #tpu.memory_space<semaphore_mem>>) src(%dma_wait3A_921 : memref<128xi32, #tpu.memory_space<hbm>>) dst(%dma_wait3A_920 : memref<128xi32, #tpu.memory_space<vmem>>)
      tpu.yield
    }) : () -> ()
    %add3A_5 = arith.constant 0 : i32
    %add3A_6 = arith.addi %mul3A_2, %add3A_5 : i32
    %run_scoped3A_7 = arith.constant 0 : i32
    "tpu.region"() ({
      %run_scoped3A_905 = tpu.sem_alloc : memref<!tpu.dma_semaphore, #tpu.memory_space<semaphore_mem>>
      %dma_start3A_906 = arith.constant 0 : i32
      %dma_start3A_907 = tpu.memref_slice %arg10[%run_scoped3A_7, %dma_start3A_906] : memref<4x128xi32, #tpu.memory_space<vmem>> -> memref<1x128xi32, #tpu.memory_space<vmem>>
      %dma_start3A_908 = tpu.memref_squeeze %dma_start3A_907 : memref<1x128xi32, #tpu.memory_space<vmem>> -> memref<128xi32, #tpu.memory_space<vmem>>
      %dma_start3A_909 = tpu.memref_slice %arg5[%add3A_6] : memref<16384xi32, #tpu.memory_space<hbm>> -> memref<128xi32, #tpu.memory_space<hbm>>
      %dma_start3A_910 = arith.constant 0 : i32
      %dma_start3A_911 = tpu.memref_slice %arg10[%run_scoped3A_7, %dma_start3A_910] : memref<4x128xi32, #tpu.memory_space<vmem>> -> memref<1x128xi32, #tpu.memory_space<vmem>>
      %dma_start3A_912 = tpu.memref_squeeze %dma_start3A_911 : memref<1x128xi32, #tpu.memory_space<vmem>> -> memref<128xi32, #tpu.memory_space<vmem>>
      %dma_start3A_913 = tpu.memref_slice %arg5[%add3A_6] : memref<16384xi32, #tpu.memory_space<hbm>> -> memref<128xi32, #tpu.memory_space<hbm>>
      tpu.enqueue_dma source(%dma_start3A_913 : memref<128xi32, #tpu.memory_space<hbm>>) target(%dma_start3A_912 : memref<128xi32, #tpu.memory_space<vmem>>) target_semaphore(%run_scoped3A_905 : memref<!tpu.dma_semaphore, #tpu.memory_space<semaphore_mem>>)
      %dma_wait3A_914 = arith.constant 0 : i32
      %dma_wait3A_915 = tpu.memref_slice %arg10[%run_scoped3A_7, %dma_wait3A_914] : memref<4x128xi32, #tpu.memory_space<vmem>> -> memref<1x128xi32, #tpu.memory_space<vmem>>
      %dma_wait3A_916 = tpu.memref_squeeze %dma_wait3A_915 : memref<1x128xi32, #tpu.memory_space<vmem>> -> memref<128xi32, #tpu.memory_space<vmem>>
      %dma_wait3A_917 = tpu.memref_slice %arg5[%add3A_6] : memref<16384xi32, #tpu.memory_space<hbm>> -> memref<128xi32, #tpu.memory_space<hbm>>
      %dma_wait3A_918 = arith.constant 0 : i32
      %dma_wait3A_919 = tpu.memref_slice %arg10[%run_scoped3A_7, %dma_wait3A_918] : memref<4x128xi32, #tpu.memory_space<vmem>> -> memref<1x128xi32, #tpu.memory_space<vmem>>
      %dma_wait3A_920 = tpu.memref_squeeze %dma_wait3A_919 : memref<1x128xi32, #tpu.memory_space<vmem>> -> memref<128xi32, #tpu.memory_space<vmem>>
      %dma_wait3A_921 = tpu.memref_slice %arg5[%add3A_6] : memref<16384xi32, #tpu.memory_space<hbm>> -> memref<128xi32, #tpu.memory_space<hbm>>
      tpu.wait_dma2 semaphore(%run_scoped3A_905 : memref<!tpu.dma_semaphore, #tpu.memory_space<semaphore_mem>>) src(%dma_wait3A_921 : memref<128xi32, #tpu.memory_space<hbm>>) dst(%dma_wait3A_920 : memref<128xi32, #tpu.memory_space<vmem>>)
      tpu.yield
    }) : () -> ()
    %add3A_8 = arith.constant 128 : i32
    %add3A_9 = arith.addi %mul3A_2, %add3A_8 : i32
    %run_scoped3A_10 = arith.constant 1 : i32
    "tpu.region"() ({
      %run_scoped3A_905 = tpu.sem_alloc : memref<!tpu.dma_semaphore, #tpu.memory_space<semaphore_mem>>
      %dma_start3A_906 = arith.constant 0 : i32
      %dma_start3A_907 = tpu.memref_slice %arg9[%run_scoped3A_10, %dma_start3A_906] : memref<4x128xi32, #tpu.memory_space<vmem>> -> memref<1x128xi32, #tpu.memory_space<vmem>>
      %dma_start3A_908 = tpu.memref_squeeze %dma_start3A_907 : memref<1x128xi32, #tpu.memory_space<vmem>> -> memref<128xi32, #tpu.memory_space<vmem>>
      %dma_start3A_909 = tpu.memref_slice %arg4[%add3A_9] : memref<16384xi32, #tpu.memory_space<hbm>> -> memref<128xi32, #tpu.memory_space<hbm>>
      %dma_start3A_910 = arith.constant 0 : i32
      %dma_start3A_911 = tpu.memref_slice %arg9[%run_scoped3A_10, %dma_start3A_910] : memref<4x128xi32, #tpu.memory_space<vmem>> -> memref<1x128xi32, #tpu.memory_space<vmem>>
      %dma_start3A_912 = tpu.memref_squeeze %dma_start3A_911 : memref<1x128xi32, #tpu.memory_space<vmem>> -> memref<128xi32, #tpu.memory_space<vmem>>
      %dma_start3A_913 = tpu.memref_slice %arg4[%add3A_9] : memref<16384xi32, #tpu.memory_space<hbm>> -> memref<128xi32, #tpu.memory_space<hbm>>
      tpu.enqueue_dma source(%dma_start3A_913 : memref<128xi32, #tpu.memory_space<hbm>>) target(%dma_start3A_912 : memref<128xi32, #tpu.memory_space<vmem>>) target_semaphore(%run_scoped3A_905 : memref<!tpu.dma_semaphore, #tpu.memory_space<semaphore_mem>>)
      %dma_wait3A_914 = arith.constant 0 : i32
      %dma_wait3A_915 = tpu.memref_slice %arg9[%run_scoped3A_10, %dma_wait3A_914] : memref<4x128xi32, #tpu.memory_space<vmem>> -> memref<1x128xi32, #tpu.memory_space<vmem>>
      %dma_wait3A_916 = tpu.memref_squeeze %dma_wait3A_915 : memref<1x128xi32, #tpu.memory_space<vmem>> -> memref<128xi32, #tpu.memory_space<vmem>>
      %dma_wait3A_917 = tpu.memref_slice %arg4[%add3A_9] : memref<16384xi32, #tpu.memory_space<hbm>> -> memref<128xi32, #tpu.memory_space<hbm>>
      %dma_wait3A_918 = arith.constant 0 : i32
      %dma_wait3A_919 = tpu.memref_slice %arg9[%run_scoped3A_10, %dma_wait3A_918] : memref<4x128xi32, #tpu.memory_space<vmem>> -> memref<1x128xi32, #tpu.memory_space<vmem>>
      %dma_wait3A_920 = tpu.memref_squeeze %dma_wait3A_919 : memref<1x128xi32, #tpu.memory_space<vmem>> -> memref<128xi32, #tpu.memory_space<vmem>>
      %dma_wait3A_921 = tpu.memref_slice %arg4[%add3A_9] : memref<16384xi32, #tpu.memory_space<hbm>> -> memref<128xi32, #tpu.memory_space<hbm>>
      tpu.wait_dma2 semaphore(%run_scoped3A_905 : memref<!tpu.dma_semaphore, #tpu.memory_space<semaphore_mem>>) src(%dma_wait3A_921 : memref<128xi32, #tpu.memory_space<hbm>>) dst(%dma_wait3A_920 : memref<128xi32, #tpu.memory_space<vmem>>)
      tpu.yield
    }) : () -> ()
    %add3A_11 = arith.constant 128 : i32
    %add3A_12 = arith.addi %mul3A_2, %add3A_11 : i32
    %run_scoped3A_13 = arith.constant 1 : i32
    "tpu.region"() ({
      %run_scoped3A_905 = tpu.sem_alloc : memref<!tpu.dma_semaphore, #tpu.memory_space<semaphore_mem>>
      %dma_start3A_906 = arith.constant 0 : i32
      %dma_start3A_907 = tpu.memref_slice %arg10[%run_scoped3A_13, %dma_start3A_906] : memref<4x128xi32, #tpu.memory_space<vmem>> -> memref<1x128xi32, #tpu.memory_space<vmem>>
      %dma_start3A_908 = tpu.memref_squeeze %dma_start3A_907 : memref<1x128xi32, #tpu.memory_space<vmem>> -> memref<128xi32, #tpu.memory_space<vmem>>
      %dma_start3A_909 = tpu.memref_slice %arg5[%add3A_12] : memref<16384xi32, #tpu.memory_space<hbm>> -> memref<128xi32, #tpu.memory_space<hbm>>
      %dma_start3A_910 = arith.constant 0 : i32
      %dma_start3A_911 = tpu.memref_slice %arg10[%run_scoped3A_13, %dma_start3A_910] : memref<4x128xi32, #tpu.memory_space<vmem>> -> memref<1x128xi32, #tpu.memory_space<vmem>>
      %dma_start3A_912 = tpu.memref_squeeze %dma_start3A_911 : memref<1x128xi32, #tpu.memory_space<vmem>> -> memref<128xi32, #tpu.memory_space<vmem>>
      %dma_start3A_913 = tpu.memref_slice %arg5[%add3A_12] : memref<16384xi32, #tpu.memory_space<hbm>> -> memref<128xi32, #tpu.memory_space<hbm>>
      tpu.enqueue_dma source(%dma_start3A_913 : memref<128xi32, #tpu.memory_space<hbm>>) target(%dma_start3A_912 : memref<128xi32, #tpu.memory_space<vmem>>) target_semaphore(%run_scoped3A_905 : memref<!tpu.dma_semaphore, #tpu.memory_space<semaphore_mem>>)
      %dma_wait3A_914 = arith.constant 0 : i32
      %dma_wait3A_915 = tpu.memref_slice %arg10[%run_scoped3A_13, %dma_wait3A_914] : memref<4x128xi32, #tpu.memory_space<vmem>> -> memref<1x128xi32, #tpu.memory_space<vmem>>
      %dma_wait3A_916 = tpu.memref_squeeze %dma_wait3A_915 : memref<1x128xi32, #tpu.memory_space<vmem>> -> memref<128xi32, #tpu.memory_space<vmem>>
      %dma_wait3A_917 = tpu.memref_slice %arg5[%add3A_12] : memref<16384xi32, #tpu.memory_space<hbm>> -> memref<128xi32, #tpu.memory_space<hbm>>
      %dma_wait3A_918 = arith.constant 0 : i32
      %dma_wait3A_919 = tpu.memref_slice %arg10[%run_scoped3A_13, %dma_wait3A_918] : memref<4x128xi32, #tpu.memory_space<vmem>> -> memref<1x128xi32, #tpu.memory_space<vmem>>
      %dma_wait3A_920 = tpu.memref_squeeze %dma_wait3A_919 : memref<1x128xi32, #tpu.memory_space<vmem>> -> memref<128xi32, #tpu.memory_space<vmem>>
      %dma_wait3A_921 = tpu.memref_slice %arg5[%add3A_12] : memref<16384xi32, #tpu.memory_space<hbm>> -> memref<128xi32, #tpu.memory_space<hbm>>
      tpu.wait_dma2 semaphore(%run_scoped3A_905 : memref<!tpu.dma_semaphore, #tpu.memory_space<semaphore_mem>>) src(%dma_wait3A_921 : memref<128xi32, #tpu.memory_space<hbm>>) dst(%dma_wait3A_920 : memref<128xi32, #tpu.memory_space<vmem>>)
      tpu.yield
    }) : () -> ()
    %add3A_14 = arith.constant 256 : i32
    %add3A_15 = arith.addi %mul3A_2, %add3A_14 : i32
    %run_scoped3A_16 = arith.constant 2 : i32
    "tpu.region"() ({
      %run_scoped3A_905 = tpu.sem_alloc : memref<!tpu.dma_semaphore, #tpu.memory_space<semaphore_mem>>
      %dma_start3A_906 = arith.constant 0 : i32
      %dma_start3A_907 = tpu.memref_slice %arg9[%run_scoped3A_16, %dma_start3A_906] : memref<4x128xi32, #tpu.memory_space<vmem>> -> memref<1x128xi32, #tpu.memory_space<vmem>>
      %dma_start3A_908 = tpu.memref_squeeze %dma_start3A_907 : memref<1x128xi32, #tpu.memory_space<vmem>> -> memref<128xi32, #tpu.memory_space<vmem>>
      %dma_start3A_909 = tpu.memref_slice %arg4[%add3A_15] : memref<16384xi32, #tpu.memory_space<hbm>> -> memref<128xi32, #tpu.memory_space<hbm>>
      %dma_start3A_910 = arith.constant 0 : i32
      %dma_start3A_911 = tpu.memref_slice %arg9[%run_scoped3A_16, %dma_start3A_910] : memref<4x128xi32, #tpu.memory_space<vmem>> -> memref<1x128xi32, #tpu.memory_space<vmem>>
      %dma_start3A_912 = tpu.memref_squeeze %dma_start3A_911 : memref<1x128xi32, #tpu.memory_space<vmem>> -> memref<128xi32, #tpu.memory_space<vmem>>
      %dma_start3A_913 = tpu.memref_slice %arg4[%add3A_15] : memref<16384xi32, #tpu.memory_space<hbm>> -> memref<128xi32, #tpu.memory_space<hbm>>
      tpu.enqueue_dma source(%dma_start3A_913 : memref<128xi32, #tpu.memory_space<hbm>>) target(%dma_start3A_912 : memref<128xi32, #tpu.memory_space<vmem>>) target_semaphore(%run_scoped3A_905 : memref<!tpu.dma_semaphore, #tpu.memory_space<semaphore_mem>>)
      %dma_wait3A_914 = arith.constant 0 : i32
      %dma_wait3A_915 = tpu.memref_slice %arg9[%run_scoped3A_16, %dma_wait3A_914] : memref<4x128xi32, #tpu.memory_space<vmem>> -> memref<1x128xi32, #tpu.memory_space<vmem>>
      %dma_wait3A_916 = tpu.memref_squeeze %dma_wait3A_915 : memref<1x128xi32, #tpu.memory_space<vmem>> -> memref<128xi32, #tpu.memory_space<vmem>>
      %dma_wait3A_917 = tpu.memref_slice %arg4[%add3A_15] : memref<16384xi32, #tpu.memory_space<hbm>> -> memref<128xi32, #tpu.memory_space<hbm>>
      %dma_wait3A_918 = arith.constant 0 : i32
      %dma_wait3A_919 = tpu.memref_slice %arg9[%run_scoped3A_16, %dma_wait3A_918] : memref<4x128xi32, #tpu.memory_space<vmem>> -> memref<1x128xi32, #tpu.memory_space<vmem>>
      %dma_wait3A_920 = tpu.memref_squeeze %dma_wait3A_919 : memref<1x128xi32, #tpu.memory_space<vmem>> -> memref<128xi32, #tpu.memory_space<vmem>>
      %dma_wait3A_921 = tpu.memref_slice %arg4[%add3A_15] : memref<16384xi32, #tpu.memory_space<hbm>> -> memref<128xi32, #tpu.memory_space<hbm>>
      tpu.wait_dma2 semaphore(%run_scoped3A_905 : memref<!tpu.dma_semaphore, #tpu.memory_space<semaphore_mem>>) src(%dma_wait3A_921 : memref<128xi32, #tpu.memory_space<hbm>>) dst(%dma_wait3A_920 : memref<128xi32, #tpu.memory_space<vmem>>)
      tpu.yield
    }) : () -> ()
    %add3A_17 = arith.constant 256 : i32
    %add3A_18 = arith.addi %mul3A_2, %add3A_17 : i32
    %run_scoped3A_19 = arith.constant 2 : i32
    "tpu.region"() ({
      %run_scoped3A_905 = tpu.sem_alloc : memref<!tpu.dma_semaphore, #tpu.memory_space<semaphore_mem>>
      %dma_start3A_906 = arith.constant 0 : i32
      %dma_start3A_907 = tpu.memref_slice %arg10[%run_scoped3A_19, %dma_start3A_906] : memref<4x128xi32, #tpu.memory_space<vmem>> -> memref<1x128xi32, #tpu.memory_space<vmem>>
      %dma_start3A_908 = tpu.memref_squeeze %dma_start3A_907 : memref<1x128xi32, #tpu.memory_space<vmem>> -> memref<128xi32, #tpu.memory_space<vmem>>
      %dma_start3A_909 = tpu.memref_slice %arg5[%add3A_18] : memref<16384xi32, #tpu.memory_space<hbm>> -> memref<128xi32, #tpu.memory_space<hbm>>
      %dma_start3A_910 = arith.constant 0 : i32
      %dma_start3A_911 = tpu.memref_slice %arg10[%run_scoped3A_19, %dma_start3A_910] : memref<4x128xi32, #tpu.memory_space<vmem>> -> memref<1x128xi32, #tpu.memory_space<vmem>>
      %dma_start3A_912 = tpu.memref_squeeze %dma_start3A_911 : memref<1x128xi32, #tpu.memory_space<vmem>> -> memref<128xi32, #tpu.memory_space<vmem>>
      %dma_start3A_913 = tpu.memref_slice %arg5[%add3A_18] : memref<16384xi32, #tpu.memory_space<hbm>> -> memref<128xi32, #tpu.memory_space<hbm>>
      tpu.enqueue_dma source(%dma_start3A_913 : memref<128xi32, #tpu.memory_space<hbm>>) target(%dma_start3A_912 : memref<128xi32, #tpu.memory_space<vmem>>) target_semaphore(%run_scoped3A_905 : memref<!tpu.dma_semaphore, #tpu.memory_space<semaphore_mem>>)
      %dma_wait3A_914 = arith.constant 0 : i32
      %dma_wait3A_915 = tpu.memref_slice %arg10[%run_scoped3A_19, %dma_wait3A_914] : memref<4x128xi32, #tpu.memory_space<vmem>> -> memref<1x128xi32, #tpu.memory_space<vmem>>
      %dma_wait3A_916 = tpu.memref_squeeze %dma_wait3A_915 : memref<1x128xi32, #tpu.memory_space<vmem>> -> memref<128xi32, #tpu.memory_space<vmem>>
      %dma_wait3A_917 = tpu.memref_slice %arg5[%add3A_18] : memref<16384xi32, #tpu.memory_space<hbm>> -> memref<128xi32, #tpu.memory_space<hbm>>
      %dma_wait3A_918 = arith.constant 0 : i32
      %dma_wait3A_919 = tpu.memref_slice %arg10[%run_scoped3A_19, %dma_wait3A_918] : memref<4x128xi32, #tpu.memory_space<vmem>> -> memref<1x128xi32, #tpu.memory_space<vmem>>
      %dma_wait3A_920 = tpu.memref_squeeze %dma_wait3A_919 : memref<1x128xi32, #tpu.memory_space<vmem>> -> memref<128xi32, #tpu.memory_space<vmem>>
      %dma_wait3A_921 = tpu.memref_slice %arg5[%add3A_18] : memref<16384xi32, #tpu.memory_space<hbm>> -> memref<128xi32, #tpu.memory_space<hbm>>
      tpu.wait_dma2 semaphore(%run_scoped3A_905 : memref<!tpu.dma_semaphore, #tpu.memory_space<semaphore_mem>>) src(%dma_wait3A_921 : memref<128xi32, #tpu.memory_space<hbm>>) dst(%dma_wait3A_920 : memref<128xi32, #tpu.memory_space<vmem>>)
      tpu.yield
    }) : () -> ()
    %add3A_20 = arith.constant 384 : i32
    %add3A_21 = arith.addi %mul3A_2, %add3A_20 : i32
    %run_scoped3A_22 = arith.constant 3 : i32
    "tpu.region"() ({
      %run_scoped3A_905 = tpu.sem_alloc : memref<!tpu.dma_semaphore, #tpu.memory_space<semaphore_mem>>
      %dma_start3A_906 = arith.constant 0 : i32
      %dma_start3A_907 = tpu.memref_slice %arg9[%run_scoped3A_22, %dma_start3A_906] : memref<4x128xi32, #tpu.memory_space<vmem>> -> memref<1x128xi32, #tpu.memory_space<vmem>>
      %dma_start3A_908 = tpu.memref_squeeze %dma_start3A_907 : memref<1x128xi32, #tpu.memory_space<vmem>> -> memref<128xi32, #tpu.memory_space<vmem>>
      %dma_start3A_909 = tpu.memref_slice %arg4[%add3A_21] : memref<16384xi32, #tpu.memory_space<hbm>> -> memref<128xi32, #tpu.memory_space<hbm>>
      %dma_start3A_910 = arith.constant 0 : i32
      %dma_start3A_911 = tpu.memref_slice %arg9[%run_scoped3A_22, %dma_start3A_910] : memref<4x128xi32, #tpu.memory_space<vmem>> -> memref<1x128xi32, #tpu.memory_space<vmem>>
      %dma_start3A_912 = tpu.memref_squeeze %dma_start3A_911 : memref<1x128xi32, #tpu.memory_space<vmem>> -> memref<128xi32, #tpu.memory_space<vmem>>
      %dma_start3A_913 = tpu.memref_slice %arg4[%add3A_21] : memref<16384xi32, #tpu.memory_space<hbm>> -> memref<128xi32, #tpu.memory_space<hbm>>
      tpu.enqueue_dma source(%dma_start3A_913 : memref<128xi32, #tpu.memory_space<hbm>>) target(%dma_start3A_912 : memref<128xi32, #tpu.memory_space<vmem>>) target_semaphore(%run_scoped3A_905 : memref<!tpu.dma_semaphore, #tpu.memory_space<semaphore_mem>>)
      %dma_wait3A_914 = arith.constant 0 : i32
      %dma_wait3A_915 = tpu.memref_slice %arg9[%run_scoped3A_22, %dma_wait3A_914] : memref<4x128xi32, #tpu.memory_space<vmem>> -> memref<1x128xi32, #tpu.memory_space<vmem>>
      %dma_wait3A_916 = tpu.memref_squeeze %dma_wait3A_915 : memref<1x128xi32, #tpu.memory_space<vmem>> -> memref<128xi32, #tpu.memory_space<vmem>>
      %dma_wait3A_917 = tpu.memref_slice %arg4[%add3A_21] : memref<16384xi32, #tpu.memory_space<hbm>> -> memref<128xi32, #tpu.memory_space<hbm>>
      %dma_wait3A_918 = arith.constant 0 : i32
      %dma_wait3A_919 = tpu.memref_slice %arg9[%run_scoped3A_22, %dma_wait3A_918] : memref<4x128xi32, #tpu.memory_space<vmem>> -> memref<1x128xi32, #tpu.memory_space<vmem>>
      %dma_wait3A_920 = tpu.memref_squeeze %dma_wait3A_919 : memref<1x128xi32, #tpu.memory_space<vmem>> -> memref<128xi32, #tpu.memory_space<vmem>>
      %dma_wait3A_921 = tpu.memref_slice %arg4[%add3A_21] : memref<16384xi32, #tpu.memory_space<hbm>> -> memref<128xi32, #tpu.memory_space<hbm>>
      tpu.wait_dma2 semaphore(%run_scoped3A_905 : memref<!tpu.dma_semaphore, #tpu.memory_space<semaphore_mem>>) src(%dma_wait3A_921 : memref<128xi32, #tpu.memory_space<hbm>>) dst(%dma_wait3A_920 : memref<128xi32, #tpu.memory_space<vmem>>)
      tpu.yield
    }) : () -> ()
    %add3A_23 = arith.constant 384 : i32
    %add3A_24 = arith.addi %mul3A_2, %add3A_23 : i32
    %run_scoped3A_25 = arith.constant 3 : i32
    "tpu.region"() ({
      %run_scoped3A_905 = tpu.sem_alloc : memref<!tpu.dma_semaphore, #tpu.memory_space<semaphore_mem>>
      %dma_start3A_906 = arith.constant 0 : i32
      %dma_start3A_907 = tpu.memref_slice %arg10[%run_scoped3A_25, %dma_start3A_906] : memref<4x128xi32, #tpu.memory_space<vmem>> -> memref<1x128xi32, #tpu.memory_space<vmem>>
      %dma_start3A_908 = tpu.memref_squeeze %dma_start3A_907 : memref<1x128xi32, #tpu.memory_space<vmem>> -> memref<128xi32, #tpu.memory_space<vmem>>
      %dma_start3A_909 = tpu.memref_slice %arg5[%add3A_24] : memref<16384xi32, #tpu.memory_space<hbm>> -> memref<128xi32, #tpu.memory_space<hbm>>
      %dma_start3A_910 = arith.constant 0 : i32
      %dma_start3A_911 = tpu.memref_slice %arg10[%run_scoped3A_25, %dma_start3A_910] : memref<4x128xi32, #tpu.memory_space<vmem>> -> memref<1x128xi32, #tpu.memory_space<vmem>>
      %dma_start3A_912 = tpu.memref_squeeze %dma_start3A_911 : memref<1x128xi32, #tpu.memory_space<vmem>> -> memref<128xi32, #tpu.memory_space<vmem>>
      %dma_start3A_913 = tpu.memref_slice %arg5[%add3A_24] : memref<16384xi32, #tpu.memory_space<hbm>> -> memref<128xi32, #tpu.memory_space<hbm>>
      tpu.enqueue_dma source(%dma_start3A_913 : memref<128xi32, #tpu.memory_space<hbm>>) target(%dma_start3A_912 : memref<128xi32, #tpu.memory_space<vmem>>) target_semaphore(%run_scoped3A_905 : memref<!tpu.dma_semaphore, #tpu.memory_space<semaphore_mem>>)
      %dma_wait3A_914 = arith.constant 0 : i32
      %dma_wait3A_915 = tpu.memref_slice %arg10[%run_scoped3A_25, %dma_wait3A_914] : memref<4x128xi32, #tpu.memory_space<vmem>> -> memref<1x128xi32, #tpu.memory_space<vmem>>
      %dma_wait3A_916 = tpu.memref_squeeze %dma_wait3A_915 : memref<1x128xi32, #tpu.memory_space<vmem>> -> memref<128xi32, #tpu.memory_space<vmem>>
      %dma_wait3A_917 = tpu.memref_slice %arg5[%add3A_24] : memref<16384xi32, #tpu.memory_space<hbm>> -> memref<128xi32, #tpu.memory_space<hbm>>
      %dma_wait3A_918 = arith.constant 0 : i32
      %dma_wait3A_919 = tpu.memref_slice %arg10[%run_scoped3A_25, %dma_wait3A_918] : memref<4x128xi32, #tpu.memory_space<vmem>> -> memref<1x128xi32, #tpu.memory_space<vmem>>
      %dma_wait3A_920 = tpu.memref_squeeze %dma_wait3A_919 : memref<1x128xi32, #tpu.memory_space<vmem>> -> memref<128xi32, #tpu.memory_space<vmem>>
      %dma_wait3A_921 = tpu.memref_slice %arg5[%add3A_24] : memref<16384xi32, #tpu.memory_space<hbm>> -> memref<128xi32, #tpu.memory_space<hbm>>
      tpu.wait_dma2 semaphore(%run_scoped3A_905 : memref<!tpu.dma_semaphore, #tpu.memory_space<semaphore_mem>>) src(%dma_wait3A_921 : memref<128xi32, #tpu.memory_space<hbm>>) dst(%dma_wait3A_920 : memref<128xi32, #tpu.memory_space<vmem>>)
      tpu.yield
    }) : () -> ()
    "tpu.region"() ({
      %run_scoped3A_905 = tpu.sem_alloc : memref<!tpu.dma_semaphore, #tpu.memory_space<semaphore_mem>>
      %dma_start3A_906 = tpu.memref_slice %arg6[%mul3A_2] : memref<16384xf32, #tpu.memory_space<hbm>> -> memref<512xf32, #tpu.memory_space<hbm>>
      %dma_start3A_907 = tpu.memref_slice %arg6[%mul3A_2] : memref<16384xf32, #tpu.memory_space<hbm>> -> memref<512xf32, #tpu.memory_space<hbm>>
      tpu.enqueue_dma source(%dma_start3A_907 : memref<512xf32, #tpu.memory_space<hbm>>) target(%arg15 : memref<512xf32, #tpu.memory_space<vmem>>) target_semaphore(%run_scoped3A_905 : memref<!tpu.dma_semaphore, #tpu.memory_space<semaphore_mem>>)
      %dma_wait3A_908 = tpu.memref_slice %arg6[%mul3A_2] : memref<16384xf32, #tpu.memory_space<hbm>> -> memref<512xf32, #tpu.memory_space<hbm>>
      %dma_wait3A_909 = tpu.memref_slice %arg6[%mul3A_2] : memref<16384xf32, #tpu.memory_space<hbm>> -> memref<512xf32, #tpu.memory_space<hbm>>
      tpu.wait_dma2 semaphore(%run_scoped3A_905 : memref<!tpu.dma_semaphore, #tpu.memory_space<semaphore_mem>>) src(%dma_wait3A_909 : memref<512xf32, #tpu.memory_space<hbm>>) dst(%arg15 : memref<512xf32, #tpu.memory_space<vmem>>)
      tpu.yield
    }) : () -> ()
    %get3A = arith.constant 0 : i32
    %get3A_26 = arith.index_cast %get3A : i32 to index
    %get3A_27 = arith.constant 0 : index
    %get3A_28 = tpu.vector_load %arg9[%get3A_26, %get3A_27] {strides = array<i32>} : memref<4x128xi32, #tpu.memory_space<vmem>>, vector<16xi32>,
    %and3A = arith.constant 262143 : i32
    %and3A_29 = vector.broadcast %and3A : i32 to vector<16xi32>
    %and3A_30 = arith.andi %get3A_28, %and3A_29 : vector<16xi32>
    %swap3A = arith.constant 0 : i32
    %swap3A_31 = arith.index_cast %swap3A : i32 to index
    %swap3A_32 = arith.constant 0 : index
    %swap3A_33 = tpu.vector_load %arg11[%swap3A_31, %swap3A_32] {strides = array<i32>} : memref<4x128xi32, #tpu.memory_space<vmem>>, vector<16xi32>,
    tpu.vector_store %arg11[%swap3A_31, %swap3A_32], %and3A_30 {strides = array<i32>} : memref<4x128xi32, #tpu.memory_space<vmem>>, vector<16xi32>,
    %get3A_34 = arith.constant 0 : i32
    %get3A_35 = arith.index_cast %get3A_34 : i32 to index
    %get3A_36 = arith.constant 0 : index
    %get3A_37 = tpu.vector_load %arg10[%get3A_35, %get3A_36] {strides = array<i32>} : memref<4x128xi32, #tpu.memory_space<vmem>>, vector<16xi32>,
    %and3A_38 = arith.constant 32767 : i32
    %and3A_39 = vector.broadcast %and3A_38 : i32 to vector<16xi32>
    %and3A_40 = arith.andi %get3A_37, %and3A_39 : vector<16xi32>
    %swap3A_41 = arith.constant 0 : i32
    %swap3A_42 = arith.index_cast %swap3A_41 : i32 to index
    %swap3A_43 = arith.constant 0 : index
    %swap3A_44 = tpu.vector_load %arg12[%swap3A_42, %swap3A_43] {strides = array<i32>} : memref<4x128xi32, #tpu.memory_space<vmem>>, vector<16xi32>,
    tpu.vector_store %arg12[%swap3A_42, %swap3A_43], %and3A_40 {strides = array<i32>} : memref<4x128xi32, #tpu.memory_space<vmem>>, vector<16xi32>,
    %get3A_45 = arith.constant 0 : i32
    %get3A_46 = arith.index_cast %get3A_45 : i32 to index
    %get3A_47 = arith.constant 16 : index
    %get3A_48 = tpu.vector_load %arg9[%get3A_46, %get3A_47] {strides = array<i32>} : memref<4x128xi32, #tpu.memory_space<vmem>>, vector<16xi32>,
    %and3A_49 = arith.constant 262143 : i32
    %and3A_50 = vector.broadcast %and3A_49 : i32 to vector<16xi32>
    %and3A_51 = arith.andi %get3A_48, %and3A_50 : vector<16xi32>
    %swap3A_52 = arith.constant 0 : i32
    %swap3A_53 = arith.index_cast %swap3A_52 : i32 to index
    %swap3A_54 = arith.constant 16 : index
    %swap3A_55 = tpu.vector_load %arg11[%swap3A_53, %swap3A_54] {strides = array<i32>} : memref<4x128xi32, #tpu.memory_space<vmem>>, vector<16xi32>,
    tpu.vector_store %arg11[%swap3A_53, %swap3A_54], %and3A_51 {strides = array<i32>} : memref<4x128xi32, #tpu.memory_space<vmem>>, vector<16xi32>,
    %get3A_56 = arith.constant 0 : i32
    %get3A_57 = arith.index_cast %get3A_56 : i32 to index
    %get3A_58 = arith.constant 16 : index
    %get3A_59 = tpu.vector_load %arg10[%get3A_57, %get3A_58] {strides = array<i32>} : memref<4x128xi32, #tpu.memory_space<vmem>>, vector<16xi32>,
    %and3A_60 = arith.constant 32767 : i32
    %and3A_61 = vector.broadcast %and3A_60 : i32 to vector<16xi32>
    %and3A_62 = arith.andi %get3A_59, %and3A_61 : vector<16xi32>
    %swap3A_63 = arith.constant 0 : i32
    %swap3A_64 = arith.index_cast %swap3A_63 : i32 to index
    %swap3A_65 = arith.constant 16 : index
    %swap3A_66 = tpu.vector_load %arg12[%swap3A_64, %swap3A_65] {strides = array<i32>} : memref<4x128xi32, #tpu.memory_space<vmem>>, vector<16xi32>,
    tpu.vector_store %arg12[%swap3A_64, %swap3A_65], %and3A_62 {strides = array<i32>} : memref<4x128xi32, #tpu.memory_space<vmem>>, vector<16xi32>,
    %get3A_67 = arith.constant 0 : i32
    %get3A_68 = arith.index_cast %get3A_67 : i32 to index
    %get3A_69 = arith.constant 32 : index
    %get3A_70 = tpu.vector_load %arg9[%get3A_68, %get3A_69] {strides = array<i32>} : memref<4x128xi32, #tpu.memory_space<vmem>>, vector<16xi32>,
    %and3A_71 = arith.constant 262143 : i32
    %and3A_72 = vector.broadcast %and3A_71 : i32 to vector<16xi32>
    %and3A_73 = arith.andi %get3A_70, %and3A_72 : vector<16xi32>
    %swap3A_74 = arith.constant 0 : i32
    %swap3A_75 = arith.index_cast %swap3A_74 : i32 to index
    %swap3A_76 = arith.constant 32 : index
    %swap3A_77 = tpu.vector_load %arg11[%swap3A_75, %swap3A_76] {strides = array<i32>} : memref<4x128xi32, #tpu.memory_space<vmem>>, vector<16xi32>,
    tpu.vector_store %arg11[%swap3A_75, %swap3A_76], %and3A_73 {strides = array<i32>} : memref<4x128xi32, #tpu.memory_space<vmem>>, vector<16xi32>,
    %get3A_78 = arith.constant 0 : i32
    %get3A_79 = arith.index_cast %get3A_78 : i32 to index
    %get3A_80 = arith.constant 32 : index
    %get3A_81 = tpu.vector_load %arg10[%get3A_79, %get3A_80] {strides = array<i32>} : memref<4x128xi32, #tpu.memory_space<vmem>>, vector<16xi32>,
    %and3A_82 = arith.constant 32767 : i32
    %and3A_83 = vector.broadcast %and3A_82 : i32 to vector<16xi32>
    %and3A_84 = arith.andi %get3A_81, %and3A_83 : vector<16xi32>
    %swap3A_85 = arith.constant 0 : i32
    %swap3A_86 = arith.index_cast %swap3A_85 : i32 to index
    %swap3A_87 = arith.constant 32 : index
    %swap3A_88 = tpu.vector_load %arg12[%swap3A_86, %swap3A_87] {strides = array<i32>} : memref<4x128xi32, #tpu.memory_space<vmem>>, vector<16xi32>,
    tpu.vector_store %arg12[%swap3A_86, %swap3A_87], %and3A_84 {strides = array<i32>} : memref<4x128xi32, #tpu.memory_space<vmem>>, vector<16xi32>,
    %get3A_89 = arith.constant 0 : i32
    %get3A_90 = arith.index_cast %get3A_89 : i32 to index
    %get3A_91 = arith.constant 48 : index
    %get3A_92 = tpu.vector_load %arg9[%get3A_90, %get3A_91] {strides = array<i32>} : memref<4x128xi32, #tpu.memory_space<vmem>>, vector<16xi32>,
    %and3A_93 = arith.constant 262143 : i32
    %and3A_94 = vector.broadcast %and3A_93 : i32 to vector<16xi32>
    %and3A_95 = arith.andi %get3A_92, %and3A_94 : vector<16xi32>
    %swap3A_96 = arith.constant 0 : i32
    %swap3A_97 = arith.index_cast %swap3A_96 : i32 to index
    %swap3A_98 = arith.constant 48 : index
    %swap3A_99 = tpu.vector_load %arg11[%swap3A_97, %swap3A_98] {strides = array<i32>} : memref<4x128xi32, #tpu.memory_space<vmem>>, vector<16xi32>,
    tpu.vector_store %arg11[%swap3A_97, %swap3A_98], %and3A_95 {strides = array<i32>} : memref<4x128xi32, #tpu.memory_space<vmem>>, vector<16xi32>,
    %get3A_100 = arith.constant 0 : i32
    %get3A_101 = arith.index_cast %get3A_100 : i32 to index
    %get3A_102 = arith.constant 48 : index
    %get3A_103 = tpu.vector_load %arg10[%get3A_101, %get3A_102] {strides = array<i32>} : memref<4x128xi32, #tpu.memory_space<vmem>>, vector<16xi32>,
    %and3A_104 = arith.constant 32767 : i32
    %and3A_105 = vector.broadcast %and3A_104 : i32 to vector<16xi32>
    %and3A_106 = arith.andi %get3A_103, %and3A_105 : vector<16xi32>
    %swap3A_107 = arith.constant 0 : i32
    %swap3A_108 = arith.index_cast %swap3A_107 : i32 to index
    %swap3A_109 = arith.constant 48 : index
    %swap3A_110 = tpu.vector_load %arg12[%swap3A_108, %swap3A_109] {strides = array<i32>} : memref<4x128xi32, #tpu.memory_space<vmem>>, vector<16xi32>,
    tpu.vector_store %arg12[%swap3A_108, %swap3A_109], %and3A_106 {strides = array<i32>} : memref<4x128xi32, #tpu.memory_space<vmem>>, vector<16xi32>,
    %get3A_111 = arith.constant 0 : i32
    %get3A_112 = arith.index_cast %get3A_111 : i32 to index
    %get3A_113 = arith.constant 64 : index
    %get3A_114 = tpu.vector_load %arg9[%get3A_112, %get3A_113] {strides = array<i32>} : memref<4x128xi32, #tpu.memory_space<vmem>>, vector<16xi32>,
    %and3A_115 = arith.constant 262143 : i32
    %and3A_116 = vector.broadcast %and3A_115 : i32 to vector<16xi32>
    %and3A_117 = arith.andi %get3A_114, %and3A_116 : vector<16xi32>
    %swap3A_118 = arith.constant 0 : i32
    %swap3A_119 = arith.index_cast %swap3A_118 : i32 to index
    %swap3A_120 = arith.constant 64 : index
    %swap3A_121 = tpu.vector_load %arg11[%swap3A_119, %swap3A_120] {strides = array<i32>} : memref<4x128xi32, #tpu.memory_space<vmem>>, vector<16xi32>,
    tpu.vector_store %arg11[%swap3A_119, %swap3A_120], %and3A_117 {strides = array<i32>} : memref<4x128xi32, #tpu.memory_space<vmem>>, vector<16xi32>,
    %get3A_122 = arith.constant 0 : i32
    %get3A_123 = arith.index_cast %get3A_122 : i32 to index
    %get3A_124 = arith.constant 64 : index
    %get3A_125 = tpu.vector_load %arg10[%get3A_123, %get3A_124] {strides = array<i32>} : memref<4x128xi32, #tpu.memory_space<vmem>>, vector<16xi32>,
    %and3A_126 = arith.constant 32767 : i32
    %and3A_127 = vector.broadcast %and3A_126 : i32 to vector<16xi32>
    %and3A_128 = arith.andi %get3A_125, %and3A_127 : vector<16xi32>
    %swap3A_129 = arith.constant 0 : i32
    %swap3A_130 = arith.index_cast %swap3A_129 : i32 to index
    %swap3A_131 = arith.constant 64 : index
    %swap3A_132 = tpu.vector_load %arg12[%swap3A_130, %swap3A_131] {strides = array<i32>} : memref<4x128xi32, #tpu.memory_space<vmem>>, vector<16xi32>,
    tpu.vector_store %arg12[%swap3A_130, %swap3A_131], %and3A_128 {strides = array<i32>} : memref<4x128xi32, #tpu.memory_space<vmem>>, vector<16xi32>,
    %get3A_133 = arith.constant 0 : i32
    %get3A_134 = arith.index_cast %get3A_133 : i32 to index
    %get3A_135 = arith.constant 80 : index
    %get3A_136 = tpu.vector_load %arg9[%get3A_134, %get3A_135] {strides = array<i32>} : memref<4x128xi32, #tpu.memory_space<vmem>>, vector<16xi32>,
    %and3A_137 = arith.constant 262143 : i32
    %and3A_138 = vector.broadcast %and3A_137 : i32 to vector<16xi32>
    %and3A_139 = arith.andi %get3A_136, %and3A_138 : vector<16xi32>
    %swap3A_140 = arith.constant 0 : i32
    %swap3A_141 = arith.index_cast %swap3A_140 : i32 to index
    %swap3A_142 = arith.constant 80 : index
    %swap3A_143 = tpu.vector_load %arg11[%swap3A_141, %swap3A_142] {strides = array<i32>} : memref<4x128xi32, #tpu.memory_space<vmem>>, vector<16xi32>,
    tpu.vector_store %arg11[%swap3A_141, %swap3A_142], %and3A_139 {strides = array<i32>} : memref<4x128xi32, #tpu.memory_space<vmem>>, vector<16xi32>,
    %get3A_144 = arith.constant 0 : i32
    %get3A_145 = arith.index_cast %get3A_144 : i32 to index
    %get3A_146 = arith.constant 80 : index
    %get3A_147 = tpu.vector_load %arg10[%get3A_145, %get3A_146] {strides = array<i32>} : memref<4x128xi32, #tpu.memory_space<vmem>>, vector<16xi32>,
    %and3A_148 = arith.constant 32767 : i32
    %and3A_149 = vector.broadcast %and3A_148 : i32 to vector<16xi32>
    %and3A_150 = arith.andi %get3A_147, %and3A_149 : vector<16xi32>
    %swap3A_151 = arith.constant 0 : i32
    %swap3A_152 = arith.index_cast %swap3A_151 : i32 to index
    %swap3A_153 = arith.constant 80 : index
    %swap3A_154 = tpu.vector_load %arg12[%swap3A_152, %swap3A_153] {strides = array<i32>} : memref<4x128xi32, #tpu.memory_space<vmem>>, vector<16xi32>,
    tpu.vector_store %arg12[%swap3A_152, %swap3A_153], %and3A_150 {strides = array<i32>} : memref<4x128xi32, #tpu.memory_space<vmem>>, vector<16xi32>,
    %get3A_155 = arith.constant 0 : i32
    %get3A_156 = arith.index_cast %get3A_155 : i32 to index
    %get3A_157 = arith.constant 96 : index
    %get3A_158 = tpu.vector_load %arg9[%get3A_156, %get3A_157] {strides = array<i32>} : memref<4x128xi32, #tpu.memory_space<vmem>>, vector<16xi32>,
    %and3A_159 = arith.constant 262143 : i32
    %and3A_160 = vector.broadcast %and3A_159 : i32 to vector<16xi32>
    %and3A_161 = arith.andi %get3A_158, %and3A_160 : vector<16xi32>
    %swap3A_162 = arith.constant 0 : i32
    %swap3A_163 = arith.index_cast %swap3A_162 : i32 to index
    %swap3A_164 = arith.constant 96 : index
    %swap3A_165 = tpu.vector_load %arg11[%swap3A_163, %swap3A_164] {strides = array<i32>} : memref<4x128xi32, #tpu.memory_space<vmem>>, vector<16xi32>,
    tpu.vector_store %arg11[%swap3A_163, %swap3A_164], %and3A_161 {strides = array<i32>} : memref<4x128xi32, #tpu.memory_space<vmem>>, vector<16xi32>,
    %get3A_166 = arith.constant 0 : i32
    %get3A_167 = arith.index_cast %get3A_166 : i32 to index
    %get3A_168 = arith.constant 96 : index
    %get3A_169 = tpu.vector_load %arg10[%get3A_167, %get3A_168] {strides = array<i32>} : memref<4x128xi32, #tpu.memory_space<vmem>>, vector<16xi32>,
    %and3A_170 = arith.constant 32767 : i32
    %and3A_171 = vector.broadcast %and3A_170 : i32 to vector<16xi32>
    %and3A_172 = arith.andi %get3A_169, %and3A_171 : vector<16xi32>
    %swap3A_173 = arith.constant 0 : i32
    %swap3A_174 = arith.index_cast %swap3A_173 : i32 to index
    %swap3A_175 = arith.constant 96 : index
    %swap3A_176 = tpu.vector_load %arg12[%swap3A_174, %swap3A_175] {strides = array<i32>} : memref<4x128xi32, #tpu.memory_space<vmem>>, vector<16xi32>,
    tpu.vector_store %arg12[%swap3A_174, %swap3A_175], %and3A_172 {strides = array<i32>} : memref<4x128xi32, #tpu.memory_space<vmem>>, vector<16xi32>,
    %get3A_177 = arith.constant 0 : i32
    %get3A_178 = arith.index_cast %get3A_177 : i32 to index
    %get3A_179 = arith.constant 112 : index
    %get3A_180 = tpu.vector_load %arg9[%get3A_178, %get3A_179] {strides = array<i32>} : memref<4x128xi32, #tpu.memory_space<vmem>>, vector<16xi32>,
    %and3A_181 = arith.constant 262143 : i32
    %and3A_182 = vector.broadcast %and3A_181 : i32 to vector<16xi32>
    %and3A_183 = arith.andi %get3A_180, %and3A_182 : vector<16xi32>
    %swap3A_184 = arith.constant 0 : i32
    %swap3A_185 = arith.index_cast %swap3A_184 : i32 to index
    %swap3A_186 = arith.constant 112 : index
    %swap3A_187 = tpu.vector_load %arg11[%swap3A_185, %swap3A_186] {strides = array<i32>} : memref<4x128xi32, #tpu.memory_space<vmem>>, vector<16xi32>,
    tpu.vector_store %arg11[%swap3A_185, %swap3A_186], %and3A_183 {strides = array<i32>} : memref<4x128xi32, #tpu.memory_space<vmem>>, vector<16xi32>,
    %get3A_188 = arith.constant 0 : i32
    %get3A_189 = arith.index_cast %get3A_188 : i32 to index
    %get3A_190 = arith.constant 112 : index
    %get3A_191 = tpu.vector_load %arg10[%get3A_189, %get3A_190] {strides = array<i32>} : memref<4x128xi32, #tpu.memory_space<vmem>>, vector<16xi32>,
    %and3A_192 = arith.constant 32767 : i32
    %and3A_193 = vector.broadcast %and3A_192 : i32 to vector<16xi32>
    %and3A_194 = arith.andi %get3A_191, %and3A_193 : vector<16xi32>
    %swap3A_195 = arith.constant 0 : i32
    %swap3A_196 = arith.index_cast %swap3A_195 : i32 to index
    %swap3A_197 = arith.constant 112 : index
    %swap3A_198 = tpu.vector_load %arg12[%swap3A_196, %swap3A_197] {strides = array<i32>} : memref<4x128xi32, #tpu.memory_space<vmem>>, vector<16xi32>,
    tpu.vector_store %arg12[%swap3A_196, %swap3A_197], %and3A_194 {strides = array<i32>} : memref<4x128xi32, #tpu.memory_space<vmem>>, vector<16xi32>,
    %get3A_199 = arith.constant 1 : i32
    %get3A_200 = arith.index_cast %get3A_199 : i32 to index
    %get3A_201 = arith.constant 0 : index
    %get3A_202 = tpu.vector_load %arg9[%get3A_200, %get3A_201] {strides = array<i32>} : memref<4x128xi32, #tpu.memory_space<vmem>>, vector<16xi32>,
    %and3A_203 = arith.constant 262143 : i32
    %and3A_204 = vector.broadcast %and3A_203 : i32 to vector<16xi32>
    %and3A_205 = arith.andi %get3A_202, %and3A_204 : vector<16xi32>
    %swap3A_206 = arith.constant 1 : i32
    %swap3A_207 = arith.index_cast %swap3A_206 : i32 to index
    %swap3A_208 = arith.constant 0 : index
    %swap3A_209 = tpu.vector_load %arg11[%swap3A_207, %swap3A_208] {strides = array<i32>} : memref<4x128xi32, #tpu.memory_space<vmem>>, vector<16xi32>,
    tpu.vector_store %arg11[%swap3A_207, %swap3A_208], %and3A_205 {strides = array<i32>} : memref<4x128xi32, #tpu.memory_space<vmem>>, vector<16xi32>,
    %get3A_210 = arith.constant 1 : i32
    %get3A_211 = arith.index_cast %get3A_210 : i32 to index
    %get3A_212 = arith.constant 0 : index
    %get3A_213 = tpu.vector_load %arg10[%get3A_211, %get3A_212] {strides = array<i32>} : memref<4x128xi32, #tpu.memory_space<vmem>>, vector<16xi32>,
    %and3A_214 = arith.constant 32767 : i32
    %and3A_215 = vector.broadcast %and3A_214 : i32 to vector<16xi32>
    %and3A_216 = arith.andi %get3A_213, %and3A_215 : vector<16xi32>
    %swap3A_217 = arith.constant 1 : i32
    %swap3A_218 = arith.index_cast %swap3A_217 : i32 to index
    %swap3A_219 = arith.constant 0 : index
    %swap3A_220 = tpu.vector_load %arg12[%swap3A_218, %swap3A_219] {strides = array<i32>} : memref<4x128xi32, #tpu.memory_space<vmem>>, vector<16xi32>,
    tpu.vector_store %arg12[%swap3A_218, %swap3A_219], %and3A_216 {strides = array<i32>} : memref<4x128xi32, #tpu.memory_space<vmem>>, vector<16xi32>,
    %get3A_221 = arith.constant 1 : i32
    %get3A_222 = arith.index_cast %get3A_221 : i32 to index
    %get3A_223 = arith.constant 16 : index
    %get3A_224 = tpu.vector_load %arg9[%get3A_222, %get3A_223] {strides = array<i32>} : memref<4x128xi32, #tpu.memory_space<vmem>>, vector<16xi32>,
    %and3A_225 = arith.constant 262143 : i32
    %and3A_226 = vector.broadcast %and3A_225 : i32 to vector<16xi32>
    %and3A_227 = arith.andi %get3A_224, %and3A_226 : vector<16xi32>
    %swap3A_228 = arith.constant 1 : i32
    %swap3A_229 = arith.index_cast %swap3A_228 : i32 to index
    %swap3A_230 = arith.constant 16 : index
    %swap3A_231 = tpu.vector_load %arg11[%swap3A_229, %swap3A_230] {strides = array<i32>} : memref<4x128xi32, #tpu.memory_space<vmem>>, vector<16xi32>,
    tpu.vector_store %arg11[%swap3A_229, %swap3A_230], %and3A_227 {strides = array<i32>} : memref<4x128xi32, #tpu.memory_space<vmem>>, vector<16xi32>,
    %get3A_232 = arith.constant 1 : i32
    %get3A_233 = arith.index_cast %get3A_232 : i32 to index
    %get3A_234 = arith.constant 16 : index
    %get3A_235 = tpu.vector_load %arg10[%get3A_233, %get3A_234] {strides = array<i32>} : memref<4x128xi32, #tpu.memory_space<vmem>>, vector<16xi32>,
    %and3A_236 = arith.constant 32767 : i32
    %and3A_237 = vector.broadcast %and3A_236 : i32 to vector<16xi32>
    %and3A_238 = arith.andi %get3A_235, %and3A_237 : vector<16xi32>
    %swap3A_239 = arith.constant 1 : i32
    %swap3A_240 = arith.index_cast %swap3A_239 : i32 to index
    %swap3A_241 = arith.constant 16 : index
    %swap3A_242 = tpu.vector_load %arg12[%swap3A_240, %swap3A_241] {strides = array<i32>} : memref<4x128xi32, #tpu.memory_space<vmem>>, vector<16xi32>,
    tpu.vector_store %arg12[%swap3A_240, %swap3A_241], %and3A_238 {strides = array<i32>} : memref<4x128xi32, #tpu.memory_space<vmem>>, vector<16xi32>,
    %get3A_243 = arith.constant 1 : i32
    %get3A_244 = arith.index_cast %get3A_243 : i32 to index
    %get3A_245 = arith.constant 32 : index
    %get3A_246 = tpu.vector_load %arg9[%get3A_244, %get3A_245] {strides = array<i32>} : memref<4x128xi32, #tpu.memory_space<vmem>>, vector<16xi32>,
    %and3A_247 = arith.constant 262143 : i32
    %and3A_248 = vector.broadcast %and3A_247 : i32 to vector<16xi32>
    %and3A_249 = arith.andi %get3A_246, %and3A_248 : vector<16xi32>
    %swap3A_250 = arith.constant 1 : i32
    %swap3A_251 = arith.index_cast %swap3A_250 : i32 to index
    %swap3A_252 = arith.constant 32 : index
    %swap3A_253 = tpu.vector_load %arg11[%swap3A_251, %swap3A_252] {strides = array<i32>} : memref<4x128xi32, #tpu.memory_space<vmem>>, vector<16xi32>,
    tpu.vector_store %arg11[%swap3A_251, %swap3A_252], %and3A_249 {strides = array<i32>} : memref<4x128xi32, #tpu.memory_space<vmem>>, vector<16xi32>,
    %get3A_254 = arith.constant 1 : i32
    %get3A_255 = arith.index_cast %get3A_254 : i32 to index
    %get3A_256 = arith.constant 32 : index
    %get3A_257 = tpu.vector_load %arg10[%get3A_255, %get3A_256] {strides = array<i32>} : memref<4x128xi32, #tpu.memory_space<vmem>>, vector<16xi32>,
    %and3A_258 = arith.constant 32767 : i32
    %and3A_259 = vector.broadcast %and3A_258 : i32 to vector<16xi32>
    %and3A_260 = arith.andi %get3A_257, %and3A_259 : vector<16xi32>
    %swap3A_261 = arith.constant 1 : i32
    %swap3A_262 = arith.index_cast %swap3A_261 : i32 to index
    %swap3A_263 = arith.constant 32 : index
    %swap3A_264 = tpu.vector_load %arg12[%swap3A_262, %swap3A_263] {strides = array<i32>} : memref<4x128xi32, #tpu.memory_space<vmem>>, vector<16xi32>,
    tpu.vector_store %arg12[%swap3A_262, %swap3A_263], %and3A_260 {strides = array<i32>} : memref<4x128xi32, #tpu.memory_space<vmem>>, vector<16xi32>,
    %get3A_265 = arith.constant 1 : i32
    %get3A_266 = arith.index_cast %get3A_265 : i32 to index
    %get3A_267 = arith.constant 48 : index
    %get3A_268 = tpu.vector_load %arg9[%get3A_266, %get3A_267] {strides = array<i32>} : memref<4x128xi32, #tpu.memory_space<vmem>>, vector<16xi32>,
    %and3A_269 = arith.constant 262143 : i32
    %and3A_270 = vector.broadcast %and3A_269 : i32 to vector<16xi32>
    %and3A_271 = arith.andi %get3A_268, %and3A_270 : vector<16xi32>
    %swap3A_272 = arith.constant 1 : i32
    %swap3A_273 = arith.index_cast %swap3A_272 : i32 to index
    %swap3A_274 = arith.constant 48 : index
    %swap3A_275 = tpu.vector_load %arg11[%swap3A_273, %swap3A_274] {strides = array<i32>} : memref<4x128xi32, #tpu.memory_space<vmem>>, vector<16xi32>,
    tpu.vector_store %arg11[%swap3A_273, %swap3A_274], %and3A_271 {strides = array<i32>} : memref<4x128xi32, #tpu.memory_space<vmem>>, vector<16xi32>,
    %get3A_276 = arith.constant 1 : i32
    %get3A_277 = arith.index_cast %get3A_276 : i32 to index
    %get3A_278 = arith.constant 48 : index
    %get3A_279 = tpu.vector_load %arg10[%get3A_277, %get3A_278] {strides = array<i32>} : memref<4x128xi32, #tpu.memory_space<vmem>>, vector<16xi32>,
    %and3A_280 = arith.constant 32767 : i32
    %and3A_281 = vector.broadcast %and3A_280 : i32 to vector<16xi32>
    %and3A_282 = arith.andi %get3A_279, %and3A_281 : vector<16xi32>
    %swap3A_283 = arith.constant 1 : i32
    %swap3A_284 = arith.index_cast %swap3A_283 : i32 to index
    %swap3A_285 = arith.constant 48 : index
    %swap3A_286 = tpu.vector_load %arg12[%swap3A_284, %swap3A_285] {strides = array<i32>} : memref<4x128xi32, #tpu.memory_space<vmem>>, vector<16xi32>,
    tpu.vector_store %arg12[%swap3A_284, %swap3A_285], %and3A_282 {strides = array<i32>} : memref<4x128xi32, #tpu.memory_space<vmem>>, vector<16xi32>,
    %get3A_287 = arith.constant 1 : i32
    %get3A_288 = arith.index_cast %get3A_287 : i32 to index
    %get3A_289 = arith.constant 64 : index
    %get3A_290 = tpu.vector_load %arg9[%get3A_288, %get3A_289] {strides = array<i32>} : memref<4x128xi32, #tpu.memory_space<vmem>>, vector<16xi32>,
    %and3A_291 = arith.constant 262143 : i32
    %and3A_292 = vector.broadcast %and3A_291 : i32 to vector<16xi32>
    %and3A_293 = arith.andi %get3A_290, %and3A_292 : vector<16xi32>
    %swap3A_294 = arith.constant 1 : i32
    %swap3A_295 = arith.index_cast %swap3A_294 : i32 to index
    %swap3A_296 = arith.constant 64 : index
    %swap3A_297 = tpu.vector_load %arg11[%swap3A_295, %swap3A_296] {strides = array<i32>} : memref<4x128xi32, #tpu.memory_space<vmem>>, vector<16xi32>,
    tpu.vector_store %arg11[%swap3A_295, %swap3A_296], %and3A_293 {strides = array<i32>} : memref<4x128xi32, #tpu.memory_space<vmem>>, vector<16xi32>,
    %get3A_298 = arith.constant 1 : i32
    %get3A_299 = arith.index_cast %get3A_298 : i32 to index
    %get3A_300 = arith.constant 64 : index
    %get3A_301 = tpu.vector_load %arg10[%get3A_299, %get3A_300] {strides = array<i32>} : memref<4x128xi32, #tpu.memory_space<vmem>>, vector<16xi32>,
    %and3A_302 = arith.constant 32767 : i32
    %and3A_303 = vector.broadcast %and3A_302 : i32 to vector<16xi32>
    %and3A_304 = arith.andi %get3A_301, %and3A_303 : vector<16xi32>
    %swap3A_305 = arith.constant 1 : i32
    %swap3A_306 = arith.index_cast %swap3A_305 : i32 to index
    %swap3A_307 = arith.constant 64 : index
    %swap3A_308 = tpu.vector_load %arg12[%swap3A_306, %swap3A_307] {strides = array<i32>} : memref<4x128xi32, #tpu.memory_space<vmem>>, vector<16xi32>,
    tpu.vector_store %arg12[%swap3A_306, %swap3A_307], %and3A_304 {strides = array<i32>} : memref<4x128xi32, #tpu.memory_space<vmem>>, vector<16xi32>,
    %get3A_309 = arith.constant 1 : i32
    %get3A_310 = arith.index_cast %get3A_309 : i32 to index
    %get3A_311 = arith.constant 80 : index
    %get3A_312 = tpu.vector_load %arg9[%get3A_310, %get3A_311] {strides = array<i32>} : memref<4x128xi32, #tpu.memory_space<vmem>>, vector<16xi32>,
    %and3A_313 = arith.constant 262143 : i32
    %and3A_314 = vector.broadcast %and3A_313 : i32 to vector<16xi32>
    %and3A_315 = arith.andi %get3A_312, %and3A_314 : vector<16xi32>
    %swap3A_316 = arith.constant 1 : i32
    %swap3A_317 = arith.index_cast %swap3A_316 : i32 to index
    %swap3A_318 = arith.constant 80 : index
    %swap3A_319 = tpu.vector_load %arg11[%swap3A_317, %swap3A_318] {strides = array<i32>} : memref<4x128xi32, #tpu.memory_space<vmem>>, vector<16xi32>,
    tpu.vector_store %arg11[%swap3A_317, %swap3A_318], %and3A_315 {strides = array<i32>} : memref<4x128xi32, #tpu.memory_space<vmem>>, vector<16xi32>,
    %get3A_320 = arith.constant 1 : i32
    %get3A_321 = arith.index_cast %get3A_320 : i32 to index
    %get3A_322 = arith.constant 80 : index
    %get3A_323 = tpu.vector_load %arg10[%get3A_321, %get3A_322] {strides = array<i32>} : memref<4x128xi32, #tpu.memory_space<vmem>>, vector<16xi32>,
    %and3A_324 = arith.constant 32767 : i32
    %and3A_325 = vector.broadcast %and3A_324 : i32 to vector<16xi32>
    %and3A_326 = arith.andi %get3A_323, %and3A_325 : vector<16xi32>
    %swap3A_327 = arith.constant 1 : i32
    %swap3A_328 = arith.index_cast %swap3A_327 : i32 to index
    %swap3A_329 = arith.constant 80 : index
    %swap3A_330 = tpu.vector_load %arg12[%swap3A_328, %swap3A_329] {strides = array<i32>} : memref<4x128xi32, #tpu.memory_space<vmem>>, vector<16xi32>,
    tpu.vector_store %arg12[%swap3A_328, %swap3A_329], %and3A_326 {strides = array<i32>} : memref<4x128xi32, #tpu.memory_space<vmem>>, vector<16xi32>,
    %get3A_331 = arith.constant 1 : i32
    %get3A_332 = arith.index_cast %get3A_331 : i32 to index
    %get3A_333 = arith.constant 96 : index
    %get3A_334 = tpu.vector_load %arg9[%get3A_332, %get3A_333] {strides = array<i32>} : memref<4x128xi32, #tpu.memory_space<vmem>>, vector<16xi32>,
    %and3A_335 = arith.constant 262143 : i32
    %and3A_336 = vector.broadcast %and3A_335 : i32 to vector<16xi32>
    %and3A_337 = arith.andi %get3A_334, %and3A_336 : vector<16xi32>
    %swap3A_338 = arith.constant 1 : i32
    %swap3A_339 = arith.index_cast %swap3A_338 : i32 to index
    %swap3A_340 = arith.constant 96 : index
    %swap3A_341 = tpu.vector_load %arg11[%swap3A_339, %swap3A_340] {strides = array<i32>} : memref<4x128xi32, #tpu.memory_space<vmem>>, vector<16xi32>,
    tpu.vector_store %arg11[%swap3A_339, %swap3A_340], %and3A_337 {strides = array<i32>} : memref<4x128xi32, #tpu.memory_space<vmem>>, vector<16xi32>,
    %get3A_342 = arith.constant 1 : i32
    %get3A_343 = arith.index_cast %get3A_342 : i32 to index
    %get3A_344 = arith.constant 96 : index
    %get3A_345 = tpu.vector_load %arg10[%get3A_343, %get3A_344] {strides = array<i32>} : memref<4x128xi32, #tpu.memory_space<vmem>>, vector<16xi32>,
    %and3A_346 = arith.constant 32767 : i32
    %and3A_347 = vector.broadcast %and3A_346 : i32 to vector<16xi32>
    %and3A_348 = arith.andi %get3A_345, %and3A_347 : vector<16xi32>
    %swap3A_349 = arith.constant 1 : i32
    %swap3A_350 = arith.index_cast %swap3A_349 : i32 to index
    %swap3A_351 = arith.constant 96 : index
    %swap3A_352 = tpu.vector_load %arg12[%swap3A_350, %swap3A_351] {strides = array<i32>} : memref<4x128xi32, #tpu.memory_space<vmem>>, vector<16xi32>,
    tpu.vector_store %arg12[%swap3A_350, %swap3A_351], %and3A_348 {strides = array<i32>} : memref<4x128xi32, #tpu.memory_space<vmem>>, vector<16xi32>,
    %get3A_353 = arith.constant 1 : i32
    %get3A_354 = arith.index_cast %get3A_353 : i32 to index
    %get3A_355 = arith.constant 112 : index
    %get3A_356 = tpu.vector_load %arg9[%get3A_354, %get3A_355] {strides = array<i32>} : memref<4x128xi32, #tpu.memory_space<vmem>>, vector<16xi32>,
    %and3A_357 = arith.constant 262143 : i32
    %and3A_358 = vector.broadcast %and3A_357 : i32 to vector<16xi32>
    %and3A_359 = arith.andi %get3A_356, %and3A_358 : vector<16xi32>
    %swap3A_360 = arith.constant 1 : i32
    %swap3A_361 = arith.index_cast %swap3A_360 : i32 to index
    %swap3A_362 = arith.constant 112 : index
    %swap3A_363 = tpu.vector_load %arg11[%swap3A_361, %swap3A_362] {strides = array<i32>} : memref<4x128xi32, #tpu.memory_space<vmem>>, vector<16xi32>,
    tpu.vector_store %arg11[%swap3A_361, %swap3A_362], %and3A_359 {strides = array<i32>} : memref<4x128xi32, #tpu.memory_space<vmem>>, vector<16xi32>,
    %get3A_364 = arith.constant 1 : i32
    %get3A_365 = arith.index_cast %get3A_364 : i32 to index
    %get3A_366 = arith.constant 112 : index
    %get3A_367 = tpu.vector_load %arg10[%get3A_365, %get3A_366] {strides = array<i32>} : memref<4x128xi32, #tpu.memory_space<vmem>>, vector<16xi32>,
    %and3A_368 = arith.constant 32767 : i32
    %and3A_369 = vector.broadcast %and3A_368 : i32 to vector<16xi32>
    %and3A_370 = arith.andi %get3A_367, %and3A_369 : vector<16xi32>
    %swap3A_371 = arith.constant 1 : i32
    %swap3A_372 = arith.index_cast %swap3A_371 : i32 to index
    %swap3A_373 = arith.constant 112 : index
    %swap3A_374 = tpu.vector_load %arg12[%swap3A_372, %swap3A_373] {strides = array<i32>} : memref<4x128xi32, #tpu.memory_space<vmem>>, vector<16xi32>,
    tpu.vector_store %arg12[%swap3A_372, %swap3A_373], %and3A_370 {strides = array<i32>} : memref<4x128xi32, #tpu.memory_space<vmem>>, vector<16xi32>,
    %get3A_375 = arith.constant 2 : i32
    %get3A_376 = arith.index_cast %get3A_375 : i32 to index
    %get3A_377 = arith.constant 0 : index
    %get3A_378 = tpu.vector_load %arg9[%get3A_376, %get3A_377] {strides = array<i32>} : memref<4x128xi32, #tpu.memory_space<vmem>>, vector<16xi32>,
    %and3A_379 = arith.constant 262143 : i32
    %and3A_380 = vector.broadcast %and3A_379 : i32 to vector<16xi32>
    %and3A_381 = arith.andi %get3A_378, %and3A_380 : vector<16xi32>
    %swap3A_382 = arith.constant 2 : i32
    %swap3A_383 = arith.index_cast %swap3A_382 : i32 to index
    %swap3A_384 = arith.constant 0 : index
    %swap3A_385 = tpu.vector_load %arg11[%swap3A_383, %swap3A_384] {strides = array<i32>} : memref<4x128xi32, #tpu.memory_space<vmem>>, vector<16xi32>,
    tpu.vector_store %arg11[%swap3A_383, %swap3A_384], %and3A_381 {strides = array<i32>} : memref<4x128xi32, #tpu.memory_space<vmem>>, vector<16xi32>,
    %get3A_386 = arith.constant 2 : i32
    %get3A_387 = arith.index_cast %get3A_386 : i32 to index
    %get3A_388 = arith.constant 0 : index
    %get3A_389 = tpu.vector_load %arg10[%get3A_387, %get3A_388] {strides = array<i32>} : memref<4x128xi32, #tpu.memory_space<vmem>>, vector<16xi32>,
    %and3A_390 = arith.constant 32767 : i32
    %and3A_391 = vector.broadcast %and3A_390 : i32 to vector<16xi32>
    %and3A_392 = arith.andi %get3A_389, %and3A_391 : vector<16xi32>
    %swap3A_393 = arith.constant 2 : i32
    %swap3A_394 = arith.index_cast %swap3A_393 : i32 to index
    %swap3A_395 = arith.constant 0 : index
    %swap3A_396 = tpu.vector_load %arg12[%swap3A_394, %swap3A_395] {strides = array<i32>} : memref<4x128xi32, #tpu.memory_space<vmem>>, vector<16xi32>,
    tpu.vector_store %arg12[%swap3A_394, %swap3A_395], %and3A_392 {strides = array<i32>} : memref<4x128xi32, #tpu.memory_space<vmem>>, vector<16xi32>,
    %get3A_397 = arith.constant 2 : i32
    %get3A_398 = arith.index_cast %get3A_397 : i32 to index
    %get3A_399 = arith.constant 16 : index
    %get3A_400 = tpu.vector_load %arg9[%get3A_398, %get3A_399] {strides = array<i32>} : memref<4x128xi32, #tpu.memory_space<vmem>>, vector<16xi32>,
    %and3A_401 = arith.constant 262143 : i32
    %and3A_402 = vector.broadcast %and3A_401 : i32 to vector<16xi32>
    %and3A_403 = arith.andi %get3A_400, %and3A_402 : vector<16xi32>
    %swap3A_404 = arith.constant 2 : i32
    %swap3A_405 = arith.index_cast %swap3A_404 : i32 to index
    %swap3A_406 = arith.constant 16 : index
    %swap3A_407 = tpu.vector_load %arg11[%swap3A_405, %swap3A_406] {strides = array<i32>} : memref<4x128xi32, #tpu.memory_space<vmem>>, vector<16xi32>,
    tpu.vector_store %arg11[%swap3A_405, %swap3A_406], %and3A_403 {strides = array<i32>} : memref<4x128xi32, #tpu.memory_space<vmem>>, vector<16xi32>,
    %get3A_408 = arith.constant 2 : i32
    %get3A_409 = arith.index_cast %get3A_408 : i32 to index
    %get3A_410 = arith.constant 16 : index
    %get3A_411 = tpu.vector_load %arg10[%get3A_409, %get3A_410] {strides = array<i32>} : memref<4x128xi32, #tpu.memory_space<vmem>>, vector<16xi32>,
    %and3A_412 = arith.constant 32767 : i32
    %and3A_413 = vector.broadcast %and3A_412 : i32 to vector<16xi32>
    %and3A_414 = arith.andi %get3A_411, %and3A_413 : vector<16xi32>
    %swap3A_415 = arith.constant 2 : i32
    %swap3A_416 = arith.index_cast %swap3A_415 : i32 to index
    %swap3A_417 = arith.constant 16 : index
    %swap3A_418 = tpu.vector_load %arg12[%swap3A_416, %swap3A_417] {strides = array<i32>} : memref<4x128xi32, #tpu.memory_space<vmem>>, vector<16xi32>,
    tpu.vector_store %arg12[%swap3A_416, %swap3A_417], %and3A_414 {strides = array<i32>} : memref<4x128xi32, #tpu.memory_space<vmem>>, vector<16xi32>,
    %get3A_419 = arith.constant 2 : i32
    %get3A_420 = arith.index_cast %get3A_419 : i32 to index
    %get3A_421 = arith.constant 32 : index
    %get3A_422 = tpu.vector_load %arg9[%get3A_420, %get3A_421] {strides = array<i32>} : memref<4x128xi32, #tpu.memory_space<vmem>>, vector<16xi32>,
    %and3A_423 = arith.constant 262143 : i32
    %and3A_424 = vector.broadcast %and3A_423 : i32 to vector<16xi32>
    %and3A_425 = arith.andi %get3A_422, %and3A_424 : vector<16xi32>
    %swap3A_426 = arith.constant 2 : i32
    %swap3A_427 = arith.index_cast %swap3A_426 : i32 to index
    %swap3A_428 = arith.constant 32 : index
    %swap3A_429 = tpu.vector_load %arg11[%swap3A_427, %swap3A_428] {strides = array<i32>} : memref<4x128xi32, #tpu.memory_space<vmem>>, vector<16xi32>,
    tpu.vector_store %arg11[%swap3A_427, %swap3A_428], %and3A_425 {strides = array<i32>} : memref<4x128xi32, #tpu.memory_space<vmem>>, vector<16xi32>,
    %get3A_430 = arith.constant 2 : i32
    %get3A_431 = arith.index_cast %get3A_430 : i32 to index
    %get3A_432 = arith.constant 32 : index
    %get3A_433 = tpu.vector_load %arg10[%get3A_431, %get3A_432] {strides = array<i32>} : memref<4x128xi32, #tpu.memory_space<vmem>>, vector<16xi32>,
    %and3A_434 = arith.constant 32767 : i32
    %and3A_435 = vector.broadcast %and3A_434 : i32 to vector<16xi32>
    %and3A_436 = arith.andi %get3A_433, %and3A_435 : vector<16xi32>
    %swap3A_437 = arith.constant 2 : i32
    %swap3A_438 = arith.index_cast %swap3A_437 : i32 to index
    %swap3A_439 = arith.constant 32 : index
    %swap3A_440 = tpu.vector_load %arg12[%swap3A_438, %swap3A_439] {strides = array<i32>} : memref<4x128xi32, #tpu.memory_space<vmem>>, vector<16xi32>,
    tpu.vector_store %arg12[%swap3A_438, %swap3A_439], %and3A_436 {strides = array<i32>} : memref<4x128xi32, #tpu.memory_space<vmem>>, vector<16xi32>,
    %get3A_441 = arith.constant 2 : i32
    %get3A_442 = arith.index_cast %get3A_441 : i32 to index
    %get3A_443 = arith.constant 48 : index
    %get3A_444 = tpu.vector_load %arg9[%get3A_442, %get3A_443] {strides = array<i32>} : memref<4x128xi32, #tpu.memory_space<vmem>>, vector<16xi32>,
    %and3A_445 = arith.constant 262143 : i32
    %and3A_446 = vector.broadcast %and3A_445 : i32 to vector<16xi32>
    %and3A_447 = arith.andi %get3A_444, %and3A_446 : vector<16xi32>
    %swap3A_448 = arith.constant 2 : i32
    %swap3A_449 = arith.index_cast %swap3A_448 : i32 to index
    %swap3A_450 = arith.constant 48 : index
    %swap3A_451 = tpu.vector_load %arg11[%swap3A_449, %swap3A_450] {strides = array<i32>} : memref<4x128xi32, #tpu.memory_space<vmem>>, vector<16xi32>,
    tpu.vector_store %arg11[%swap3A_449, %swap3A_450], %and3A_447 {strides = array<i32>} : memref<4x128xi32, #tpu.memory_space<vmem>>, vector<16xi32>,
    %get3A_452 = arith.constant 2 : i32
    %get3A_453 = arith.index_cast %get3A_452 : i32 to index
    %get3A_454 = arith.constant 48 : index
    %get3A_455 = tpu.vector_load %arg10[%get3A_453, %get3A_454] {strides = array<i32>} : memref<4x128xi32, #tpu.memory_space<vmem>>, vector<16xi32>,
    %and3A_456 = arith.constant 32767 : i32
    %and3A_457 = vector.broadcast %and3A_456 : i32 to vector<16xi32>
    %and3A_458 = arith.andi %get3A_455, %and3A_457 : vector<16xi32>
    %swap3A_459 = arith.constant 2 : i32
    %swap3A_460 = arith.index_cast %swap3A_459 : i32 to index
    %swap3A_461 = arith.constant 48 : index
    %swap3A_462 = tpu.vector_load %arg12[%swap3A_460, %swap3A_461] {strides = array<i32>} : memref<4x128xi32, #tpu.memory_space<vmem>>, vector<16xi32>,
    tpu.vector_store %arg12[%swap3A_460, %swap3A_461], %and3A_458 {strides = array<i32>} : memref<4x128xi32, #tpu.memory_space<vmem>>, vector<16xi32>,
    %get3A_463 = arith.constant 2 : i32
    %get3A_464 = arith.index_cast %get3A_463 : i32 to index
    %get3A_465 = arith.constant 64 : index
    %get3A_466 = tpu.vector_load %arg9[%get3A_464, %get3A_465] {strides = array<i32>} : memref<4x128xi32, #tpu.memory_space<vmem>>, vector<16xi32>,
    %and3A_467 = arith.constant 262143 : i32
    %and3A_468 = vector.broadcast %and3A_467 : i32 to vector<16xi32>
    %and3A_469 = arith.andi %get3A_466, %and3A_468 : vector<16xi32>
    %swap3A_470 = arith.constant 2 : i32
    %swap3A_471 = arith.index_cast %swap3A_470 : i32 to index
    %swap3A_472 = arith.constant 64 : index
    %swap3A_473 = tpu.vector_load %arg11[%swap3A_471, %swap3A_472] {strides = array<i32>} : memref<4x128xi32, #tpu.memory_space<vmem>>, vector<16xi32>,
    tpu.vector_store %arg11[%swap3A_471, %swap3A_472], %and3A_469 {strides = array<i32>} : memref<4x128xi32, #tpu.memory_space<vmem>>, vector<16xi32>,
    %get3A_474 = arith.constant 2 : i32
    %get3A_475 = arith.index_cast %get3A_474 : i32 to index
    %get3A_476 = arith.constant 64 : index
    %get3A_477 = tpu.vector_load %arg10[%get3A_475, %get3A_476] {strides = array<i32>} : memref<4x128xi32, #tpu.memory_space<vmem>>, vector<16xi32>,
    %and3A_478 = arith.constant 32767 : i32
    %and3A_479 = vector.broadcast %and3A_478 : i32 to vector<16xi32>
    %and3A_480 = arith.andi %get3A_477, %and3A_479 : vector<16xi32>
    %swap3A_481 = arith.constant 2 : i32
    %swap3A_482 = arith.index_cast %swap3A_481 : i32 to index
    %swap3A_483 = arith.constant 64 : index
    %swap3A_484 = tpu.vector_load %arg12[%swap3A_482, %swap3A_483] {strides = array<i32>} : memref<4x128xi32, #tpu.memory_space<vmem>>, vector<16xi32>,
    tpu.vector_store %arg12[%swap3A_482, %swap3A_483], %and3A_480 {strides = array<i32>} : memref<4x128xi32, #tpu.memory_space<vmem>>, vector<16xi32>,
    %get3A_485 = arith.constant 2 : i32
    %get3A_486 = arith.index_cast %get3A_485 : i32 to index
    %get3A_487 = arith.constant 80 : index
    %get3A_488 = tpu.vector_load %arg9[%get3A_486, %get3A_487] {strides = array<i32>} : memref<4x128xi32, #tpu.memory_space<vmem>>, vector<16xi32>,
    %and3A_489 = arith.constant 262143 : i32
    %and3A_490 = vector.broadcast %and3A_489 : i32 to vector<16xi32>
    %and3A_491 = arith.andi %get3A_488, %and3A_490 : vector<16xi32>
    %swap3A_492 = arith.constant 2 : i32
    %swap3A_493 = arith.index_cast %swap3A_492 : i32 to index
    %swap3A_494 = arith.constant 80 : index
    %swap3A_495 = tpu.vector_load %arg11[%swap3A_493, %swap3A_494] {strides = array<i32>} : memref<4x128xi32, #tpu.memory_space<vmem>>, vector<16xi32>,
    tpu.vector_store %arg11[%swap3A_493, %swap3A_494], %and3A_491 {strides = array<i32>} : memref<4x128xi32, #tpu.memory_space<vmem>>, vector<16xi32>,
    %get3A_496 = arith.constant 2 : i32
    %get3A_497 = arith.index_cast %get3A_496 : i32 to index
    %get3A_498 = arith.constant 80 : index
    %get3A_499 = tpu.vector_load %arg10[%get3A_497, %get3A_498] {strides = array<i32>} : memref<4x128xi32, #tpu.memory_space<vmem>>, vector<16xi32>,
    %and3A_500 = arith.constant 32767 : i32
    %and3A_501 = vector.broadcast %and3A_500 : i32 to vector<16xi32>
    %and3A_502 = arith.andi %get3A_499, %and3A_501 : vector<16xi32>
    %swap3A_503 = arith.constant 2 : i32
    %swap3A_504 = arith.index_cast %swap3A_503 : i32 to index
    %swap3A_505 = arith.constant 80 : index
    %swap3A_506 = tpu.vector_load %arg12[%swap3A_504, %swap3A_505] {strides = array<i32>} : memref<4x128xi32, #tpu.memory_space<vmem>>, vector<16xi32>,
    tpu.vector_store %arg12[%swap3A_504, %swap3A_505], %and3A_502 {strides = array<i32>} : memref<4x128xi32, #tpu.memory_space<vmem>>, vector<16xi32>,
    %get3A_507 = arith.constant 2 : i32
    %get3A_508 = arith.index_cast %get3A_507 : i32 to index
    %get3A_509 = arith.constant 96 : index
    %get3A_510 = tpu.vector_load %arg9[%get3A_508, %get3A_509] {strides = array<i32>} : memref<4x128xi32, #tpu.memory_space<vmem>>, vector<16xi32>,
    %and3A_511 = arith.constant 262143 : i32
    %and3A_512 = vector.broadcast %and3A_511 : i32 to vector<16xi32>
    %and3A_513 = arith.andi %get3A_510, %and3A_512 : vector<16xi32>
    %swap3A_514 = arith.constant 2 : i32
    %swap3A_515 = arith.index_cast %swap3A_514 : i32 to index
    %swap3A_516 = arith.constant 96 : index
    %swap3A_517 = tpu.vector_load %arg11[%swap3A_515, %swap3A_516] {strides = array<i32>} : memref<4x128xi32, #tpu.memory_space<vmem>>, vector<16xi32>,
    tpu.vector_store %arg11[%swap3A_515, %swap3A_516], %and3A_513 {strides = array<i32>} : memref<4x128xi32, #tpu.memory_space<vmem>>, vector<16xi32>,
    %get3A_518 = arith.constant 2 : i32
    %get3A_519 = arith.index_cast %get3A_518 : i32 to index
    %get3A_520 = arith.constant 96 : index
    %get3A_521 = tpu.vector_load %arg10[%get3A_519, %get3A_520] {strides = array<i32>} : memref<4x128xi32, #tpu.memory_space<vmem>>, vector<16xi32>,
    %and3A_522 = arith.constant 32767 : i32
    %and3A_523 = vector.broadcast %and3A_522 : i32 to vector<16xi32>
    %and3A_524 = arith.andi %get3A_521, %and3A_523 : vector<16xi32>
    %swap3A_525 = arith.constant 2 : i32
    %swap3A_526 = arith.index_cast %swap3A_525 : i32 to index
    %swap3A_527 = arith.constant 96 : index
    %swap3A_528 = tpu.vector_load %arg12[%swap3A_526, %swap3A_527] {strides = array<i32>} : memref<4x128xi32, #tpu.memory_space<vmem>>, vector<16xi32>,
    tpu.vector_store %arg12[%swap3A_526, %swap3A_527], %and3A_524 {strides = array<i32>} : memref<4x128xi32, #tpu.memory_space<vmem>>, vector<16xi32>,
    %get3A_529 = arith.constant 2 : i32
    %get3A_530 = arith.index_cast %get3A_529 : i32 to index
    %get3A_531 = arith.constant 112 : index
    %get3A_532 = tpu.vector_load %arg9[%get3A_530, %get3A_531] {strides = array<i32>} : memref<4x128xi32, #tpu.memory_space<vmem>>, vector<16xi32>,
    %and3A_533 = arith.constant 262143 : i32
    %and3A_534 = vector.broadcast %and3A_533 : i32 to vector<16xi32>
    %and3A_535 = arith.andi %get3A_532, %and3A_534 : vector<16xi32>
    %swap3A_536 = arith.constant 2 : i32
    %swap3A_537 = arith.index_cast %swap3A_536 : i32 to index
    %swap3A_538 = arith.constant 112 : index
    %swap3A_539 = tpu.vector_load %arg11[%swap3A_537, %swap3A_538] {strides = array<i32>} : memref<4x128xi32, #tpu.memory_space<vmem>>, vector<16xi32>,
    tpu.vector_store %arg11[%swap3A_537, %swap3A_538], %and3A_535 {strides = array<i32>} : memref<4x128xi32, #tpu.memory_space<vmem>>, vector<16xi32>,
    %get3A_540 = arith.constant 2 : i32
    %get3A_541 = arith.index_cast %get3A_540 : i32 to index
    %get3A_542 = arith.constant 112 : index
    %get3A_543 = tpu.vector_load %arg10[%get3A_541, %get3A_542] {strides = array<i32>} : memref<4x128xi32, #tpu.memory_space<vmem>>, vector<16xi32>,
    %and3A_544 = arith.constant 32767 : i32
    %and3A_545 = vector.broadcast %and3A_544 : i32 to vector<16xi32>
    %and3A_546 = arith.andi %get3A_543, %and3A_545 : vector<16xi32>
    %swap3A_547 = arith.constant 2 : i32
    %swap3A_548 = arith.index_cast %swap3A_547 : i32 to index
    %swap3A_549 = arith.constant 112 : index
    %swap3A_550 = tpu.vector_load %arg12[%swap3A_548, %swap3A_549] {strides = array<i32>} : memref<4x128xi32, #tpu.memory_space<vmem>>, vector<16xi32>,
    tpu.vector_store %arg12[%swap3A_548, %swap3A_549], %and3A_546 {strides = array<i32>} : memref<4x128xi32, #tpu.memory_space<vmem>>, vector<16xi32>,
    %get3A_551 = arith.constant 3 : i32
    %get3A_552 = arith.index_cast %get3A_551 : i32 to index
    %get3A_553 = arith.constant 0 : index
    %get3A_554 = tpu.vector_load %arg9[%get3A_552, %get3A_553] {strides = array<i32>} : memref<4x128xi32, #tpu.memory_space<vmem>>, vector<16xi32>,
    %and3A_555 = arith.constant 262143 : i32
    %and3A_556 = vector.broadcast %and3A_555 : i32 to vector<16xi32>
    %and3A_557 = arith.andi %get3A_554, %and3A_556 : vector<16xi32>
    %swap3A_558 = arith.constant 3 : i32
    %swap3A_559 = arith.index_cast %swap3A_558 : i32 to index
    %swap3A_560 = arith.constant 0 : index
    %swap3A_561 = tpu.vector_load %arg11[%swap3A_559, %swap3A_560] {strides = array<i32>} : memref<4x128xi32, #tpu.memory_space<vmem>>, vector<16xi32>,
    tpu.vector_store %arg11[%swap3A_559, %swap3A_560], %and3A_557 {strides = array<i32>} : memref<4x128xi32, #tpu.memory_space<vmem>>, vector<16xi32>,
    %get3A_562 = arith.constant 3 : i32
    %get3A_563 = arith.index_cast %get3A_562 : i32 to index
    %get3A_564 = arith.constant 0 : index
    %get3A_565 = tpu.vector_load %arg10[%get3A_563, %get3A_564] {strides = array<i32>} : memref<4x128xi32, #tpu.memory_space<vmem>>, vector<16xi32>,
    %and3A_566 = arith.constant 32767 : i32
    %and3A_567 = vector.broadcast %and3A_566 : i32 to vector<16xi32>
    %and3A_568 = arith.andi %get3A_565, %and3A_567 : vector<16xi32>
    %swap3A_569 = arith.constant 3 : i32
    %swap3A_570 = arith.index_cast %swap3A_569 : i32 to index
    %swap3A_571 = arith.constant 0 : index
    %swap3A_572 = tpu.vector_load %arg12[%swap3A_570, %swap3A_571] {strides = array<i32>} : memref<4x128xi32, #tpu.memory_space<vmem>>, vector<16xi32>,
    tpu.vector_store %arg12[%swap3A_570, %swap3A_571], %and3A_568 {strides = array<i32>} : memref<4x128xi32, #tpu.memory_space<vmem>>, vector<16xi32>,
    %get3A_573 = arith.constant 3 : i32
    %get3A_574 = arith.index_cast %get3A_573 : i32 to index
    %get3A_575 = arith.constant 16 : index
    %get3A_576 = tpu.vector_load %arg9[%get3A_574, %get3A_575] {strides = array<i32>} : memref<4x128xi32, #tpu.memory_space<vmem>>, vector<16xi32>,
    %and3A_577 = arith.constant 262143 : i32
    %and3A_578 = vector.broadcast %and3A_577 : i32 to vector<16xi32>
    %and3A_579 = arith.andi %get3A_576, %and3A_578 : vector<16xi32>
    %swap3A_580 = arith.constant 3 : i32
    %swap3A_581 = arith.index_cast %swap3A_580 : i32 to index
    %swap3A_582 = arith.constant 16 : index
    %swap3A_583 = tpu.vector_load %arg11[%swap3A_581, %swap3A_582] {strides = array<i32>} : memref<4x128xi32, #tpu.memory_space<vmem>>, vector<16xi32>,
    tpu.vector_store %arg11[%swap3A_581, %swap3A_582], %and3A_579 {strides = array<i32>} : memref<4x128xi32, #tpu.memory_space<vmem>>, vector<16xi32>,
    %get3A_584 = arith.constant 3 : i32
    %get3A_585 = arith.index_cast %get3A_584 : i32 to index
    %get3A_586 = arith.constant 16 : index
    %get3A_587 = tpu.vector_load %arg10[%get3A_585, %get3A_586] {strides = array<i32>} : memref<4x128xi32, #tpu.memory_space<vmem>>, vector<16xi32>,
    %and3A_588 = arith.constant 32767 : i32
    %and3A_589 = vector.broadcast %and3A_588 : i32 to vector<16xi32>
    %and3A_590 = arith.andi %get3A_587, %and3A_589 : vector<16xi32>
    %swap3A_591 = arith.constant 3 : i32
    %swap3A_592 = arith.index_cast %swap3A_591 : i32 to index
    %swap3A_593 = arith.constant 16 : index
    %swap3A_594 = tpu.vector_load %arg12[%swap3A_592, %swap3A_593] {strides = array<i32>} : memref<4x128xi32, #tpu.memory_space<vmem>>, vector<16xi32>,
    tpu.vector_store %arg12[%swap3A_592, %swap3A_593], %and3A_590 {strides = array<i32>} : memref<4x128xi32, #tpu.memory_space<vmem>>, vector<16xi32>,
    %get3A_595 = arith.constant 3 : i32
    %get3A_596 = arith.index_cast %get3A_595 : i32 to index
    %get3A_597 = arith.constant 32 : index
    %get3A_598 = tpu.vector_load %arg9[%get3A_596, %get3A_597] {strides = array<i32>} : memref<4x128xi32, #tpu.memory_space<vmem>>, vector<16xi32>,
    %and3A_599 = arith.constant 262143 : i32
    %and3A_600 = vector.broadcast %and3A_599 : i32 to vector<16xi32>
    %and3A_601 = arith.andi %get3A_598, %and3A_600 : vector<16xi32>
    %swap3A_602 = arith.constant 3 : i32
    %swap3A_603 = arith.index_cast %swap3A_602 : i32 to index
    %swap3A_604 = arith.constant 32 : index
    %swap3A_605 = tpu.vector_load %arg11[%swap3A_603, %swap3A_604] {strides = array<i32>} : memref<4x128xi32, #tpu.memory_space<vmem>>, vector<16xi32>,
    tpu.vector_store %arg11[%swap3A_603, %swap3A_604], %and3A_601 {strides = array<i32>} : memref<4x128xi32, #tpu.memory_space<vmem>>, vector<16xi32>,
    %get3A_606 = arith.constant 3 : i32
    %get3A_607 = arith.index_cast %get3A_606 : i32 to index
    %get3A_608 = arith.constant 32 : index
    %get3A_609 = tpu.vector_load %arg10[%get3A_607, %get3A_608] {strides = array<i32>} : memref<4x128xi32, #tpu.memory_space<vmem>>, vector<16xi32>,
    %and3A_610 = arith.constant 32767 : i32
    %and3A_611 = vector.broadcast %and3A_610 : i32 to vector<16xi32>
    %and3A_612 = arith.andi %get3A_609, %and3A_611 : vector<16xi32>
    %swap3A_613 = arith.constant 3 : i32
    %swap3A_614 = arith.index_cast %swap3A_613 : i32 to index
    %swap3A_615 = arith.constant 32 : index
    %swap3A_616 = tpu.vector_load %arg12[%swap3A_614, %swap3A_615] {strides = array<i32>} : memref<4x128xi32, #tpu.memory_space<vmem>>, vector<16xi32>,
    tpu.vector_store %arg12[%swap3A_614, %swap3A_615], %and3A_612 {strides = array<i32>} : memref<4x128xi32, #tpu.memory_space<vmem>>, vector<16xi32>,
    %get3A_617 = arith.constant 3 : i32
    %get3A_618 = arith.index_cast %get3A_617 : i32 to index
    %get3A_619 = arith.constant 48 : index
    %get3A_620 = tpu.vector_load %arg9[%get3A_618, %get3A_619] {strides = array<i32>} : memref<4x128xi32, #tpu.memory_space<vmem>>, vector<16xi32>,
    %and3A_621 = arith.constant 262143 : i32
    %and3A_622 = vector.broadcast %and3A_621 : i32 to vector<16xi32>
    %and3A_623 = arith.andi %get3A_620, %and3A_622 : vector<16xi32>
    %swap3A_624 = arith.constant 3 : i32
    %swap3A_625 = arith.index_cast %swap3A_624 : i32 to index
    %swap3A_626 = arith.constant 48 : index
    %swap3A_627 = tpu.vector_load %arg11[%swap3A_625, %swap3A_626] {strides = array<i32>} : memref<4x128xi32, #tpu.memory_space<vmem>>, vector<16xi32>,
    tpu.vector_store %arg11[%swap3A_625, %swap3A_626], %and3A_623 {strides = array<i32>} : memref<4x128xi32, #tpu.memory_space<vmem>>, vector<16xi32>,
    %get3A_628 = arith.constant 3 : i32
    %get3A_629 = arith.index_cast %get3A_628 : i32 to index
    %get3A_630 = arith.constant 48 : index
    %get3A_631 = tpu.vector_load %arg10[%get3A_629, %get3A_630] {strides = array<i32>} : memref<4x128xi32, #tpu.memory_space<vmem>>, vector<16xi32>,
    %and3A_632 = arith.constant 32767 : i32
    %and3A_633 = vector.broadcast %and3A_632 : i32 to vector<16xi32>
    %and3A_634 = arith.andi %get3A_631, %and3A_633 : vector<16xi32>
    %swap3A_635 = arith.constant 3 : i32
    %swap3A_636 = arith.index_cast %swap3A_635 : i32 to index
    %swap3A_637 = arith.constant 48 : index
    %swap3A_638 = tpu.vector_load %arg12[%swap3A_636, %swap3A_637] {strides = array<i32>} : memref<4x128xi32, #tpu.memory_space<vmem>>, vector<16xi32>,
    tpu.vector_store %arg12[%swap3A_636, %swap3A_637], %and3A_634 {strides = array<i32>} : memref<4x128xi32, #tpu.memory_space<vmem>>, vector<16xi32>,
    %get3A_639 = arith.constant 3 : i32
    %get3A_640 = arith.index_cast %get3A_639 : i32 to index
    %get3A_641 = arith.constant 64 : index
    %get3A_642 = tpu.vector_load %arg9[%get3A_640, %get3A_641] {strides = array<i32>} : memref<4x128xi32, #tpu.memory_space<vmem>>, vector<16xi32>,
    %and3A_643 = arith.constant 262143 : i32
    %and3A_644 = vector.broadcast %and3A_643 : i32 to vector<16xi32>
    %and3A_645 = arith.andi %get3A_642, %and3A_644 : vector<16xi32>
    %swap3A_646 = arith.constant 3 : i32
    %swap3A_647 = arith.index_cast %swap3A_646 : i32 to index
    %swap3A_648 = arith.constant 64 : index
    %swap3A_649 = tpu.vector_load %arg11[%swap3A_647, %swap3A_648] {strides = array<i32>} : memref<4x128xi32, #tpu.memory_space<vmem>>, vector<16xi32>,
    tpu.vector_store %arg11[%swap3A_647, %swap3A_648], %and3A_645 {strides = array<i32>} : memref<4x128xi32, #tpu.memory_space<vmem>>, vector<16xi32>,
    %get3A_650 = arith.constant 3 : i32
    %get3A_651 = arith.index_cast %get3A_650 : i32 to index
    %get3A_652 = arith.constant 64 : index
    %get3A_653 = tpu.vector_load %arg10[%get3A_651, %get3A_652] {strides = array<i32>} : memref<4x128xi32, #tpu.memory_space<vmem>>, vector<16xi32>,
    %and3A_654 = arith.constant 32767 : i32
    %and3A_655 = vector.broadcast %and3A_654 : i32 to vector<16xi32>
    %and3A_656 = arith.andi %get3A_653, %and3A_655 : vector<16xi32>
    %swap3A_657 = arith.constant 3 : i32
    %swap3A_658 = arith.index_cast %swap3A_657 : i32 to index
    %swap3A_659 = arith.constant 64 : index
    %swap3A_660 = tpu.vector_load %arg12[%swap3A_658, %swap3A_659] {strides = array<i32>} : memref<4x128xi32, #tpu.memory_space<vmem>>, vector<16xi32>,
    tpu.vector_store %arg12[%swap3A_658, %swap3A_659], %and3A_656 {strides = array<i32>} : memref<4x128xi32, #tpu.memory_space<vmem>>, vector<16xi32>,
    %get3A_661 = arith.constant 3 : i32
    %get3A_662 = arith.index_cast %get3A_661 : i32 to index
    %get3A_663 = arith.constant 80 : index
    %get3A_664 = tpu.vector_load %arg9[%get3A_662, %get3A_663] {strides = array<i32>} : memref<4x128xi32, #tpu.memory_space<vmem>>, vector<16xi32>,
    %and3A_665 = arith.constant 262143 : i32
    %and3A_666 = vector.broadcast %and3A_665 : i32 to vector<16xi32>
    %and3A_667 = arith.andi %get3A_664, %and3A_666 : vector<16xi32>
    %swap3A_668 = arith.constant 3 : i32
    %swap3A_669 = arith.index_cast %swap3A_668 : i32 to index
    %swap3A_670 = arith.constant 80 : index
    %swap3A_671 = tpu.vector_load %arg11[%swap3A_669, %swap3A_670] {strides = array<i32>} : memref<4x128xi32, #tpu.memory_space<vmem>>, vector<16xi32>,
    tpu.vector_store %arg11[%swap3A_669, %swap3A_670], %and3A_667 {strides = array<i32>} : memref<4x128xi32, #tpu.memory_space<vmem>>, vector<16xi32>,
    %get3A_672 = arith.constant 3 : i32
    %get3A_673 = arith.index_cast %get3A_672 : i32 to index
    %get3A_674 = arith.constant 80 : index
    %get3A_675 = tpu.vector_load %arg10[%get3A_673, %get3A_674] {strides = array<i32>} : memref<4x128xi32, #tpu.memory_space<vmem>>, vector<16xi32>,
    %and3A_676 = arith.constant 32767 : i32
    %and3A_677 = vector.broadcast %and3A_676 : i32 to vector<16xi32>
    %and3A_678 = arith.andi %get3A_675, %and3A_677 : vector<16xi32>
    %swap3A_679 = arith.constant 3 : i32
    %swap3A_680 = arith.index_cast %swap3A_679 : i32 to index
    %swap3A_681 = arith.constant 80 : index
    %swap3A_682 = tpu.vector_load %arg12[%swap3A_680, %swap3A_681] {strides = array<i32>} : memref<4x128xi32, #tpu.memory_space<vmem>>, vector<16xi32>,
    tpu.vector_store %arg12[%swap3A_680, %swap3A_681], %and3A_678 {strides = array<i32>} : memref<4x128xi32, #tpu.memory_space<vmem>>, vector<16xi32>,
    %get3A_683 = arith.constant 3 : i32
    %get3A_684 = arith.index_cast %get3A_683 : i32 to index
    %get3A_685 = arith.constant 96 : index
    %get3A_686 = tpu.vector_load %arg9[%get3A_684, %get3A_685] {strides = array<i32>} : memref<4x128xi32, #tpu.memory_space<vmem>>, vector<16xi32>,
    %and3A_687 = arith.constant 262143 : i32
    %and3A_688 = vector.broadcast %and3A_687 : i32 to vector<16xi32>
    %and3A_689 = arith.andi %get3A_686, %and3A_688 : vector<16xi32>
    %swap3A_690 = arith.constant 3 : i32
    %swap3A_691 = arith.index_cast %swap3A_690 : i32 to index
    %swap3A_692 = arith.constant 96 : index
    %swap3A_693 = tpu.vector_load %arg11[%swap3A_691, %swap3A_692] {strides = array<i32>} : memref<4x128xi32, #tpu.memory_space<vmem>>, vector<16xi32>,
    tpu.vector_store %arg11[%swap3A_691, %swap3A_692], %and3A_689 {strides = array<i32>} : memref<4x128xi32, #tpu.memory_space<vmem>>, vector<16xi32>,
    %get3A_694 = arith.constant 3 : i32
    %get3A_695 = arith.index_cast %get3A_694 : i32 to index
    %get3A_696 = arith.constant 96 : index
    %get3A_697 = tpu.vector_load %arg10[%get3A_695, %get3A_696] {strides = array<i32>} : memref<4x128xi32, #tpu.memory_space<vmem>>, vector<16xi32>,
    %and3A_698 = arith.constant 32767 : i32
    %and3A_699 = vector.broadcast %and3A_698 : i32 to vector<16xi32>
    %and3A_700 = arith.andi %get3A_697, %and3A_699 : vector<16xi32>
    %swap3A_701 = arith.constant 3 : i32
    %swap3A_702 = arith.index_cast %swap3A_701 : i32 to index
    %swap3A_703 = arith.constant 96 : index
    %swap3A_704 = tpu.vector_load %arg12[%swap3A_702, %swap3A_703] {strides = array<i32>} : memref<4x128xi32, #tpu.memory_space<vmem>>, vector<16xi32>,
    tpu.vector_store %arg12[%swap3A_702, %swap3A_703], %and3A_700 {strides = array<i32>} : memref<4x128xi32, #tpu.memory_space<vmem>>, vector<16xi32>,
    %get3A_705 = arith.constant 3 : i32
    %get3A_706 = arith.index_cast %get3A_705 : i32 to index
    %get3A_707 = arith.constant 112 : index
    %get3A_708 = tpu.vector_load %arg9[%get3A_706, %get3A_707] {strides = array<i32>} : memref<4x128xi32, #tpu.memory_space<vmem>>, vector<16xi32>,
    %and3A_709 = arith.constant 262143 : i32
    %and3A_710 = vector.broadcast %and3A_709 : i32 to vector<16xi32>
    %and3A_711 = arith.andi %get3A_708, %and3A_710 : vector<16xi32>
    %swap3A_712 = arith.constant 3 : i32
    %swap3A_713 = arith.index_cast %swap3A_712 : i32 to index
    %swap3A_714 = arith.constant 112 : index
    %swap3A_715 = tpu.vector_load %arg11[%swap3A_713, %swap3A_714] {strides = array<i32>} : memref<4x128xi32, #tpu.memory_space<vmem>>, vector<16xi32>,
    tpu.vector_store %arg11[%swap3A_713, %swap3A_714], %and3A_711 {strides = array<i32>} : memref<4x128xi32, #tpu.memory_space<vmem>>, vector<16xi32>,
    %get3A_716 = arith.constant 3 : i32
    %get3A_717 = arith.index_cast %get3A_716 : i32 to index
    %get3A_718 = arith.constant 112 : index
    %get3A_719 = tpu.vector_load %arg10[%get3A_717, %get3A_718] {strides = array<i32>} : memref<4x128xi32, #tpu.memory_space<vmem>>, vector<16xi32>,
    %and3A_720 = arith.constant 32767 : i32
    %and3A_721 = vector.broadcast %and3A_720 : i32 to vector<16xi32>
    %and3A_722 = arith.andi %get3A_719, %and3A_721 : vector<16xi32>
    %swap3A_723 = arith.constant 3 : i32
    %swap3A_724 = arith.index_cast %swap3A_723 : i32 to index
    %swap3A_725 = arith.constant 112 : index
    %swap3A_726 = tpu.vector_load %arg12[%swap3A_724, %swap3A_725] {strides = array<i32>} : memref<4x128xi32, #tpu.memory_space<vmem>>, vector<16xi32>,
    tpu.vector_store %arg12[%swap3A_724, %swap3A_725], %and3A_722 {strides = array<i32>} : memref<4x128xi32, #tpu.memory_space<vmem>>, vector<16xi32>,
    %iota3A = tpu.iota {dimensions = array<i32: 0>} : vector<16xi32>
    %dma_start3A = arith.constant 0 : i32
    %dma_start3A_727 = arith.constant 0 : i32
    %dma_start3A_728 = arith.constant 0 : i32
    %dma_start3A_729 = tpu.memref_slice %arg13[%dma_start3A_727, %dma_start3A_728] : memref<256x128xf32, #tpu.memory_space<vmem>> -> memref<128x128xf32, #tpu.memory_space<vmem>>
    %dma_start3A_730 = arith.constant 0 : i32
    %dma_start3A_731 = tpu.memref_slice %arg11[%dma_start3A, %dma_start3A_730] : memref<4x128xi32, #tpu.memory_space<vmem>> -> memref<1x128xi32, #tpu.memory_space<vmem>>
    %dma_start3A_732 = tpu.memref_squeeze %dma_start3A_731 : memref<1x128xi32, #tpu.memory_space<vmem>> -> memref<128xi32, #tpu.memory_space<vmem>>
    %dma_start3A_733 = arith.constant 0 : i32
    %dma_start3A_734 = arith.constant 0 : i32
    %dma_start3A_735 = tpu.memref_slice %arg2[%dma_start3A_733, %dma_start3A_734] : memref<262144x128xf32, #tpu.memory_space<hbm>> -> memref<262144x128xf32, #tpu.memory_space<hbm>>
    tpu.enqueue_indirect_dma source(%dma_start3A_735 : memref<262144x128xf32, #tpu.memory_space<hbm>>) target(%dma_start3A_729 : memref<128x128xf32, #tpu.memory_space<vmem>>) offsets(%dma_start3A_732 : memref<128xi32, #tpu.memory_space<vmem>>) semaphore(%arg21 : memref<!tpu.dma_semaphore, #tpu.memory_space<semaphore_mem>>)
    %dma_start3A_736 = arith.constant 0 : i32
    %dma_start3A_737 = arith.constant 0 : i32
    %dma_start3A_738 = arith.constant 0 : i32
    %dma_start3A_739 = tpu.memref_slice %arg14[%dma_start3A_737, %dma_start3A_738] : memref<256x128xf32, #tpu.memory_space<vmem>> -> memref<128x128xf32, #tpu.memory_space<vmem>>
    %dma_start3A_740 = arith.constant 0 : i32
    %dma_start3A_741 = tpu.memref_slice %arg12[%dma_start3A_736, %dma_start3A_740] : memref<4x128xi32, #tpu.memory_space<vmem>> -> memref<1x128xi32, #tpu.memory_space<vmem>>
    %dma_start3A_742 = tpu.memref_squeeze %dma_start3A_741 : memref<1x128xi32, #tpu.memory_space<vmem>> -> memref<128xi32, #tpu.memory_space<vmem>>
    %dma_start3A_743 = arith.constant 0 : i32
    %dma_start3A_744 = arith.constant 0 : i32
    %dma_start3A_745 = tpu.memref_slice %arg3[%dma_start3A_743, %dma_start3A_744] : memref<32768x128xf32, #tpu.memory_space<hbm>> -> memref<32768x128xf32, #tpu.memory_space<hbm>>
    tpu.enqueue_indirect_dma source(%dma_start3A_745 : memref<32768x128xf32, #tpu.memory_space<hbm>>) target(%dma_start3A_739 : memref<128x128xf32, #tpu.memory_space<vmem>>) offsets(%dma_start3A_742 : memref<128xi32, #tpu.memory_space<vmem>>) semaphore(%arg21 : memref<!tpu.dma_semaphore, #tpu.memory_space<semaphore_mem>>)
    %dma_start3A_746 = arith.constant 1 : i32
    %dma_start3A_747 = arith.constant 128 : i32
    %dma_start3A_748 = arith.constant 0 : i32
    %dma_start3A_749 = tpu.memref_slice %arg13[%dma_start3A_747, %dma_start3A_748] : memref<256x128xf32, #tpu.memory_space<vmem>> -> memref<128x128xf32, #tpu.memory_space<vmem>>
    %dma_start3A_750 = arith.constant 0 : i32
    %dma_start3A_751 = tpu.memref_slice %arg11[%dma_start3A_746, %dma_start3A_750] : memref<4x128xi32, #tpu.memory_space<vmem>> -> memref<1x128xi32, #tpu.memory_space<vmem>>
    %dma_start3A_752 = tpu.memref_squeeze %dma_start3A_751 : memref<1x128xi32, #tpu.memory_space<vmem>> -> memref<128xi32, #tpu.memory_space<vmem>>
    %dma_start3A_753 = arith.constant 0 : i32
    %dma_start3A_754 = arith.constant 0 : i32
    %dma_start3A_755 = tpu.memref_slice %arg2[%dma_start3A_753, %dma_start3A_754] : memref<262144x128xf32, #tpu.memory_space<hbm>> -> memref<262144x128xf32, #tpu.memory_space<hbm>>
    tpu.enqueue_indirect_dma source(%dma_start3A_755 : memref<262144x128xf32, #tpu.memory_space<hbm>>) target(%dma_start3A_749 : memref<128x128xf32, #tpu.memory_space<vmem>>) offsets(%dma_start3A_752 : memref<128xi32, #tpu.memory_space<vmem>>) semaphore(%arg21 : memref<!tpu.dma_semaphore, #tpu.memory_space<semaphore_mem>>)
    %dma_start3A_756 = arith.constant 1 : i32
    %dma_start3A_757 = arith.constant 128 : i32
    %dma_start3A_758 = arith.constant 0 : i32
    %dma_start3A_759 = tpu.memref_slice %arg14[%dma_start3A_757, %dma_start3A_758] : memref<256x128xf32, #tpu.memory_space<vmem>> -> memref<128x128xf32, #tpu.memory_space<vmem>>
    %dma_start3A_760 = arith.constant 0 : i32
    %dma_start3A_761 = tpu.memref_slice %arg12[%dma_start3A_756, %dma_start3A_760] : memref<4x128xi32, #tpu.memory_space<vmem>> -> memref<1x128xi32, #tpu.memory_space<vmem>>
    %dma_start3A_762 = tpu.memref_squeeze %dma_start3A_761 : memref<1x128xi32, #tpu.memory_space<vmem>> -> memref<128xi32, #tpu.memory_space<vmem>>
    %dma_start3A_763 = arith.constant 0 : i32
    %dma_start3A_764 = arith.constant 0 : i32
    %dma_start3A_765 = tpu.memref_slice %arg3[%dma_start3A_763, %dma_start3A_764] : memref<32768x128xf32, #tpu.memory_space<hbm>> -> memref<32768x128xf32, #tpu.memory_space<hbm>>
    tpu.enqueue_indirect_dma source(%dma_start3A_765 : memref<32768x128xf32, #tpu.memory_space<hbm>>) target(%dma_start3A_759 : memref<128x128xf32, #tpu.memory_space<vmem>>) offsets(%dma_start3A_762 : memref<128xi32, #tpu.memory_space<vmem>>) semaphore(%arg21 : memref<!tpu.dma_semaphore, #tpu.memory_space<semaphore_mem>>)
    %dma_wait3A = arith.constant 0 : i32
    %dma_wait3A_766 = arith.constant 0 : i32
    %dma_wait3A_767 = arith.constant 0 : i32
    %dma_wait3A_768 = tpu.memref_slice %arg13[%dma_wait3A_766, %dma_wait3A_767] : memref<256x128xf32, #tpu.memory_space<vmem>> -> memref<128x128xf32, #tpu.memory_space<vmem>>
    %dma_wait3A_769 = arith.constant 0 : i32
    %dma_wait3A_770 = tpu.memref_slice %arg11[%dma_wait3A, %dma_wait3A_769] : memref<4x128xi32, #tpu.memory_space<vmem>> -> memref<1x128xi32, #tpu.memory_space<vmem>>
    %dma_wait3A_771 = tpu.memref_squeeze %dma_wait3A_770 : memref<1x128xi32, #tpu.memory_space<vmem>> -> memref<128xi32, #tpu.memory_space<vmem>>
    %dma_wait3A_772 = arith.constant 0 : i32
    %dma_wait3A_773 = arith.constant 0 : i32
    %dma_wait3A_774 = tpu.memref_slice %arg2[%dma_wait3A_772, %dma_wait3A_773] : memref<262144x128xf32, #tpu.memory_space<hbm>> -> memref<262144x128xf32, #tpu.memory_space<hbm>>
    tpu.wait_indirect_dma semaphore(%arg21 : memref<!tpu.dma_semaphore, #tpu.memory_space<semaphore_mem>>) src(%dma_wait3A_774 : memref<262144x128xf32, #tpu.memory_space<hbm>>) dst(%dma_wait3A_768 : memref<128x128xf32, #tpu.memory_space<vmem>>)
    %dma_wait3A_775 = arith.constant 0 : i32
    %dma_wait3A_776 = arith.constant 0 : i32
    %dma_wait3A_777 = arith.constant 0 : i32
    %dma_wait3A_778 = tpu.memref_slice %arg14[%dma_wait3A_776, %dma_wait3A_777] : memref<256x128xf32, #tpu.memory_space<vmem>> -> memref<128x128xf32, #tpu.memory_space<vmem>>
    %dma_wait3A_779 = arith.constant 0 : i32
    %dma_wait3A_780 = tpu.memref_slice %arg12[%dma_wait3A_775, %dma_wait3A_779] : memref<4x128xi32, #tpu.memory_space<vmem>> -> memref<1x128xi32, #tpu.memory_space<vmem>>
    %dma_wait3A_781 = tpu.memref_squeeze %dma_wait3A_780 : memref<1x128xi32, #tpu.memory_space<vmem>> -> memref<128xi32, #tpu.memory_space<vmem>>
    %dma_wait3A_782 = arith.constant 0 : i32
    %dma_wait3A_783 = arith.constant 0 : i32
    %dma_wait3A_784 = tpu.memref_slice %arg3[%dma_wait3A_782, %dma_wait3A_783] : memref<32768x128xf32, #tpu.memory_space<hbm>> -> memref<32768x128xf32, #tpu.memory_space<hbm>>
    tpu.wait_indirect_dma semaphore(%arg21 : memref<!tpu.dma_semaphore, #tpu.memory_space<semaphore_mem>>) src(%dma_wait3A_784 : memref<32768x128xf32, #tpu.memory_space<hbm>>) dst(%dma_wait3A_778 : memref<128x128xf32, #tpu.memory_space<vmem>>)
    %dma_wait3A_785 = arith.constant 1 : i32
    %dma_wait3A_786 = arith.constant 128 : i32
    %dma_wait3A_787 = arith.constant 0 : i32
    %dma_wait3A_788 = tpu.memref_slice %arg13[%dma_wait3A_786, %dma_wait3A_787] : memref<256x128xf32, #tpu.memory_space<vmem>> -> memref<128x128xf32, #tpu.memory_space<vmem>>
    %dma_wait3A_789 = arith.constant 0 : i32
    %dma_wait3A_790 = tpu.memref_slice %arg11[%dma_wait3A_785, %dma_wait3A_789] : memref<4x128xi32, #tpu.memory_space<vmem>> -> memref<1x128xi32, #tpu.memory_space<vmem>>
    %dma_wait3A_791 = tpu.memref_squeeze %dma_wait3A_790 : memref<1x128xi32, #tpu.memory_space<vmem>> -> memref<128xi32, #tpu.memory_space<vmem>>
    %dma_wait3A_792 = arith.constant 0 : i32
    %dma_wait3A_793 = arith.constant 0 : i32
    %dma_wait3A_794 = tpu.memref_slice %arg2[%dma_wait3A_792, %dma_wait3A_793] : memref<262144x128xf32, #tpu.memory_space<hbm>> -> memref<262144x128xf32, #tpu.memory_space<hbm>>
    tpu.wait_indirect_dma semaphore(%arg21 : memref<!tpu.dma_semaphore, #tpu.memory_space<semaphore_mem>>) src(%dma_wait3A_794 : memref<262144x128xf32, #tpu.memory_space<hbm>>) dst(%dma_wait3A_788 : memref<128x128xf32, #tpu.memory_space<vmem>>)
    %dma_wait3A_795 = arith.constant 1 : i32
    %dma_wait3A_796 = arith.constant 128 : i32
    %dma_wait3A_797 = arith.constant 0 : i32
    %dma_wait3A_798 = tpu.memref_slice %arg14[%dma_wait3A_796, %dma_wait3A_797] : memref<256x128xf32, #tpu.memory_space<vmem>> -> memref<128x128xf32, #tpu.memory_space<vmem>>
    %dma_wait3A_799 = arith.constant 0 : i32
    %dma_wait3A_800 = tpu.memref_slice %arg12[%dma_wait3A_795, %dma_wait3A_799] : memref<4x128xi32, #tpu.memory_space<vmem>> -> memref<1x128xi32, #tpu.memory_space<vmem>>
    %dma_wait3A_801 = tpu.memref_squeeze %dma_wait3A_800 : memref<1x128xi32, #tpu.memory_space<vmem>> -> memref<128xi32, #tpu.memory_space<vmem>>
    %dma_wait3A_802 = arith.constant 0 : i32
    %dma_wait3A_803 = arith.constant 0 : i32
    %dma_wait3A_804 = tpu.memref_slice %arg3[%dma_wait3A_802, %dma_wait3A_803] : memref<32768x128xf32, #tpu.memory_space<hbm>> -> memref<32768x128xf32, #tpu.memory_space<hbm>>
    tpu.wait_indirect_dma semaphore(%arg21 : memref<!tpu.dma_semaphore, #tpu.memory_space<semaphore_mem>>) src(%dma_wait3A_804 : memref<32768x128xf32, #tpu.memory_space<hbm>>) dst(%dma_wait3A_798 : memref<128x128xf32, #tpu.memory_space<vmem>>)
    %broadcast_in_dim3A = arith.constant 0.000000e+00 : f32
    %broadcast_in_dim3A_805 = vector.broadcast %broadcast_in_dim3A : f32 to vector<16xf32>
    %scan3A = arith.constant 0 : i32
    %scan3A_806 = arith.constant 16 : i32
    %scan3A_807 = arith.addi %scan3A, %scan3A_806 : i32
    %scan3A_808 = arith.constant 1 : i32
    %scan3A_809 = scf.for %scan3A_905 = %scan3A to %scan3A_807 step %scan3A_808 iter_args(%scan3A_906 = %broadcast_in_dim3A_805) -> (vector<16xf32>)  : i32 {
      %mul3A_907 = arith.constant 16 : i32
      %mul3A_908 = arith.muli %scan3A_905, %mul3A_907 : i32
      %add3A_909 = arith.constant 0 : i32
      %add3A_910 = arith.addi %add3A_909, %mul3A_908 : i32
      %jit3A = arith.constant 128 : i32
      %div3A = arith.divsi %mul3A_908, %jit3A : i32
      %sign3A = arith.constant 0 : i32
      %sign3A_911 = arith.cmpi sgt, %mul3A_908, %sign3A : i32
      %sign3A_912 = arith.extui %sign3A_911 : i1 to i32
      %sign3A_913 = arith.constant 0 : i32
      %sign3A_914 = arith.cmpi slt, %mul3A_908, %sign3A_913 : i32
      %sign3A_915 = arith.extui %sign3A_914 : i1 to i32
      %sign3A_916 = arith.subi %sign3A_912, %sign3A_915 : i32
      %sign3A_917 = arith.constant 0 : i32
      %sign3A_918 = arith.cmpi sgt, %jit3A, %sign3A_917 : i32
      %sign3A_919 = arith.extui %sign3A_918 : i1 to i32
      %sign3A_920 = arith.constant 0 : i32
      %sign3A_921 = arith.cmpi slt, %jit3A, %sign3A_920 : i32
      %sign3A_922 = arith.extui %sign3A_921 : i1 to i32
      %sign3A_923 = arith.subi %sign3A_919, %sign3A_922 : i32
      %ne3A = arith.cmpi ne, %sign3A_916, %sign3A_923 : i32
      %rem3A = arith.remsi %mul3A_908, %jit3A : i32
      %ne3A_924 = arith.constant 0 : i32
      %ne3A_925 = arith.cmpi ne, %rem3A, %ne3A_924 : i32
      %and3A_926 = arith.andi %ne3A, %ne3A_925 : i1
      %sub3A = arith.constant 1 : i32
      %sub3A_927 = arith.subi %div3A, %sub3A : i32
      %select_n3A = arith.select %and3A_926, %sub3A_927, %div3A : i32
      %add3A_928 = arith.constant 0 : i32
      %add3A_929 = arith.addi %add3A_928, %select_n3A : i32
      %jit3A_930 = arith.constant 128 : i32
      %eq3A_931 = arith.constant 0 : i32
      %eq3A_932 = arith.cmpi eq, %jit3A_930, %eq3A_931 : i32
      %jit3A_933 = arith.constant 1 : i32
      %select_n3A_934 = arith.select %eq3A_932, %jit3A_933, %jit3A_930 : i32
      %rem3A_935 = arith.remsi %mul3A_908, %select_n3A_934 : i32
      %ne3A_936 = arith.constant 0 : i32
      %ne3A_937 = arith.cmpi ne, %rem3A_935, %ne3A_936 : i32
      %lt3A = arith.constant 0 : i32
      %lt3A_938 = arith.cmpi slt, %rem3A_935, %lt3A : i32
      %lt3A_939 = arith.constant 0 : i32
      %lt3A_940 = arith.cmpi slt, %select_n3A_934, %lt3A_939 : i32
      %ne3A_941 = arith.xori %lt3A_938, %lt3A_940 : i1
      %and3A_942 = arith.andi %ne3A_941, %ne3A_937 : i1
      %add3A_943 = arith.addi %rem3A_935, %select_n3A_934 : i32
      %select_n3A_944 = arith.select %and3A_942, %add3A_943, %rem3A_935 : i32
      %get3A_945 = arith.index_cast %add3A_929 : i32 to index
      %get3A_946 = arith.index_cast %select_n3A_944 : i32 to index
      %get3A_947 = tpu.vector_load %arg9[%get3A_945, %get3A_946] {strides = array<i32>} : memref<4x128xi32, #tpu.memory_space<vmem>>, vector<16xi32>,
      %shift_right_logical3A = arith.constant 18 : i32
      %shift_right_logical3A_948 = vector.broadcast %shift_right_logical3A : i32 to vector<16xi32>
      %shift_right_logical3A_949 = arith.shrui %get3A_947, %shift_right_logical3A_948 : vector<16xi32>
      %mul3A_950 = arith.constant 32 : i32
      %mul3A_951 = vector.broadcast %mul3A_950 : i32 to vector<16xi32>
      %mul3A_952 = arith.muli %shift_right_logical3A_949, %mul3A_951 : vector<16xi32>
      %get3A_953 = arith.index_cast %add3A_929 : i32 to index
      %get3A_954 = arith.index_cast %select_n3A_944 : i32 to index
      %get3A_955 = tpu.vector_load %arg10[%get3A_953, %get3A_954] {strides = array<i32>} : memref<4x128xi32, #tpu.memory_space<vmem>>, vector<16xi32>,
      %shift_right_logical3A_956 = arith.constant 15 : i32
      %shift_right_logical3A_957 = vector.broadcast %shift_right_logical3A_956 : i32 to vector<16xi32>
      %shift_right_logical3A_958 = arith.shrui %get3A_955, %shift_right_logical3A_957 : vector<16xi32>
      %mul3A_959 = arith.constant 32 : i32
      %mul3A_960 = vector.broadcast %mul3A_959 : i32 to vector<16xi32>
      %mul3A_961 = arith.muli %shift_right_logical3A_958, %mul3A_960 : vector<16xi32>
      %broadcast_in_dim3A_962 = arith.constant 0.000000e+00 : f32
      %broadcast_in_dim3A_963 = vector.broadcast %broadcast_in_dim3A_962 : f32 to vector<16xf32>
      %slice3A = vector.extract_strided_slice %mul3A_952 {offsets = [0], sizes = [1], strides = [1]} : vector<16xi32> to vector<1xi32>
      %squeeze3A = vector.extract %slice3A[0] : i32 from vector<1xi32>
      %slice3A_964 = vector.extract_strided_slice %mul3A_961 {offsets = [0], sizes = [1], strides = [1]} : vector<16xi32> to vector<1xi32>
      %squeeze3A_965 = vector.extract %slice3A_964[0] : i32 from vector<1xi32>
      %add3A_966 = arith.constant 0 : i32
      %add3A_967 = arith.addi %mul3A_908, %add3A_966 : i32
      %get3A_968 = arith.index_cast %add3A_967 : i32 to index
      %get3A_969 = arith.index_cast %squeeze3A : i32 to index
      %get3A_970 = tpu.vector_load %arg13[%get3A_968, %get3A_969] {strides = array<i32>} : memref<256x128xf32, #tpu.memory_space<vmem>>, vector<16xf32>,
      %add3A_971 = arith.constant 0 : i32
      %add3A_972 = arith.addi %mul3A_908, %add3A_971 : i32
      %add3A_973 = arith.constant 16 : i32
      %add3A_974 = arith.addi %squeeze3A, %add3A_973 : i32
      %get3A_975 = arith.index_cast %add3A_972 : i32 to index
      %get3A_976 = arith.index_cast %add3A_974 : i32 to index
      %get3A_977 = tpu.vector_load %arg13[%get3A_975, %get3A_976] {strides = array<i32>} : memref<256x128xf32, #tpu.memory_space<vmem>>, vector<16xf32>,
      %add3A_978 = arith.constant 0 : i32
      %add3A_979 = arith.addi %mul3A_908, %add3A_978 : i32
      %get3A_980 = arith.index_cast %add3A_979 : i32 to index
      %get3A_981 = arith.index_cast %squeeze3A_965 : i32 to index
      %get3A_982 = tpu.vector_load %arg14[%get3A_980, %get3A_981] {strides = array<i32>} : memref<256x128xf32, #tpu.memory_space<vmem>>, vector<16xf32>,
      %add3A_983 = arith.constant 0 : i32
      %add3A_984 = arith.addi %mul3A_908, %add3A_983 : i32
      %add3A_985 = arith.constant 16 : i32
      %add3A_986 = arith.addi %squeeze3A_965, %add3A_985 : i32
      %get3A_987 = arith.index_cast %add3A_984 : i32 to index
      %get3A_988 = arith.index_cast %add3A_986 : i32 to index
      %get3A_989 = tpu.vector_load %arg14[%get3A_987, %get3A_988] {strides = array<i32>} : memref<256x128xf32, #tpu.memory_space<vmem>>, vector<16xf32>,
      %mul3A_990 = arith.mulf %get3A_970, %get3A_982 : vector<16xf32>
      %mul3A_991 = arith.mulf %get3A_977, %get3A_989 : vector<16xf32>
      %add3A_992 = arith.addf %mul3A_990, %mul3A_991 : vector<16xf32>
      %reduce_sum3A = arith.constant true
      %reduce_sum3A_993 = vector.broadcast %reduce_sum3A : i1 to vector<16xi1>
      %reduce_sum3A_994 = tpu.scan <sum>, %add3A_992 masked %reduce_sum3A_993 : vector<16xf32>, vector<16xi1> -> vector<16xf32>
      %reduce_sum3A_995 = vector.extract %reduce_sum3A_994[15] : f32 from vector<16xf32>
      %eq3A_996 = arith.constant 0 : i32
      %eq3A_997 = vector.broadcast %eq3A_996 : i32 to vector<16xi32>
      %eq3A_998 = arith.cmpi eq, %iota3A, %eq3A_997 : vector<16xi32>
      %broadcast_in_dim3A_999 = vector.broadcast %reduce_sum3A_995 : f32 to vector<16xf32>
      %select_n3A_1000 = arith.select %eq3A_998, %broadcast_in_dim3A_999, %broadcast_in_dim3A_963 : vector<16xi1>, vector<16xf32>
      %slice3A_1001 = vector.extract_strided_slice %mul3A_952 {offsets = [1], sizes = [1], strides = [1]} : vector<16xi32> to vector<1xi32>
      %squeeze3A_1002 = vector.extract %slice3A_1001[0] : i32 from vector<1xi32>
      %slice3A_1003 = vector.extract_strided_slice %mul3A_961 {offsets = [1], sizes = [1], strides = [1]} : vector<16xi32> to vector<1xi32>
      %squeeze3A_1004 = vector.extract %slice3A_1003[0] : i32 from vector<1xi32>
      %add3A_1005 = arith.constant 1 : i32
      %add3A_1006 = arith.addi %mul3A_908, %add3A_1005 : i32
      %get3A_1007 = arith.index_cast %add3A_1006 : i32 to index
      %get3A_1008 = arith.index_cast %squeeze3A_1002 : i32 to index
      %get3A_1009 = tpu.vector_load %arg13[%get3A_1007, %get3A_1008] {strides = array<i32>} : memref<256x128xf32, #tpu.memory_space<vmem>>, vector<16xf32>,
      %add3A_1010 = arith.constant 1 : i32
      %add3A_1011 = arith.addi %mul3A_908, %add3A_1010 : i32
      %add3A_1012 = arith.constant 16 : i32
      %add3A_1013 = arith.addi %squeeze3A_1002, %add3A_1012 : i32
      %get3A_1014 = arith.index_cast %add3A_1011 : i32 to index
      %get3A_1015 = arith.index_cast %add3A_1013 : i32 to index
      %get3A_1016 = tpu.vector_load %arg13[%get3A_1014, %get3A_1015] {strides = array<i32>} : memref<256x128xf32, #tpu.memory_space<vmem>>, vector<16xf32>,
      %add3A_1017 = arith.constant 1 : i32
      %add3A_1018 = arith.addi %mul3A_908, %add3A_1017 : i32
      %get3A_1019 = arith.index_cast %add3A_1018 : i32 to index
      %get3A_1020 = arith.index_cast %squeeze3A_1004 : i32 to index
      %get3A_1021 = tpu.vector_load %arg14[%get3A_1019, %get3A_1020] {strides = array<i32>} : memref<256x128xf32, #tpu.memory_space<vmem>>, vector<16xf32>,
      %add3A_1022 = arith.constant 1 : i32
      %add3A_1023 = arith.addi %mul3A_908, %add3A_1022 : i32
      %add3A_1024 = arith.constant 16 : i32
      %add3A_1025 = arith.addi %squeeze3A_1004, %add3A_1024 : i32
      %get3A_1026 = arith.index_cast %add3A_1023 : i32 to index
      %get3A_1027 = arith.index_cast %add3A_1025 : i32 to index
      %get3A_1028 = tpu.vector_load %arg14[%get3A_1026, %get3A_1027] {strides = array<i32>} : memref<256x128xf32, #tpu.memory_space<vmem>>, vector<16xf32>,
      %mul3A_1029 = arith.mulf %get3A_1009, %get3A_1021 : vector<16xf32>
      %mul3A_1030 = arith.mulf %get3A_1016, %get3A_1028 : vector<16xf32>
      %add3A_1031 = arith.addf %mul3A_1029, %mul3A_1030 : vector<16xf32>
      %reduce_sum3A_1032 = arith.constant true
      %reduce_sum3A_1033 = vector.broadcast %reduce_sum3A_1032 : i1 to vector<16xi1>
      %reduce_sum3A_1034 = tpu.scan <sum>, %add3A_1031 masked %reduce_sum3A_1033 : vector<16xf32>, vector<16xi1> -> vector<16xf32>
      %reduce_sum3A_1035 = vector.extract %reduce_sum3A_1034[15] : f32 from vector<16xf32>
      %eq3A_1036 = arith.constant 1 : i32
      %eq3A_1037 = vector.broadcast %eq3A_1036 : i32 to vector<16xi32>
      %eq3A_1038 = arith.cmpi eq, %iota3A, %eq3A_1037 : vector<16xi32>
      %broadcast_in_dim3A_1039 = vector.broadcast %reduce_sum3A_1035 : f32 to vector<16xf32>
      %select_n3A_1040 = arith.select %eq3A_1038, %broadcast_in_dim3A_1039, %select_n3A_1000 : vector<16xi1>, vector<16xf32>
      %slice3A_1041 = vector.extract_strided_slice %mul3A_952 {offsets = [2], sizes = [1], strides = [1]} : vector<16xi32> to vector<1xi32>
      %squeeze3A_1042 = vector.extract %slice3A_1041[0] : i32 from vector<1xi32>
      %slice3A_1043 = vector.extract_strided_slice %mul3A_961 {offsets = [2], sizes = [1], strides = [1]} : vector<16xi32> to vector<1xi32>
      %squeeze3A_1044 = vector.extract %slice3A_1043[0] : i32 from vector<1xi32>
      %add3A_1045 = arith.constant 2 : i32
      %add3A_1046 = arith.addi %mul3A_908, %add3A_1045 : i32
      %get3A_1047 = arith.index_cast %add3A_1046 : i32 to index
      %get3A_1048 = arith.index_cast %squeeze3A_1042 : i32 to index
      %get3A_1049 = tpu.vector_load %arg13[%get3A_1047, %get3A_1048] {strides = array<i32>} : memref<256x128xf32, #tpu.memory_space<vmem>>, vector<16xf32>,
      %add3A_1050 = arith.constant 2 : i32
      %add3A_1051 = arith.addi %mul3A_908, %add3A_1050 : i32
      %add3A_1052 = arith.constant 16 : i32
      %add3A_1053 = arith.addi %squeeze3A_1042, %add3A_1052 : i32
      %get3A_1054 = arith.index_cast %add3A_1051 : i32 to index
      %get3A_1055 = arith.index_cast %add3A_1053 : i32 to index
      %get3A_1056 = tpu.vector_load %arg13[%get3A_1054, %get3A_1055] {strides = array<i32>} : memref<256x128xf32, #tpu.memory_space<vmem>>, vector<16xf32>,
      %add3A_1057 = arith.constant 2 : i32
      %add3A_1058 = arith.addi %mul3A_908, %add3A_1057 : i32
      %get3A_1059 = arith.index_cast %add3A_1058 : i32 to index
      %get3A_1060 = arith.index_cast %squeeze3A_1044 : i32 to index
      %get3A_1061 = tpu.vector_load %arg14[%get3A_1059, %get3A_1060] {strides = array<i32>} : memref<256x128xf32, #tpu.memory_space<vmem>>, vector<16xf32>,
      %add3A_1062 = arith.constant 2 : i32
      %add3A_1063 = arith.addi %mul3A_908, %add3A_1062 : i32
      %add3A_1064 = arith.constant 16 : i32
      %add3A_1065 = arith.addi %squeeze3A_1044, %add3A_1064 : i32
      %get3A_1066 = arith.index_cast %add3A_1063 : i32 to index
      %get3A_1067 = arith.index_cast %add3A_1065 : i32 to index
      %get3A_1068 = tpu.vector_load %arg14[%get3A_1066, %get3A_1067] {strides = array<i32>} : memref<256x128xf32, #tpu.memory_space<vmem>>, vector<16xf32>,
      %mul3A_1069 = arith.mulf %get3A_1049, %get3A_1061 : vector<16xf32>
      %mul3A_1070 = arith.mulf %get3A_1056, %get3A_1068 : vector<16xf32>
      %add3A_1071 = arith.addf %mul3A_1069, %mul3A_1070 : vector<16xf32>
      %reduce_sum3A_1072 = arith.constant true
      %reduce_sum3A_1073 = vector.broadcast %reduce_sum3A_1072 : i1 to vector<16xi1>
      %reduce_sum3A_1074 = tpu.scan <sum>, %add3A_1071 masked %reduce_sum3A_1073 : vector<16xf32>, vector<16xi1> -> vector<16xf32>
      %reduce_sum3A_1075 = vector.extract %reduce_sum3A_1074[15] : f32 from vector<16xf32>
      %eq3A_1076 = arith.constant 2 : i32
      %eq3A_1077 = vector.broadcast %eq3A_1076 : i32 to vector<16xi32>
      %eq3A_1078 = arith.cmpi eq, %iota3A, %eq3A_1077 : vector<16xi32>
      %broadcast_in_dim3A_1079 = vector.broadcast %reduce_sum3A_1075 : f32 to vector<16xf32>
      %select_n3A_1080 = arith.select %eq3A_1078, %broadcast_in_dim3A_1079, %select_n3A_1040 : vector<16xi1>, vector<16xf32>
      %slice3A_1081 = vector.extract_strided_slice %mul3A_952 {offsets = [3], sizes = [1], strides = [1]} : vector<16xi32> to vector<1xi32>
      %squeeze3A_1082 = vector.extract %slice3A_1081[0] : i32 from vector<1xi32>
      %slice3A_1083 = vector.extract_strided_slice %mul3A_961 {offsets = [3], sizes = [1], strides = [1]} : vector<16xi32> to vector<1xi32>
      %squeeze3A_1084 = vector.extract %slice3A_1083[0] : i32 from vector<1xi32>
      %add3A_1085 = arith.constant 3 : i32
      %add3A_1086 = arith.addi %mul3A_908, %add3A_1085 : i32
      %get3A_1087 = arith.index_cast %add3A_1086 : i32 to index
      %get3A_1088 = arith.index_cast %squeeze3A_1082 : i32 to index
      %get3A_1089 = tpu.vector_load %arg13[%get3A_1087, %get3A_1088] {strides = array<i32>} : memref<256x128xf32, #tpu.memory_space<vmem>>, vector<16xf32>,
      %add3A_1090 = arith.constant 3 : i32
      %add3A_1091 = arith.addi %mul3A_908, %add3A_1090 : i32
      %add3A_1092 = arith.constant 16 : i32
      %add3A_1093 = arith.addi %squeeze3A_1082, %add3A_1092 : i32
      %get3A_1094 = arith.index_cast %add3A_1091 : i32 to index
      %get3A_1095 = arith.index_cast %add3A_1093 : i32 to index
      %get3A_1096 = tpu.vector_load %arg13[%get3A_1094, %get3A_1095] {strides = array<i32>} : memref<256x128xf32, #tpu.memory_space<vmem>>, vector<16xf32>,
      %add3A_1097 = arith.constant 3 : i32
      %add3A_1098 = arith.addi %mul3A_908, %add3A_1097 : i32
      %get3A_1099 = arith.index_cast %add3A_1098 : i32 to index
      %get3A_1100 = arith.index_cast %squeeze3A_1084 : i32 to index
      %get3A_1101 = tpu.vector_load %arg14[%get3A_1099, %get3A_1100] {strides = array<i32>} : memref<256x128xf32, #tpu.memory_space<vmem>>, vector<16xf32>,
      %add3A_1102 = arith.constant 3 : i32
      %add3A_1103 = arith.addi %mul3A_908, %add3A_1102 : i32
      %add3A_1104 = arith.constant 16 : i32
      %add3A_1105 = arith.addi %squeeze3A_1084, %add3A_1104 : i32
      %get3A_1106 = arith.index_cast %add3A_1103 : i32 to index
      %get3A_1107 = arith.index_cast %add3A_1105 : i32 to index
      %get3A_1108 = tpu.vector_load %arg14[%get3A_1106, %get3A_1107] {strides = array<i32>} : memref<256x128xf32, #tpu.memory_space<vmem>>, vector<16xf32>,
      %mul3A_1109 = arith.mulf %get3A_1089, %get3A_1101 : vector<16xf32>
      %mul3A_1110 = arith.mulf %get3A_1096, %get3A_1108 : vector<16xf32>
      %add3A_1111 = arith.addf %mul3A_1109, %mul3A_1110 : vector<16xf32>
      %reduce_sum3A_1112 = arith.constant true
      %reduce_sum3A_1113 = vector.broadcast %reduce_sum3A_1112 : i1 to vector<16xi1>
      %reduce_sum3A_1114 = tpu.scan <sum>, %add3A_1111 masked %reduce_sum3A_1113 : vector<16xf32>, vector<16xi1> -> vector<16xf32>
      %reduce_sum3A_1115 = vector.extract %reduce_sum3A_1114[15] : f32 from vector<16xf32>
      %eq3A_1116 = arith.constant 3 : i32
      %eq3A_1117 = vector.broadcast %eq3A_1116 : i32 to vector<16xi32>
      %eq3A_1118 = arith.cmpi eq, %iota3A, %eq3A_1117 : vector<16xi32>
      %broadcast_in_dim3A_1119 = vector.broadcast %reduce_sum3A_1115 : f32 to vector<16xf32>
      %select_n3A_1120 = arith.select %eq3A_1118, %broadcast_in_dim3A_1119, %select_n3A_1080 : vector<16xi1>, vector<16xf32>
      %slice3A_1121 = vector.extract_strided_slice %mul3A_952 {offsets = [4], sizes = [1], strides = [1]} : vector<16xi32> to vector<1xi32>
      %squeeze3A_1122 = vector.extract %slice3A_1121[0] : i32 from vector<1xi32>
      %slice3A_1123 = vector.extract_strided_slice %mul3A_961 {offsets = [4], sizes = [1], strides = [1]} : vector<16xi32> to vector<1xi32>
      %squeeze3A_1124 = vector.extract %slice3A_1123[0] : i32 from vector<1xi32>
      %add3A_1125 = arith.constant 4 : i32
      %add3A_1126 = arith.addi %mul3A_908, %add3A_1125 : i32
      %get3A_1127 = arith.index_cast %add3A_1126 : i32 to index
      %get3A_1128 = arith.index_cast %squeeze3A_1122 : i32 to index
      %get3A_1129 = tpu.vector_load %arg13[%get3A_1127, %get3A_1128] {strides = array<i32>} : memref<256x128xf32, #tpu.memory_space<vmem>>, vector<16xf32>,
      %add3A_1130 = arith.constant 4 : i32
      %add3A_1131 = arith.addi %mul3A_908, %add3A_1130 : i32
      %add3A_1132 = arith.constant 16 : i32
      %add3A_1133 = arith.addi %squeeze3A_1122, %add3A_1132 : i32
      %get3A_1134 = arith.index_cast %add3A_1131 : i32 to index
      %get3A_1135 = arith.index_cast %add3A_1133 : i32 to index
      %get3A_1136 = tpu.vector_load %arg13[%get3A_1134, %get3A_1135] {strides = array<i32>} : memref<256x128xf32, #tpu.memory_space<vmem>>, vector<16xf32>,
      %add3A_1137 = arith.constant 4 : i32
      %add3A_1138 = arith.addi %mul3A_908, %add3A_1137 : i32
      %get3A_1139 = arith.index_cast %add3A_1138 : i32 to index
      %get3A_1140 = arith.index_cast %squeeze3A_1124 : i32 to index
      %get3A_1141 = tpu.vector_load %arg14[%get3A_1139, %get3A_1140] {strides = array<i32>} : memref<256x128xf32, #tpu.memory_space<vmem>>, vector<16xf32>,
      %add3A_1142 = arith.constant 4 : i32
      %add3A_1143 = arith.addi %mul3A_908, %add3A_1142 : i32
      %add3A_1144 = arith.constant 16 : i32
      %add3A_1145 = arith.addi %squeeze3A_1124, %add3A_1144 : i32
      %get3A_1146 = arith.index_cast %add3A_1143 : i32 to index
      %get3A_1147 = arith.index_cast %add3A_1145 : i32 to index
      %get3A_1148 = tpu.vector_load %arg14[%get3A_1146, %get3A_1147] {strides = array<i32>} : memref<256x128xf32, #tpu.memory_space<vmem>>, vector<16xf32>,
      %mul3A_1149 = arith.mulf %get3A_1129, %get3A_1141 : vector<16xf32>
      %mul3A_1150 = arith.mulf %get3A_1136, %get3A_1148 : vector<16xf32>
      %add3A_1151 = arith.addf %mul3A_1149, %mul3A_1150 : vector<16xf32>
      %reduce_sum3A_1152 = arith.constant true
      %reduce_sum3A_1153 = vector.broadcast %reduce_sum3A_1152 : i1 to vector<16xi1>
      %reduce_sum3A_1154 = tpu.scan <sum>, %add3A_1151 masked %reduce_sum3A_1153 : vector<16xf32>, vector<16xi1> -> vector<16xf32>
      %reduce_sum3A_1155 = vector.extract %reduce_sum3A_1154[15] : f32 from vector<16xf32>
      %eq3A_1156 = arith.constant 4 : i32
      %eq3A_1157 = vector.broadcast %eq3A_1156 : i32 to vector<16xi32>
      %eq3A_1158 = arith.cmpi eq, %iota3A, %eq3A_1157 : vector<16xi32>
      %broadcast_in_dim3A_1159 = vector.broadcast %reduce_sum3A_1155 : f32 to vector<16xf32>
      %select_n3A_1160 = arith.select %eq3A_1158, %broadcast_in_dim3A_1159, %select_n3A_1120 : vector<16xi1>, vector<16xf32>
      %slice3A_1161 = vector.extract_strided_slice %mul3A_952 {offsets = [5], sizes = [1], strides = [1]} : vector<16xi32> to vector<1xi32>
      %squeeze3A_1162 = vector.extract %slice3A_1161[0] : i32 from vector<1xi32>
      %slice3A_1163 = vector.extract_strided_slice %mul3A_961 {offsets = [5], sizes = [1], strides = [1]} : vector<16xi32> to vector<1xi32>
      %squeeze3A_1164 = vector.extract %slice3A_1163[0] : i32 from vector<1xi32>
      %add3A_1165 = arith.constant 5 : i32
      %add3A_1166 = arith.addi %mul3A_908, %add3A_1165 : i32
      %get3A_1167 = arith.index_cast %add3A_1166 : i32 to index
      %get3A_1168 = arith.index_cast %squeeze3A_1162 : i32 to index
      %get3A_1169 = tpu.vector_load %arg13[%get3A_1167, %get3A_1168] {strides = array<i32>} : memref<256x128xf32, #tpu.memory_space<vmem>>, vector<16xf32>,
      %add3A_1170 = arith.constant 5 : i32
      %add3A_1171 = arith.addi %mul3A_908, %add3A_1170 : i32
      %add3A_1172 = arith.constant 16 : i32
      %add3A_1173 = arith.addi %squeeze3A_1162, %add3A_1172 : i32
      %get3A_1174 = arith.index_cast %add3A_1171 : i32 to index
      %get3A_1175 = arith.index_cast %add3A_1173 : i32 to index
      %get3A_1176 = tpu.vector_load %arg13[%get3A_1174, %get3A_1175] {strides = array<i32>} : memref<256x128xf32, #tpu.memory_space<vmem>>, vector<16xf32>,
      %add3A_1177 = arith.constant 5 : i32
      %add3A_1178 = arith.addi %mul3A_908, %add3A_1177 : i32
      %get3A_1179 = arith.index_cast %add3A_1178 : i32 to index
      %get3A_1180 = arith.index_cast %squeeze3A_1164 : i32 to index
      %get3A_1181 = tpu.vector_load %arg14[%get3A_1179, %get3A_1180] {strides = array<i32>} : memref<256x128xf32, #tpu.memory_space<vmem>>, vector<16xf32>,
      %add3A_1182 = arith.constant 5 : i32
      %add3A_1183 = arith.addi %mul3A_908, %add3A_1182 : i32
      %add3A_1184 = arith.constant 16 : i32
      %add3A_1185 = arith.addi %squeeze3A_1164, %add3A_1184 : i32
      %get3A_1186 = arith.index_cast %add3A_1183 : i32 to index
      %get3A_1187 = arith.index_cast %add3A_1185 : i32 to index
      %get3A_1188 = tpu.vector_load %arg14[%get3A_1186, %get3A_1187] {strides = array<i32>} : memref<256x128xf32, #tpu.memory_space<vmem>>, vector<16xf32>,
      %mul3A_1189 = arith.mulf %get3A_1169, %get3A_1181 : vector<16xf32>
      %mul3A_1190 = arith.mulf %get3A_1176, %get3A_1188 : vector<16xf32>
      %add3A_1191 = arith.addf %mul3A_1189, %mul3A_1190 : vector<16xf32>
      %reduce_sum3A_1192 = arith.constant true
      %reduce_sum3A_1193 = vector.broadcast %reduce_sum3A_1192 : i1 to vector<16xi1>
      %reduce_sum3A_1194 = tpu.scan <sum>, %add3A_1191 masked %reduce_sum3A_1193 : vector<16xf32>, vector<16xi1> -> vector<16xf32>
      %reduce_sum3A_1195 = vector.extract %reduce_sum3A_1194[15] : f32 from vector<16xf32>
      %eq3A_1196 = arith.constant 5 : i32
      %eq3A_1197 = vector.broadcast %eq3A_1196 : i32 to vector<16xi32>
      %eq3A_1198 = arith.cmpi eq, %iota3A, %eq3A_1197 : vector<16xi32>
      %broadcast_in_dim3A_1199 = vector.broadcast %reduce_sum3A_1195 : f32 to vector<16xf32>
      %select_n3A_1200 = arith.select %eq3A_1198, %broadcast_in_dim3A_1199, %select_n3A_1160 : vector<16xi1>, vector<16xf32>
      %slice3A_1201 = vector.extract_strided_slice %mul3A_952 {offsets = [6], sizes = [1], strides = [1]} : vector<16xi32> to vector<1xi32>
      %squeeze3A_1202 = vector.extract %slice3A_1201[0] : i32 from vector<1xi32>
      %slice3A_1203 = vector.extract_strided_slice %mul3A_961 {offsets = [6], sizes = [1], strides = [1]} : vector<16xi32> to vector<1xi32>
      %squeeze3A_1204 = vector.extract %slice3A_1203[0] : i32 from vector<1xi32>
      %add3A_1205 = arith.constant 6 : i32
      %add3A_1206 = arith.addi %mul3A_908, %add3A_1205 : i32
      %get3A_1207 = arith.index_cast %add3A_1206 : i32 to index
      %get3A_1208 = arith.index_cast %squeeze3A_1202 : i32 to index
      %get3A_1209 = tpu.vector_load %arg13[%get3A_1207, %get3A_1208] {strides = array<i32>} : memref<256x128xf32, #tpu.memory_space<vmem>>, vector<16xf32>,
      %add3A_1210 = arith.constant 6 : i32
      %add3A_1211 = arith.addi %mul3A_908, %add3A_1210 : i32
      %add3A_1212 = arith.constant 16 : i32
      %add3A_1213 = arith.addi %squeeze3A_1202, %add3A_1212 : i32
      %get3A_1214 = arith.index_cast %add3A_1211 : i32 to index
      %get3A_1215 = arith.index_cast %add3A_1213 : i32 to index
      %get3A_1216 = tpu.vector_load %arg13[%get3A_1214, %get3A_1215] {strides = array<i32>} : memref<256x128xf32, #tpu.memory_space<vmem>>, vector<16xf32>,
      %add3A_1217 = arith.constant 6 : i32
      %add3A_1218 = arith.addi %mul3A_908, %add3A_1217 : i32
      %get3A_1219 = arith.index_cast %add3A_1218 : i32 to index
      %get3A_1220 = arith.index_cast %squeeze3A_1204 : i32 to index
      %get3A_1221 = tpu.vector_load %arg14[%get3A_1219, %get3A_1220] {strides = array<i32>} : memref<256x128xf32, #tpu.memory_space<vmem>>, vector<16xf32>,
      %add3A_1222 = arith.constant 6 : i32
      %add3A_1223 = arith.addi %mul3A_908, %add3A_1222 : i32
      %add3A_1224 = arith.constant 16 : i32
      %add3A_1225 = arith.addi %squeeze3A_1204, %add3A_1224 : i32
      %get3A_1226 = arith.index_cast %add3A_1223 : i32 to index
      %get3A_1227 = arith.index_cast %add3A_1225 : i32 to index
      %get3A_1228 = tpu.vector_load %arg14[%get3A_1226, %get3A_1227] {strides = array<i32>} : memref<256x128xf32, #tpu.memory_space<vmem>>, vector<16xf32>,
      %mul3A_1229 = arith.mulf %get3A_1209, %get3A_1221 : vector<16xf32>
      %mul3A_1230 = arith.mulf %get3A_1216, %get3A_1228 : vector<16xf32>
      %add3A_1231 = arith.addf %mul3A_1229, %mul3A_1230 : vector<16xf32>
      %reduce_sum3A_1232 = arith.constant true
      %reduce_sum3A_1233 = vector.broadcast %reduce_sum3A_1232 : i1 to vector<16xi1>
      %reduce_sum3A_1234 = tpu.scan <sum>, %add3A_1231 masked %reduce_sum3A_1233 : vector<16xf32>, vector<16xi1> -> vector<16xf32>
      %reduce_sum3A_1235 = vector.extract %reduce_sum3A_1234[15] : f32 from vector<16xf32>
      %eq3A_1236 = arith.constant 6 : i32
      %eq3A_1237 = vector.broadcast %eq3A_1236 : i32 to vector<16xi32>
      %eq3A_1238 = arith.cmpi eq, %iota3A, %eq3A_1237 : vector<16xi32>
      %broadcast_in_dim3A_1239 = vector.broadcast %reduce_sum3A_1235 : f32 to vector<16xf32>
      %select_n3A_1240 = arith.select %eq3A_1238, %broadcast_in_dim3A_1239, %select_n3A_1200 : vector<16xi1>, vector<16xf32>
      %slice3A_1241 = vector.extract_strided_slice %mul3A_952 {offsets = [7], sizes = [1], strides = [1]} : vector<16xi32> to vector<1xi32>
      %squeeze3A_1242 = vector.extract %slice3A_1241[0] : i32 from vector<1xi32>
      %slice3A_1243 = vector.extract_strided_slice %mul3A_961 {offsets = [7], sizes = [1], strides = [1]} : vector<16xi32> to vector<1xi32>
      %squeeze3A_1244 = vector.extract %slice3A_1243[0] : i32 from vector<1xi32>
      %add3A_1245 = arith.constant 7 : i32
      %add3A_1246 = arith.addi %mul3A_908, %add3A_1245 : i32
      %get3A_1247 = arith.index_cast %add3A_1246 : i32 to index
      %get3A_1248 = arith.index_cast %squeeze3A_1242 : i32 to index
      %get3A_1249 = tpu.vector_load %arg13[%get3A_1247, %get3A_1248] {strides = array<i32>} : memref<256x128xf32, #tpu.memory_space<vmem>>, vector<16xf32>,
      %add3A_1250 = arith.constant 7 : i32
      %add3A_1251 = arith.addi %mul3A_908, %add3A_1250 : i32
      %add3A_1252 = arith.constant 16 : i32
      %add3A_1253 = arith.addi %squeeze3A_1242, %add3A_1252 : i32
      %get3A_1254 = arith.index_cast %add3A_1251 : i32 to index
      %get3A_1255 = arith.index_cast %add3A_1253 : i32 to index
      %get3A_1256 = tpu.vector_load %arg13[%get3A_1254, %get3A_1255] {strides = array<i32>} : memref<256x128xf32, #tpu.memory_space<vmem>>, vector<16xf32>,
      %add3A_1257 = arith.constant 7 : i32
      %add3A_1258 = arith.addi %mul3A_908, %add3A_1257 : i32
      %get3A_1259 = arith.index_cast %add3A_1258 : i32 to index
      %get3A_1260 = arith.index_cast %squeeze3A_1244 : i32 to index
      %get3A_1261 = tpu.vector_load %arg14[%get3A_1259, %get3A_1260] {strides = array<i32>} : memref<256x128xf32, #tpu.memory_space<vmem>>, vector<16xf32>,
      %add3A_1262 = arith.constant 7 : i32
      %add3A_1263 = arith.addi %mul3A_908, %add3A_1262 : i32
      %add3A_1264 = arith.constant 16 : i32
      %add3A_1265 = arith.addi %squeeze3A_1244, %add3A_1264 : i32
      %get3A_1266 = arith.index_cast %add3A_1263 : i32 to index
      %get3A_1267 = arith.index_cast %add3A_1265 : i32 to index
      %get3A_1268 = tpu.vector_load %arg14[%get3A_1266, %get3A_1267] {strides = array<i32>} : memref<256x128xf32, #tpu.memory_space<vmem>>, vector<16xf32>,
      %mul3A_1269 = arith.mulf %get3A_1249, %get3A_1261 : vector<16xf32>
      %mul3A_1270 = arith.mulf %get3A_1256, %get3A_1268 : vector<16xf32>
      %add3A_1271 = arith.addf %mul3A_1269, %mul3A_1270 : vector<16xf32>
      %reduce_sum3A_1272 = arith.constant true
      %reduce_sum3A_1273 = vector.broadcast %reduce_sum3A_1272 : i1 to vector<16xi1>
      %reduce_sum3A_1274 = tpu.scan <sum>, %add3A_1271 masked %reduce_sum3A_1273 : vector<16xf32>, vector<16xi1> -> vector<16xf32>
      %reduce_sum3A_1275 = vector.extract %reduce_sum3A_1274[15] : f32 from vector<16xf32>
      %eq3A_1276 = arith.constant 7 : i32
      %eq3A_1277 = vector.broadcast %eq3A_1276 : i32 to vector<16xi32>
      %eq3A_1278 = arith.cmpi eq, %iota3A, %eq3A_1277 : vector<16xi32>
      %broadcast_in_dim3A_1279 = vector.broadcast %reduce_sum3A_1275 : f32 to vector<16xf32>
      %select_n3A_1280 = arith.select %eq3A_1278, %broadcast_in_dim3A_1279, %select_n3A_1240 : vector<16xi1>, vector<16xf32>
      %slice3A_1281 = vector.extract_strided_slice %mul3A_952 {offsets = [8], sizes = [1], strides = [1]} : vector<16xi32> to vector<1xi32>
      %squeeze3A_1282 = vector.extract %slice3A_1281[0] : i32 from vector<1xi32>
      %slice3A_1283 = vector.extract_strided_slice %mul3A_961 {offsets = [8], sizes = [1], strides = [1]} : vector<16xi32> to vector<1xi32>
      %squeeze3A_1284 = vector.extract %slice3A_1283[0] : i32 from vector<1xi32>
      %add3A_1285 = arith.constant 8 : i32
      %add3A_1286 = arith.addi %mul3A_908, %add3A_1285 : i32
      %get3A_1287 = arith.index_cast %add3A_1286 : i32 to index
      %get3A_1288 = arith.index_cast %squeeze3A_1282 : i32 to index
      %get3A_1289 = tpu.vector_load %arg13[%get3A_1287, %get3A_1288] {strides = array<i32>} : memref<256x128xf32, #tpu.memory_space<vmem>>, vector<16xf32>,
      %add3A_1290 = arith.constant 8 : i32
      %add3A_1291 = arith.addi %mul3A_908, %add3A_1290 : i32
      %add3A_1292 = arith.constant 16 : i32
      %add3A_1293 = arith.addi %squeeze3A_1282, %add3A_1292 : i32
      %get3A_1294 = arith.index_cast %add3A_1291 : i32 to index
      %get3A_1295 = arith.index_cast %add3A_1293 : i32 to index
      %get3A_1296 = tpu.vector_load %arg13[%get3A_1294, %get3A_1295] {strides = array<i32>} : memref<256x128xf32, #tpu.memory_space<vmem>>, vector<16xf32>,
      %add3A_1297 = arith.constant 8 : i32
      %add3A_1298 = arith.addi %mul3A_908, %add3A_1297 : i32
      %get3A_1299 = arith.index_cast %add3A_1298 : i32 to index
      %get3A_1300 = arith.index_cast %squeeze3A_1284 : i32 to index
      %get3A_1301 = tpu.vector_load %arg14[%get3A_1299, %get3A_1300] {strides = array<i32>} : memref<256x128xf32, #tpu.memory_space<vmem>>, vector<16xf32>,
      %add3A_1302 = arith.constant 8 : i32
      %add3A_1303 = arith.addi %mul3A_908, %add3A_1302 : i32
      %add3A_1304 = arith.constant 16 : i32
      %add3A_1305 = arith.addi %squeeze3A_1284, %add3A_1304 : i32
      %get3A_1306 = arith.index_cast %add3A_1303 : i32 to index
      %get3A_1307 = arith.index_cast %add3A_1305 : i32 to index
      %get3A_1308 = tpu.vector_load %arg14[%get3A_1306, %get3A_1307] {strides = array<i32>} : memref<256x128xf32, #tpu.memory_space<vmem>>, vector<16xf32>,
      %mul3A_1309 = arith.mulf %get3A_1289, %get3A_1301 : vector<16xf32>
      %mul3A_1310 = arith.mulf %get3A_1296, %get3A_1308 : vector<16xf32>
      %add3A_1311 = arith.addf %mul3A_1309, %mul3A_1310 : vector<16xf32>
      %reduce_sum3A_1312 = arith.constant true
      %reduce_sum3A_1313 = vector.broadcast %reduce_sum3A_1312 : i1 to vector<16xi1>
      %reduce_sum3A_1314 = tpu.scan <sum>, %add3A_1311 masked %reduce_sum3A_1313 : vector<16xf32>, vector<16xi1> -> vector<16xf32>
      %reduce_sum3A_1315 = vector.extract %reduce_sum3A_1314[15] : f32 from vector<16xf32>
      %eq3A_1316 = arith.constant 8 : i32
      %eq3A_1317 = vector.broadcast %eq3A_1316 : i32 to vector<16xi32>
      %eq3A_1318 = arith.cmpi eq, %iota3A, %eq3A_1317 : vector<16xi32>
      %broadcast_in_dim3A_1319 = vector.broadcast %reduce_sum3A_1315 : f32 to vector<16xf32>
      %select_n3A_1320 = arith.select %eq3A_1318, %broadcast_in_dim3A_1319, %select_n3A_1280 : vector<16xi1>, vector<16xf32>
      %slice3A_1321 = vector.extract_strided_slice %mul3A_952 {offsets = [9], sizes = [1], strides = [1]} : vector<16xi32> to vector<1xi32>
      %squeeze3A_1322 = vector.extract %slice3A_1321[0] : i32 from vector<1xi32>
      %slice3A_1323 = vector.extract_strided_slice %mul3A_961 {offsets = [9], sizes = [1], strides = [1]} : vector<16xi32> to vector<1xi32>
      %squeeze3A_1324 = vector.extract %slice3A_1323[0] : i32 from vector<1xi32>
      %add3A_1325 = arith.constant 9 : i32
      %add3A_1326 = arith.addi %mul3A_908, %add3A_1325 : i32
      %get3A_1327 = arith.index_cast %add3A_1326 : i32 to index
      %get3A_1328 = arith.index_cast %squeeze3A_1322 : i32 to index
      %get3A_1329 = tpu.vector_load %arg13[%get3A_1327, %get3A_1328] {strides = array<i32>} : memref<256x128xf32, #tpu.memory_space<vmem>>, vector<16xf32>,
      %add3A_1330 = arith.constant 9 : i32
      %add3A_1331 = arith.addi %mul3A_908, %add3A_1330 : i32
      %add3A_1332 = arith.constant 16 : i32
      %add3A_1333 = arith.addi %squeeze3A_1322, %add3A_1332 : i32
      %get3A_1334 = arith.index_cast %add3A_1331 : i32 to index
      %get3A_1335 = arith.index_cast %add3A_1333 : i32 to index
      %get3A_1336 = tpu.vector_load %arg13[%get3A_1334, %get3A_1335] {strides = array<i32>} : memref<256x128xf32, #tpu.memory_space<vmem>>, vector<16xf32>,
      %add3A_1337 = arith.constant 9 : i32
      %add3A_1338 = arith.addi %mul3A_908, %add3A_1337 : i32
      %get3A_1339 = arith.index_cast %add3A_1338 : i32 to index
      %get3A_1340 = arith.index_cast %squeeze3A_1324 : i32 to index
      %get3A_1341 = tpu.vector_load %arg14[%get3A_1339, %get3A_1340] {strides = array<i32>} : memref<256x128xf32, #tpu.memory_space<vmem>>, vector<16xf32>,
      %add3A_1342 = arith.constant 9 : i32
      %add3A_1343 = arith.addi %mul3A_908, %add3A_1342 : i32
      %add3A_1344 = arith.constant 16 : i32
      %add3A_1345 = arith.addi %squeeze3A_1324, %add3A_1344 : i32
      %get3A_1346 = arith.index_cast %add3A_1343 : i32 to index
      %get3A_1347 = arith.index_cast %add3A_1345 : i32 to index
      %get3A_1348 = tpu.vector_load %arg14[%get3A_1346, %get3A_1347] {strides = array<i32>} : memref<256x128xf32, #tpu.memory_space<vmem>>, vector<16xf32>,
      %mul3A_1349 = arith.mulf %get3A_1329, %get3A_1341 : vector<16xf32>
      %mul3A_1350 = arith.mulf %get3A_1336, %get3A_1348 : vector<16xf32>
      %add3A_1351 = arith.addf %mul3A_1349, %mul3A_1350 : vector<16xf32>
      %reduce_sum3A_1352 = arith.constant true
      %reduce_sum3A_1353 = vector.broadcast %reduce_sum3A_1352 : i1 to vector<16xi1>
      %reduce_sum3A_1354 = tpu.scan <sum>, %add3A_1351 masked %reduce_sum3A_1353 : vector<16xf32>, vector<16xi1> -> vector<16xf32>
      %reduce_sum3A_1355 = vector.extract %reduce_sum3A_1354[15] : f32 from vector<16xf32>
      %eq3A_1356 = arith.constant 9 : i32
      %eq3A_1357 = vector.broadcast %eq3A_1356 : i32 to vector<16xi32>
      %eq3A_1358 = arith.cmpi eq, %iota3A, %eq3A_1357 : vector<16xi32>
      %broadcast_in_dim3A_1359 = vector.broadcast %reduce_sum3A_1355 : f32 to vector<16xf32>
      %select_n3A_1360 = arith.select %eq3A_1358, %broadcast_in_dim3A_1359, %select_n3A_1320 : vector<16xi1>, vector<16xf32>
      %slice3A_1361 = vector.extract_strided_slice %mul3A_952 {offsets = [10], sizes = [1], strides = [1]} : vector<16xi32> to vector<1xi32>
      %squeeze3A_1362 = vector.extract %slice3A_1361[0] : i32 from vector<1xi32>
      %slice3A_1363 = vector.extract_strided_slice %mul3A_961 {offsets = [10], sizes = [1], strides = [1]} : vector<16xi32> to vector<1xi32>
      %squeeze3A_1364 = vector.extract %slice3A_1363[0] : i32 from vector<1xi32>
      %add3A_1365 = arith.constant 10 : i32
      %add3A_1366 = arith.addi %mul3A_908, %add3A_1365 : i32
      %get3A_1367 = arith.index_cast %add3A_1366 : i32 to index
      %get3A_1368 = arith.index_cast %squeeze3A_1362 : i32 to index
      %get3A_1369 = tpu.vector_load %arg13[%get3A_1367, %get3A_1368] {strides = array<i32>} : memref<256x128xf32, #tpu.memory_space<vmem>>, vector<16xf32>,
      %add3A_1370 = arith.constant 10 : i32
      %add3A_1371 = arith.addi %mul3A_908, %add3A_1370 : i32
      %add3A_1372 = arith.constant 16 : i32
      %add3A_1373 = arith.addi %squeeze3A_1362, %add3A_1372 : i32
      %get3A_1374 = arith.index_cast %add3A_1371 : i32 to index
      %get3A_1375 = arith.index_cast %add3A_1373 : i32 to index
      %get3A_1376 = tpu.vector_load %arg13[%get3A_1374, %get3A_1375] {strides = array<i32>} : memref<256x128xf32, #tpu.memory_space<vmem>>, vector<16xf32>,
      %add3A_1377 = arith.constant 10 : i32
      %add3A_1378 = arith.addi %mul3A_908, %add3A_1377 : i32
      %get3A_1379 = arith.index_cast %add3A_1378 : i32 to index
      %get3A_1380 = arith.index_cast %squeeze3A_1364 : i32 to index
      %get3A_1381 = tpu.vector_load %arg14[%get3A_1379, %get3A_1380] {strides = array<i32>} : memref<256x128xf32, #tpu.memory_space<vmem>>, vector<16xf32>,
      %add3A_1382 = arith.constant 10 : i32
      %add3A_1383 = arith.addi %mul3A_908, %add3A_1382 : i32
      %add3A_1384 = arith.constant 16 : i32
      %add3A_1385 = arith.addi %squeeze3A_1364, %add3A_1384 : i32
      %get3A_1386 = arith.index_cast %add3A_1383 : i32 to index
      %get3A_1387 = arith.index_cast %add3A_1385 : i32 to index
      %get3A_1388 = tpu.vector_load %arg14[%get3A_1386, %get3A_1387] {strides = array<i32>} : memref<256x128xf32, #tpu.memory_space<vmem>>, vector<16xf32>,
      %mul3A_1389 = arith.mulf %get3A_1369, %get3A_1381 : vector<16xf32>
      %mul3A_1390 = arith.mulf %get3A_1376, %get3A_1388 : vector<16xf32>
      %add3A_1391 = arith.addf %mul3A_1389, %mul3A_1390 : vector<16xf32>
      %reduce_sum3A_1392 = arith.constant true
      %reduce_sum3A_1393 = vector.broadcast %reduce_sum3A_1392 : i1 to vector<16xi1>
      %reduce_sum3A_1394 = tpu.scan <sum>, %add3A_1391 masked %reduce_sum3A_1393 : vector<16xf32>, vector<16xi1> -> vector<16xf32>
      %reduce_sum3A_1395 = vector.extract %reduce_sum3A_1394[15] : f32 from vector<16xf32>
      %eq3A_1396 = arith.constant 10 : i32
      %eq3A_1397 = vector.broadcast %eq3A_1396 : i32 to vector<16xi32>
      %eq3A_1398 = arith.cmpi eq, %iota3A, %eq3A_1397 : vector<16xi32>
      %broadcast_in_dim3A_1399 = vector.broadcast %reduce_sum3A_1395 : f32 to vector<16xf32>
      %select_n3A_1400 = arith.select %eq3A_1398, %broadcast_in_dim3A_1399, %select_n3A_1360 : vector<16xi1>, vector<16xf32>
      %slice3A_1401 = vector.extract_strided_slice %mul3A_952 {offsets = [11], sizes = [1], strides = [1]} : vector<16xi32> to vector<1xi32>
      %squeeze3A_1402 = vector.extract %slice3A_1401[0] : i32 from vector<1xi32>
      %slice3A_1403 = vector.extract_strided_slice %mul3A_961 {offsets = [11], sizes = [1], strides = [1]} : vector<16xi32> to vector<1xi32>
      %squeeze3A_1404 = vector.extract %slice3A_1403[0] : i32 from vector<1xi32>
      %add3A_1405 = arith.constant 11 : i32
      %add3A_1406 = arith.addi %mul3A_908, %add3A_1405 : i32
      %get3A_1407 = arith.index_cast %add3A_1406 : i32 to index
      %get3A_1408 = arith.index_cast %squeeze3A_1402 : i32 to index
      %get3A_1409 = tpu.vector_load %arg13[%get3A_1407, %get3A_1408] {strides = array<i32>} : memref<256x128xf32, #tpu.memory_space<vmem>>, vector<16xf32>,
      %add3A_1410 = arith.constant 11 : i32
      %add3A_1411 = arith.addi %mul3A_908, %add3A_1410 : i32
      %add3A_1412 = arith.constant 16 : i32
      %add3A_1413 = arith.addi %squeeze3A_1402, %add3A_1412 : i32
      %get3A_1414 = arith.index_cast %add3A_1411 : i32 to index
      %get3A_1415 = arith.index_cast %add3A_1413 : i32 to index
      %get3A_1416 = tpu.vector_load %arg13[%get3A_1414, %get3A_1415] {strides = array<i32>} : memref<256x128xf32, #tpu.memory_space<vmem>>, vector<16xf32>,
      %add3A_1417 = arith.constant 11 : i32
      %add3A_1418 = arith.addi %mul3A_908, %add3A_1417 : i32
      %get3A_1419 = arith.index_cast %add3A_1418 : i32 to index
      %get3A_1420 = arith.index_cast %squeeze3A_1404 : i32 to index
      %get3A_1421 = tpu.vector_load %arg14[%get3A_1419, %get3A_1420] {strides = array<i32>} : memref<256x128xf32, #tpu.memory_space<vmem>>, vector<16xf32>,
      %add3A_1422 = arith.constant 11 : i32
      %add3A_1423 = arith.addi %mul3A_908, %add3A_1422 : i32
      %add3A_1424 = arith.constant 16 : i32
      %add3A_1425 = arith.addi %squeeze3A_1404, %add3A_1424 : i32
      %get3A_1426 = arith.index_cast %add3A_1423 : i32 to index
      %get3A_1427 = arith.index_cast %add3A_1425 : i32 to index
      %get3A_1428 = tpu.vector_load %arg14[%get3A_1426, %get3A_1427] {strides = array<i32>} : memref<256x128xf32, #tpu.memory_space<vmem>>, vector<16xf32>,
      %mul3A_1429 = arith.mulf %get3A_1409, %get3A_1421 : vector<16xf32>
      %mul3A_1430 = arith.mulf %get3A_1416, %get3A_1428 : vector<16xf32>
      %add3A_1431 = arith.addf %mul3A_1429, %mul3A_1430 : vector<16xf32>
      %reduce_sum3A_1432 = arith.constant true
      %reduce_sum3A_1433 = vector.broadcast %reduce_sum3A_1432 : i1 to vector<16xi1>
      %reduce_sum3A_1434 = tpu.scan <sum>, %add3A_1431 masked %reduce_sum3A_1433 : vector<16xf32>, vector<16xi1> -> vector<16xf32>
      %reduce_sum3A_1435 = vector.extract %reduce_sum3A_1434[15] : f32 from vector<16xf32>
      %eq3A_1436 = arith.constant 11 : i32
      %eq3A_1437 = vector.broadcast %eq3A_1436 : i32 to vector<16xi32>
      %eq3A_1438 = arith.cmpi eq, %iota3A, %eq3A_1437 : vector<16xi32>
      %broadcast_in_dim3A_1439 = vector.broadcast %reduce_sum3A_1435 : f32 to vector<16xf32>
      %select_n3A_1440 = arith.select %eq3A_1438, %broadcast_in_dim3A_1439, %select_n3A_1400 : vector<16xi1>, vector<16xf32>
      %slice3A_1441 = vector.extract_strided_slice %mul3A_952 {offsets = [12], sizes = [1], strides = [1]} : vector<16xi32> to vector<1xi32>
      %squeeze3A_1442 = vector.extract %slice3A_1441[0] : i32 from vector<1xi32>
      %slice3A_1443 = vector.extract_strided_slice %mul3A_961 {offsets = [12], sizes = [1], strides = [1]} : vector<16xi32> to vector<1xi32>
      %squeeze3A_1444 = vector.extract %slice3A_1443[0] : i32 from vector<1xi32>
      %add3A_1445 = arith.constant 12 : i32
      %add3A_1446 = arith.addi %mul3A_908, %add3A_1445 : i32
      %get3A_1447 = arith.index_cast %add3A_1446 : i32 to index
      %get3A_1448 = arith.index_cast %squeeze3A_1442 : i32 to index
      %get3A_1449 = tpu.vector_load %arg13[%get3A_1447, %get3A_1448] {strides = array<i32>} : memref<256x128xf32, #tpu.memory_space<vmem>>, vector<16xf32>,
      %add3A_1450 = arith.constant 12 : i32
      %add3A_1451 = arith.addi %mul3A_908, %add3A_1450 : i32
      %add3A_1452 = arith.constant 16 : i32
      %add3A_1453 = arith.addi %squeeze3A_1442, %add3A_1452 : i32
      %get3A_1454 = arith.index_cast %add3A_1451 : i32 to index
      %get3A_1455 = arith.index_cast %add3A_1453 : i32 to index
      %get3A_1456 = tpu.vector_load %arg13[%get3A_1454, %get3A_1455] {strides = array<i32>} : memref<256x128xf32, #tpu.memory_space<vmem>>, vector<16xf32>,
      %add3A_1457 = arith.constant 12 : i32
      %add3A_1458 = arith.addi %mul3A_908, %add3A_1457 : i32
      %get3A_1459 = arith.index_cast %add3A_1458 : i32 to index
      %get3A_1460 = arith.index_cast %squeeze3A_1444 : i32 to index
      %get3A_1461 = tpu.vector_load %arg14[%get3A_1459, %get3A_1460] {strides = array<i32>} : memref<256x128xf32, #tpu.memory_space<vmem>>, vector<16xf32>,
      %add3A_1462 = arith.constant 12 : i32
      %add3A_1463 = arith.addi %mul3A_908, %add3A_1462 : i32
      %add3A_1464 = arith.constant 16 : i32
      %add3A_1465 = arith.addi %squeeze3A_1444, %add3A_1464 : i32
      %get3A_1466 = arith.index_cast %add3A_1463 : i32 to index
      %get3A_1467 = arith.index_cast %add3A_1465 : i32 to index
      %get3A_1468 = tpu.vector_load %arg14[%get3A_1466, %get3A_1467] {strides = array<i32>} : memref<256x128xf32, #tpu.memory_space<vmem>>, vector<16xf32>,
      %mul3A_1469 = arith.mulf %get3A_1449, %get3A_1461 : vector<16xf32>
      %mul3A_1470 = arith.mulf %get3A_1456, %get3A_1468 : vector<16xf32>
      %add3A_1471 = arith.addf %mul3A_1469, %mul3A_1470 : vector<16xf32>
      %reduce_sum3A_1472 = arith.constant true
      %reduce_sum3A_1473 = vector.broadcast %reduce_sum3A_1472 : i1 to vector<16xi1>
      %reduce_sum3A_1474 = tpu.scan <sum>, %add3A_1471 masked %reduce_sum3A_1473 : vector<16xf32>, vector<16xi1> -> vector<16xf32>
      %reduce_sum3A_1475 = vector.extract %reduce_sum3A_1474[15] : f32 from vector<16xf32>
      %eq3A_1476 = arith.constant 12 : i32
      %eq3A_1477 = vector.broadcast %eq3A_1476 : i32 to vector<16xi32>
      %eq3A_1478 = arith.cmpi eq, %iota3A, %eq3A_1477 : vector<16xi32>
      %broadcast_in_dim3A_1479 = vector.broadcast %reduce_sum3A_1475 : f32 to vector<16xf32>
      %select_n3A_1480 = arith.select %eq3A_1478, %broadcast_in_dim3A_1479, %select_n3A_1440 : vector<16xi1>, vector<16xf32>
      %slice3A_1481 = vector.extract_strided_slice %mul3A_952 {offsets = [13], sizes = [1], strides = [1]} : vector<16xi32> to vector<1xi32>
      %squeeze3A_1482 = vector.extract %slice3A_1481[0] : i32 from vector<1xi32>
      %slice3A_1483 = vector.extract_strided_slice %mul3A_961 {offsets = [13], sizes = [1], strides = [1]} : vector<16xi32> to vector<1xi32>
      %squeeze3A_1484 = vector.extract %slice3A_1483[0] : i32 from vector<1xi32>
      %add3A_1485 = arith.constant 13 : i32
      %add3A_1486 = arith.addi %mul3A_908, %add3A_1485 : i32
      %get3A_1487 = arith.index_cast %add3A_1486 : i32 to index
      %get3A_1488 = arith.index_cast %squeeze3A_1482 : i32 to index
      %get3A_1489 = tpu.vector_load %arg13[%get3A_1487, %get3A_1488] {strides = array<i32>} : memref<256x128xf32, #tpu.memory_space<vmem>>, vector<16xf32>,
      %add3A_1490 = arith.constant 13 : i32
      %add3A_1491 = arith.addi %mul3A_908, %add3A_1490 : i32
      %add3A_1492 = arith.constant 16 : i32
      %add3A_1493 = arith.addi %squeeze3A_1482, %add3A_1492 : i32
      %get3A_1494 = arith.index_cast %add3A_1491 : i32 to index
      %get3A_1495 = arith.index_cast %add3A_1493 : i32 to index
      %get3A_1496 = tpu.vector_load %arg13[%get3A_1494, %get3A_1495] {strides = array<i32>} : memref<256x128xf32, #tpu.memory_space<vmem>>, vector<16xf32>,
      %add3A_1497 = arith.constant 13 : i32
      %add3A_1498 = arith.addi %mul3A_908, %add3A_1497 : i32
      %get3A_1499 = arith.index_cast %add3A_1498 : i32 to index
      %get3A_1500 = arith.index_cast %squeeze3A_1484 : i32 to index
      %get3A_1501 = tpu.vector_load %arg14[%get3A_1499, %get3A_1500] {strides = array<i32>} : memref<256x128xf32, #tpu.memory_space<vmem>>, vector<16xf32>,
      %add3A_1502 = arith.constant 13 : i32
      %add3A_1503 = arith.addi %mul3A_908, %add3A_1502 : i32
      %add3A_1504 = arith.constant 16 : i32
      %add3A_1505 = arith.addi %squeeze3A_1484, %add3A_1504 : i32
      %get3A_1506 = arith.index_cast %add3A_1503 : i32 to index
      %get3A_1507 = arith.index_cast %add3A_1505 : i32 to index
      %get3A_1508 = tpu.vector_load %arg14[%get3A_1506, %get3A_1507] {strides = array<i32>} : memref<256x128xf32, #tpu.memory_space<vmem>>, vector<16xf32>,
      %mul3A_1509 = arith.mulf %get3A_1489, %get3A_1501 : vector<16xf32>
      %mul3A_1510 = arith.mulf %get3A_1496, %get3A_1508 : vector<16xf32>
      %add3A_1511 = arith.addf %mul3A_1509, %mul3A_1510 : vector<16xf32>
      %reduce_sum3A_1512 = arith.constant true
      %reduce_sum3A_1513 = vector.broadcast %reduce_sum3A_1512 : i1 to vector<16xi1>
      %reduce_sum3A_1514 = tpu.scan <sum>, %add3A_1511 masked %reduce_sum3A_1513 : vector<16xf32>, vector<16xi1> -> vector<16xf32>
      %reduce_sum3A_1515 = vector.extract %reduce_sum3A_1514[15] : f32 from vector<16xf32>
      %eq3A_1516 = arith.constant 13 : i32
      %eq3A_1517 = vector.broadcast %eq3A_1516 : i32 to vector<16xi32>
      %eq3A_1518 = arith.cmpi eq, %iota3A, %eq3A_1517 : vector<16xi32>
      %broadcast_in_dim3A_1519 = vector.broadcast %reduce_sum3A_1515 : f32 to vector<16xf32>
      %select_n3A_1520 = arith.select %eq3A_1518, %broadcast_in_dim3A_1519, %select_n3A_1480 : vector<16xi1>, vector<16xf32>
      %slice3A_1521 = vector.extract_strided_slice %mul3A_952 {offsets = [14], sizes = [1], strides = [1]} : vector<16xi32> to vector<1xi32>
      %squeeze3A_1522 = vector.extract %slice3A_1521[0] : i32 from vector<1xi32>
      %slice3A_1523 = vector.extract_strided_slice %mul3A_961 {offsets = [14], sizes = [1], strides = [1]} : vector<16xi32> to vector<1xi32>
      %squeeze3A_1524 = vector.extract %slice3A_1523[0] : i32 from vector<1xi32>
      %add3A_1525 = arith.constant 14 : i32
      %add3A_1526 = arith.addi %mul3A_908, %add3A_1525 : i32
      %get3A_1527 = arith.index_cast %add3A_1526 : i32 to index
      %get3A_1528 = arith.index_cast %squeeze3A_1522 : i32 to index
      %get3A_1529 = tpu.vector_load %arg13[%get3A_1527, %get3A_1528] {strides = array<i32>} : memref<256x128xf32, #tpu.memory_space<vmem>>, vector<16xf32>,
      %add3A_1530 = arith.constant 14 : i32
      %add3A_1531 = arith.addi %mul3A_908, %add3A_1530 : i32
      %add3A_1532 = arith.constant 16 : i32
      %add3A_1533 = arith.addi %squeeze3A_1522, %add3A_1532 : i32
      %get3A_1534 = arith.index_cast %add3A_1531 : i32 to index
      %get3A_1535 = arith.index_cast %add3A_1533 : i32 to index
      %get3A_1536 = tpu.vector_load %arg13[%get3A_1534, %get3A_1535] {strides = array<i32>} : memref<256x128xf32, #tpu.memory_space<vmem>>, vector<16xf32>,
      %add3A_1537 = arith.constant 14 : i32
      %add3A_1538 = arith.addi %mul3A_908, %add3A_1537 : i32
      %get3A_1539 = arith.index_cast %add3A_1538 : i32 to index
      %get3A_1540 = arith.index_cast %squeeze3A_1524 : i32 to index
      %get3A_1541 = tpu.vector_load %arg14[%get3A_1539, %get3A_1540] {strides = array<i32>} : memref<256x128xf32, #tpu.memory_space<vmem>>, vector<16xf32>,
      %add3A_1542 = arith.constant 14 : i32
      %add3A_1543 = arith.addi %mul3A_908, %add3A_1542 : i32
      %add3A_1544 = arith.constant 16 : i32
      %add3A_1545 = arith.addi %squeeze3A_1524, %add3A_1544 : i32
      %get3A_1546 = arith.index_cast %add3A_1543 : i32 to index
      %get3A_1547 = arith.index_cast %add3A_1545 : i32 to index
      %get3A_1548 = tpu.vector_load %arg14[%get3A_1546, %get3A_1547] {strides = array<i32>} : memref<256x128xf32, #tpu.memory_space<vmem>>, vector<16xf32>,
      %mul3A_1549 = arith.mulf %get3A_1529, %get3A_1541 : vector<16xf32>
      %mul3A_1550 = arith.mulf %get3A_1536, %get3A_1548 : vector<16xf32>
      %add3A_1551 = arith.addf %mul3A_1549, %mul3A_1550 : vector<16xf32>
      %reduce_sum3A_1552 = arith.constant true
      %reduce_sum3A_1553 = vector.broadcast %reduce_sum3A_1552 : i1 to vector<16xi1>
      %reduce_sum3A_1554 = tpu.scan <sum>, %add3A_1551 masked %reduce_sum3A_1553 : vector<16xf32>, vector<16xi1> -> vector<16xf32>
      %reduce_sum3A_1555 = vector.extract %reduce_sum3A_1554[15] : f32 from vector<16xf32>
      %eq3A_1556 = arith.constant 14 : i32
      %eq3A_1557 = vector.broadcast %eq3A_1556 : i32 to vector<16xi32>
      %eq3A_1558 = arith.cmpi eq, %iota3A, %eq3A_1557 : vector<16xi32>
      %broadcast_in_dim3A_1559 = vector.broadcast %reduce_sum3A_1555 : f32 to vector<16xf32>
      %select_n3A_1560 = arith.select %eq3A_1558, %broadcast_in_dim3A_1559, %select_n3A_1520 : vector<16xi1>, vector<16xf32>
      %slice3A_1561 = vector.extract_strided_slice %mul3A_952 {offsets = [15], sizes = [1], strides = [1]} : vector<16xi32> to vector<1xi32>
      %squeeze3A_1562 = vector.extract %slice3A_1561[0] : i32 from vector<1xi32>
      %slice3A_1563 = vector.extract_strided_slice %mul3A_961 {offsets = [15], sizes = [1], strides = [1]} : vector<16xi32> to vector<1xi32>
      %squeeze3A_1564 = vector.extract %slice3A_1563[0] : i32 from vector<1xi32>
      %add3A_1565 = arith.constant 15 : i32
      %add3A_1566 = arith.addi %mul3A_908, %add3A_1565 : i32
      %get3A_1567 = arith.index_cast %add3A_1566 : i32 to index
      %get3A_1568 = arith.index_cast %squeeze3A_1562 : i32 to index
      %get3A_1569 = tpu.vector_load %arg13[%get3A_1567, %get3A_1568] {strides = array<i32>} : memref<256x128xf32, #tpu.memory_space<vmem>>, vector<16xf32>,
      %add3A_1570 = arith.constant 15 : i32
      %add3A_1571 = arith.addi %mul3A_908, %add3A_1570 : i32
      %add3A_1572 = arith.constant 16 : i32
      %add3A_1573 = arith.addi %squeeze3A_1562, %add3A_1572 : i32
      %get3A_1574 = arith.index_cast %add3A_1571 : i32 to index
      %get3A_1575 = arith.index_cast %add3A_1573 : i32 to index
      %get3A_1576 = tpu.vector_load %arg13[%get3A_1574, %get3A_1575] {strides = array<i32>} : memref<256x128xf32, #tpu.memory_space<vmem>>, vector<16xf32>,
      %add3A_1577 = arith.constant 15 : i32
      %add3A_1578 = arith.addi %mul3A_908, %add3A_1577 : i32
      %get3A_1579 = arith.index_cast %add3A_1578 : i32 to index
      %get3A_1580 = arith.index_cast %squeeze3A_1564 : i32 to index
      %get3A_1581 = tpu.vector_load %arg14[%get3A_1579, %get3A_1580] {strides = array<i32>} : memref<256x128xf32, #tpu.memory_space<vmem>>, vector<16xf32>,
      %add3A_1582 = arith.constant 15 : i32
      %add3A_1583 = arith.addi %mul3A_908, %add3A_1582 : i32
      %add3A_1584 = arith.constant 16 : i32
      %add3A_1585 = arith.addi %squeeze3A_1564, %add3A_1584 : i32
      %get3A_1586 = arith.index_cast %add3A_1583 : i32 to index
      %get3A_1587 = arith.index_cast %add3A_1585 : i32 to index
      %get3A_1588 = tpu.vector_load %arg14[%get3A_1586, %get3A_1587] {strides = array<i32>} : memref<256x128xf32, #tpu.memory_space<vmem>>, vector<16xf32>,
      %mul3A_1589 = arith.mulf %get3A_1569, %get3A_1581 : vector<16xf32>
      %mul3A_1590 = arith.mulf %get3A_1576, %get3A_1588 : vector<16xf32>
      %add3A_1591 = arith.addf %mul3A_1589, %mul3A_1590 : vector<16xf32>
      %reduce_sum3A_1592 = arith.constant true
      %reduce_sum3A_1593 = vector.broadcast %reduce_sum3A_1592 : i1 to vector<16xi1>
      %reduce_sum3A_1594 = tpu.scan <sum>, %add3A_1591 masked %reduce_sum3A_1593 : vector<16xf32>, vector<16xi1> -> vector<16xf32>
      %reduce_sum3A_1595 = vector.extract %reduce_sum3A_1594[15] : f32 from vector<16xf32>
      %eq3A_1596 = arith.constant 15 : i32
      %eq3A_1597 = vector.broadcast %eq3A_1596 : i32 to vector<16xi32>
      %eq3A_1598 = arith.cmpi eq, %iota3A, %eq3A_1597 : vector<16xi32>
      %broadcast_in_dim3A_1599 = vector.broadcast %reduce_sum3A_1595 : f32 to vector<16xf32>
      %select_n3A_1600 = arith.select %eq3A_1598, %broadcast_in_dim3A_1599, %select_n3A_1560 : vector<16xi1>, vector<16xf32>
      %swap3A_1601 = arith.index_cast %add3A_910 : i32 to index
      %swap3A_1602 = tpu.vector_load %arg16[%swap3A_1601] {strides = array<i32>} : memref<512xf32, #tpu.memory_space<vmem>>, vector<16xf32>,
      tpu.vector_store %arg16[%swap3A_1601], %select_n3A_1600 {strides = array<i32>} : memref<512xf32, #tpu.memory_space<vmem>>, vector<16xf32>,
      %get3A_1603 = arith.index_cast %add3A_910 : i32 to index
      %get3A_1604 = tpu.vector_load %arg15[%get3A_1603] {strides = array<i32>} : memref<512xf32, #tpu.memory_space<vmem>>, vector<16xf32>,
      %sub3A_1605 = arith.subf %select_n3A_1600, %get3A_1604 : vector<16xf32>
      %mul3A_1606 = arith.mulf %sub3A_1605, %sub3A_1605 : vector<16xf32>
      %add3A_1607 = arith.addf %scan3A_906, %mul3A_1606 : vector<16xf32>
      scf.yield %add3A_1607 : vector<16xf32>
    }
    %scan3A_810 = arith.constant 16 : i32
    %swap3A_811 = arith.constant 0 : index
    %swap3A_812 = tpu.vector_load %arg17[%swap3A_811] {strides = array<i32>} : memref<16xf32, #tpu.memory_space<vmem>>, vector<16xf32>,
    tpu.vector_store %arg17[%swap3A_811], %scan3A_809 {strides = array<i32>} : memref<16xf32, #tpu.memory_space<vmem>>, vector<16xf32>,
    %dma_start3A_813 = arith.constant 2 : i32
    %dma_start3A_814 = arith.constant 0 : i32
    %dma_start3A_815 = arith.constant 0 : i32
    %dma_start3A_816 = tpu.memref_slice %arg13[%dma_start3A_814, %dma_start3A_815] : memref<256x128xf32, #tpu.memory_space<vmem>> -> memref<128x128xf32, #tpu.memory_space<vmem>>
    %dma_start3A_817 = arith.constant 0 : i32
    %dma_start3A_818 = tpu.memref_slice %arg11[%dma_start3A_813, %dma_start3A_817] : memref<4x128xi32, #tpu.memory_space<vmem>> -> memref<1x128xi32, #tpu.memory_space<vmem>>
    %dma_start3A_819 = tpu.memref_squeeze %dma_start3A_818 : memref<1x128xi32, #tpu.memory_space<vmem>> -> memref<128xi32, #tpu.memory_space<vmem>>
    %dma_start3A_820 = arith.constant 0 : i32
    %dma_start3A_821 = arith.constant 0 : i32
    %dma_start3A_822 = tpu.memref_slice %arg2[%dma_start3A_820, %dma_start3A_821] : memref<262144x128xf32, #tpu.memory_space<hbm>> -> memref<262144x128xf32, #tpu.memory_space<hbm>>
    tpu.enqueue_indirect_dma source(%dma_start3A_822 : memref<262144x128xf32, #tpu.memory_space<hbm>>) target(%dma_start3A_816 : memref<128x128xf32, #tpu.memory_space<vmem>>) offsets(%dma_start3A_819 : memref<128xi32, #tpu.memory_space<vmem>>) semaphore(%arg21 : memref<!tpu.dma_semaphore, #tpu.memory_space<semaphore_mem>>)
    %dma_start3A_823 = arith.constant 2 : i32
    %dma_start3A_824 = arith.constant 0 : i32
    %dma_start3A_825 = arith.constant 0 : i32
    %dma_start3A_826 = tpu.memref_slice %arg14[%dma_start3A_824, %dma_start3A_825] : memref<256x128xf32, #tpu.memory_space<vmem>> -> memref<128x128xf32, #tpu.memory_space<vmem>>
    %dma_start3A_827 = arith.constant 0 : i32
    %dma_start3A_828 = tpu.memref_slice %arg12[%dma_start3A_823, %dma_start3A_827] : memref<4x128xi32, #tpu.memory_space<vmem>> -> memref<1x128xi32, #tpu.memory_space<vmem>>
    %dma_start3A_829 = tpu.memref_squeeze %dma_start3A_828 : memref<1x128xi32, #tpu.memory_space<vmem>> -> memref<128xi32, #tpu.memory_space<vmem>>
    %dma_start3A_830 = arith.constant 0 : i32
    %dma_start3A_831 = arith.constant 0 : i32
    %dma_start3A_832 = tpu.memref_slice %arg3[%dma_start3A_830, %dma_start3A_831] : memref<32768x128xf32, #tpu.memory_space<hbm>> -> memref<32768x128xf32, #tpu.memory_space<hbm>>
    tpu.enqueue_indirect_dma source(%dma_start3A_832 : memref<32768x128xf32, #tpu.memory_space<hbm>>) target(%dma_start3A_826 : memref<128x128xf32, #tpu.memory_space<vmem>>) offsets(%dma_start3A_829 : memref<128xi32, #tpu.memory_space<vmem>>) semaphore(%arg21 : memref<!tpu.dma_semaphore, #tpu.memory_space<semaphore_mem>>)
    %dma_start3A_833 = arith.constant 3 : i32
    %dma_start3A_834 = arith.constant 128 : i32
    %dma_start3A_835 = arith.constant 0 : i32
    %dma_start3A_836 = tpu.memref_slice %arg13[%dma_start3A_834, %dma_start3A_835] : memref<256x128xf32, #tpu.memory_space<vmem>> -> memref<128x128xf32, #tpu.memory_space<vmem>>
    %dma_start3A_837 = arith.constant 0 : i32
    %dma_start3A_838 = tpu.memref_slice %arg11[%dma_start3A_833, %dma_start3A_837] : memref<4x128xi32, #tpu.memory_space<vmem>> -> memref<1x128xi32, #tpu.memory_space<vmem>>
    %dma_start3A_839 = tpu.memref_squeeze %dma_start3A_838 : memref<1x128xi32, #tpu.memory_space<vmem>> -> memref<128xi32, #tpu.memory_space<vmem>>
    %dma_start3A_840 = arith.constant 0 : i32
    %dma_start3A_841 = arith.constant 0 : i32
    %dma_start3A_842 = tpu.memref_slice %arg2[%dma_start3A_840, %dma_start3A_841] : memref<262144x128xf32, #tpu.memory_space<hbm>> -> memref<262144x128xf32, #tpu.memory_space<hbm>>
    tpu.enqueue_indirect_dma source(%dma_start3A_842 : memref<262144x128xf32, #tpu.memory_space<hbm>>) target(%dma_start3A_836 : memref<128x128xf32, #tpu.memory_space<vmem>>) offsets(%dma_start3A_839 : memref<128xi32, #tpu.memory_space<vmem>>) semaphore(%arg21 : memref<!tpu.dma_semaphore, #tpu.memory_space<semaphore_mem>>)
    %dma_start3A_843 = arith.constant 3 : i32
    %dma_start3A_844 = arith.constant 128 : i32
    %dma_start3A_845 = arith.constant 0 : i32
    %dma_start3A_846 = tpu.memref_slice %arg14[%dma_start3A_844, %dma_start3A_845] : memref<256x128xf32, #tpu.memory_space<vmem>> -> memref<128x128xf32, #tpu.memory_space<vmem>>
    %dma_start3A_847 = arith.constant 0 : i32
    %dma_start3A_848 = tpu.memref_slice %arg12[%dma_start3A_843, %dma_start3A_847] : memref<4x128xi32, #tpu.memory_space<vmem>> -> memref<1x128xi32, #tpu.memory_space<vmem>>
    %dma_start3A_849 = tpu.memref_squeeze %dma_start3A_848 : memref<1x128xi32, #tpu.memory_space<vmem>> -> memref<128xi32, #tpu.memory_space<vmem>>
    %dma_start3A_850 = arith.constant 0 : i32
    %dma_start3A_851 = arith.constant 0 : i32
    %dma_start3A_852 = tpu.memref_slice %arg3[%dma_start3A_850, %dma_start3A_851] : memref<32768x128xf32, #tpu.memory_space<hbm>> -> memref<32768x128xf32, #tpu.memory_space<hbm>>
    tpu.enqueue_indirect_dma source(%dma_start3A_852 : memref<32768x128xf32, #tpu.memory_space<hbm>>) target(%dma_start3A_846 : memref<128x128xf32, #tpu.memory_space<vmem>>) offsets(%dma_start3A_849 : memref<128xi32, #tpu.memory_space<vmem>>) semaphore(%arg21 : memref<!tpu.dma_semaphore, #tpu.memory_space<semaphore_mem>>)
    %dma_wait3A_853 = arith.constant 2 : i32
    %dma_wait3A_854 = arith.constant 0 : i32
    %dma_wait3A_855 = arith.constant 0 : i32
    %dma_wait3A_856 = tpu.memref_slice %arg13[%dma_wait3A_854, %dma_wait3A_855] : memref<256x128xf32, #tpu.memory_space<vmem>> -> memref<128x128xf32, #tpu.memory_space<vmem>>
    %dma_wait3A_857 = arith.constant 0 : i32
    %dma_wait3A_858 = tpu.memref_slice %arg11[%dma_wait3A_853, %dma_wait3A_857] : memref<4x128xi32, #tpu.memory_space<vmem>> -> memref<1x128xi32, #tpu.memory_space<vmem>>
    %dma_wait3A_859 = tpu.memref_squeeze %dma_wait3A_858 : memref<1x128xi32, #tpu.memory_space<vmem>> -> memref<128xi32, #tpu.memory_space<vmem>>
    %dma_wait3A_860 = arith.constant 0 : i32
    %dma_wait3A_861 = arith.constant 0 : i32
    %dma_wait3A_862 = tpu.memref_slice %arg2[%dma_wait3A_860, %dma_wait3A_861] : memref<262144x128xf32, #tpu.memory_space<hbm>> -> memref<262144x128xf32, #tpu.memory_space<hbm>>
    tpu.wait_indirect_dma semaphore(%arg21 : memref<!tpu.dma_semaphore, #tpu.memory_space<semaphore_mem>>) src(%dma_wait3A_862 : memref<262144x128xf32, #tpu.memory_space<hbm>>) dst(%dma_wait3A_856 : memref<128x128xf32, #tpu.memory_space<vmem>>)
    %dma_wait3A_863 = arith.constant 2 : i32
    %dma_wait3A_864 = arith.constant 0 : i32
    %dma_wait3A_865 = arith.constant 0 : i32
    %dma_wait3A_866 = tpu.memref_slice %arg14[%dma_wait3A_864, %dma_wait3A_865] : memref<256x128xf32, #tpu.memory_space<vmem>> -> memref<128x128xf32, #tpu.memory_space<vmem>>
    %dma_wait3A_867 = arith.constant 0 : i32
    %dma_wait3A_868 = tpu.memref_slice %arg12[%dma_wait3A_863, %dma_wait3A_867] : memref<4x128xi32, #tpu.memory_space<vmem>> -> memref<1x128xi32, #tpu.memory_space<vmem>>
    %dma_wait3A_869 = tpu.memref_squeeze %dma_wait3A_868 : memref<1x128xi32, #tpu.memory_space<vmem>> -> memref<128xi32, #tpu.memory_space<vmem>>
    %dma_wait3A_870 = arith.constant 0 : i32
    %dma_wait3A_871 = arith.constant 0 : i32
    %dma_wait3A_872 = tpu.memref_slice %arg3[%dma_wait3A_870, %dma_wait3A_871] : memref<32768x128xf32, #tpu.memory_space<hbm>> -> memref<32768x128xf32, #tpu.memory_space<hbm>>
    tpu.wait_indirect_dma semaphore(%arg21 : memref<!tpu.dma_semaphore, #tpu.memory_space<semaphore_mem>>) src(%dma_wait3A_872 : memref<32768x128xf32, #tpu.memory_space<hbm>>) dst(%dma_wait3A_866 : memref<128x128xf32, #tpu.memory_space<vmem>>)
    %dma_wait3A_873 = arith.constant 3 : i32
    %dma_wait3A_874 = arith.constant 128 : i32
    %dma_wait3A_875 = arith.constant 0 : i32
    %dma_wait3A_876 = tpu.memref_slice %arg13[%dma_wait3A_874, %dma_wait3A_875] : memref<256x128xf32, #tpu.memory_space<vmem>> -> memref<128x128xf32, #tpu.memory_space<vmem>>
    %dma_wait3A_877 = arith.constant 0 : i32
    %dma_wait3A_878 = tpu.memref_slice %arg11[%dma_wait3A_873, %dma_wait3A_877] : memref<4x128xi32, #tpu.memory_space<vmem>> -> memref<1x128xi32, #tpu.memory_space<vmem>>
    %dma_wait3A_879 = tpu.memref_squeeze %dma_wait3A_878 : memref<1x128xi32, #tpu.memory_space<vmem>> -> memref<128xi32, #tpu.memory_space<vmem>>
    %dma_wait3A_880 = arith.constant 0 : i32
    %dma_wait3A_881 = arith.constant 0 : i32
    %dma_wait3A_882 = tpu.memref_slice %arg2[%dma_wait3A_880, %dma_wait3A_881] : memref<262144x128xf32, #tpu.memory_space<hbm>> -> memref<262144x128xf32, #tpu.memory_space<hbm>>
    tpu.wait_indirect_dma semaphore(%arg21 : memref<!tpu.dma_semaphore, #tpu.memory_space<semaphore_mem>>) src(%dma_wait3A_882 : memref<262144x128xf32, #tpu.memory_space<hbm>>) dst(%dma_wait3A_876 : memref<128x128xf32, #tpu.memory_space<vmem>>)
    %dma_wait3A_883 = arith.constant 3 : i32
    %dma_wait3A_884 = arith.constant 128 : i32
    %dma_wait3A_885 = arith.constant 0 : i32
    %dma_wait3A_886 = tpu.memref_slice %arg14[%dma_wait3A_884, %dma_wait3A_885] : memref<256x128xf32, #tpu.memory_space<vmem>> -> memref<128x128xf32, #tpu.memory_space<vmem>>
    %dma_wait3A_887 = arith.constant 0 : i32
    %dma_wait3A_888 = tpu.memref_slice %arg12[%dma_wait3A_883, %dma_wait3A_887] : memref<4x128xi32, #tpu.memory_space<vmem>> -> memref<1x128xi32, #tpu.memory_space<vmem>>
    %dma_wait3A_889 = tpu.memref_squeeze %dma_wait3A_888 : memref<1x128xi32, #tpu.memory_space<vmem>> -> memref<128xi32, #tpu.memory_space<vmem>>
    %dma_wait3A_890 = arith.constant 0 : i32
    %dma_wait3A_891 = arith.constant 0 : i32
    %dma_wait3A_892 = tpu.memref_slice %arg3[%dma_wait3A_890, %dma_wait3A_891] : memref<32768x128xf32, #tpu.memory_space<hbm>> -> memref<32768x128xf32, #tpu.memory_space<hbm>>
    tpu.wait_indirect_dma semaphore(%arg21 : memref<!tpu.dma_semaphore, #tpu.memory_space<semaphore_mem>>) src(%dma_wait3A_892 : memref<32768x128xf32, #tpu.memory_space<hbm>>) dst(%dma_wait3A_886 : memref<128x128xf32, #tpu.memory_space<vmem>>)
    %get3A_893 = arith.constant 0 : index
    %get3A_894 = tpu.vector_load %arg17[%get3A_893] {strides = array<i32>} : memref<16xf32, #tpu.memory_space<vmem>>, vector<16xf32>,
    %scan3A_895 = arith.constant 0 : i32
    %scan3A_896 = arith.constant 16 : i32
    %scan3A_897 = arith.addi %scan3A_895, %scan3A_896 : i32
    %scan3A_898 = arith.constant 1 : i32
    %scan3A_899 = scf.for %scan3A_905 = %scan3A_895 to %scan3A_897 step %scan3A_898 iter_args(%scan3A_906 = %get3A_894) -> (vector<16xf32>)  : i32 {
      %mul3A_907 = arith.constant 16 : i32
      %mul3A_908 = arith.muli %scan3A_905, %mul3A_907 : i32
      %add3A_909 = arith.constant 256 : i32
      %add3A_910 = arith.addi %add3A_909, %mul3A_908 : i32
      %jit3A = arith.constant 128 : i32
      %div3A = arith.divsi %mul3A_908, %jit3A : i32
      %sign3A = arith.constant 0 : i32
      %sign3A_911 = arith.cmpi sgt, %mul3A_908, %sign3A : i32
      %sign3A_912 = arith.extui %sign3A_911 : i1 to i32
      %sign3A_913 = arith.constant 0 : i32
      %sign3A_914 = arith.cmpi slt, %mul3A_908, %sign3A_913 : i32
      %sign3A_915 = arith.extui %sign3A_914 : i1 to i32
      %sign3A_916 = arith.subi %sign3A_912, %sign3A_915 : i32
      %sign3A_917 = arith.constant 0 : i32
      %sign3A_918 = arith.cmpi sgt, %jit3A, %sign3A_917 : i32
      %sign3A_919 = arith.extui %sign3A_918 : i1 to i32
      %sign3A_920 = arith.constant 0 : i32
      %sign3A_921 = arith.cmpi slt, %jit3A, %sign3A_920 : i32
      %sign3A_922 = arith.extui %sign3A_921 : i1 to i32
      %sign3A_923 = arith.subi %sign3A_919, %sign3A_922 : i32
      %ne3A = arith.cmpi ne, %sign3A_916, %sign3A_923 : i32
      %rem3A = arith.remsi %mul3A_908, %jit3A : i32
      %ne3A_924 = arith.constant 0 : i32
      %ne3A_925 = arith.cmpi ne, %rem3A, %ne3A_924 : i32
      %and3A_926 = arith.andi %ne3A, %ne3A_925 : i1
      %sub3A = arith.constant 1 : i32
      %sub3A_927 = arith.subi %div3A, %sub3A : i32
      %select_n3A = arith.select %and3A_926, %sub3A_927, %div3A : i32
      %add3A_928 = arith.constant 2 : i32
      %add3A_929 = arith.addi %add3A_928, %select_n3A : i32
      %jit3A_930 = arith.constant 128 : i32
      %eq3A_931 = arith.constant 0 : i32
      %eq3A_932 = arith.cmpi eq, %jit3A_930, %eq3A_931 : i32
      %jit3A_933 = arith.constant 1 : i32
      %select_n3A_934 = arith.select %eq3A_932, %jit3A_933, %jit3A_930 : i32
      %rem3A_935 = arith.remsi %mul3A_908, %select_n3A_934 : i32
      %ne3A_936 = arith.constant 0 : i32
      %ne3A_937 = arith.cmpi ne, %rem3A_935, %ne3A_936 : i32
      %lt3A = arith.constant 0 : i32
      %lt3A_938 = arith.cmpi slt, %rem3A_935, %lt3A : i32
      %lt3A_939 = arith.constant 0 : i32
      %lt3A_940 = arith.cmpi slt, %select_n3A_934, %lt3A_939 : i32
      %ne3A_941 = arith.xori %lt3A_938, %lt3A_940 : i1
      %and3A_942 = arith.andi %ne3A_941, %ne3A_937 : i1
      %add3A_943 = arith.addi %rem3A_935, %select_n3A_934 : i32
      %select_n3A_944 = arith.select %and3A_942, %add3A_943, %rem3A_935 : i32
      %get3A_945 = arith.index_cast %add3A_929 : i32 to index
      %get3A_946 = arith.index_cast %select_n3A_944 : i32 to index
      %get3A_947 = tpu.vector_load %arg9[%get3A_945, %get3A_946] {strides = array<i32>} : memref<4x128xi32, #tpu.memory_space<vmem>>, vector<16xi32>,
      %shift_right_logical3A = arith.constant 18 : i32
      %shift_right_logical3A_948 = vector.broadcast %shift_right_logical3A : i32 to vector<16xi32>
      %shift_right_logical3A_949 = arith.shrui %get3A_947, %shift_right_logical3A_948 : vector<16xi32>
      %mul3A_950 = arith.constant 32 : i32
      %mul3A_951 = vector.broadcast %mul3A_950 : i32 to vector<16xi32>
      %mul3A_952 = arith.muli %shift_right_logical3A_949, %mul3A_951 : vector<16xi32>
      %get3A_953 = arith.index_cast %add3A_929 : i32 to index
      %get3A_954 = arith.index_cast %select_n3A_944 : i32 to index
      %get3A_955 = tpu.vector_load %arg10[%get3A_953, %get3A_954] {strides = array<i32>} : memref<4x128xi32, #tpu.memory_space<vmem>>, vector<16xi32>,
      %shift_right_logical3A_956 = arith.constant 15 : i32
      %shift_right_logical3A_957 = vector.broadcast %shift_right_logical3A_956 : i32 to vector<16xi32>
      %shift_right_logical3A_958 = arith.shrui %get3A_955, %shift_right_logical3A_957 : vector<16xi32>
      %mul3A_959 = arith.constant 32 : i32
      %mul3A_960 = vector.broadcast %mul3A_959 : i32 to vector<16xi32>
      %mul3A_961 = arith.muli %shift_right_logical3A_958, %mul3A_960 : vector<16xi32>
      %broadcast_in_dim3A_962 = arith.constant 0.000000e+00 : f32
      %broadcast_in_dim3A_963 = vector.broadcast %broadcast_in_dim3A_962 : f32 to vector<16xf32>
      %slice3A = vector.extract_strided_slice %mul3A_952 {offsets = [0], sizes = [1], strides = [1]} : vector<16xi32> to vector<1xi32>
      %squeeze3A = vector.extract %slice3A[0] : i32 from vector<1xi32>
      %slice3A_964 = vector.extract_strided_slice %mul3A_961 {offsets = [0], sizes = [1], strides = [1]} : vector<16xi32> to vector<1xi32>
      %squeeze3A_965 = vector.extract %slice3A_964[0] : i32 from vector<1xi32>
      %add3A_966 = arith.constant 0 : i32
      %add3A_967 = arith.addi %mul3A_908, %add3A_966 : i32
      %get3A_968 = arith.index_cast %add3A_967 : i32 to index
      %get3A_969 = arith.index_cast %squeeze3A : i32 to index
      %get3A_970 = tpu.vector_load %arg13[%get3A_968, %get3A_969] {strides = array<i32>} : memref<256x128xf32, #tpu.memory_space<vmem>>, vector<16xf32>,
      %add3A_971 = arith.constant 0 : i32
      %add3A_972 = arith.addi %mul3A_908, %add3A_971 : i32
      %add3A_973 = arith.constant 16 : i32
      %add3A_974 = arith.addi %squeeze3A, %add3A_973 : i32
      %get3A_975 = arith.index_cast %add3A_972 : i32 to index
      %get3A_976 = arith.index_cast %add3A_974 : i32 to index
      %get3A_977 = tpu.vector_load %arg13[%get3A_975, %get3A_976] {strides = array<i32>} : memref<256x128xf32, #tpu.memory_space<vmem>>, vector<16xf32>,
      %add3A_978 = arith.constant 0 : i32
      %add3A_979 = arith.addi %mul3A_908, %add3A_978 : i32
      %get3A_980 = arith.index_cast %add3A_979 : i32 to index
      %get3A_981 = arith.index_cast %squeeze3A_965 : i32 to index
      %get3A_982 = tpu.vector_load %arg14[%get3A_980, %get3A_981] {strides = array<i32>} : memref<256x128xf32, #tpu.memory_space<vmem>>, vector<16xf32>,
      %add3A_983 = arith.constant 0 : i32
      %add3A_984 = arith.addi %mul3A_908, %add3A_983 : i32
      %add3A_985 = arith.constant 16 : i32
      %add3A_986 = arith.addi %squeeze3A_965, %add3A_985 : i32
      %get3A_987 = arith.index_cast %add3A_984 : i32 to index
      %get3A_988 = arith.index_cast %add3A_986 : i32 to index
      %get3A_989 = tpu.vector_load %arg14[%get3A_987, %get3A_988] {strides = array<i32>} : memref<256x128xf32, #tpu.memory_space<vmem>>, vector<16xf32>,
      %mul3A_990 = arith.mulf %get3A_970, %get3A_982 : vector<16xf32>
      %mul3A_991 = arith.mulf %get3A_977, %get3A_989 : vector<16xf32>
      %add3A_992 = arith.addf %mul3A_990, %mul3A_991 : vector<16xf32>
      %reduce_sum3A = arith.constant true
      %reduce_sum3A_993 = vector.broadcast %reduce_sum3A : i1 to vector<16xi1>
      %reduce_sum3A_994 = tpu.scan <sum>, %add3A_992 masked %reduce_sum3A_993 : vector<16xf32>, vector<16xi1> -> vector<16xf32>
      %reduce_sum3A_995 = vector.extract %reduce_sum3A_994[15] : f32 from vector<16xf32>
      %eq3A_996 = arith.constant 0 : i32
      %eq3A_997 = vector.broadcast %eq3A_996 : i32 to vector<16xi32>
      %eq3A_998 = arith.cmpi eq, %iota3A, %eq3A_997 : vector<16xi32>
      %broadcast_in_dim3A_999 = vector.broadcast %reduce_sum3A_995 : f32 to vector<16xf32>
      %select_n3A_1000 = arith.select %eq3A_998, %broadcast_in_dim3A_999, %broadcast_in_dim3A_963 : vector<16xi1>, vector<16xf32>
      %slice3A_1001 = vector.extract_strided_slice %mul3A_952 {offsets = [1], sizes = [1], strides = [1]} : vector<16xi32> to vector<1xi32>
      %squeeze3A_1002 = vector.extract %slice3A_1001[0] : i32 from vector<1xi32>
      %slice3A_1003 = vector.extract_strided_slice %mul3A_961 {offsets = [1], sizes = [1], strides = [1]} : vector<16xi32> to vector<1xi32>
      %squeeze3A_1004 = vector.extract %slice3A_1003[0] : i32 from vector<1xi32>
      %add3A_1005 = arith.constant 1 : i32
      %add3A_1006 = arith.addi %mul3A_908, %add3A_1005 : i32
      %get3A_1007 = arith.index_cast %add3A_1006 : i32 to index
      %get3A_1008 = arith.index_cast %squeeze3A_1002 : i32 to index
      %get3A_1009 = tpu.vector_load %arg13[%get3A_1007, %get3A_1008] {strides = array<i32>} : memref<256x128xf32, #tpu.memory_space<vmem>>, vector<16xf32>,
      %add3A_1010 = arith.constant 1 : i32
      %add3A_1011 = arith.addi %mul3A_908, %add3A_1010 : i32
      %add3A_1012 = arith.constant 16 : i32
      %add3A_1013 = arith.addi %squeeze3A_1002, %add3A_1012 : i32
      %get3A_1014 = arith.index_cast %add3A_1011 : i32 to index
      %get3A_1015 = arith.index_cast %add3A_1013 : i32 to index
      %get3A_1016 = tpu.vector_load %arg13[%get3A_1014, %get3A_1015] {strides = array<i32>} : memref<256x128xf32, #tpu.memory_space<vmem>>, vector<16xf32>,
      %add3A_1017 = arith.constant 1 : i32
      %add3A_1018 = arith.addi %mul3A_908, %add3A_1017 : i32
      %get3A_1019 = arith.index_cast %add3A_1018 : i32 to index
      %get3A_1020 = arith.index_cast %squeeze3A_1004 : i32 to index
      %get3A_1021 = tpu.vector_load %arg14[%get3A_1019, %get3A_1020] {strides = array<i32>} : memref<256x128xf32, #tpu.memory_space<vmem>>, vector<16xf32>,
      %add3A_1022 = arith.constant 1 : i32
      %add3A_1023 = arith.addi %mul3A_908, %add3A_1022 : i32
      %add3A_1024 = arith.constant 16 : i32
      %add3A_1025 = arith.addi %squeeze3A_1004, %add3A_1024 : i32
      %get3A_1026 = arith.index_cast %add3A_1023 : i32 to index
      %get3A_1027 = arith.index_cast %add3A_1025 : i32 to index
      %get3A_1028 = tpu.vector_load %arg14[%get3A_1026, %get3A_1027] {strides = array<i32>} : memref<256x128xf32, #tpu.memory_space<vmem>>, vector<16xf32>,
      %mul3A_1029 = arith.mulf %get3A_1009, %get3A_1021 : vector<16xf32>
      %mul3A_1030 = arith.mulf %get3A_1016, %get3A_1028 : vector<16xf32>
      %add3A_1031 = arith.addf %mul3A_1029, %mul3A_1030 : vector<16xf32>
      %reduce_sum3A_1032 = arith.constant true
      %reduce_sum3A_1033 = vector.broadcast %reduce_sum3A_1032 : i1 to vector<16xi1>
      %reduce_sum3A_1034 = tpu.scan <sum>, %add3A_1031 masked %reduce_sum3A_1033 : vector<16xf32>, vector<16xi1> -> vector<16xf32>
      %reduce_sum3A_1035 = vector.extract %reduce_sum3A_1034[15] : f32 from vector<16xf32>
      %eq3A_1036 = arith.constant 1 : i32
      %eq3A_1037 = vector.broadcast %eq3A_1036 : i32 to vector<16xi32>
      %eq3A_1038 = arith.cmpi eq, %iota3A, %eq3A_1037 : vector<16xi32>
      %broadcast_in_dim3A_1039 = vector.broadcast %reduce_sum3A_1035 : f32 to vector<16xf32>
      %select_n3A_1040 = arith.select %eq3A_1038, %broadcast_in_dim3A_1039, %select_n3A_1000 : vector<16xi1>, vector<16xf32>
      %slice3A_1041 = vector.extract_strided_slice %mul3A_952 {offsets = [2], sizes = [1], strides = [1]} : vector<16xi32> to vector<1xi32>
      %squeeze3A_1042 = vector.extract %slice3A_1041[0] : i32 from vector<1xi32>
      %slice3A_1043 = vector.extract_strided_slice %mul3A_961 {offsets = [2], sizes = [1], strides = [1]} : vector<16xi32> to vector<1xi32>
      %squeeze3A_1044 = vector.extract %slice3A_1043[0] : i32 from vector<1xi32>
      %add3A_1045 = arith.constant 2 : i32
      %add3A_1046 = arith.addi %mul3A_908, %add3A_1045 : i32
      %get3A_1047 = arith.index_cast %add3A_1046 : i32 to index
      %get3A_1048 = arith.index_cast %squeeze3A_1042 : i32 to index
      %get3A_1049 = tpu.vector_load %arg13[%get3A_1047, %get3A_1048] {strides = array<i32>} : memref<256x128xf32, #tpu.memory_space<vmem>>, vector<16xf32>,
      %add3A_1050 = arith.constant 2 : i32
      %add3A_1051 = arith.addi %mul3A_908, %add3A_1050 : i32
      %add3A_1052 = arith.constant 16 : i32
      %add3A_1053 = arith.addi %squeeze3A_1042, %add3A_1052 : i32
      %get3A_1054 = arith.index_cast %add3A_1051 : i32 to index
      %get3A_1055 = arith.index_cast %add3A_1053 : i32 to index
      %get3A_1056 = tpu.vector_load %arg13[%get3A_1054, %get3A_1055] {strides = array<i32>} : memref<256x128xf32, #tpu.memory_space<vmem>>, vector<16xf32>,
      %add3A_1057 = arith.constant 2 : i32
      %add3A_1058 = arith.addi %mul3A_908, %add3A_1057 : i32
      %get3A_1059 = arith.index_cast %add3A_1058 : i32 to index
      %get3A_1060 = arith.index_cast %squeeze3A_1044 : i32 to index
      %get3A_1061 = tpu.vector_load %arg14[%get3A_1059, %get3A_1060] {strides = array<i32>} : memref<256x128xf32, #tpu.memory_space<vmem>>, vector<16xf32>,
      %add3A_1062 = arith.constant 2 : i32
      %add3A_1063 = arith.addi %mul3A_908, %add3A_1062 : i32
      %add3A_1064 = arith.constant 16 : i32
      %add3A_1065 = arith.addi %squeeze3A_1044, %add3A_1064 : i32
      %get3A_1066 = arith.index_cast %add3A_1063 : i32 to index
      %get3A_1067 = arith.index_cast %add3A_1065 : i32 to index
      %get3A_1068 = tpu.vector_load %arg14[%get3A_1066, %get3A_1067] {strides = array<i32>} : memref<256x128xf32, #tpu.memory_space<vmem>>, vector<16xf32>,
      %mul3A_1069 = arith.mulf %get3A_1049, %get3A_1061 : vector<16xf32>
      %mul3A_1070 = arith.mulf %get3A_1056, %get3A_1068 : vector<16xf32>
      %add3A_1071 = arith.addf %mul3A_1069, %mul3A_1070 : vector<16xf32>
      %reduce_sum3A_1072 = arith.constant true
      %reduce_sum3A_1073 = vector.broadcast %reduce_sum3A_1072 : i1 to vector<16xi1>
      %reduce_sum3A_1074 = tpu.scan <sum>, %add3A_1071 masked %reduce_sum3A_1073 : vector<16xf32>, vector<16xi1> -> vector<16xf32>
      %reduce_sum3A_1075 = vector.extract %reduce_sum3A_1074[15] : f32 from vector<16xf32>
      %eq3A_1076 = arith.constant 2 : i32
      %eq3A_1077 = vector.broadcast %eq3A_1076 : i32 to vector<16xi32>
      %eq3A_1078 = arith.cmpi eq, %iota3A, %eq3A_1077 : vector<16xi32>
      %broadcast_in_dim3A_1079 = vector.broadcast %reduce_sum3A_1075 : f32 to vector<16xf32>
      %select_n3A_1080 = arith.select %eq3A_1078, %broadcast_in_dim3A_1079, %select_n3A_1040 : vector<16xi1>, vector<16xf32>
      %slice3A_1081 = vector.extract_strided_slice %mul3A_952 {offsets = [3], sizes = [1], strides = [1]} : vector<16xi32> to vector<1xi32>
      %squeeze3A_1082 = vector.extract %slice3A_1081[0] : i32 from vector<1xi32>
      %slice3A_1083 = vector.extract_strided_slice %mul3A_961 {offsets = [3], sizes = [1], strides = [1]} : vector<16xi32> to vector<1xi32>
      %squeeze3A_1084 = vector.extract %slice3A_1083[0] : i32 from vector<1xi32>
      %add3A_1085 = arith.constant 3 : i32
      %add3A_1086 = arith.addi %mul3A_908, %add3A_1085 : i32
      %get3A_1087 = arith.index_cast %add3A_1086 : i32 to index
      %get3A_1088 = arith.index_cast %squeeze3A_1082 : i32 to index
      %get3A_1089 = tpu.vector_load %arg13[%get3A_1087, %get3A_1088] {strides = array<i32>} : memref<256x128xf32, #tpu.memory_space<vmem>>, vector<16xf32>,
      %add3A_1090 = arith.constant 3 : i32
      %add3A_1091 = arith.addi %mul3A_908, %add3A_1090 : i32
      %add3A_1092 = arith.constant 16 : i32
      %add3A_1093 = arith.addi %squeeze3A_1082, %add3A_1092 : i32
      %get3A_1094 = arith.index_cast %add3A_1091 : i32 to index
      %get3A_1095 = arith.index_cast %add3A_1093 : i32 to index
      %get3A_1096 = tpu.vector_load %arg13[%get3A_1094, %get3A_1095] {strides = array<i32>} : memref<256x128xf32, #tpu.memory_space<vmem>>, vector<16xf32>,
      %add3A_1097 = arith.constant 3 : i32
      %add3A_1098 = arith.addi %mul3A_908, %add3A_1097 : i32
      %get3A_1099 = arith.index_cast %add3A_1098 : i32 to index
      %get3A_1100 = arith.index_cast %squeeze3A_1084 : i32 to index
      %get3A_1101 = tpu.vector_load %arg14[%get3A_1099, %get3A_1100] {strides = array<i32>} : memref<256x128xf32, #tpu.memory_space<vmem>>, vector<16xf32>,
      %add3A_1102 = arith.constant 3 : i32
      %add3A_1103 = arith.addi %mul3A_908, %add3A_1102 : i32
      %add3A_1104 = arith.constant 16 : i32
      %add3A_1105 = arith.addi %squeeze3A_1084, %add3A_1104 : i32
      %get3A_1106 = arith.index_cast %add3A_1103 : i32 to index
      %get3A_1107 = arith.index_cast %add3A_1105 : i32 to index
      %get3A_1108 = tpu.vector_load %arg14[%get3A_1106, %get3A_1107] {strides = array<i32>} : memref<256x128xf32, #tpu.memory_space<vmem>>, vector<16xf32>,
      %mul3A_1109 = arith.mulf %get3A_1089, %get3A_1101 : vector<16xf32>
      %mul3A_1110 = arith.mulf %get3A_1096, %get3A_1108 : vector<16xf32>
      %add3A_1111 = arith.addf %mul3A_1109, %mul3A_1110 : vector<16xf32>
      %reduce_sum3A_1112 = arith.constant true
      %reduce_sum3A_1113 = vector.broadcast %reduce_sum3A_1112 : i1 to vector<16xi1>
      %reduce_sum3A_1114 = tpu.scan <sum>, %add3A_1111 masked %reduce_sum3A_1113 : vector<16xf32>, vector<16xi1> -> vector<16xf32>
      %reduce_sum3A_1115 = vector.extract %reduce_sum3A_1114[15] : f32 from vector<16xf32>
      %eq3A_1116 = arith.constant 3 : i32
      %eq3A_1117 = vector.broadcast %eq3A_1116 : i32 to vector<16xi32>
      %eq3A_1118 = arith.cmpi eq, %iota3A, %eq3A_1117 : vector<16xi32>
      %broadcast_in_dim3A_1119 = vector.broadcast %reduce_sum3A_1115 : f32 to vector<16xf32>
      %select_n3A_1120 = arith.select %eq3A_1118, %broadcast_in_dim3A_1119, %select_n3A_1080 : vector<16xi1>, vector<16xf32>
      %slice3A_1121 = vector.extract_strided_slice %mul3A_952 {offsets = [4], sizes = [1], strides = [1]} : vector<16xi32> to vector<1xi32>
      %squeeze3A_1122 = vector.extract %slice3A_1121[0] : i32 from vector<1xi32>
      %slice3A_1123 = vector.extract_strided_slice %mul3A_961 {offsets = [4], sizes = [1], strides = [1]} : vector<16xi32> to vector<1xi32>
      %squeeze3A_1124 = vector.extract %slice3A_1123[0] : i32 from vector<1xi32>
      %add3A_1125 = arith.constant 4 : i32
      %add3A_1126 = arith.addi %mul3A_908, %add3A_1125 : i32
      %get3A_1127 = arith.index_cast %add3A_1126 : i32 to index
      %get3A_1128 = arith.index_cast %squeeze3A_1122 : i32 to index
      %get3A_1129 = tpu.vector_load %arg13[%get3A_1127, %get3A_1128] {strides = array<i32>} : memref<256x128xf32, #tpu.memory_space<vmem>>, vector<16xf32>,
      %add3A_1130 = arith.constant 4 : i32
      %add3A_1131 = arith.addi %mul3A_908, %add3A_1130 : i32
      %add3A_1132 = arith.constant 16 : i32
      %add3A_1133 = arith.addi %squeeze3A_1122, %add3A_1132 : i32
      %get3A_1134 = arith.index_cast %add3A_1131 : i32 to index
      %get3A_1135 = arith.index_cast %add3A_1133 : i32 to index
      %get3A_1136 = tpu.vector_load %arg13[%get3A_1134, %get3A_1135] {strides = array<i32>} : memref<256x128xf32, #tpu.memory_space<vmem>>, vector<16xf32>,
      %add3A_1137 = arith.constant 4 : i32
      %add3A_1138 = arith.addi %mul3A_908, %add3A_1137 : i32
      %get3A_1139 = arith.index_cast %add3A_1138 : i32 to index
      %get3A_1140 = arith.index_cast %squeeze3A_1124 : i32 to index
      %get3A_1141 = tpu.vector_load %arg14[%get3A_1139, %get3A_1140] {strides = array<i32>} : memref<256x128xf32, #tpu.memory_space<vmem>>, vector<16xf32>,
      %add3A_1142 = arith.constant 4 : i32
      %add3A_1143 = arith.addi %mul3A_908, %add3A_1142 : i32
      %add3A_1144 = arith.constant 16 : i32
      %add3A_1145 = arith.addi %squeeze3A_1124, %add3A_1144 : i32
      %get3A_1146 = arith.index_cast %add3A_1143 : i32 to index
      %get3A_1147 = arith.index_cast %add3A_1145 : i32 to index
      %get3A_1148 = tpu.vector_load %arg14[%get3A_1146, %get3A_1147] {strides = array<i32>} : memref<256x128xf32, #tpu.memory_space<vmem>>, vector<16xf32>,
      %mul3A_1149 = arith.mulf %get3A_1129, %get3A_1141 : vector<16xf32>
      %mul3A_1150 = arith.mulf %get3A_1136, %get3A_1148 : vector<16xf32>
      %add3A_1151 = arith.addf %mul3A_1149, %mul3A_1150 : vector<16xf32>
      %reduce_sum3A_1152 = arith.constant true
      %reduce_sum3A_1153 = vector.broadcast %reduce_sum3A_1152 : i1 to vector<16xi1>
      %reduce_sum3A_1154 = tpu.scan <sum>, %add3A_1151 masked %reduce_sum3A_1153 : vector<16xf32>, vector<16xi1> -> vector<16xf32>
      %reduce_sum3A_1155 = vector.extract %reduce_sum3A_1154[15] : f32 from vector<16xf32>
      %eq3A_1156 = arith.constant 4 : i32
      %eq3A_1157 = vector.broadcast %eq3A_1156 : i32 to vector<16xi32>
      %eq3A_1158 = arith.cmpi eq, %iota3A, %eq3A_1157 : vector<16xi32>
      %broadcast_in_dim3A_1159 = vector.broadcast %reduce_sum3A_1155 : f32 to vector<16xf32>
      %select_n3A_1160 = arith.select %eq3A_1158, %broadcast_in_dim3A_1159, %select_n3A_1120 : vector<16xi1>, vector<16xf32>
      %slice3A_1161 = vector.extract_strided_slice %mul3A_952 {offsets = [5], sizes = [1], strides = [1]} : vector<16xi32> to vector<1xi32>
      %squeeze3A_1162 = vector.extract %slice3A_1161[0] : i32 from vector<1xi32>
      %slice3A_1163 = vector.extract_strided_slice %mul3A_961 {offsets = [5], sizes = [1], strides = [1]} : vector<16xi32> to vector<1xi32>
      %squeeze3A_1164 = vector.extract %slice3A_1163[0] : i32 from vector<1xi32>
      %add3A_1165 = arith.constant 5 : i32
      %add3A_1166 = arith.addi %mul3A_908, %add3A_1165 : i32
      %get3A_1167 = arith.index_cast %add3A_1166 : i32 to index
      %get3A_1168 = arith.index_cast %squeeze3A_1162 : i32 to index
      %get3A_1169 = tpu.vector_load %arg13[%get3A_1167, %get3A_1168] {strides = array<i32>} : memref<256x128xf32, #tpu.memory_space<vmem>>, vector<16xf32>,
      %add3A_1170 = arith.constant 5 : i32
      %add3A_1171 = arith.addi %mul3A_908, %add3A_1170 : i32
      %add3A_1172 = arith.constant 16 : i32
      %add3A_1173 = arith.addi %squeeze3A_1162, %add3A_1172 : i32
      %get3A_1174 = arith.index_cast %add3A_1171 : i32 to index
      %get3A_1175 = arith.index_cast %add3A_1173 : i32 to index
      %get3A_1176 = tpu.vector_load %arg13[%get3A_1174, %get3A_1175] {strides = array<i32>} : memref<256x128xf32, #tpu.memory_space<vmem>>, vector<16xf32>,
      %add3A_1177 = arith.constant 5 : i32
      %add3A_1178 = arith.addi %mul3A_908, %add3A_1177 : i32
      %get3A_1179 = arith.index_cast %add3A_1178 : i32 to index
      %get3A_1180 = arith.index_cast %squeeze3A_1164 : i32 to index
      %get3A_1181 = tpu.vector_load %arg14[%get3A_1179, %get3A_1180] {strides = array<i32>} : memref<256x128xf32, #tpu.memory_space<vmem>>, vector<16xf32>,
      %add3A_1182 = arith.constant 5 : i32
      %add3A_1183 = arith.addi %mul3A_908, %add3A_1182 : i32
      %add3A_1184 = arith.constant 16 : i32
      %add3A_1185 = arith.addi %squeeze3A_1164, %add3A_1184 : i32
      %get3A_1186 = arith.index_cast %add3A_1183 : i32 to index
      %get3A_1187 = arith.index_cast %add3A_1185 : i32 to index
      %get3A_1188 = tpu.vector_load %arg14[%get3A_1186, %get3A_1187] {strides = array<i32>} : memref<256x128xf32, #tpu.memory_space<vmem>>, vector<16xf32>,
      %mul3A_1189 = arith.mulf %get3A_1169, %get3A_1181 : vector<16xf32>
      %mul3A_1190 = arith.mulf %get3A_1176, %get3A_1188 : vector<16xf32>
      %add3A_1191 = arith.addf %mul3A_1189, %mul3A_1190 : vector<16xf32>
      %reduce_sum3A_1192 = arith.constant true
      %reduce_sum3A_1193 = vector.broadcast %reduce_sum3A_1192 : i1 to vector<16xi1>
      %reduce_sum3A_1194 = tpu.scan <sum>, %add3A_1191 masked %reduce_sum3A_1193 : vector<16xf32>, vector<16xi1> -> vector<16xf32>
      %reduce_sum3A_1195 = vector.extract %reduce_sum3A_1194[15] : f32 from vector<16xf32>
      %eq3A_1196 = arith.constant 5 : i32
      %eq3A_1197 = vector.broadcast %eq3A_1196 : i32 to vector<16xi32>
      %eq3A_1198 = arith.cmpi eq, %iota3A, %eq3A_1197 : vector<16xi32>
      %broadcast_in_dim3A_1199 = vector.broadcast %reduce_sum3A_1195 : f32 to vector<16xf32>
      %select_n3A_1200 = arith.select %eq3A_1198, %broadcast_in_dim3A_1199, %select_n3A_1160 : vector<16xi1>, vector<16xf32>
      %slice3A_1201 = vector.extract_strided_slice %mul3A_952 {offsets = [6], sizes = [1], strides = [1]} : vector<16xi32> to vector<1xi32>
      %squeeze3A_1202 = vector.extract %slice3A_1201[0] : i32 from vector<1xi32>
      %slice3A_1203 = vector.extract_strided_slice %mul3A_961 {offsets = [6], sizes = [1], strides = [1]} : vector<16xi32> to vector<1xi32>
      %squeeze3A_1204 = vector.extract %slice3A_1203[0] : i32 from vector<1xi32>
      %add3A_1205 = arith.constant 6 : i32
      %add3A_1206 = arith.addi %mul3A_908, %add3A_1205 : i32
      %get3A_1207 = arith.index_cast %add3A_1206 : i32 to index
      %get3A_1208 = arith.index_cast %squeeze3A_1202 : i32 to index
      %get3A_1209 = tpu.vector_load %arg13[%get3A_1207, %get3A_1208] {strides = array<i32>} : memref<256x128xf32, #tpu.memory_space<vmem>>, vector<16xf32>,
      %add3A_1210 = arith.constant 6 : i32
      %add3A_1211 = arith.addi %mul3A_908, %add3A_1210 : i32
      %add3A_1212 = arith.constant 16 : i32
      %add3A_1213 = arith.addi %squeeze3A_1202, %add3A_1212 : i32
      %get3A_1214 = arith.index_cast %add3A_1211 : i32 to index
      %get3A_1215 = arith.index_cast %add3A_1213 : i32 to index
      %get3A_1216 = tpu.vector_load %arg13[%get3A_1214, %get3A_1215] {strides = array<i32>} : memref<256x128xf32, #tpu.memory_space<vmem>>, vector<16xf32>,
      %add3A_1217 = arith.constant 6 : i32
      %add3A_1218 = arith.addi %mul3A_908, %add3A_1217 : i32
      %get3A_1219 = arith.index_cast %add3A_1218 : i32 to index
      %get3A_1220 = arith.index_cast %squeeze3A_1204 : i32 to index
      %get3A_1221 = tpu.vector_load %arg14[%get3A_1219, %get3A_1220] {strides = array<i32>} : memref<256x128xf32, #tpu.memory_space<vmem>>, vector<16xf32>,
      %add3A_1222 = arith.constant 6 : i32
      %add3A_1223 = arith.addi %mul3A_908, %add3A_1222 : i32
      %add3A_1224 = arith.constant 16 : i32
      %add3A_1225 = arith.addi %squeeze3A_1204, %add3A_1224 : i32
      %get3A_1226 = arith.index_cast %add3A_1223 : i32 to index
      %get3A_1227 = arith.index_cast %add3A_1225 : i32 to index
      %get3A_1228 = tpu.vector_load %arg14[%get3A_1226, %get3A_1227] {strides = array<i32>} : memref<256x128xf32, #tpu.memory_space<vmem>>, vector<16xf32>,
      %mul3A_1229 = arith.mulf %get3A_1209, %get3A_1221 : vector<16xf32>
      %mul3A_1230 = arith.mulf %get3A_1216, %get3A_1228 : vector<16xf32>
      %add3A_1231 = arith.addf %mul3A_1229, %mul3A_1230 : vector<16xf32>
      %reduce_sum3A_1232 = arith.constant true
      %reduce_sum3A_1233 = vector.broadcast %reduce_sum3A_1232 : i1 to vector<16xi1>
      %reduce_sum3A_1234 = tpu.scan <sum>, %add3A_1231 masked %reduce_sum3A_1233 : vector<16xf32>, vector<16xi1> -> vector<16xf32>
      %reduce_sum3A_1235 = vector.extract %reduce_sum3A_1234[15] : f32 from vector<16xf32>
      %eq3A_1236 = arith.constant 6 : i32
      %eq3A_1237 = vector.broadcast %eq3A_1236 : i32 to vector<16xi32>
      %eq3A_1238 = arith.cmpi eq, %iota3A, %eq3A_1237 : vector<16xi32>
      %broadcast_in_dim3A_1239 = vector.broadcast %reduce_sum3A_1235 : f32 to vector<16xf32>
      %select_n3A_1240 = arith.select %eq3A_1238, %broadcast_in_dim3A_1239, %select_n3A_1200 : vector<16xi1>, vector<16xf32>
      %slice3A_1241 = vector.extract_strided_slice %mul3A_952 {offsets = [7], sizes = [1], strides = [1]} : vector<16xi32> to vector<1xi32>
      %squeeze3A_1242 = vector.extract %slice3A_1241[0] : i32 from vector<1xi32>
      %slice3A_1243 = vector.extract_strided_slice %mul3A_961 {offsets = [7], sizes = [1], strides = [1]} : vector<16xi32> to vector<1xi32>
      %squeeze3A_1244 = vector.extract %slice3A_1243[0] : i32 from vector<1xi32>
      %add3A_1245 = arith.constant 7 : i32
      %add3A_1246 = arith.addi %mul3A_908, %add3A_1245 : i32
      %get3A_1247 = arith.index_cast %add3A_1246 : i32 to index
      %get3A_1248 = arith.index_cast %squeeze3A_1242 : i32 to index
      %get3A_1249 = tpu.vector_load %arg13[%get3A_1247, %get3A_1248] {strides = array<i32>} : memref<256x128xf32, #tpu.memory_space<vmem>>, vector<16xf32>,
      %add3A_1250 = arith.constant 7 : i32
      %add3A_1251 = arith.addi %mul3A_908, %add3A_1250 : i32
      %add3A_1252 = arith.constant 16 : i32
      %add3A_1253 = arith.addi %squeeze3A_1242, %add3A_1252 : i32
      %get3A_1254 = arith.index_cast %add3A_1251 : i32 to index
      %get3A_1255 = arith.index_cast %add3A_1253 : i32 to index
      %get3A_1256 = tpu.vector_load %arg13[%get3A_1254, %get3A_1255] {strides = array<i32>} : memref<256x128xf32, #tpu.memory_space<vmem>>, vector<16xf32>,
      %add3A_1257 = arith.constant 7 : i32
      %add3A_1258 = arith.addi %mul3A_908, %add3A_1257 : i32
      %get3A_1259 = arith.index_cast %add3A_1258 : i32 to index
      %get3A_1260 = arith.index_cast %squeeze3A_1244 : i32 to index
      %get3A_1261 = tpu.vector_load %arg14[%get3A_1259, %get3A_1260] {strides = array<i32>} : memref<256x128xf32, #tpu.memory_space<vmem>>, vector<16xf32>,
      %add3A_1262 = arith.constant 7 : i32
      %add3A_1263 = arith.addi %mul3A_908, %add3A_1262 : i32
      %add3A_1264 = arith.constant 16 : i32
      %add3A_1265 = arith.addi %squeeze3A_1244, %add3A_1264 : i32
      %get3A_1266 = arith.index_cast %add3A_1263 : i32 to index
      %get3A_1267 = arith.index_cast %add3A_1265 : i32 to index
      %get3A_1268 = tpu.vector_load %arg14[%get3A_1266, %get3A_1267] {strides = array<i32>} : memref<256x128xf32, #tpu.memory_space<vmem>>, vector<16xf32>,
      %mul3A_1269 = arith.mulf %get3A_1249, %get3A_1261 : vector<16xf32>
      %mul3A_1270 = arith.mulf %get3A_1256, %get3A_1268 : vector<16xf32>
      %add3A_1271 = arith.addf %mul3A_1269, %mul3A_1270 : vector<16xf32>
      %reduce_sum3A_1272 = arith.constant true
      %reduce_sum3A_1273 = vector.broadcast %reduce_sum3A_1272 : i1 to vector<16xi1>
      %reduce_sum3A_1274 = tpu.scan <sum>, %add3A_1271 masked %reduce_sum3A_1273 : vector<16xf32>, vector<16xi1> -> vector<16xf32>
      %reduce_sum3A_1275 = vector.extract %reduce_sum3A_1274[15] : f32 from vector<16xf32>
      %eq3A_1276 = arith.constant 7 : i32
      %eq3A_1277 = vector.broadcast %eq3A_1276 : i32 to vector<16xi32>
      %eq3A_1278 = arith.cmpi eq, %iota3A, %eq3A_1277 : vector<16xi32>
      %broadcast_in_dim3A_1279 = vector.broadcast %reduce_sum3A_1275 : f32 to vector<16xf32>
      %select_n3A_1280 = arith.select %eq3A_1278, %broadcast_in_dim3A_1279, %select_n3A_1240 : vector<16xi1>, vector<16xf32>
      %slice3A_1281 = vector.extract_strided_slice %mul3A_952 {offsets = [8], sizes = [1], strides = [1]} : vector<16xi32> to vector<1xi32>
      %squeeze3A_1282 = vector.extract %slice3A_1281[0] : i32 from vector<1xi32>
      %slice3A_1283 = vector.extract_strided_slice %mul3A_961 {offsets = [8], sizes = [1], strides = [1]} : vector<16xi32> to vector<1xi32>
      %squeeze3A_1284 = vector.extract %slice3A_1283[0] : i32 from vector<1xi32>
      %add3A_1285 = arith.constant 8 : i32
      %add3A_1286 = arith.addi %mul3A_908, %add3A_1285 : i32
      %get3A_1287 = arith.index_cast %add3A_1286 : i32 to index
      %get3A_1288 = arith.index_cast %squeeze3A_1282 : i32 to index
      %get3A_1289 = tpu.vector_load %arg13[%get3A_1287, %get3A_1288] {strides = array<i32>} : memref<256x128xf32, #tpu.memory_space<vmem>>, vector<16xf32>,
      %add3A_1290 = arith.constant 8 : i32
      %add3A_1291 = arith.addi %mul3A_908, %add3A_1290 : i32
      %add3A_1292 = arith.constant 16 : i32
      %add3A_1293 = arith.addi %squeeze3A_1282, %add3A_1292 : i32
      %get3A_1294 = arith.index_cast %add3A_1291 : i32 to index
      %get3A_1295 = arith.index_cast %add3A_1293 : i32 to index
      %get3A_1296 = tpu.vector_load %arg13[%get3A_1294, %get3A_1295] {strides = array<i32>} : memref<256x128xf32, #tpu.memory_space<vmem>>, vector<16xf32>,
      %add3A_1297 = arith.constant 8 : i32
      %add3A_1298 = arith.addi %mul3A_908, %add3A_1297 : i32
      %get3A_1299 = arith.index_cast %add3A_1298 : i32 to index
      %get3A_1300 = arith.index_cast %squeeze3A_1284 : i32 to index
      %get3A_1301 = tpu.vector_load %arg14[%get3A_1299, %get3A_1300] {strides = array<i32>} : memref<256x128xf32, #tpu.memory_space<vmem>>, vector<16xf32>,
      %add3A_1302 = arith.constant 8 : i32
      %add3A_1303 = arith.addi %mul3A_908, %add3A_1302 : i32
      %add3A_1304 = arith.constant 16 : i32
      %add3A_1305 = arith.addi %squeeze3A_1284, %add3A_1304 : i32
      %get3A_1306 = arith.index_cast %add3A_1303 : i32 to index
      %get3A_1307 = arith.index_cast %add3A_1305 : i32 to index
      %get3A_1308 = tpu.vector_load %arg14[%get3A_1306, %get3A_1307] {strides = array<i32>} : memref<256x128xf32, #tpu.memory_space<vmem>>, vector<16xf32>,
      %mul3A_1309 = arith.mulf %get3A_1289, %get3A_1301 : vector<16xf32>
      %mul3A_1310 = arith.mulf %get3A_1296, %get3A_1308 : vector<16xf32>
      %add3A_1311 = arith.addf %mul3A_1309, %mul3A_1310 : vector<16xf32>
      %reduce_sum3A_1312 = arith.constant true
      %reduce_sum3A_1313 = vector.broadcast %reduce_sum3A_1312 : i1 to vector<16xi1>
      %reduce_sum3A_1314 = tpu.scan <sum>, %add3A_1311 masked %reduce_sum3A_1313 : vector<16xf32>, vector<16xi1> -> vector<16xf32>
      %reduce_sum3A_1315 = vector.extract %reduce_sum3A_1314[15] : f32 from vector<16xf32>
      %eq3A_1316 = arith.constant 8 : i32
      %eq3A_1317 = vector.broadcast %eq3A_1316 : i32 to vector<16xi32>
      %eq3A_1318 = arith.cmpi eq, %iota3A, %eq3A_1317 : vector<16xi32>
      %broadcast_in_dim3A_1319 = vector.broadcast %reduce_sum3A_1315 : f32 to vector<16xf32>
      %select_n3A_1320 = arith.select %eq3A_1318, %broadcast_in_dim3A_1319, %select_n3A_1280 : vector<16xi1>, vector<16xf32>
      %slice3A_1321 = vector.extract_strided_slice %mul3A_952 {offsets = [9], sizes = [1], strides = [1]} : vector<16xi32> to vector<1xi32>
      %squeeze3A_1322 = vector.extract %slice3A_1321[0] : i32 from vector<1xi32>
      %slice3A_1323 = vector.extract_strided_slice %mul3A_961 {offsets = [9], sizes = [1], strides = [1]} : vector<16xi32> to vector<1xi32>
      %squeeze3A_1324 = vector.extract %slice3A_1323[0] : i32 from vector<1xi32>
      %add3A_1325 = arith.constant 9 : i32
      %add3A_1326 = arith.addi %mul3A_908, %add3A_1325 : i32
      %get3A_1327 = arith.index_cast %add3A_1326 : i32 to index
      %get3A_1328 = arith.index_cast %squeeze3A_1322 : i32 to index
      %get3A_1329 = tpu.vector_load %arg13[%get3A_1327, %get3A_1328] {strides = array<i32>} : memref<256x128xf32, #tpu.memory_space<vmem>>, vector<16xf32>,
      %add3A_1330 = arith.constant 9 : i32
      %add3A_1331 = arith.addi %mul3A_908, %add3A_1330 : i32
      %add3A_1332 = arith.constant 16 : i32
      %add3A_1333 = arith.addi %squeeze3A_1322, %add3A_1332 : i32
      %get3A_1334 = arith.index_cast %add3A_1331 : i32 to index
      %get3A_1335 = arith.index_cast %add3A_1333 : i32 to index
      %get3A_1336 = tpu.vector_load %arg13[%get3A_1334, %get3A_1335] {strides = array<i32>} : memref<256x128xf32, #tpu.memory_space<vmem>>, vector<16xf32>,
      %add3A_1337 = arith.constant 9 : i32
      %add3A_1338 = arith.addi %mul3A_908, %add3A_1337 : i32
      %get3A_1339 = arith.index_cast %add3A_1338 : i32 to index
      %get3A_1340 = arith.index_cast %squeeze3A_1324 : i32 to index
      %get3A_1341 = tpu.vector_load %arg14[%get3A_1339, %get3A_1340] {strides = array<i32>} : memref<256x128xf32, #tpu.memory_space<vmem>>, vector<16xf32>,
      %add3A_1342 = arith.constant 9 : i32
      %add3A_1343 = arith.addi %mul3A_908, %add3A_1342 : i32
      %add3A_1344 = arith.constant 16 : i32
      %add3A_1345 = arith.addi %squeeze3A_1324, %add3A_1344 : i32
      %get3A_1346 = arith.index_cast %add3A_1343 : i32 to index
      %get3A_1347 = arith.index_cast %add3A_1345 : i32 to index
      %get3A_1348 = tpu.vector_load %arg14[%get3A_1346, %get3A_1347] {strides = array<i32>} : memref<256x128xf32, #tpu.memory_space<vmem>>, vector<16xf32>,
      %mul3A_1349 = arith.mulf %get3A_1329, %get3A_1341 : vector<16xf32>
      %mul3A_1350 = arith.mulf %get3A_1336, %get3A_1348 : vector<16xf32>
      %add3A_1351 = arith.addf %mul3A_1349, %mul3A_1350 : vector<16xf32>
      %reduce_sum3A_1352 = arith.constant true
      %reduce_sum3A_1353 = vector.broadcast %reduce_sum3A_1352 : i1 to vector<16xi1>
      %reduce_sum3A_1354 = tpu.scan <sum>, %add3A_1351 masked %reduce_sum3A_1353 : vector<16xf32>, vector<16xi1> -> vector<16xf32>
      %reduce_sum3A_1355 = vector.extract %reduce_sum3A_1354[15] : f32 from vector<16xf32>
      %eq3A_1356 = arith.constant 9 : i32
      %eq3A_1357 = vector.broadcast %eq3A_1356 : i32 to vector<16xi32>
      %eq3A_1358 = arith.cmpi eq, %iota3A, %eq3A_1357 : vector<16xi32>
      %broadcast_in_dim3A_1359 = vector.broadcast %reduce_sum3A_1355 : f32 to vector<16xf32>
      %select_n3A_1360 = arith.select %eq3A_1358, %broadcast_in_dim3A_1359, %select_n3A_1320 : vector<16xi1>, vector<16xf32>
      %slice3A_1361 = vector.extract_strided_slice %mul3A_952 {offsets = [10], sizes = [1], strides = [1]} : vector<16xi32> to vector<1xi32>
      %squeeze3A_1362 = vector.extract %slice3A_1361[0] : i32 from vector<1xi32>
      %slice3A_1363 = vector.extract_strided_slice %mul3A_961 {offsets = [10], sizes = [1], strides = [1]} : vector<16xi32> to vector<1xi32>
      %squeeze3A_1364 = vector.extract %slice3A_1363[0] : i32 from vector<1xi32>
      %add3A_1365 = arith.constant 10 : i32
      %add3A_1366 = arith.addi %mul3A_908, %add3A_1365 : i32
      %get3A_1367 = arith.index_cast %add3A_1366 : i32 to index
      %get3A_1368 = arith.index_cast %squeeze3A_1362 : i32 to index
      %get3A_1369 = tpu.vector_load %arg13[%get3A_1367, %get3A_1368] {strides = array<i32>} : memref<256x128xf32, #tpu.memory_space<vmem>>, vector<16xf32>,
      %add3A_1370 = arith.constant 10 : i32
      %add3A_1371 = arith.addi %mul3A_908, %add3A_1370 : i32
      %add3A_1372 = arith.constant 16 : i32
      %add3A_1373 = arith.addi %squeeze3A_1362, %add3A_1372 : i32
      %get3A_1374 = arith.index_cast %add3A_1371 : i32 to index
      %get3A_1375 = arith.index_cast %add3A_1373 : i32 to index
      %get3A_1376 = tpu.vector_load %arg13[%get3A_1374, %get3A_1375] {strides = array<i32>} : memref<256x128xf32, #tpu.memory_space<vmem>>, vector<16xf32>,
      %add3A_1377 = arith.constant 10 : i32
      %add3A_1378 = arith.addi %mul3A_908, %add3A_1377 : i32
      %get3A_1379 = arith.index_cast %add3A_1378 : i32 to index
      %get3A_1380 = arith.index_cast %squeeze3A_1364 : i32 to index
      %get3A_1381 = tpu.vector_load %arg14[%get3A_1379, %get3A_1380] {strides = array<i32>} : memref<256x128xf32, #tpu.memory_space<vmem>>, vector<16xf32>,
      %add3A_1382 = arith.constant 10 : i32
      %add3A_1383 = arith.addi %mul3A_908, %add3A_1382 : i32
      %add3A_1384 = arith.constant 16 : i32
      %add3A_1385 = arith.addi %squeeze3A_1364, %add3A_1384 : i32
      %get3A_1386 = arith.index_cast %add3A_1383 : i32 to index
      %get3A_1387 = arith.index_cast %add3A_1385 : i32 to index
      %get3A_1388 = tpu.vector_load %arg14[%get3A_1386, %get3A_1387] {strides = array<i32>} : memref<256x128xf32, #tpu.memory_space<vmem>>, vector<16xf32>,
      %mul3A_1389 = arith.mulf %get3A_1369, %get3A_1381 : vector<16xf32>
      %mul3A_1390 = arith.mulf %get3A_1376, %get3A_1388 : vector<16xf32>
      %add3A_1391 = arith.addf %mul3A_1389, %mul3A_1390 : vector<16xf32>
      %reduce_sum3A_1392 = arith.constant true
      %reduce_sum3A_1393 = vector.broadcast %reduce_sum3A_1392 : i1 to vector<16xi1>
      %reduce_sum3A_1394 = tpu.scan <sum>, %add3A_1391 masked %reduce_sum3A_1393 : vector<16xf32>, vector<16xi1> -> vector<16xf32>
      %reduce_sum3A_1395 = vector.extract %reduce_sum3A_1394[15] : f32 from vector<16xf32>
      %eq3A_1396 = arith.constant 10 : i32
      %eq3A_1397 = vector.broadcast %eq3A_1396 : i32 to vector<16xi32>
      %eq3A_1398 = arith.cmpi eq, %iota3A, %eq3A_1397 : vector<16xi32>
      %broadcast_in_dim3A_1399 = vector.broadcast %reduce_sum3A_1395 : f32 to vector<16xf32>
      %select_n3A_1400 = arith.select %eq3A_1398, %broadcast_in_dim3A_1399, %select_n3A_1360 : vector<16xi1>, vector<16xf32>
      %slice3A_1401 = vector.extract_strided_slice %mul3A_952 {offsets = [11], sizes = [1], strides = [1]} : vector<16xi32> to vector<1xi32>
      %squeeze3A_1402 = vector.extract %slice3A_1401[0] : i32 from vector<1xi32>
      %slice3A_1403 = vector.extract_strided_slice %mul3A_961 {offsets = [11], sizes = [1], strides = [1]} : vector<16xi32> to vector<1xi32>
      %squeeze3A_1404 = vector.extract %slice3A_1403[0] : i32 from vector<1xi32>
      %add3A_1405 = arith.constant 11 : i32
      %add3A_1406 = arith.addi %mul3A_908, %add3A_1405 : i32
      %get3A_1407 = arith.index_cast %add3A_1406 : i32 to index
      %get3A_1408 = arith.index_cast %squeeze3A_1402 : i32 to index
      %get3A_1409 = tpu.vector_load %arg13[%get3A_1407, %get3A_1408] {strides = array<i32>} : memref<256x128xf32, #tpu.memory_space<vmem>>, vector<16xf32>,
      %add3A_1410 = arith.constant 11 : i32
      %add3A_1411 = arith.addi %mul3A_908, %add3A_1410 : i32
      %add3A_1412 = arith.constant 16 : i32
      %add3A_1413 = arith.addi %squeeze3A_1402, %add3A_1412 : i32
      %get3A_1414 = arith.index_cast %add3A_1411 : i32 to index
      %get3A_1415 = arith.index_cast %add3A_1413 : i32 to index
      %get3A_1416 = tpu.vector_load %arg13[%get3A_1414, %get3A_1415] {strides = array<i32>} : memref<256x128xf32, #tpu.memory_space<vmem>>, vector<16xf32>,
      %add3A_1417 = arith.constant 11 : i32
      %add3A_1418 = arith.addi %mul3A_908, %add3A_1417 : i32
      %get3A_1419 = arith.index_cast %add3A_1418 : i32 to index
      %get3A_1420 = arith.index_cast %squeeze3A_1404 : i32 to index
      %get3A_1421 = tpu.vector_load %arg14[%get3A_1419, %get3A_1420] {strides = array<i32>} : memref<256x128xf32, #tpu.memory_space<vmem>>, vector<16xf32>,
      %add3A_1422 = arith.constant 11 : i32
      %add3A_1423 = arith.addi %mul3A_908, %add3A_1422 : i32
      %add3A_1424 = arith.constant 16 : i32
      %add3A_1425 = arith.addi %squeeze3A_1404, %add3A_1424 : i32
      %get3A_1426 = arith.index_cast %add3A_1423 : i32 to index
      %get3A_1427 = arith.index_cast %add3A_1425 : i32 to index
      %get3A_1428 = tpu.vector_load %arg14[%get3A_1426, %get3A_1427] {strides = array<i32>} : memref<256x128xf32, #tpu.memory_space<vmem>>, vector<16xf32>,
      %mul3A_1429 = arith.mulf %get3A_1409, %get3A_1421 : vector<16xf32>
      %mul3A_1430 = arith.mulf %get3A_1416, %get3A_1428 : vector<16xf32>
      %add3A_1431 = arith.addf %mul3A_1429, %mul3A_1430 : vector<16xf32>
      %reduce_sum3A_1432 = arith.constant true
      %reduce_sum3A_1433 = vector.broadcast %reduce_sum3A_1432 : i1 to vector<16xi1>
      %reduce_sum3A_1434 = tpu.scan <sum>, %add3A_1431 masked %reduce_sum3A_1433 : vector<16xf32>, vector<16xi1> -> vector<16xf32>
      %reduce_sum3A_1435 = vector.extract %reduce_sum3A_1434[15] : f32 from vector<16xf32>
      %eq3A_1436 = arith.constant 11 : i32
      %eq3A_1437 = vector.broadcast %eq3A_1436 : i32 to vector<16xi32>
      %eq3A_1438 = arith.cmpi eq, %iota3A, %eq3A_1437 : vector<16xi32>
      %broadcast_in_dim3A_1439 = vector.broadcast %reduce_sum3A_1435 : f32 to vector<16xf32>
      %select_n3A_1440 = arith.select %eq3A_1438, %broadcast_in_dim3A_1439, %select_n3A_1400 : vector<16xi1>, vector<16xf32>
      %slice3A_1441 = vector.extract_strided_slice %mul3A_952 {offsets = [12], sizes = [1], strides = [1]} : vector<16xi32> to vector<1xi32>
      %squeeze3A_1442 = vector.extract %slice3A_1441[0] : i32 from vector<1xi32>
      %slice3A_1443 = vector.extract_strided_slice %mul3A_961 {offsets = [12], sizes = [1], strides = [1]} : vector<16xi32> to vector<1xi32>
      %squeeze3A_1444 = vector.extract %slice3A_1443[0] : i32 from vector<1xi32>
      %add3A_1445 = arith.constant 12 : i32
      %add3A_1446 = arith.addi %mul3A_908, %add3A_1445 : i32
      %get3A_1447 = arith.index_cast %add3A_1446 : i32 to index
      %get3A_1448 = arith.index_cast %squeeze3A_1442 : i32 to index
      %get3A_1449 = tpu.vector_load %arg13[%get3A_1447, %get3A_1448] {strides = array<i32>} : memref<256x128xf32, #tpu.memory_space<vmem>>, vector<16xf32>,
      %add3A_1450 = arith.constant 12 : i32
      %add3A_1451 = arith.addi %mul3A_908, %add3A_1450 : i32
      %add3A_1452 = arith.constant 16 : i32
      %add3A_1453 = arith.addi %squeeze3A_1442, %add3A_1452 : i32
      %get3A_1454 = arith.index_cast %add3A_1451 : i32 to index
      %get3A_1455 = arith.index_cast %add3A_1453 : i32 to index
      %get3A_1456 = tpu.vector_load %arg13[%get3A_1454, %get3A_1455] {strides = array<i32>} : memref<256x128xf32, #tpu.memory_space<vmem>>, vector<16xf32>,
      %add3A_1457 = arith.constant 12 : i32
      %add3A_1458 = arith.addi %mul3A_908, %add3A_1457 : i32
      %get3A_1459 = arith.index_cast %add3A_1458 : i32 to index
      %get3A_1460 = arith.index_cast %squeeze3A_1444 : i32 to index
      %get3A_1461 = tpu.vector_load %arg14[%get3A_1459, %get3A_1460] {strides = array<i32>} : memref<256x128xf32, #tpu.memory_space<vmem>>, vector<16xf32>,
      %add3A_1462 = arith.constant 12 : i32
      %add3A_1463 = arith.addi %mul3A_908, %add3A_1462 : i32
      %add3A_1464 = arith.constant 16 : i32
      %add3A_1465 = arith.addi %squeeze3A_1444, %add3A_1464 : i32
      %get3A_1466 = arith.index_cast %add3A_1463 : i32 to index
      %get3A_1467 = arith.index_cast %add3A_1465 : i32 to index
      %get3A_1468 = tpu.vector_load %arg14[%get3A_1466, %get3A_1467] {strides = array<i32>} : memref<256x128xf32, #tpu.memory_space<vmem>>, vector<16xf32>,
      %mul3A_1469 = arith.mulf %get3A_1449, %get3A_1461 : vector<16xf32>
      %mul3A_1470 = arith.mulf %get3A_1456, %get3A_1468 : vector<16xf32>
      %add3A_1471 = arith.addf %mul3A_1469, %mul3A_1470 : vector<16xf32>
      %reduce_sum3A_1472 = arith.constant true
      %reduce_sum3A_1473 = vector.broadcast %reduce_sum3A_1472 : i1 to vector<16xi1>
      %reduce_sum3A_1474 = tpu.scan <sum>, %add3A_1471 masked %reduce_sum3A_1473 : vector<16xf32>, vector<16xi1> -> vector<16xf32>
      %reduce_sum3A_1475 = vector.extract %reduce_sum3A_1474[15] : f32 from vector<16xf32>
      %eq3A_1476 = arith.constant 12 : i32
      %eq3A_1477 = vector.broadcast %eq3A_1476 : i32 to vector<16xi32>
      %eq3A_1478 = arith.cmpi eq, %iota3A, %eq3A_1477 : vector<16xi32>
      %broadcast_in_dim3A_1479 = vector.broadcast %reduce_sum3A_1475 : f32 to vector<16xf32>
      %select_n3A_1480 = arith.select %eq3A_1478, %broadcast_in_dim3A_1479, %select_n3A_1440 : vector<16xi1>, vector<16xf32>
      %slice3A_1481 = vector.extract_strided_slice %mul3A_952 {offsets = [13], sizes = [1], strides = [1]} : vector<16xi32> to vector<1xi32>
      %squeeze3A_1482 = vector.extract %slice3A_1481[0] : i32 from vector<1xi32>
      %slice3A_1483 = vector.extract_strided_slice %mul3A_961 {offsets = [13], sizes = [1], strides = [1]} : vector<16xi32> to vector<1xi32>
      %squeeze3A_1484 = vector.extract %slice3A_1483[0] : i32 from vector<1xi32>
      %add3A_1485 = arith.constant 13 : i32
      %add3A_1486 = arith.addi %mul3A_908, %add3A_1485 : i32
      %get3A_1487 = arith.index_cast %add3A_1486 : i32 to index
      %get3A_1488 = arith.index_cast %squeeze3A_1482 : i32 to index
      %get3A_1489 = tpu.vector_load %arg13[%get3A_1487, %get3A_1488] {strides = array<i32>} : memref<256x128xf32, #tpu.memory_space<vmem>>, vector<16xf32>,
      %add3A_1490 = arith.constant 13 : i32
      %add3A_1491 = arith.addi %mul3A_908, %add3A_1490 : i32
      %add3A_1492 = arith.constant 16 : i32
      %add3A_1493 = arith.addi %squeeze3A_1482, %add3A_1492 : i32
      %get3A_1494 = arith.index_cast %add3A_1491 : i32 to index
      %get3A_1495 = arith.index_cast %add3A_1493 : i32 to index
      %get3A_1496 = tpu.vector_load %arg13[%get3A_1494, %get3A_1495] {strides = array<i32>} : memref<256x128xf32, #tpu.memory_space<vmem>>, vector<16xf32>,
      %add3A_1497 = arith.constant 13 : i32
      %add3A_1498 = arith.addi %mul3A_908, %add3A_1497 : i32
      %get3A_1499 = arith.index_cast %add3A_1498 : i32 to index
      %get3A_1500 = arith.index_cast %squeeze3A_1484 : i32 to index
      %get3A_1501 = tpu.vector_load %arg14[%get3A_1499, %get3A_1500] {strides = array<i32>} : memref<256x128xf32, #tpu.memory_space<vmem>>, vector<16xf32>,
      %add3A_1502 = arith.constant 13 : i32
      %add3A_1503 = arith.addi %mul3A_908, %add3A_1502 : i32
      %add3A_1504 = arith.constant 16 : i32
      %add3A_1505 = arith.addi %squeeze3A_1484, %add3A_1504 : i32
      %get3A_1506 = arith.index_cast %add3A_1503 : i32 to index
      %get3A_1507 = arith.index_cast %add3A_1505 : i32 to index
      %get3A_1508 = tpu.vector_load %arg14[%get3A_1506, %get3A_1507] {strides = array<i32>} : memref<256x128xf32, #tpu.memory_space<vmem>>, vector<16xf32>,
      %mul3A_1509 = arith.mulf %get3A_1489, %get3A_1501 : vector<16xf32>
      %mul3A_1510 = arith.mulf %get3A_1496, %get3A_1508 : vector<16xf32>
      %add3A_1511 = arith.addf %mul3A_1509, %mul3A_1510 : vector<16xf32>
      %reduce_sum3A_1512 = arith.constant true
      %reduce_sum3A_1513 = vector.broadcast %reduce_sum3A_1512 : i1 to vector<16xi1>
      %reduce_sum3A_1514 = tpu.scan <sum>, %add3A_1511 masked %reduce_sum3A_1513 : vector<16xf32>, vector<16xi1> -> vector<16xf32>
      %reduce_sum3A_1515 = vector.extract %reduce_sum3A_1514[15] : f32 from vector<16xf32>
      %eq3A_1516 = arith.constant 13 : i32
      %eq3A_1517 = vector.broadcast %eq3A_1516 : i32 to vector<16xi32>
      %eq3A_1518 = arith.cmpi eq, %iota3A, %eq3A_1517 : vector<16xi32>
      %broadcast_in_dim3A_1519 = vector.broadcast %reduce_sum3A_1515 : f32 to vector<16xf32>
      %select_n3A_1520 = arith.select %eq3A_1518, %broadcast_in_dim3A_1519, %select_n3A_1480 : vector<16xi1>, vector<16xf32>
      %slice3A_1521 = vector.extract_strided_slice %mul3A_952 {offsets = [14], sizes = [1], strides = [1]} : vector<16xi32> to vector<1xi32>
      %squeeze3A_1522 = vector.extract %slice3A_1521[0] : i32 from vector<1xi32>
      %slice3A_1523 = vector.extract_strided_slice %mul3A_961 {offsets = [14], sizes = [1], strides = [1]} : vector<16xi32> to vector<1xi32>
      %squeeze3A_1524 = vector.extract %slice3A_1523[0] : i32 from vector<1xi32>
      %add3A_1525 = arith.constant 14 : i32
      %add3A_1526 = arith.addi %mul3A_908, %add3A_1525 : i32
      %get3A_1527 = arith.index_cast %add3A_1526 : i32 to index
      %get3A_1528 = arith.index_cast %squeeze3A_1522 : i32 to index
      %get3A_1529 = tpu.vector_load %arg13[%get3A_1527, %get3A_1528] {strides = array<i32>} : memref<256x128xf32, #tpu.memory_space<vmem>>, vector<16xf32>,
      %add3A_1530 = arith.constant 14 : i32
      %add3A_1531 = arith.addi %mul3A_908, %add3A_1530 : i32
      %add3A_1532 = arith.constant 16 : i32
      %add3A_1533 = arith.addi %squeeze3A_1522, %add3A_1532 : i32
      %get3A_1534 = arith.index_cast %add3A_1531 : i32 to index
      %get3A_1535 = arith.index_cast %add3A_1533 : i32 to index
      %get3A_1536 = tpu.vector_load %arg13[%get3A_1534, %get3A_1535] {strides = array<i32>} : memref<256x128xf32, #tpu.memory_space<vmem>>, vector<16xf32>,
      %add3A_1537 = arith.constant 14 : i32
      %add3A_1538 = arith.addi %mul3A_908, %add3A_1537 : i32
      %get3A_1539 = arith.index_cast %add3A_1538 : i32 to index
      %get3A_1540 = arith.index_cast %squeeze3A_1524 : i32 to index
      %get3A_1541 = tpu.vector_load %arg14[%get3A_1539, %get3A_1540] {strides = array<i32>} : memref<256x128xf32, #tpu.memory_space<vmem>>, vector<16xf32>,
      %add3A_1542 = arith.constant 14 : i32
      %add3A_1543 = arith.addi %mul3A_908, %add3A_1542 : i32
      %add3A_1544 = arith.constant 16 : i32
      %add3A_1545 = arith.addi %squeeze3A_1524, %add3A_1544 : i32
      %get3A_1546 = arith.index_cast %add3A_1543 : i32 to index
      %get3A_1547 = arith.index_cast %add3A_1545 : i32 to index
      %get3A_1548 = tpu.vector_load %arg14[%get3A_1546, %get3A_1547] {strides = array<i32>} : memref<256x128xf32, #tpu.memory_space<vmem>>, vector<16xf32>,
      %mul3A_1549 = arith.mulf %get3A_1529, %get3A_1541 : vector<16xf32>
      %mul3A_1550 = arith.mulf %get3A_1536, %get3A_1548 : vector<16xf32>
      %add3A_1551 = arith.addf %mul3A_1549, %mul3A_1550 : vector<16xf32>
      %reduce_sum3A_1552 = arith.constant true
      %reduce_sum3A_1553 = vector.broadcast %reduce_sum3A_1552 : i1 to vector<16xi1>
      %reduce_sum3A_1554 = tpu.scan <sum>, %add3A_1551 masked %reduce_sum3A_1553 : vector<16xf32>, vector<16xi1> -> vector<16xf32>
      %reduce_sum3A_1555 = vector.extract %reduce_sum3A_1554[15] : f32 from vector<16xf32>
      %eq3A_1556 = arith.constant 14 : i32
      %eq3A_1557 = vector.broadcast %eq3A_1556 : i32 to vector<16xi32>
      %eq3A_1558 = arith.cmpi eq, %iota3A, %eq3A_1557 : vector<16xi32>
      %broadcast_in_dim3A_1559 = vector.broadcast %reduce_sum3A_1555 : f32 to vector<16xf32>
      %select_n3A_1560 = arith.select %eq3A_1558, %broadcast_in_dim3A_1559, %select_n3A_1520 : vector<16xi1>, vector<16xf32>
      %slice3A_1561 = vector.extract_strided_slice %mul3A_952 {offsets = [15], sizes = [1], strides = [1]} : vector<16xi32> to vector<1xi32>
      %squeeze3A_1562 = vector.extract %slice3A_1561[0] : i32 from vector<1xi32>
      %slice3A_1563 = vector.extract_strided_slice %mul3A_961 {offsets = [15], sizes = [1], strides = [1]} : vector<16xi32> to vector<1xi32>
      %squeeze3A_1564 = vector.extract %slice3A_1563[0] : i32 from vector<1xi32>
      %add3A_1565 = arith.constant 15 : i32
      %add3A_1566 = arith.addi %mul3A_908, %add3A_1565 : i32
      %get3A_1567 = arith.index_cast %add3A_1566 : i32 to index
      %get3A_1568 = arith.index_cast %squeeze3A_1562 : i32 to index
      %get3A_1569 = tpu.vector_load %arg13[%get3A_1567, %get3A_1568] {strides = array<i32>} : memref<256x128xf32, #tpu.memory_space<vmem>>, vector<16xf32>,
      %add3A_1570 = arith.constant 15 : i32
      %add3A_1571 = arith.addi %mul3A_908, %add3A_1570 : i32
      %add3A_1572 = arith.constant 16 : i32
      %add3A_1573 = arith.addi %squeeze3A_1562, %add3A_1572 : i32
      %get3A_1574 = arith.index_cast %add3A_1571 : i32 to index
      %get3A_1575 = arith.index_cast %add3A_1573 : i32 to index
      %get3A_1576 = tpu.vector_load %arg13[%get3A_1574, %get3A_1575] {strides = array<i32>} : memref<256x128xf32, #tpu.memory_space<vmem>>, vector<16xf32>,
      %add3A_1577 = arith.constant 15 : i32
      %add3A_1578 = arith.addi %mul3A_908, %add3A_1577 : i32
      %get3A_1579 = arith.index_cast %add3A_1578 : i32 to index
      %get3A_1580 = arith.index_cast %squeeze3A_1564 : i32 to index
      %get3A_1581 = tpu.vector_load %arg14[%get3A_1579, %get3A_1580] {strides = array<i32>} : memref<256x128xf32, #tpu.memory_space<vmem>>, vector<16xf32>,
      %add3A_1582 = arith.constant 15 : i32
      %add3A_1583 = arith.addi %mul3A_908, %add3A_1582 : i32
      %add3A_1584 = arith.constant 16 : i32
      %add3A_1585 = arith.addi %squeeze3A_1564, %add3A_1584 : i32
      %get3A_1586 = arith.index_cast %add3A_1583 : i32 to index
      %get3A_1587 = arith.index_cast %add3A_1585 : i32 to index
      %get3A_1588 = tpu.vector_load %arg14[%get3A_1586, %get3A_1587] {strides = array<i32>} : memref<256x128xf32, #tpu.memory_space<vmem>>, vector<16xf32>,
      %mul3A_1589 = arith.mulf %get3A_1569, %get3A_1581 : vector<16xf32>
      %mul3A_1590 = arith.mulf %get3A_1576, %get3A_1588 : vector<16xf32>
      %add3A_1591 = arith.addf %mul3A_1589, %mul3A_1590 : vector<16xf32>
      %reduce_sum3A_1592 = arith.constant true
      %reduce_sum3A_1593 = vector.broadcast %reduce_sum3A_1592 : i1 to vector<16xi1>
      %reduce_sum3A_1594 = tpu.scan <sum>, %add3A_1591 masked %reduce_sum3A_1593 : vector<16xf32>, vector<16xi1> -> vector<16xf32>
      %reduce_sum3A_1595 = vector.extract %reduce_sum3A_1594[15] : f32 from vector<16xf32>
      %eq3A_1596 = arith.constant 15 : i32
      %eq3A_1597 = vector.broadcast %eq3A_1596 : i32 to vector<16xi32>
      %eq3A_1598 = arith.cmpi eq, %iota3A, %eq3A_1597 : vector<16xi32>
      %broadcast_in_dim3A_1599 = vector.broadcast %reduce_sum3A_1595 : f32 to vector<16xf32>
      %select_n3A_1600 = arith.select %eq3A_1598, %broadcast_in_dim3A_1599, %select_n3A_1560 : vector<16xi1>, vector<16xf32>
      %swap3A_1601 = arith.index_cast %add3A_910 : i32 to index
      %swap3A_1602 = tpu.vector_load %arg16[%swap3A_1601] {strides = array<i32>} : memref<512xf32, #tpu.memory_space<vmem>>, vector<16xf32>,
      tpu.vector_store %arg16[%swap3A_1601], %select_n3A_1600 {strides = array<i32>} : memref<512xf32, #tpu.memory_space<vmem>>, vector<16xf32>,
      %get3A_1603 = arith.index_cast %add3A_910 : i32 to index
      %get3A_1604 = tpu.vector_load %arg15[%get3A_1603] {strides = array<i32>} : memref<512xf32, #tpu.memory_space<vmem>>, vector<16xf32>,
      %sub3A_1605 = arith.subf %select_n3A_1600, %get3A_1604 : vector<16xf32>
      %mul3A_1606 = arith.mulf %sub3A_1605, %sub3A_1605 : vector<16xf32>
      %add3A_1607 = arith.addf %scan3A_906, %mul3A_1606 : vector<16xf32>
      scf.yield %add3A_1607 : vector<16xf32>
    }
    %scan3A_900 = arith.constant 16 : i32
    %swap3A_901 = arith.constant 0 : index
    %swap3A_902 = tpu.vector_load %arg17[%swap3A_901] {strides = array<i32>} : memref<16xf32, #tpu.memory_space<vmem>>, vector<16xf32>,
    tpu.vector_store %arg17[%swap3A_901], %scan3A_899 {strides = array<i32>} : memref<16xf32, #tpu.memory_space<vmem>>, vector<16xf32>,
    "tpu.region"() ({
      %run_scoped3A_905 = tpu.sem_alloc : memref<!tpu.dma_semaphore, #tpu.memory_space<semaphore_mem>>
      %dma_start3A_906 = tpu.memref_slice %arg7[%mul3A_2] : memref<16384xf32, #tpu.memory_space<hbm>> -> memref<512xf32, #tpu.memory_space<hbm>>
      %dma_start3A_907 = tpu.memref_slice %arg7[%mul3A_2] : memref<16384xf32, #tpu.memory_space<hbm>> -> memref<512xf32, #tpu.memory_space<hbm>>
      tpu.enqueue_dma source(%arg16 : memref<512xf32, #tpu.memory_space<vmem>>) target(%dma_start3A_907 : memref<512xf32, #tpu.memory_space<hbm>>) target_semaphore(%run_scoped3A_905 : memref<!tpu.dma_semaphore, #tpu.memory_space<semaphore_mem>>)
      %dma_wait3A_908 = tpu.memref_slice %arg7[%mul3A_2] : memref<16384xf32, #tpu.memory_space<hbm>> -> memref<512xf32, #tpu.memory_space<hbm>>
      %dma_wait3A_909 = tpu.memref_slice %arg7[%mul3A_2] : memref<16384xf32, #tpu.memory_space<hbm>> -> memref<512xf32, #tpu.memory_space<hbm>>
      tpu.wait_dma2 semaphore(%run_scoped3A_905 : memref<!tpu.dma_semaphore, #tpu.memory_space<semaphore_mem>>) src(%arg16 : memref<512xf32, #tpu.memory_space<vmem>>) dst(%dma_wait3A_909 : memref<512xf32, #tpu.memory_space<hbm>>)
      tpu.yield
    }) : () -> ()
    "tpu.region"() ({
      %run_scoped3A_905 = tpu.sem_alloc : memref<!tpu.dma_semaphore, #tpu.memory_space<semaphore_mem>>
      %dma_start3A_906 = arith.constant 0 : i32
      %dma_start3A_907 = tpu.memref_slice %arg20[%arg1, %dma_start3A_906] : memref<16x16xf32, #tpu.memory_space<vmem_shared>> -> memref<1x16xf32, #tpu.memory_space<vmem_shared>>
      %dma_start3A_908 = tpu.memref_squeeze %dma_start3A_907 : memref<1x16xf32, #tpu.memory_space<vmem_shared>> -> memref<16xf32, #tpu.memory_space<vmem_shared>>
      %dma_start3A_909 = arith.constant 0 : i32
      %dma_start3A_910 = tpu.memref_slice %arg20[%arg1, %dma_start3A_909] : memref<16x16xf32, #tpu.memory_space<vmem_shared>> -> memref<1x16xf32, #tpu.memory_space<vmem_shared>>
      %dma_start3A_911 = tpu.memref_squeeze %dma_start3A_910 : memref<1x16xf32, #tpu.memory_space<vmem_shared>> -> memref<16xf32, #tpu.memory_space<vmem_shared>>
      tpu.enqueue_dma source(%arg17 : memref<16xf32, #tpu.memory_space<vmem>>) target(%dma_start3A_911 : memref<16xf32, #tpu.memory_space<vmem_shared>>) target_semaphore(%run_scoped3A_905 : memref<!tpu.dma_semaphore, #tpu.memory_space<semaphore_mem>>)
      %dma_wait3A_912 = arith.constant 0 : i32
      %dma_wait3A_913 = tpu.memref_slice %arg20[%arg1, %dma_wait3A_912] : memref<16x16xf32, #tpu.memory_space<vmem_shared>> -> memref<1x16xf32, #tpu.memory_space<vmem_shared>>
      %dma_wait3A_914 = tpu.memref_squeeze %dma_wait3A_913 : memref<1x16xf32, #tpu.memory_space<vmem_shared>> -> memref<16xf32, #tpu.memory_space<vmem_shared>>
      %dma_wait3A_915 = arith.constant 0 : i32
      %dma_wait3A_916 = tpu.memref_slice %arg20[%arg1, %dma_wait3A_915] : memref<16x16xf32, #tpu.memory_space<vmem_shared>> -> memref<1x16xf32, #tpu.memory_space<vmem_shared>>
      %dma_wait3A_917 = tpu.memref_squeeze %dma_wait3A_916 : memref<1x16xf32, #tpu.memory_space<vmem_shared>> -> memref<16xf32, #tpu.memory_space<vmem_shared>>
      tpu.wait_dma2 semaphore(%run_scoped3A_905 : memref<!tpu.dma_semaphore, #tpu.memory_space<semaphore_mem>>) src(%arg17 : memref<16xf32, #tpu.memory_space<vmem>>) dst(%dma_wait3A_917 : memref<16xf32, #tpu.memory_space<vmem_shared>>)
      tpu.yield
    }) : () -> ()
    %barrier3A = arith.constant 0 : index
    tpu.barrier barrier_id(%barrier3A)
    %eq3A = arith.constant 0 : i32
    %eq3A_903 = arith.cmpi eq, %arg1, %eq3A : i32
    %convert_element_type3A = arith.extui %eq3A_903 : i1 to i32
    %cond3A = arith.constant 0 : i32
    %cond3A_904 = arith.cmpi ne, %convert_element_type3A, %cond3A : i32
    scf.if %cond3A_904 {
      "tpu.region"() ({
        %run_scoped3A_986 = tpu.sem_alloc : memref<!tpu.dma_semaphore, #tpu.memory_space<semaphore_mem>>
        tpu.enqueue_dma source(%arg20 : memref<16x16xf32, #tpu.memory_space<vmem_shared>>) target(%arg18 : memref<16x16xf32, #tpu.memory_space<vmem>>) target_semaphore(%run_scoped3A_986 : memref<!tpu.dma_semaphore, #tpu.memory_space<semaphore_mem>>)
        tpu.wait_dma2 semaphore(%run_scoped3A_986 : memref<!tpu.dma_semaphore, #tpu.memory_space<semaphore_mem>>) src(%arg20 : memref<16x16xf32, #tpu.memory_space<vmem_shared>>) dst(%arg18 : memref<16x16xf32, #tpu.memory_space<vmem>>)
        tpu.yield
      }) : () -> ()
      %get3A_905 = arith.constant 0 : i32
      %get3A_906 = arith.index_cast %get3A_905 : i32 to index
      %get3A_907 = arith.constant 0 : index
      %get3A_908 = tpu.vector_load %arg18[%get3A_906, %get3A_907] {strides = array<i32>} : memref<16x16xf32, #tpu.memory_space<vmem>>, vector<16xf32>,
      %get3A_909 = arith.constant 1 : i32
      %get3A_910 = arith.index_cast %get3A_909 : i32 to index
      %get3A_911 = arith.constant 0 : index
      %get3A_912 = tpu.vector_load %arg18[%get3A_910, %get3A_911] {strides = array<i32>} : memref<16x16xf32, #tpu.memory_space<vmem>>, vector<16xf32>,
      %add3A_913 = arith.addf %get3A_908, %get3A_912 : vector<16xf32>
      %get3A_914 = arith.constant 2 : i32
      %get3A_915 = arith.index_cast %get3A_914 : i32 to index
      %get3A_916 = arith.constant 0 : index
      %get3A_917 = tpu.vector_load %arg18[%get3A_915, %get3A_916] {strides = array<i32>} : memref<16x16xf32, #tpu.memory_space<vmem>>, vector<16xf32>,
      %add3A_918 = arith.addf %add3A_913, %get3A_917 : vector<16xf32>
      %get3A_919 = arith.constant 3 : i32
      %get3A_920 = arith.index_cast %get3A_919 : i32 to index
      %get3A_921 = arith.constant 0 : index
      %get3A_922 = tpu.vector_load %arg18[%get3A_920, %get3A_921] {strides = array<i32>} : memref<16x16xf32, #tpu.memory_space<vmem>>, vector<16xf32>,
      %add3A_923 = arith.addf %add3A_918, %get3A_922 : vector<16xf32>
      %get3A_924 = arith.constant 4 : i32
      %get3A_925 = arith.index_cast %get3A_924 : i32 to index
      %get3A_926 = arith.constant 0 : index
      %get3A_927 = tpu.vector_load %arg18[%get3A_925, %get3A_926] {strides = array<i32>} : memref<16x16xf32, #tpu.memory_space<vmem>>, vector<16xf32>,
      %add3A_928 = arith.addf %add3A_923, %get3A_927 : vector<16xf32>
      %get3A_929 = arith.constant 5 : i32
      %get3A_930 = arith.index_cast %get3A_929 : i32 to index
      %get3A_931 = arith.constant 0 : index
      %get3A_932 = tpu.vector_load %arg18[%get3A_930, %get3A_931] {strides = array<i32>} : memref<16x16xf32, #tpu.memory_space<vmem>>, vector<16xf32>,
      %add3A_933 = arith.addf %add3A_928, %get3A_932 : vector<16xf32>
      %get3A_934 = arith.constant 6 : i32
      %get3A_935 = arith.index_cast %get3A_934 : i32 to index
      %get3A_936 = arith.constant 0 : index
      %get3A_937 = tpu.vector_load %arg18[%get3A_935, %get3A_936] {strides = array<i32>} : memref<16x16xf32, #tpu.memory_space<vmem>>, vector<16xf32>,
      %add3A_938 = arith.addf %add3A_933, %get3A_937 : vector<16xf32>
      %get3A_939 = arith.constant 7 : i32
      %get3A_940 = arith.index_cast %get3A_939 : i32 to index
      %get3A_941 = arith.constant 0 : index
      %get3A_942 = tpu.vector_load %arg18[%get3A_940, %get3A_941] {strides = array<i32>} : memref<16x16xf32, #tpu.memory_space<vmem>>, vector<16xf32>,
      %add3A_943 = arith.addf %add3A_938, %get3A_942 : vector<16xf32>
      %get3A_944 = arith.constant 8 : i32
      %get3A_945 = arith.index_cast %get3A_944 : i32 to index
      %get3A_946 = arith.constant 0 : index
      %get3A_947 = tpu.vector_load %arg18[%get3A_945, %get3A_946] {strides = array<i32>} : memref<16x16xf32, #tpu.memory_space<vmem>>, vector<16xf32>,
      %add3A_948 = arith.addf %add3A_943, %get3A_947 : vector<16xf32>
      %get3A_949 = arith.constant 9 : i32
      %get3A_950 = arith.index_cast %get3A_949 : i32 to index
      %get3A_951 = arith.constant 0 : index
      %get3A_952 = tpu.vector_load %arg18[%get3A_950, %get3A_951] {strides = array<i32>} : memref<16x16xf32, #tpu.memory_space<vmem>>, vector<16xf32>,
      %add3A_953 = arith.addf %add3A_948, %get3A_952 : vector<16xf32>
      %get3A_954 = arith.constant 10 : i32
      %get3A_955 = arith.index_cast %get3A_954 : i32 to index
      %get3A_956 = arith.constant 0 : index
      %get3A_957 = tpu.vector_load %arg18[%get3A_955, %get3A_956] {strides = array<i32>} : memref<16x16xf32, #tpu.memory_space<vmem>>, vector<16xf32>,
      %add3A_958 = arith.addf %add3A_953, %get3A_957 : vector<16xf32>
      %get3A_959 = arith.constant 11 : i32
      %get3A_960 = arith.index_cast %get3A_959 : i32 to index
      %get3A_961 = arith.constant 0 : index
      %get3A_962 = tpu.vector_load %arg18[%get3A_960, %get3A_961] {strides = array<i32>} : memref<16x16xf32, #tpu.memory_space<vmem>>, vector<16xf32>,
      %add3A_963 = arith.addf %add3A_958, %get3A_962 : vector<16xf32>
      %get3A_964 = arith.constant 12 : i32
      %get3A_965 = arith.index_cast %get3A_964 : i32 to index
      %get3A_966 = arith.constant 0 : index
      %get3A_967 = tpu.vector_load %arg18[%get3A_965, %get3A_966] {strides = array<i32>} : memref<16x16xf32, #tpu.memory_space<vmem>>, vector<16xf32>,
      %add3A_968 = arith.addf %add3A_963, %get3A_967 : vector<16xf32>
      %get3A_969 = arith.constant 13 : i32
      %get3A_970 = arith.index_cast %get3A_969 : i32 to index
      %get3A_971 = arith.constant 0 : index
      %get3A_972 = tpu.vector_load %arg18[%get3A_970, %get3A_971] {strides = array<i32>} : memref<16x16xf32, #tpu.memory_space<vmem>>, vector<16xf32>,
      %add3A_973 = arith.addf %add3A_968, %get3A_972 : vector<16xf32>
      %get3A_974 = arith.constant 14 : i32
      %get3A_975 = arith.index_cast %get3A_974 : i32 to index
      %get3A_976 = arith.constant 0 : index
      %get3A_977 = tpu.vector_load %arg18[%get3A_975, %get3A_976] {strides = array<i32>} : memref<16x16xf32, #tpu.memory_space<vmem>>, vector<16xf32>,
      %add3A_978 = arith.addf %add3A_973, %get3A_977 : vector<16xf32>
      %get3A_979 = arith.constant 15 : i32
      %get3A_980 = arith.index_cast %get3A_979 : i32 to index
      %get3A_981 = arith.constant 0 : index
      %get3A_982 = tpu.vector_load %arg18[%get3A_980, %get3A_981] {strides = array<i32>} : memref<16x16xf32, #tpu.memory_space<vmem>>, vector<16xf32>,
      %add3A_983 = arith.addf %add3A_978, %get3A_982 : vector<16xf32>
      %swap3A_984 = arith.constant 0 : index
      %swap3A_985 = tpu.vector_load %arg19[%swap3A_984] {strides = array<i32>} : memref<16xf32, #tpu.memory_space<vmem>>, vector<16xf32>,
      tpu.vector_store %arg19[%swap3A_984], %add3A_983 {strides = array<i32>} : memref<16xf32, #tpu.memory_space<vmem>>, vector<16xf32>,
      "tpu.region"() ({
        %run_scoped3A_986 = tpu.sem_alloc : memref<!tpu.dma_semaphore, #tpu.memory_space<semaphore_mem>>
        %dma_start3A_987 = arith.constant 0 : i32
        %dma_start3A_988 = tpu.memref_slice %arg8[%arg0, %dma_start3A_987] : memref<2x16xf32, #tpu.memory_space<hbm>> -> memref<1x16xf32, #tpu.memory_space<hbm>>
        %dma_start3A_989 = tpu.memref_squeeze %dma_start3A_988 : memref<1x16xf32, #tpu.memory_space<hbm>> -> memref<16xf32, #tpu.memory_space<hbm>>
        %dma_start3A_990 = arith.constant 0 : i32
        %dma_start3A_991 = tpu.memref_slice %arg8[%arg0, %dma_start3A_990] : memref<2x16xf32, #tpu.memory_space<hbm>> -> memref<1x16xf32, #tpu.memory_space<hbm>>
        %dma_start3A_992 = tpu.memref_squeeze %dma_start3A_991 : memref<1x16xf32, #tpu.memory_space<hbm>> -> memref<16xf32, #tpu.memory_space<hbm>>
        tpu.enqueue_dma source(%arg19 : memref<16xf32, #tpu.memory_space<vmem>>) target(%dma_start3A_992 : memref<16xf32, #tpu.memory_space<hbm>>) target_semaphore(%run_scoped3A_986 : memref<!tpu.dma_semaphore, #tpu.memory_space<semaphore_mem>>)
        %dma_wait3A_993 = arith.constant 0 : i32
        %dma_wait3A_994 = tpu.memref_slice %arg8[%arg0, %dma_wait3A_993] : memref<2x16xf32, #tpu.memory_space<hbm>> -> memref<1x16xf32, #tpu.memory_space<hbm>>
        %dma_wait3A_995 = tpu.memref_squeeze %dma_wait3A_994 : memref<1x16xf32, #tpu.memory_space<hbm>> -> memref<16xf32, #tpu.memory_space<hbm>>
        %dma_wait3A_996 = arith.constant 0 : i32
        %dma_wait3A_997 = tpu.memref_slice %arg8[%arg0, %dma_wait3A_996] : memref<2x16xf32, #tpu.memory_space<hbm>> -> memref<1x16xf32, #tpu.memory_space<hbm>>
        %dma_wait3A_998 = tpu.memref_squeeze %dma_wait3A_997 : memref<1x16xf32, #tpu.memory_space<hbm>> -> memref<16xf32, #tpu.memory_space<hbm>>
        tpu.wait_dma2 semaphore(%run_scoped3A_986 : memref<!tpu.dma_semaphore, #tpu.memory_space<semaphore_mem>>) src(%arg19 : memref<16xf32, #tpu.memory_space<vmem>>) dst(%dma_wait3A_998 : memref<16xf32, #tpu.memory_space<hbm>>)
        tpu.yield
      }) : () -> ()
    } else {
    }
    return
  }
}

module attributes {stable_mosaic.version = 14 : i64} {
  func.func @body(%arg0: i32, %arg1: memref<32x2048xf32, #tpu.memory_space<vmem>>, %arg2: memref<32x2048xf32, #tpu.memory_space<vmem>>, %arg3: memref<32x2048xf32, #tpu.memory_space<vmem>>, %arg4: memref<32x2048xf32, #tpu.memory_space<vmem>>, %arg5: memref<2048x128xf32, #tpu.memory_space<vmem>>) attributes {dimension_semantics = [#tpu.dimension_semantics<arbitrary>], iteration_bounds = array<i64: 16>, scalar_prefetch = 0 : i64, scratch_operands = 0 : i64, tpu.core_type = #tpu.core_type<tc>, window_params = [{transform_indices = @transform_0, window_bounds = array<i64: 32, 2048>}, {transform_indices = @transform_1, window_bounds = array<i64: 32, 2048>}, {transform_indices = @transform_2, window_bounds = array<i64: 32, 2048>}, {transform_indices = @transform_3, window_bounds = array<i64: 32, 2048>}, {transform_indices = @transform_4, window_bounds = array<i64: 2048, 128>}]} {
    %get3A = arith.constant 0 : index
    %get3A_0 = arith.constant 0 : index
    %get3A_1 = vector.load %arg1[%get3A, %get3A_0] : memref<32x2048xf32, #tpu.memory_space<vmem>>, vector<32x2048xf32>
    %get3A_2 = arith.constant 0 : index
    %get3A_3 = arith.constant 0 : index
    %get3A_4 = vector.load %arg2[%get3A_2, %get3A_3] : memref<32x2048xf32, #tpu.memory_space<vmem>>, vector<32x2048xf32>
    %get3A_5 = arith.constant 0 : index
    %get3A_6 = arith.constant 0 : index
    %get3A_7 = vector.load %arg3[%get3A_5, %get3A_6] : memref<32x2048xf32, #tpu.memory_space<vmem>>, vector<32x2048xf32>
    %get3A_8 = arith.constant 0 : index
    %get3A_9 = arith.constant 0 : index
    %get3A_10 = vector.load %arg4[%get3A_8, %get3A_9] : memref<32x2048xf32, #tpu.memory_space<vmem>>, vector<32x2048xf32>
    %concatenate3A = tpu.concatenate %get3A_1, %get3A_4, %get3A_7, %get3A_10 in 0 : vector<32x2048xf32>, vector<32x2048xf32>, vector<32x2048xf32>, vector<32x2048xf32> -> vector<128x2048xf32>
    %transpose3A = tpu.transpose %concatenate3A, [1, 0] : vector<128x2048xf32> -> vector<2048x128xf32>
    %swap3A = arith.constant 0 : index
    %swap3A_11 = arith.constant 0 : index
    %swap3A_12 = vector.load %arg5[%swap3A, %swap3A_11] : memref<2048x128xf32, #tpu.memory_space<vmem>>, vector<2048x128xf32>
    tpu.vector_store %arg5[%swap3A, %swap3A_11], %transpose3A {strides = array<i32>} : memref<2048x128xf32, #tpu.memory_space<vmem>>, vector<2048x128xf32>,
    return
  }
  func.func @transform_0(%arg0: i32) -> (i32, i32) {
    %add3A = arith.constant 0 : i32
    %add3A_0 = arith.addi %add3A, %arg0 : i32
    %min3A = arith.constant 48 : i32
    %min3A_1 = arith.minsi %add3A_0, %min3A : i32
    %c0_i32 = arith.constant 0 : i32
    %c0_i32_2 = arith.constant 0 : i32
    return %c0_i32, %min3A_1 : i32, i32
  }
  func.func @transform_1(%arg0: i32) -> (i32, i32) {
    %add3A = arith.constant 16 : i32
    %add3A_0 = arith.addi %add3A, %arg0 : i32
    %min3A = arith.constant 48 : i32
    %min3A_1 = arith.minsi %add3A_0, %min3A : i32
    %c0_i32 = arith.constant 0 : i32
    %c0_i32_2 = arith.constant 0 : i32
    return %c0_i32, %min3A_1 : i32, i32
  }
  func.func @transform_2(%arg0: i32) -> (i32, i32) {
    %add3A = arith.constant 32 : i32
    %add3A_0 = arith.addi %add3A, %arg0 : i32
    %min3A = arith.constant 48 : i32
    %min3A_1 = arith.minsi %add3A_0, %min3A : i32
    %c0_i32 = arith.constant 0 : i32
    %c0_i32_2 = arith.constant 0 : i32
    return %c0_i32, %min3A_1 : i32, i32
  }
  func.func @transform_3(%arg0: i32) -> (i32, i32) {
    %add3A = arith.constant 48 : i32
    %add3A_0 = arith.addi %add3A, %arg0 : i32
    %min3A = arith.constant 48 : i32
    %min3A_1 = arith.minsi %add3A_0, %min3A : i32
    %c0_i32 = arith.constant 0 : i32
    %c0_i32_2 = arith.constant 0 : i32
    return %c0_i32, %min3A_1 : i32, i32
  }
  func.func @transform_4(%arg0: i32) -> (i32, i32) {
    %c0_i32 = arith.constant 0 : i32
    %c0_i32_0 = arith.constant 0 : i32
    return %arg0, %c0_i32 : i32, i32
  }
}

module attributes {stable_mosaic.version = 14 : i64} {
  func.func @body(%arg0: i32, %arg1: memref<32x2048xf32, #tpu.memory_space<vmem>>, %arg2: memref<32x2048xf32, #tpu.memory_space<vmem>>, %arg3: memref<32x2048xf32, #tpu.memory_space<vmem>>, %arg4: memref<32x2048xf32, #tpu.memory_space<vmem>>, %arg5: memref<2048x128xf32, #tpu.memory_space<vmem>>) attributes {dimension_semantics = [#tpu.dimension_semantics<arbitrary>], iteration_bounds = array<i64: 128>, scalar_prefetch = 0 : i64, scratch_operands = 0 : i64, tpu.core_type = #tpu.core_type<tc>, window_params = [{transform_indices = @transform_0, window_bounds = array<i64: 32, 2048>}, {transform_indices = @transform_1, window_bounds = array<i64: 32, 2048>}, {transform_indices = @transform_2, window_bounds = array<i64: 32, 2048>}, {transform_indices = @transform_3, window_bounds = array<i64: 32, 2048>}, {transform_indices = @transform_4, window_bounds = array<i64: 2048, 128>}]} {
    %get3A = arith.constant 0 : index
    %get3A_0 = arith.constant 0 : index
    %get3A_1 = vector.load %arg1[%get3A, %get3A_0] : memref<32x2048xf32, #tpu.memory_space<vmem>>, vector<32x2048xf32>
    %get3A_2 = arith.constant 0 : index
    %get3A_3 = arith.constant 0 : index
    %get3A_4 = vector.load %arg2[%get3A_2, %get3A_3] : memref<32x2048xf32, #tpu.memory_space<vmem>>, vector<32x2048xf32>
    %get3A_5 = arith.constant 0 : index
    %get3A_6 = arith.constant 0 : index
    %get3A_7 = vector.load %arg3[%get3A_5, %get3A_6] : memref<32x2048xf32, #tpu.memory_space<vmem>>, vector<32x2048xf32>
    %get3A_8 = arith.constant 0 : index
    %get3A_9 = arith.constant 0 : index
    %get3A_10 = vector.load %arg4[%get3A_8, %get3A_9] : memref<32x2048xf32, #tpu.memory_space<vmem>>, vector<32x2048xf32>
    %concatenate3A = tpu.concatenate %get3A_1, %get3A_4, %get3A_7, %get3A_10 in 0 : vector<32x2048xf32>, vector<32x2048xf32>, vector<32x2048xf32>, vector<32x2048xf32> -> vector<128x2048xf32>
    %transpose3A = tpu.transpose %concatenate3A, [1, 0] : vector<128x2048xf32> -> vector<2048x128xf32>
    %swap3A = arith.constant 0 : index
    %swap3A_11 = arith.constant 0 : index
    %swap3A_12 = vector.load %arg5[%swap3A, %swap3A_11] : memref<2048x128xf32, #tpu.memory_space<vmem>>, vector<2048x128xf32>
    tpu.vector_store %arg5[%swap3A, %swap3A_11], %transpose3A {strides = array<i32>} : memref<2048x128xf32, #tpu.memory_space<vmem>>, vector<2048x128xf32>,
    return
  }
  func.func @transform_0(%arg0: i32) -> (i32, i32) {
    %add3A = arith.constant 0 : i32
    %add3A_0 = arith.addi %add3A, %arg0 : i32
    %min3A = arith.constant 488 : i32
    %min3A_1 = arith.minsi %add3A_0, %min3A : i32
    %c0_i32 = arith.constant 0 : i32
    %c0_i32_2 = arith.constant 0 : i32
    return %c0_i32, %min3A_1 : i32, i32
  }
  func.func @transform_1(%arg0: i32) -> (i32, i32) {
    %add3A = arith.constant 128 : i32
    %add3A_0 = arith.addi %add3A, %arg0 : i32
    %min3A = arith.constant 488 : i32
    %min3A_1 = arith.minsi %add3A_0, %min3A : i32
    %c0_i32 = arith.constant 0 : i32
    %c0_i32_2 = arith.constant 0 : i32
    return %c0_i32, %min3A_1 : i32, i32
  }
  func.func @transform_2(%arg0: i32) -> (i32, i32) {
    %add3A = arith.constant 256 : i32
    %add3A_0 = arith.addi %add3A, %arg0 : i32
    %min3A = arith.constant 488 : i32
    %min3A_1 = arith.minsi %add3A_0, %min3A : i32
    %c0_i32 = arith.constant 0 : i32
    %c0_i32_2 = arith.constant 0 : i32
    return %c0_i32, %min3A_1 : i32, i32
  }
  func.func @transform_3(%arg0: i32) -> (i32, i32) {
    %add3A = arith.constant 384 : i32
    %add3A_0 = arith.addi %add3A, %arg0 : i32
    %min3A = arith.constant 488 : i32
    %min3A_1 = arith.minsi %add3A_0, %min3A : i32
    %c0_i32 = arith.constant 0 : i32
    %c0_i32_2 = arith.constant 0 : i32
    return %c0_i32, %min3A_1 : i32, i32
  }
  func.func @transform_4(%arg0: i32) -> (i32, i32) {
    %c0_i32 = arith.constant 0 : i32
    %c0_i32_0 = arith.constant 0 : i32
    return %arg0, %c0_i32 : i32, i32
  }
}

</mosaic_0001>

<sc_bundles>
// kernel: kernel.5.cloned.1.call-start
scs
__scs_entry_jumppad:
0x0: {  	(pc) =	sbr.rel $0x88, $3  }
0x1: {  	(tag) =	ssettag $0x0;
	lr =	simm.s32 $0x1  }
0x2: {  	[smem:$0x3F9C] =	sst lr;
	_ =	strace $0xD0000000  }
0x3: {  	_ = 	snop  }
0x4: {  	_ = 	snop  }
0x5: {  	_ = 	snop  }
0x6: {  	_ = 	snop  }
0x7: {  	_ = 	snop  }
__scs_overlays_trampoline_lowered:
0x8: {  	[smem:$0x3FAB] =	sst s0  }
0x9: {  	[smem:$0x3FAC] =	sst s1  }
0xa: {  	[smem:$0x3FAD] =	sst s2  }
0xb: {  	[smem:$0x3FAE] =	sst s3  }
0xc: {  	[smem:$0x3FAF] =	sst s4  }
0xd: {  	[smem:$0x3FB0] =	sst s5  }
0xe: {  	[smem:$0x3FB1] =	sst s6  }
0xf: {  	[smem:$0x3FB2] =	sst s7  }
0x10: {  	[smem:$0x3FB3] =	sst s8  }
0x11: {  	[smem:$0x3FB4] =	sst s9;
	s0 =	simm.s32 @!p0 $0x0  }
0x12: {  	s1 =	sld [smem:$0x3F9A];
	s0 =	simm.s32 @p0 $0x1  }
0x13: {  	[smem:$0x3FB5] =	sst s0;
	s0 =	simm.s32 @!p1 $0x0  }
0x14: {  	s2 =	sld [smem:$0x3F99];
	s0 =	simm.s32 @p1 $0x1  }
0x15: {  	[smem:$0x3FB6] =	sst s0;
	s0 =	simm.s32 @!p2 $0x0  }
0x16: {  	s3 =	sld [smem:$0x3FDB];
	s0 =	simm.s32 @p2 $0x1  }
0x17: {  	s4 =	simm.s32 $0x1BF5;
	[smem:$0x3FB8] =	sst s0  }
0x18: {  	s0 =	sld [smem:$0x3F9B];
	_ =	swait.ge [sflag:s4], $0x0  }
0x19: {  	s7 =	sld [smem:$0x3F9C]  }
0x1a: {  	s8 =	sadd.s32 $0xFFFFE003, lr  }
0x1b: {  	s9 =	sadd.s32 $0xFFFFFEF7, lr;
	s5 =	simm.s32 $0xFFFFFFFF;
	p2 =	slt.u32 s8, $0xFFFFF086  }
0x1c: {  	p1 =	slt.u32 s9, $0xF7A;
	s5 =	simm.s32 @!p2 $0x0  }
0x1d: {  	s5 =	simm.s32 @p1 $0x1;
	p0 =	seq.s32 s7, s2  }
0x1e: {  	s7 =	smul.u32 @!p0 $0xF7A, s2;
	p2 =	seq.s32 @!p0 s5, $0x0  }
0x1f: {  	s9 =	smul.u32 $0xF7A, s1;
	s8 =	simm.s32 @!p0 $0x1BF5;
	p2 =	por !p2, p0  }
0x20: {  	[sflag:s8] =	ssyncset.s32 @!p0 $0xFFFFF086;
	s6 =	sadd.s32 @!p0 s3, s7;
	s7 =	simm.s32 @!p0 $0x108  }
0x21: {  	s3 =	sadd.s32 s3, s9;
	s6 =	sadd.s32 @!p0 $0x88, s6;
	s7 =	simm.s32 @p2 $0x1082  }
0x22: {  	[simem:s7], [sflag:s8] =	dma.local @!p0 [hbm:s6], $0xF7A  }
0x23: {  	s9 =	sor.u32 $0xD0000000, s2;
	s6 =	simm.s32 $0x108;
	_ =	swait.ge @!p0 [sflag:s8], $0x0  }
0x24: {  	s3 =	sadd.s32 $0x88, s3;
	s6 =	simm.s32 @!p1 $0x1082;
	[sflag:s4] =	ssyncset.s32 $0xFFFFF086  }
0x25: {  	[simem:s6], [sflag:s4] =	dma.local [hbm:s3], $0xF7A  }
0x26: {  	[smem:$0x3F9C] =	sst s1;
	(tag) =	ssettag s2;
	_ =	strace s9  }
0x27: {  	s1 =	sld [smem:$0x3FAC]  }
0x28: {  	s2 =	sld [smem:$0x3FAD]  }
0x29: {  	s4 =	sld [smem:$0x3FAF]  }
0x2a: {  	p0 =	seq.s32 s5, $0x0;
	s5 =	sld [smem:$0x3FB0]  }
0x2b: {  	s6 =	sld [smem:$0x3FB1]  }
0x2c: {  	s7 =	sld [smem:$0x3FB2]  }
0x2d: {  	s3 =	simm.s32 $0x108;
	s8 =	sld [smem:$0x3FB3]  }
0x2e: {  	s3 =	simm.s32 @!p0 $0x1082;
	s9 =	sld [smem:$0x3FB4]  }
0x2f: {  	lr =	sadd.s32 s0, s3;
	s0 =	sld [smem:$0x3FAB]  }
0x30: {  	s3 =	sld [smem:$0x3FAE]  }
0x31: {  	[smem:$0x3FB7] =	sst s10  }
0x32: {  	s10 =	sld [smem:$0x3FB5];
	_ =	sdelay $0x3  }
0x33: {  	p0 =	seq.s32 s10, $0x1;
	s10 =	sld [smem:$0x3FB7];
	_ =	sdelay $0x3  }
0x34: {  	[smem:$0x3FB7] =	sst s10  }
0x35: {  	s10 =	sld [smem:$0x3FB6];
	_ =	sdelay $0x3  }
0x36: {  	p1 =	seq.s32 s10, $0x1;
	s10 =	sld [smem:$0x3FB7];
	_ =	sdelay $0x3  }
0x37: {  	[smem:$0x3FB7] =	sst s10  }
0x38: {  	s10 =	sld [smem:$0x3FB8]  }
0x39: {  	_ = 	snop;
	(pc) =	sbr.ind lr, $3  }
0x3a: {  	_ = 	snop  }
0x3b: {  	_ = 	snop  }
0x3c: {  	p2 =	seq.s32 s10, $0x1;
	s10 =	sld [smem:$0x3FB7]  }
0x3d: {  	_ =	shalt  }
0x3e: {  	_ =	shalt  }
0x3f: {  	_ =	shalt  }
0x40: {  	_ =	shalt  }
0x41: {  	_ =	shalt  }
0x42: {  	_ =	shalt  }
0x43: {  	_ =	shalt  }
0x44: {  	_ =	shalt  }
0x45: {  	_ =	shalt  }
0x46: {  	_ =	shalt  }
0x47: {  	_ =	shalt  }
0x48: {  	_ =	shalt  }
0x49: {  	_ =	shalt  }
0x4a: {  	_ =	shalt  }
0x4b: {  	_ =	shalt  }
0x4c: {  	_ =	shalt  }
0x4d: {  	_ =	shalt  }
0x4e: {  	_ =	shalt  }
0x4f: {  	_ =	shalt  }
0x50: {  	_ =	shalt  }
0x51: {  	_ =	shalt  }
0x52: {  	_ =	shalt  }
0x53: {  	_ =	shalt  }
0x54: {  	_ =	shalt  }
0x55: {  	_ =	shalt  }
0x56: {  	_ =	shalt  }
0x57: {  	_ =	shalt  }
0x58: {  	_ =	shalt  }
0x59: {  	_ =	shalt  }
0x5a: {  	_ =	shalt  }
0x5b: {  	_ =	shalt  }
0x5c: {  	_ =	shalt  }
0x5d: {  	_ =	shalt  }
0x5e: {  	_ =	shalt  }
0x5f: {  	_ =	shalt  }
0x60: {  	_ =	shalt  }
0x61: {  	_ =	shalt  }
0x62: {  	_ =	shalt  }
0x63: {  	_ =	shalt  }
0x64: {  	_ =	shalt  }
0x65: {  	_ =	shalt  }
0x66: {  	_ =	shalt  }
0x67: {  	_ =	shalt  }
0x68: {  	_ =	shalt  }
0x69: {  	_ =	shalt  }
0x6a: {  	_ =	shalt  }
0x6b: {  	_ =	shalt  }
0x6c: {  	_ =	shalt  }
0x6d: {  	_ =	shalt  }
0x6e: {  	_ =	shalt  }
0x6f: {  	_ =	shalt  }
0x70: {  	_ =	shalt  }
0x71: {  	_ =	shalt  }
0x72: {  	_ =	shalt  }
0x73: {  	_ =	shalt  }
0x74: {  	_ =	shalt  }
0x75: {  	_ =	shalt  }
0x76: {  	_ =	shalt  }
0x77: {  	_ =	shalt  }
0x78: {  	_ =	shalt  }
0x79: {  	_ =	shalt  }
0x7a: {  	_ =	shalt  }
0x7b: {  	_ =	shalt  }
0x7c: {  	_ =	shalt  }
0x7d: {  	_ =	shalt  }
0x7e: {  	_ =	shalt  }
0x7f: {  	_ =	shalt  }
0x80: {  	_ =	shalt  }
0x81: {  	_ =	shalt  }
0x82: {  	_ =	shalt  }
0x83: {  	_ =	shalt  }
0x84: {  	_ =	shalt  }
0x85: {  	_ =	shalt  }
0x86: {  	_ =	shalt  }
0x87: {  	_ =	shalt  }
.Lfunc_end0:
.L_simem_size_0:
called_computation_lowered:
.L_overlay_start_0:
0x88: {  	s2 =	sld [smem:$0x3FD9]  }
0x89: {  	s3 =	sld [smem:$0x3FFE];
	_ =	sdelay $0x1  }
0x8a: {  	s1 =	srdreg.scid  }
0x8b: {  	s0 =	sand.u32 $0x1, s1  }
0x8c: {  	s14 =	sshll.u32 s0, $0xA;
	s2 =	sadd.s32 s3, s2  }
0x8d: {  	s2 =	sadd.s32 s2, s14  }
0x8e: {  	[smem:$0x3FC3] =	sst s2  }
0x8f: {  	_ = 	snop  }
0x90: {  	s2 =	sld [smem:$0x3FD0]  }
0x91: {  	s15 =	sld [smem:$0x3FC7]  }
0x92: {  	s4 =	sld [smem:$0x3FC6]  }
0x93: {  	s6 =	simm.s32 $0xA;
	s7 =	simm.s32 $0x10;
	s5 =	sld [smem:$0x3FC5]  }
0x94: {  	[smem:s7], [sflag:s6] =	dma.local [hbm:s2], $0x1  }
0x95: {  	_ =	swait.eq [sflag:s6], $0x1  }
0x96: {  	[sflag:s6] =	ssyncset.done $0x0  }
0x97: {  	s16 =	sld [smem:$0x10];
	[sflag:s6] =	ssyncadd.s32 $0xFFFFFFFF  }
0x98: {  	s17 =	sld [smem:$0x11];
	(tm) =	ssettm $0x1  }
0x99: {  	s18 =	sld [smem:$0x3FFB];
	_ =	sdelay $0x3  }
0x9a: {  	_ =	strace s18  }
0x9b: {  	s7 =	sld [smem:$0x3FFC];
	_ =	sdelay $0x3  }
0x9c: {  	_ =	strace s7  }
0x9d: {  	s7 =	sld [smem:$0x3FFD];
	_ =	sdelay $0x3  }
0x9e: {  	_ =	strace s7  }
0x9f: {  	_ =	strace $0x8FFFFFFF  }
0xa0: {  	s19 =	sld [smem:$0x3FDB];
	_ =	sdelay $0x1  }
0xa1: {  	s8 =	simm.s32 $_scs_section_size  }
0xa2: {  	s9 =	simm.s32 $_size__tile_overlayer_lowered;
	s10 =	simm.s32 $_tile_overlayer_lowered  }
0xa3: {  	s22 =	simm.s32 $0x1BFF;
	s21 =	sshll.u32 s10, $0x1;
	s7 =	sadd.s32 s8, s19  }
0xa4: {  	s11 =	simm.s32 $0x0;
	s20 =	sshll.u32 s9, $0x1;
	s9 =	sadd.s32 s21, s7  }
0xa5: {  	[timem:s11], [sflag:s22] =	dma.local [hbm:s9], s20  }
0xa6: {  	_ =	swait.ge [sflag:s22], s20  }
0xa7: {  	s8 =	ssub.s32 $0x0, s20;
	[sflag:s22] =	ssyncset.done $0x0  }
0xa8: {  	[sflag:s22] =	ssyncadd.s32 s8;
	_ =	sdelay $0x1  }
0xa9: {  	s23 =	simm.s32 $0x1B8B  }
0xaa: {  	_ =	swait.ge [sflag:s23], $0x1  }
0xab: {  	[sflag:s23] =	ssyncset.done $0x0  }
0xac: {  	s25 =	simm.s32 $0x1B8E;
	s24 =	sld [smem:$0x3FFE];
	[sflag:s23] =	ssyncadd.s32 $0xFFFFFFFF  }
0xad: {  	s26 =	simm.s32 $execute0_lowered;
	[smem:$0x3FD2] =	sst s25  }
0xae: {  	s9 =	sshll.u32 s26, $0x1;
	_ =	strace $0x80000046;
	[dreg:$0x1] =	wrdreg $0xFFFFFFFF  }
0xaf: {  	s28 =	simm.s32 $_size_execute0_lowered;
	s7 =	sadd.s32 s7, s9;
	[dreg:$0x0] =	wrdreg $0x0  }
0xb0: {  	s9 =	sshll.u32 s28, $0x1;
	[dreg:$0x2] =	wrdreg s7  }
0xb1: {  	[dreg:$0x3] =	wrdreg s9  }
0xb2: {  	[dreg:$0x4] =	wrdreg $0xC0  }
0xb3: {  	_ =	task [dreg:s11], $0x5FFFF  }
0xb4: {  	[dreg:$0x1] =	wrdreg $0xFFFFFFFF  }
0xb5: {  	[dreg:$0x0] =	wrdreg $0x60  }
0xb6: {  	[dreg:$0x2] =	wrdreg s24  }
0xb7: {  	[dreg:$0x3] =	wrdreg s15  }
0xb8: {  	[dreg:$0x4] =	wrdreg s4  }
0xb9: {  	[dreg:$0x5] =	wrdreg s5  }
0xba: {  	[dreg:$0x6] =	wrdreg s16  }
0xbb: {  	[dreg:$0x7] =	wrdreg s17  }
0xbc: {  	[dreg:$0x8] =	wrdreg $0x10D200  }
0xbd: {  	[dreg:$0x9] =	wrdreg $0x9  }
0xbe: {  	_ =	task.clear_ibuf [dreg:s11], $0xAFFFF;
	_ =	strace $0x90000046  }
0xbf: {  	s29 =	simm.s32 $0x9;
	_ =	strace $0x80000048  }
0xc0: {  	_ =	swait.ge [sflag:s29], $0x1  }
0xc1: {  	[sflag:s29] =	ssyncadd.s32 $0xFFFFFFFF  }
0xc2: {  	_ =	strace $0x90000048  }
0xc3: {  	_ =	sfence  }
0xc4: {  	s30 =	sld [smem:$0x0];
	_ =	sdelay $0x2  }
0xc5: {  	s31 =	sshll.u32 s1, $0xD;
	s1 =	sshrl.u32 s1, $0x2  }
0xc6: {  	s3 =	sand.u32 $0x4000, s31;
	s1 =	sadd.s32 s1, s30  }
0xc7: {  	s0 =	sor.u32 s3, s0;
	s1 =	sshll.u32 s1, $0x11  }
0xc8: {  	s0 =	sor.u32 s1, s0  }
0xc9: {  	s0 =	sadd.s32 $0x8F2B, s0  }
0xca: {  	[sflag:s0] =	ssyncadd.remote.s32 $0x1  }
0xcb: {  	_ =	sfence.sel $0xFFFF  }
0xcc: {  	[dreg:$0x0] =	wrdreg $0xFFFFFFFF;
	(pc) =	sbr.abs _section_cstart, $3  }
0xcd: {  	[dreg:$0x1] =	wrdreg $0xFFFFFFFF  }
0xce: {  	_ =	task.clear_ibuf [dreg:s11], $0x2FFFF;
	_ =	strace $0x9FFFFFFF  }
0xcf: {  	(tm) =	ssettm $0x7FFFFFFF  }
tec
execute0_lowered:
.L_overlay_start_1:
0x0: {  	(tag) =	ssettag $0x1  }
0x1: {  	s0 =	rddreg [dreg:$0x0]  }
0x2: {  	s1 =	rddreg [dreg:$0x1]  }
0x3: {  	s5 =	rddreg [dreg:$0x2]  }
0x4: {  	s6 =	rddreg [dreg:$0x3]  }
0x5: {  	s14 =	rddreg [dreg:$0x4]  }
0x6: {  	s16 =	rddreg [dreg:$0x5]  }
0x7: {  	s18 =	rddreg [dreg:$0x6];
	s2 =	simm.s32 $0x0  }
0x8: {  	s3 =	srdreg.scid;
	s20 =	stileid.u32;
	s19 =	simm.s32 $0x80  }
0x9: {  	s31 =	simm.s32 $0x4800;
	s21 =	simm.s32 $0x1;
	s28 =	simm.s32 $0x10A00  }
0xa: {  	[smem:$0x7FF] =	sst s2;
	s15 =	sand.u32 $0x1, s3;
	s3 =	sadd.s32 $0x80600, s0  }
0xb: {  	s9 =	sshll.u32 s20, $0x7;
	s4 =	sadd.s32 $0x600, s0;
	s29 =	sshll.u32 s20, $0x4  }
0xc: {  	p0 =	sne.s32 s20, $0x0;
	s20 =	simm.s32 $0xC800;
	s0 =	simm.s32 $0x0  }
0xd: {  	_ =	strace $0x80000047;
	s7 =	ssub.s32 $0x2, s15;
	s10 =	sshll.u32 s15, $0x6  }
0xe: {  	s30 =	sshll.u32 s15, $0x1;
	s15 =	sadd.s32 s29, s18;
	s18 =	simm.s32 $0x2  }
0xf: {  	s8 =	sshrl.u32 s7, $0x1;
	s17 =	sor.u32 s10, s9;
	s16 =	sadd.s32 s16, s30  }
0x10: {  	s22 =	ssub.s32 s7, s8;
	s23 =	sadd.s32 s1, s17;
	s24 =	sadd.s32 s5, s17  }
0x11: {  	vm0 =	vmmov $0x1;
	vm1 =	vmmov $0x3;
	vm2 =	vmmov $0x7;
	s25 =	sor.u32 $0x10, s17;
	s10 =	sor.u32 $0x20, s17;
	s12 =	sor.u32 $0x30, s17  }
0x12: {  	vm3 =	vmmov $0xf;
	vm4 =	vmmov $0x1f;
	vm5 =	vmmov $0x3f;
	s13 =	sadd.s32 s6, s17;
	s14 =	sadd.s32 s14, s17;
	[dreg:$0x8] =	wrdreg s23  }
0x13: {  	vm6 =	vmmov $0x7f;
	vm7 =	vmmov $0xff;
	vm8 =	vmmov $0x1ff;
	[dreg:$0x9] =	wrdreg s24;
	s26 =	sadd.s32 s1, s25;
	s8 =	sadd.s32 s5, s25  }
0x14: {  	vm9 =	vmmov $0x3ff;
	vm10 =	vmmov $0x7ff;
	vm11 =	vmmov $0xfff;
	s9 =	sadd.s32 s1, s10;
	s10 =	sadd.s32 s5, s10;
	s11 =	sadd.s32 s1, s12  }
0x15: {  	vm12 =	vmmov $0x1fff;
	vm13 =	vmmov $0x3fff;
	vm14 =	vmmov $0x7fff;
	s12 =	sadd.s32 s5, s12;
	s17 =	smax.u32 s22, $0x1;
	[dreg:$0xa] =	wrdreg s26  }
.LBB2_1:
0x16: {  	s1 =	rddreg [dreg:$0x8]  }
0x17: {  	[tilespmem:s2], [sflag:$0x2] =	stream.linear.gather [hbm4b:s1+s2], $0x80, $0x38;
	[tilespmem:$0x10D30] =	vst v63  }
0x18: {  	_ =	swait.ge [sflag:s18], $0x80  }
0x19: {  	[sflag:s18] =	ssyncset.done $0x0  }
0x1a: {  	s1 =	simm.s32 $0x200;
	s5 =	rddreg [dreg:$0x9];
	[sflag:s18] =	ssyncadd.s32 $0xFFFFFF80  }
0x1b: {  	[tilespmem:s1], [sflag:$0x2] =	stream.linear.gather [hbm4b:s5+s2], $0x80, $0x38;
	[tilespmem:$0x10D30] =	vst v63  }
0x1c: {  	_ =	swait.ge [sflag:s18], $0x80  }
0x1d: {  	[sflag:s18] =	ssyncset.done $0x0  }
0x1e: {  	s6 =	rddreg [dreg:$0xa];
	[sflag:s18] =	ssyncadd.s32 $0xFFFFFF80  }
0x1f: {  	[tilespmem:s19], [sflag:$0x2] =	stream.linear.gather [hbm4b:s6+s2], $0x80, $0x38;
	[tilespmem:$0x10D30] =	vst v63  }
0x20: {  	_ =	swait.ge [sflag:s18], $0x80  }
0x21: {  	[sflag:s18] =	ssyncset.done $0x0  }
0x22: {  	s7 =	simm.s32 $0x280;
	[sflag:s18] =	ssyncadd.s32 $0xFFFFFF80  }
0x23: {  	[tilespmem:s7], [sflag:$0x2] =	stream.linear.gather [hbm4b:s8+s2], $0x80, $0x38;
	[tilespmem:$0x10D30] =	vst v63  }
0x24: {  	_ =	swait.ge [sflag:s18], $0x80  }
0x25: {  	[sflag:s18] =	ssyncset.done $0x0  }
0x26: {  	s22 =	simm.s32 $0x100;
	[sflag:s18] =	ssyncadd.s32 $0xFFFFFF80  }
0x27: {  	[tilespmem:s22], [sflag:$0x2] =	stream.linear.gather [hbm4b:s9+s2], $0x80, $0x38;
	[tilespmem:$0x10D30] =	vst v63  }
0x28: {  	_ =	swait.ge [sflag:s18], $0x80  }
0x29: {  	[sflag:s18] =	ssyncset.done $0x0  }
0x2a: {  	s23 =	simm.s32 $0x300;
	[sflag:s18] =	ssyncadd.s32 $0xFFFFFF80  }
0x2b: {  	[tilespmem:s23], [sflag:$0x2] =	stream.linear.gather [hbm4b:s10+s2], $0x80, $0x38;
	[tilespmem:$0x10D30] =	vst v63  }
0x2c: {  	_ =	swait.ge [sflag:s18], $0x80  }
0x2d: {  	[sflag:s18] =	ssyncset.done $0x0  }
0x2e: {  	s24 =	simm.s32 $0x180;
	[sflag:s18] =	ssyncadd.s32 $0xFFFFFF80  }
0x2f: {  	[tilespmem:s24], [sflag:$0x2] =	stream.linear.gather [hbm4b:s11+s2], $0x80, $0x38;
	[tilespmem:$0x10D30] =	vst v63  }
0x30: {  	_ =	swait.ge [sflag:s18], $0x80  }
0x31: {  	[sflag:s18] =	ssyncset.done $0x0  }
0x32: {  	s25 =	simm.s32 $0x380;
	[sflag:s18] =	ssyncadd.s32 $0xFFFFFF80  }
0x33: {  	[tilespmem:s25], [sflag:$0x2] =	stream.linear.gather [hbm4b:s12+s2], $0x80, $0x38;
	[tilespmem:$0x10D30] =	vst v63  }
0x34: {  	_ =	swait.ge [sflag:s18], $0x80  }
0x35: {  	[sflag:s18] =	ssyncset.done $0x0  }
0x36: {  	s22 =	simm.s32 $0x10800;
	[sflag:s18] =	ssyncadd.s32 $0xFFFFFF80  }
0x37: {  	[tilespmem:s22], [sflag:$0x2] =	stream.linear.gather [hbm4b:s13+s2], $0x200, $0x38;
	[tilespmem:$0x10D30] =	vst v63  }
0x38: {  	_ =	swait.ge [sflag:s18], $0x200  }
0x39: {  	[sflag:s18] =	ssyncset.done $0x0  }
0x3a: {  	[sflag:s18] =	ssyncadd.s32 $0xFFFFFE00  }
0x3b: {  	v0 =	vld [tilespmem:$0x0]  }
0x3c: {  	v1 =	vld [tilespmem:$0x200]  }
0x3d: {  	v2 =	vld [tilespmem:$0x10]  }
0x3e: {  	v3 =	vld [tilespmem:$0x210]  }
0x3f: {  	v4 =	vld [tilespmem:$0x20]  }
0x40: {  	v5 =	vld [tilespmem:$0x220];
	v0 =	vand.u32 $0x3FFFF, v0  }
0x41: {  	[tilespmem:$0x400] =	vst v0;
	v0 =	vand.u32 $0x7FFF, v1;
	v1 =	vld [tilespmem:$0x30]  }
0x42: {  	[tilespmem:$0x600] =	vst v0;
	v0 =	vand.u32 $0x3FFFF, v2;
	v2 =	vld [tilespmem:$0x230]  }
0x43: {  	[tilespmem:$0x410] =	vst v0;
	v0 =	vand.u32 $0x7FFF, v3;
	v3 =	vld [tilespmem:$0x40]  }
0x44: {  	[tilespmem:$0x610] =	vst v0;
	v0 =	vand.u32 $0x3FFFF, v4;
	v4 =	vld [tilespmem:$0x240]  }
0x45: {  	[tilespmem:$0x420] =	vst v0;
	v0 =	vand.u32 $0x7FFF, v5;
	v5 =	vld [tilespmem:$0x50]  }
0x46: {  	[tilespmem:$0x620] =	vst v0;
	v0 =	vand.u32 $0x3FFFF, v1;
	v1 =	vld [tilespmem:$0x250]  }
0x47: {  	[tilespmem:$0x430] =	vst v0;
	v0 =	vand.u32 $0x7FFF, v2;
	v2 =	vld [tilespmem:$0x60]  }
0x48: {  	[tilespmem:$0x630] =	vst v0;
	v0 =	vand.u32 $0x3FFFF, v3;
	v3 =	vld [tilespmem:$0x260]  }
0x49: {  	[tilespmem:$0x440] =	vst v0;
	v0 =	vand.u32 $0x7FFF, v4;
	v4 =	vld [tilespmem:$0x70]  }
0x4a: {  	[tilespmem:$0x640] =	vst v0;
	v0 =	vand.u32 $0x3FFFF, v5;
	v5 =	vld [tilespmem:$0x270]  }
0x4b: {  	[tilespmem:$0x450] =	vst v0;
	v0 =	vand.u32 $0x7FFF, v1;
	v1 =	vld [tilespmem:$0x80]  }
0x4c: {  	[tilespmem:$0x650] =	vst v0;
	v0 =	vand.u32 $0x3FFFF, v2;
	v2 =	vld [tilespmem:$0x280]  }
0x4d: {  	[tilespmem:$0x460] =	vst v0;
	v0 =	vand.u32 $0x7FFF, v3;
	v3 =	vld [tilespmem:$0x90]  }
0x4e: {  	[tilespmem:$0x660] =	vst v0;
	v0 =	vand.u32 $0x3FFFF, v4;
	v4 =	vld [tilespmem:$0x290]  }
0x4f: {  	[tilespmem:$0x470] =	vst v0;
	v0 =	vand.u32 $0x7FFF, v5;
	v5 =	vld [tilespmem:$0xA0]  }
0x50: {  	[tilespmem:$0x670] =	vst v0;
	v0 =	vand.u32 $0x3FFFF, v1;
	v1 =	vld [tilespmem:$0x2A0]  }
0x51: {  	[tilespmem:$0x480] =	vst v0;
	v0 =	vand.u32 $0x7FFF, v2;
	v2 =	vld [tilespmem:$0xB0]  }
0x52: {  	[tilespmem:$0x680] =	vst v0;
	v0 =	vand.u32 $0x3FFFF, v3;
	v3 =	vld [tilespmem:$0x2B0]  }
0x53: {  	[tilespmem:$0x490] =	vst v0;
	v0 =	vand.u32 $0x7FFF, v4;
	v4 =	vld [tilespmem:$0xC0]  }
0x54: {  	[tilespmem:$0x690] =	vst v0;
	v0 =	vand.u32 $0x3FFFF, v5;
	v5 =	vld [tilespmem:$0x2C0]  }
0x55: {  	[tilespmem:$0x4A0] =	vst v0;
	v0 =	vand.u32 $0x7FFF, v1;
	v1 =	vld [tilespmem:$0xD0]  }
0x56: {  	[tilespmem:$0x6A0] =	vst v0;
	v0 =	vand.u32 $0x3FFFF, v2;
	v2 =	vld [tilespmem:$0x2D0]  }
0x57: {  	[tilespmem:$0x4B0] =	vst v0;
	v0 =	vand.u32 $0x7FFF, v3;
	v3 =	vld [tilespmem:$0xE0]  }
0x58: {  	[tilespmem:$0x6B0] =	vst v0;
	v0 =	vand.u32 $0x3FFFF, v4;
	v4 =	vld [tilespmem:$0x2E0]  }
0x59: {  	[tilespmem:$0x4C0] =	vst v0;
	v0 =	vand.u32 $0x7FFF, v5;
	v5 =	vld [tilespmem:$0xF0]  }
0x5a: {  	[tilespmem:$0x6C0] =	vst v0;
	v0 =	vand.u32 $0x3FFFF, v1;
	v1 =	vld [tilespmem:$0x2F0]  }
0x5b: {  	[tilespmem:$0x4D0] =	vst v0;
	v0 =	vand.u32 $0x7FFF, v2;
	v2 =	vld [tilespmem:$0x100]  }
0x5c: {  	[tilespmem:$0x6D0] =	vst v0;
	v0 =	vand.u32 $0x3FFFF, v3;
	v3 =	vld [tilespmem:$0x300]  }
0x5d: {  	[tilespmem:$0x4E0] =	vst v0;
	v0 =	vand.u32 $0x7FFF, v4;
	v4 =	vld [tilespmem:$0x110]  }
0x5e: {  	[tilespmem:$0x6E0] =	vst v0;
	v0 =	vand.u32 $0x3FFFF, v5;
	v5 =	vld [tilespmem:$0x310]  }
0x5f: {  	[tilespmem:$0x4F0] =	vst v0;
	v0 =	vand.u32 $0x7FFF, v1;
	v1 =	vld [tilespmem:$0x120]  }
0x60: {  	[tilespmem:$0x6F0] =	vst v0;
	v0 =	vand.u32 $0x3FFFF, v2;
	v2 =	vld [tilespmem:$0x320]  }
0x61: {  	[tilespmem:$0x500] =	vst v0;
	v0 =	vand.u32 $0x7FFF, v3;
	v3 =	vld [tilespmem:$0x130]  }
0x62: {  	[tilespmem:$0x700] =	vst v0;
	v0 =	vand.u32 $0x3FFFF, v4;
	v4 =	vld [tilespmem:$0x330]  }
0x63: {  	[tilespmem:$0x510] =	vst v0;
	v0 =	vand.u32 $0x7FFF, v5;
	v5 =	vld [tilespmem:$0x140]  }
0x64: {  	[tilespmem:$0x710] =	vst v0;
	v0 =	vand.u32 $0x3FFFF, v1;
	v1 =	vld [tilespmem:$0x340]  }
0x65: {  	[tilespmem:$0x520] =	vst v0;
	v0 =	vand.u32 $0x7FFF, v2;
	v2 =	vld [tilespmem:$0x150]  }
0x66: {  	[tilespmem:$0x720] =	vst v0;
	v0 =	vand.u32 $0x3FFFF, v3;
	v3 =	vld [tilespmem:$0x350]  }
0x67: {  	[tilespmem:$0x530] =	vst v0;
	v0 =	vand.u32 $0x7FFF, v4;
	v4 =	vld [tilespmem:$0x160]  }
0x68: {  	[tilespmem:$0x730] =	vst v0;
	v0 =	vand.u32 $0x3FFFF, v5;
	v5 =	vld [tilespmem:$0x360]  }
0x69: {  	[tilespmem:$0x540] =	vst v0;
	v0 =	vand.u32 $0x7FFF, v1;
	v1 =	vld [tilespmem:$0x170]  }
0x6a: {  	[tilespmem:$0x740] =	vst v0;
	v0 =	vand.u32 $0x3FFFF, v2;
	v2 =	vld [tilespmem:$0x370]  }
0x6b: {  	[tilespmem:$0x550] =	vst v0;
	v0 =	vand.u32 $0x7FFF, v3;
	v3 =	vld [tilespmem:$0x180]  }
0x6c: {  	[tilespmem:$0x750] =	vst v0;
	v0 =	vand.u32 $0x3FFFF, v4;
	v4 =	vld [tilespmem:$0x380]  }
0x6d: {  	[tilespmem:$0x560] =	vst v0;
	v0 =	vand.u32 $0x7FFF, v5;
	v5 =	vld [tilespmem:$0x190]  }
0x6e: {  	[tilespmem:$0x760] =	vst v0;
	v0 =	vand.u32 $0x3FFFF, v1;
	v1 =	vld [tilespmem:$0x390]  }
0x6f: {  	[tilespmem:$0x570] =	vst v0;
	v0 =	vand.u32 $0x7FFF, v2;
	v2 =	vld [tilespmem:$0x1A0]  }
0x70: {  	[tilespmem:$0x770] =	vst v0;
	v0 =	vand.u32 $0x3FFFF, v3;
	v3 =	vld [tilespmem:$0x3A0]  }
0x71: {  	[tilespmem:$0x580] =	vst v0;
	v0 =	vand.u32 $0x7FFF, v4;
	v4 =	vld [tilespmem:$0x1B0]  }
0x72: {  	[tilespmem:$0x780] =	vst v0;
	v0 =	vand.u32 $0x3FFFF, v5;
	v5 =	vld [tilespmem:$0x3B0]  }
0x73: {  	[tilespmem:$0x590] =	vst v0;
	v0 =	vand.u32 $0x7FFF, v1;
	v1 =	vld [tilespmem:$0x1C0]  }
0x74: {  	[tilespmem:$0x790] =	vst v0;
	v0 =	vand.u32 $0x3FFFF, v2;
	v2 =	vld [tilespmem:$0x3C0]  }
0x75: {  	[tilespmem:$0x5A0] =	vst v0;
	v0 =	vand.u32 $0x7FFF, v3;
	v3 =	vld [tilespmem:$0x1D0]  }
0x76: {  	[tilespmem:$0x7A0] =	vst v0;
	v0 =	vand.u32 $0x3FFFF, v4;
	v4 =	vld [tilespmem:$0x3D0]  }
0x77: {  	[tilespmem:$0x5B0] =	vst v0;
	v0 =	vand.u32 $0x7FFF, v5;
	v5 =	vld [tilespmem:$0x1E0]  }
0x78: {  	[tilespmem:$0x7B0] =	vst v0;
	v0 =	vand.u32 $0x3FFFF, v1;
	v1 =	vld [tilespmem:$0x3E0]  }
0x79: {  	[tilespmem:$0x5C0] =	vst v0;
	v0 =	vand.u32 $0x7FFF, v2;
	v2 =	vld [tilespmem:$0x1F0]  }
0x7a: {  	[tilespmem:$0x7C0] =	vst v0;
	v0 =	vand.u32 $0x3FFFF, v3;
	v3 =	vld [tilespmem:$0x3F0]  }
0x7b: {  	[tilespmem:$0x5D0] =	vst v0;
	v0 =	vand.u32 $0x7FFF, v4  }
0x7c: {  	[tilespmem:$0x7D0] =	vst v0;
	v0 =	vand.u32 $0x3FFFF, v5  }
0x7d: {  	[tilespmem:$0x5E0] =	vst v0;
	v0 =	vand.u32 $0x7FFF, v1  }
0x7e: {  	[tilespmem:$0x7E0] =	vst v0;
	v0 =	vand.u32 $0x3FFFF, v2  }
0x7f: {  	[tilespmem:$0x5F0] =	vst v0;
	v0 =	vand.u32 $0x7FFF, v3  }
0x80: {  	s26 =	simm.s32 $0x400;
	s6 =	simm.s32 $0x800;
	[tilespmem:$0x7F0] =	vst v0  }
0x81: {  	[tilespmem:s6], [sflag:$0x1] =	stream.indirect.gather [hbm4b:s3+s19], $0x80, s26, s19, $0xb8;
	[tilespmem:$0x10D30] =	vst v63  }
0x82: {  	s7 =	simm.s32 $0x600;
	s23 =	simm.s32 $0x8800  }
0x83: {  	[tilespmem:s23], [sflag:$0x1] =	stream.indirect.gather [hbm4b:s4+s19], $0x80, s7, s19, $0xb8;
	[tilespmem:$0x10D30] =	vst v63  }
0x84: {  	s24 =	simm.s32 $0x480  }
0x85: {  	[tilespmem:s31], [sflag:$0x1] =	stream.indirect.gather [hbm4b:s3+s19], $0x80, s24, s19, $0xb8;
	[tilespmem:$0x10D30] =	vst v63  }
0x86: {  	s25 =	simm.s32 $0x680  }
0x87: {  	[tilespmem:s20], [sflag:$0x1] =	stream.indirect.gather [hbm4b:s4+s19], $0x80, s25, s19, $0xb8;
	[tilespmem:$0x10D30] =	vst v63  }
0x88: {  	_ =	swait.ge [sflag:s21], $0x4000  }
0x89: {  	[sflag:s21] =	ssyncset.done $0x0  }
0x8a: {  	[sflag:s21] =	ssyncadd.s32 $0xFFFFC000  }
0x8b: {  	_ =	swait.ge [sflag:s21], $0x4000  }
0x8c: {  	[sflag:s21] =	ssyncset.done $0x0  }
0x8d: {  	[sflag:s21] =	ssyncadd.s32 $0xFFFFC000  }
0x8e: {  	_ =	swait.ge [sflag:s21], $0x4000  }
0x8f: {  	[sflag:s21] =	ssyncset.done $0x0  }
0x90: {  	[sflag:s21] =	ssyncadd.s32 $0xFFFFC000  }
0x91: {  	_ =	swait.ge [sflag:s21], $0x4000  }
0x92: {  	[sflag:s21] =	ssyncset.done $0x0  }
0x93: {  	[sflag:s21] =	ssyncadd.s32 $0xFFFFC000  }
0x94: {  	v0 =	vld [tilespmem:s2+$0x0];
	_ =	sdelay $0x4  }
0x95: {  	v0 =	vshrl.u32 v0, $0xD  }
0x96: {  	s26 =	simm.s32 $0x0;
	v0 =	vand.u32 $0x7FFE0, v0  }
0x97: {  	v3 =	vadd.s32 s26, v0  }
0x98: {  	(v2sf) =	vpush v3, $0xE  }
0x99: {  	(v2sf) =	vpush v3, $0xD  }
0x9a: {  	(v2sf) =	vpush v3, $0xC;
	_ =	sdelay $0x1  }
0x9b: {  	(v2sf) =	vpush v3, $0xB  }
0x9c: {  	(v2sf) =	vpush v3, $0xA  }
0x9d: {  	(v2sf) =	vpush v3, $0x9  }
0x9e: {  	v0 =	vld [tilespmem:s1+$0x0]  }
0x9f: {  	(v2sf) =	vpush v3, $0x8;
	_ =	sdelay $0x1  }
0xa0: {  	(v2sf) =	vpush v3, $0x7  }
0xa1: {  	(v2sf) =	vpush v3, $0x6  }
0xa2: {  	v0 =	vshrl.u32 v0, $0xA  }
0xa3: {  	v0 =	vand.u32 $0x3FFFE0, v0;
	(v2sf) =	vpush v3, $0x5  }
0xa4: {  	v4 =	vadd.s32 s26, v0  }
0xa5: {  	s6 =	spop (v2sf);
	(v2sf) =	vpush v4, $0xE  }
0xa6: {  	v5 =	vld [tilespmem:s6+$0xF00];
	s1 =	spop (v2sf)  }
0xa7: {  	v6 =	vld [tilespmem:s6+$0xF10];
	s7 =	spop (v2sf);
	(v2sf) =	vpush v4, $0xC  }
0xa8: {  	v7 =	vld [tilespmem:s7+$0xE00]  }
0xa9: {  	v8 =	vld [tilespmem:s7+$0xE10];
	s23 =	spop (v2sf);
	(v2sf) =	vpush v3, $0x4  }
0xaa: {  	v9 =	vld [tilespmem:s23+$0xD80];
	s5 =	spop (v2sf);
	(v2sf) =	vpush v4, $0xB  }
0xab: {  	v10 =	vld [tilespmem:s23+$0xD90];
	s24 =	spop (v2sf)  }
0xac: {  	(v2sf) =	vpush v3, $0x3;
	v11 =	vld [tilespmem:s24+$0xC80]  }
0xad: {  	v12 =	vld [tilespmem:s24+$0xC90];
	s25 =	spop (v2sf)  }
0xae: {  	(v2sf) =	vpush v4, $0x9;
	v13 =	vld [tilespmem:s25+$0xC00]  }
0xaf: {  	v14 =	vld [tilespmem:s25+$0xC10];
	s23 =	spop (v2sf)  }
0xb0: {  	(v2sf) =	vpush v4, $0x8;
	v2 =	vld [tilespmem:s23+$0xB80];
	s26 =	spop (v2sf)  }
0xb1: {  	v15 =	vld [tilespmem:s26+$0xB00]  }
0xb2: {  	(v2sf) =	vpush v3, $0x2;
	v16 =	vld [tilespmem:s26+$0xB10];
	s7 =	spop (v2sf)  }
0xb3: {  	v17 =	vld [tilespmem:s7+$0xA80]  }
0xb4: {  	(v2sf) =	vpush v4, $0x6;
	v20 =	vld [tilespmem:s7+$0xA90];
	s24 =	spop (v2sf)  }
0xb5: {  	v18 =	vld [tilespmem:s24+$0x8F00]  }
0xb6: {  	(v2sf) =	vpush v4, $0x5;
	v19 =	vld [tilespmem:s24+$0x8F10];
	s25 =	spop (v2sf)  }
0xb7: {  	v21 =	vld [tilespmem:s25+$0x8E00]  }
0xb8: {  	(v2sf) =	vpush v3, $0x0;
	v22 =	vld [tilespmem:s25+$0x8E10];
	s24 =	spop (v2sf)  }
0xb9: {  	v23 =	vld [tilespmem:s24+$0xA00];
	s26 =	spop (v2sf)  }
0xba: {  	(v2sf) =	vpush v4, $0x3;
	v24 =	vld [tilespmem:s26+$0x8D80]  }
0xbb: {  	v25 =	vld [tilespmem:s26+$0x8D90];
	s7 =	spop (v2sf)  }
0xbc: {  	(v2sf) =	vpush v4, $0x2;
	v26 =	vld [tilespmem:s7+$0x980]  }
0xbd: {  	s25 =	spop (v2sf);
	v29 =	vld [tilespmem:s7+$0x990]  }
0xbe: {  	(v2sf) =	vpush v3, $0x1;
	v27 =	vld [tilespmem:s25+$0x8C80]  }
0xbf: {  	v28 =	vld [tilespmem:s25+$0x8C90];
	s25 =	spop (v2sf)  }
0xc0: {  	(v2sf) =	vpush v4, $0x0;
	v30 =	vld [tilespmem:s25+$0x8C00]  }
0xc1: {  	v31 =	vld [tilespmem:s25+$0x8C10];
	s26 =	spop (v2sf)  }
0xc2: {  	(v2sf) =	vpush v4, $0x1;
	v32 =	vld [tilespmem:s26+$0x900]  }
0xc3: {  	s7 =	spop (v2sf);
	v35 =	vld [tilespmem:s26+$0x910]  }
0xc4: {  	v33 =	vld [tilespmem:s7+$0x8B00]  }
0xc5: {  	v34 =	vld [tilespmem:s7+$0x8B10];
	s25 =	spop (v2sf);
	(v2sf) =	vpush v4, $0x4  }
0xc6: {  	v36 =	vld [tilespmem:s25+$0x8A80]  }
0xc7: {  	v37 =	vld [tilespmem:s25+$0x8A90];
	s26 =	spop (v2sf)  }
0xc8: {  	(v2sf) =	vpush v4, $0x7;
	v38 =	vld [tilespmem:s26+$0x800]  }
0xc9: {  	s7 =	spop (v2sf);
	v41 =	vld [tilespmem:s26+$0x810]  }
0xca: {  	v39 =	vld [tilespmem:s7+$0x8980]  }
0xcb: {  	v40 =	vld [tilespmem:s7+$0x8990];
	s26 =	spop (v2sf)  }
0xcc: {  	v5 =	vmul.f32 v18, v5;
	(v2sf) =	vpush v4, $0xA;
	v18 =	vld [tilespmem:s26+$0x8900]  }
0xcd: {  	v6 =	vmul.f32 v19, v6;
	(v2sf) =	vpush v4, $0xD;
	v19 =	vld [tilespmem:s26+$0x8910];
	s7 =	spop (v2sf)  }
0xce: {  	v7 =	vmul.f32 v21, v7;
	v8 =	vmul.f32 v22, v8;
	(v2sf) =	vpush v3, $0xF;
	v21 =	vld [tilespmem:s7+$0x880]  }
0xcf: {  	v5 =	vadd.f32 v6, v5;
	s26 =	spop (v2sf);
	(v2sf) =	vpush v4, $0xF;
	v4 =	vld [tilespmem:s7+$0x890]  }
0xd0: {  	v6 =	vadd.f32 v8, v7;
	v8 =	vmul.f32 v24, v9;
	v9 =	vmul.f32 v25, v10;
	v7 =	vld [tilespmem:s26+$0x8800]  }
0xd1: {  	v10 =	vmul.f32 v27, v11;
	v11 =	vmul.f32 v28, v12;
	v3 =	vld [tilespmem:s26+$0x8810];
	s7 =	spop (v2sf)  }
0xd2: {  	(xrf2) =	vadd.scan.msk.f32 $0xffff, v5;
	v5 =	vadd.f32 v9, v8;
	v8 =	vmul.f32 v30, v13;
	v9 =	vmul.f32 v31, v14;
	v12 =	vld [tilespmem:s7+$0x8880]  }
0xd3: {  	(xrf2) =	vadd.scan.msk.f32 $0xffff, v6;
	v6 =	vadd.f32 v11, v10;
	v10 =	vmul.f32 v33, v15;
	v11 =	vmul.f32 v34, v16;
	v13 =	vld [tilespmem:s7+$0x8890]  }
0xd4: {  	v14 =	vld [tilespmem:s24+$0xA10];
	(xrf2) =	vadd.scan.msk.f32 $0xffff, v5;
	v5 =	vadd.f32 v9, v8;
	v8 =	vmul.f32 v36, v17;
	v9 =	vmul.f32 v37, v20;
	s24 =	spop (v2sf)  }
0xd5: {  	(xrf2) =	vadd.scan.msk.f32 $0xffff, v6;
	v6 =	vadd.f32 v11, v10;
	v10 =	vmul.f32 v39, v26;
	v11 =	vmul.f32 v40, v29;
	v15 =	vld [tilespmem:s24+$0x8A00]  }
0xd6: {  	(xrf2) =	vadd.scan.msk.f32 $0xffff, v5;
	v5 =	vadd.f32 v9, v8;
	v8 =	vmul.f32 v18, v32;
	v9 =	vmul.f32 v19, v35;
	v16 =	vld [tilespmem:s24+$0x8A10]  }
0xd7: {  	(xrf2) =	vadd.scan.msk.f32 $0xffff, v6;
	v6 =	vadd.f32 v11, v10;
	v10 =	vld [tilespmem:s23+$0xB90];
	v7 =	vmul.f32 v7, v38;
	v3 =	vmul.f32 v3, v41;
	s25 =	spop (v2sf)  }
0xd8: {  	(xrf2) =	vadd.scan.msk.f32 $0xffff, v5;
	v5 =	vadd.f32 v9, v8;
	v8 =	vmul.f32 v12, v21;
	v4 =	vmul.f32 v13, v4;
	v9 =	vld [tilespmem:s25+$0x8B80]  }
0xd9: {  	(xrf2) =	vadd.scan.msk.f32 $0xffff, v6;
	v3 =	vadd.f32 v3, v7;
	v6 =	vld [tilespmem:s25+$0x8B90]  }
0xda: {  	v0 =	vld [tilespmem:s1+$0xE80];
	(xrf2) =	vadd.scan.msk.f32 $0xffff, v5;
	v4 =	vadd.f32 v4, v8  }
0xdb: {  	v1 =	vld [tilespmem:s5+$0xD00];
	(xrf2) =	vadd.scan.msk.f32 $0xffff, v3;
	s26 =	spop (v2sf);
	v3 =	vmul.f32 v15, v23;
	v7 =	vmul.f32 v16, v14  }
0xdc: {  	v8 =	vld [tilespmem:s26+$0x8D00]  }
0xdd: {  	v11, _, _ =	vpop (xrf2);
	v5 =	vld [tilespmem:s5+$0xD10];
	(xrf2) =	vadd.scan.msk.f32 $0xffff, v4;
	v3 =	vadd.f32 v7, v3  }
0xde: {  	v12 =	vld [tilespmem:s26+$0x8D10];
	s5 =	spop (v2sf);
	v4, _, _ =	vpop (xrf2);
	v2 =	vmul.f32 v9, v2;
	v6 =	vmul.f32 v6, v10  }
0xdf: {  	v13, _, _ =	vpop (xrf2);
	s6 =	spop (v2sf);
	v14 =	vld [tilespmem:s5+$0x8E90]  }
0xe0: {  	s7 =	spop (v2sf);
	v9 =	vld [tilespmem:s5+$0x8E80];
	v10, _, _ =	vpop (xrf2);
	v2 =	vadd.f32 v6, v2  }
0xe1: {  	v1 =	vmul.f32 v8, v1;
	v8 =	vld [tilespmem:s7+$0x8F80];
	(xrf2) =	vadd.scan.msk.f32 $0xffff, v3;
	v3, _, _ =	vpop (xrf2)  }
0xe2: {  	v6 =	vld [tilespmem:s6+$0xF80];
	v15, _, _ =	vpop (xrf2)  }
0xe3: {  	v7 =	vld [tilespmem:s1+$0xE90];
	v5 =	vmul.f32 v12, v5;
	v12, _, _ =	vpop (xrf2)  }
0xe4: {  	(xrf2) =	vadd.scan.msk.f32 $0xffff, v2;
	v2, _, _ =	vpop (xrf2)  }
0xe5: {  	v1 =	vadd.f32 v5, v1;
	v17, _, _ =	vpop (xrf2)  }
0xe6: {  	v0 =	vmul.f32 v9, v0;
	v9, _, _ =	vpop (xrf2)  }
0xe7: {  	(xrf2) =	vadd.scan.msk.f32 $0xffff, v1;
	v1 =	vmul.f32 v8, v6;
	v6, _, _ =	vpop (xrf2)  }
0xe8: {  	v16 =	vld [tilespmem:s6+$0xF90];
	v7 =	vmul.f32 v14, v7;
	v6 =	vbroadcast v6, $0xF  }
0xe9: {  	v5 =	vld [tilespmem:s7+$0x8F90]  }
0xea: {  	v0 =	vadd.f32 v7, v0;
	v7 =	vbroadcast v9, $0xF;
	_ =	sdelay $0x1  }
0xeb: {  	(xrf2) =	vadd.scan.msk.f32 $0xffff, v0;
	v0 =	vsel vm0, v7, v6;
	v6, _, _ =	vpop (xrf2)  }
0xec: {  	v8 =	vbroadcast v17, $0xF;
	v6 =	vbroadcast v6, $0xF  }
0xed: {  	v5 =	vmul.f32 v5, v16;
	v2 =	vbroadcast v2, $0xF  }
0xee: {  	v0 =	vsel vm1, v0, v8  }
0xef: {  	v1 =	vadd.f32 v5, v1;
	v0 =	vsel vm2, v0, v2;
	v2 =	vbroadcast v12, $0xF  }
0xf0: {  	v5 =	vbroadcast v15, $0xF;
	v0 =	vsel vm3, v0, v6;
	v6, _, _ =	vpop (xrf2)  }
0xf1: {  	(xrf2) =	vadd.scan.msk.f32 $0xffff, v1;
	v0 =	vsel vm4, v0, v2;
	v1 =	vbroadcast v6, $0xF  }
0xf2: {  	v2 =	vbroadcast v3, $0xF;
	v0 =	vsel vm5, v0, v5  }
0xf3: {  	v3, _, _ =	vpop (xrf2);
	v0 =	vsel vm6, v0, v1;
	v1 =	vbroadcast v10, $0xF  }
0xf4: {  	v0 =	vsel vm7, v0, v2;
	v2 =	vbroadcast v3, $0xF  }
0xf5: {  	v0 =	vsel vm8, v0, v1;
	v1 =	vbroadcast v13, $0xF  }
0xf6: {  	v3, _, _ =	vpop (xrf2);
	v0 =	vsel vm9, v0, v2  }
0xf7: {  	v2 =	vbroadcast v4, $0xF;
	v0 =	vsel vm10, v0, v1;
	v1 =	vbroadcast v3, $0xF;
	_ =	sdelay $0x1  }
0xf8: {  	v0 =	vsel vm11, v0, v2;
	v2 =	vbroadcast v11, $0xF  }
0xf9: {  	v0 =	vsel vm12, v0, v1  }
0xfa: {  	v0 =	vsel vm13, v0, v2;
	v1, _, _ =	vpop (xrf2)  }
0xfb: {  	v0 =	vsel vm14, v0, v1  }
0xfc: {  	s1 =	simm.s32 $0x10;
	[tilespmem:s28+$0x0] =	vst v0  }
0xfd: {  	v1 =	vld [tilespmem:s1+$0x0];
	_ =	sdelay $0x4  }
0xfe: {  	v1 =	vshrl.u32 v1, $0xD  }
0xff: {  	s23 =	simm.s32 $0x800;
	v1 =	vand.u32 $0x7FFE0, v1  }
0x100: {  	v4 =	vadd.s32 s23, v1  }
0x101: {  	(v2sf) =	vpush v4, $0xE;
	_ =	sdelay $0x1  }
0x102: {  	(v2sf) =	vpush v4, $0xD  }
0x103: {  	(v2sf) =	vpush v4, $0xC;
	_ =	sdelay $0x1  }
0x104: {  	(v2sf) =	vpush v4, $0xB;
	_ =	sdelay $0x1  }
0x105: {  	s24 =	simm.s32 $0x210;
	(v2sf) =	vpush v4, $0xA  }
0x106: {  	v1 =	vld [tilespmem:s24+$0x0];
	(v2sf) =	vpush v4, $0x9;
	_ =	sdelay $0x1  }
0x107: {  	(v2sf) =	vpush v4, $0x8;
	_ =	sdelay $0x1  }
0x108: {  	(v2sf) =	vpush v4, $0x7  }
0x109: {  	v1 =	vshrl.u32 v1, $0xA;
	(v2sf) =	vpush v4, $0x6  }
0x10a: {  	v1 =	vand.u32 $0x3FFFE0, v1;
	(v2sf) =	vpush v4, $0x5  }
0x10b: {  	v6 =	vld [tilespmem:s22+$0x0];
	v5 =	vadd.s32 s23, v1;
	s25 =	spop (v2sf)  }
0x10c: {  	(v2sf) =	vpush v5, $0xE;
	v22 =	vld [tilespmem:s25+$0xF00]  }
0x10d: {  	v24 =	vld [tilespmem:s25+$0xF10];
	s25 =	spop (v2sf)  }
0x10e: {  	(v2sf) =	vpush v5, $0xC;
	v1 =	vld [tilespmem:s25+$0xE80];
	s26 =	spop (v2sf)  }
0x10f: {  	(v2sf) =	vpush v4, $0x4;
	v17 =	vld [tilespmem:s26+$0xE00]  }
0x110: {  	v18 =	vld [tilespmem:s26+$0xE10];
	s6 =	spop (v2sf)  }
0x111: {  	v13 =	vld [tilespmem:s6+$0xD80]  }
0x112: {  	v15 =	vld [tilespmem:s6+$0xD90];
	s26 =	spop (v2sf);
	(v2sf) =	vpush v5, $0xB  }
0x113: {  	v2 =	vld [tilespmem:s26+$0xD00];
	s7 =	spop (v2sf)  }
0x114: {  	(v2sf) =	vpush v4, $0x3;
	v14 =	vld [tilespmem:s7+$0xC80]  }
0x115: {  	v16 =	vld [tilespmem:s7+$0xC90];
	s23 =	spop (v2sf);
	(v2sf) =	vpush v5, $0x9  }
0x116: {  	v11 =	vld [tilespmem:s23+$0xC00]  }
0x117: {  	v12 =	vld [tilespmem:s23+$0xC10];
	s29 =	spop (v2sf)  }
0x118: {  	(v2sf) =	vpush v5, $0x8;
	v3 =	vld [tilespmem:s29+$0xB80];
	s6 =	spop (v2sf)  }
0x119: {  	v8 =	vld [tilespmem:s6+$0xB00];
	s7 =	spop (v2sf)  }
0x11a: {  	(v2sf) =	vpush v4, $0x2;
	v7 =	vld [tilespmem:s7+$0xA80]  }
0x11b: {  	(v2sf) =	vpush v5, $0x6;
	s23 =	spop (v2sf);
	v10 =	vld [tilespmem:s7+$0xA90]  }
0x11c: {  	v23 =	vld [tilespmem:s23+$0x8F00]  }
0x11d: {  	v25 =	vld [tilespmem:s23+$0x8F10];
	s7 =	spop (v2sf)  }
0x11e: {  	v0 =	vsub.f32 v0, v6;
	v9 =	vld [tilespmem:s6+$0xB10];
	s5 =	spop (v2sf);
	(v2sf) =	vpush v5, $0x5  }
0x11f: {  	v20 =	vld [tilespmem:s7+$0x8E00]  }
0x120: {  	v0 =	vmul.f32 v0, v0;
	v21 =	vld [tilespmem:s7+$0x8E10];
	(v2sf) =	vpush v4, $0x0  }
0x121: {  	v19 =	vimm.f32 $0.0e+00;
	v6 =	vld [tilespmem:s5+$0xA00];
	(v2sf) =	vpush v5, $0x3;
	s23 =	spop (v2sf)  }
0x122: {  	v0 =	vadd.f32 v0, v19;
	v23 =	vmul.f32 v23, v22;
	v24 =	vmul.f32 v25, v24;
	v19 =	vld [tilespmem:s23+$0x8D80]  }
0x123: {  	s30 =	simm.s32 $0x4000;
	v22 =	vld [tilespmem:s23+$0x8D90];
	s6 =	spop (v2sf);
	s23 =	simm.s32 $0x10A00  }
.LBB2_2:
0x124: {  	p1 =	sne.s32 s30, $0x1E000;
	v25 =	vld [tilespmem:s6+$0x980];
	v23 =	vadd.f32 v24, v23;
	(v2sf) =	vpush v5, $0x2;
	s7 =	spop (v2sf)  }
0x125: {  	v17 =	vmul.f32 v20, v17;
	v24 =	vld [tilespmem:s7+$0x8C80];
	v18 =	vmul.f32 v21, v18  }
0x126: {  	v20 =	vld [tilespmem:s7+$0x8C90];
	(v2sf) =	vpush v4, $0x1;
	(xrf2) =	vadd.scan.msk.f32 $0xffff, v23  }
0x127: {  	v21 =	vld [tilespmem:s6+$0x990];
	v17 =	vadd.f32 v18, v17;
	(v2sf) =	vpush v5, $0x0;
	s6 =	spop (v2sf)  }
0x128: {  	v13 =	vmul.f32 v19, v13;
	v18 =	vld [tilespmem:s6+$0x8C00];
	v15 =	vmul.f32 v22, v15  }
0x129: {  	v19 =	vld [tilespmem:s6+$0x8C10];
	s6 =	spop (v2sf);
	(xrf2) =	vadd.scan.msk.f32 $0xffff, v17  }
0x12a: {  	v17 =	vld [tilespmem:s6+$0x900];
	v13 =	vadd.f32 v15, v13;
	(v2sf) =	vpush v5, $0x1;
	s7 =	spop (v2sf)  }
0x12b: {  	v14 =	vmul.f32 v24, v14;
	v15 =	vld [tilespmem:s7+$0x8B00];
	v16 =	vmul.f32 v20, v16  }
0x12c: {  	v20 =	vld [tilespmem:s7+$0x8B10];
	(xrf2) =	vadd.scan.msk.f32 $0xffff, v13  }
0x12d: {  	v13 =	vld [tilespmem:s6+$0x910];
	v14 =	vadd.f32 v16, v14;
	s6 =	spop (v2sf);
	(v2sf) =	vpush v5, $0x4  }
0x12e: {  	v22 =	vmul.f32 v18, v11;
	v16 =	vld [tilespmem:s6+$0x8A80];
	v12 =	vmul.f32 v19, v12  }
0x12f: {  	v18 =	vld [tilespmem:s6+$0x8A90];
	s6 =	spop (v2sf);
	(xrf2) =	vadd.scan.msk.f32 $0xffff, v14  }
0x130: {  	v14 =	vld [tilespmem:s6+$0x800];
	v12 =	vadd.f32 v12, v22;
	s7 =	spop (v2sf);
	(v2sf) =	vpush v5, $0x7;
	v11, _, _ =	vpop (xrf2)  }
0x131: {  	v22 =	vmul.f32 v15, v8;
	v19 =	vld [tilespmem:s7+$0x8980];
	v9 =	vmul.f32 v20, v9  }
0x132: {  	v15 =	vld [tilespmem:s7+$0x8990];
	(xrf2) =	vadd.scan.msk.f32 $0xffff, v12  }
0x133: {  	v12 =	vld [tilespmem:s6+$0x810];
	v9 =	vadd.f32 v9, v22;
	s6 =	spop (v2sf);
	(v2sf) =	vpush v5, $0xA;
	v8, _, _ =	vpop (xrf2)  }
0x134: {  	v22 =	vmul.f32 v16, v7;
	v20 =	vld [tilespmem:s6+$0x8900];
	v10 =	vmul.f32 v18, v10  }
0x135: {  	v16 =	vld [tilespmem:s6+$0x8910];
	s6 =	spop (v2sf);
	(xrf2) =	vadd.scan.msk.f32 $0xffff, v9  }
0x136: {  	v9 =	vld [tilespmem:s6+$0x880];
	v10 =	vadd.f32 v10, v22;
	s7 =	spop (v2sf);
	v7, _, _ =	vpop (xrf2);
	(v2sf) =	vpush v5, $0xD  }
0x137: {  	v19 =	vmul.f32 v19, v25;
	v18 =	vld [tilespmem:s7+$0x8800];
	v22 =	vmul.f32 v15, v21  }
0x138: {  	v21 =	vld [tilespmem:s7+$0x8810];
	(xrf2) =	vadd.scan.msk.f32 $0xffff, v10;
	(v2sf) =	vpush v4, $0xF  }
0x139: {  	v4 =	vld [tilespmem:s6+$0x890];
	v10 =	vadd.f32 v22, v19;
	s6 =	spop (v2sf);
	v15, _, _ =	vpop (xrf2);
	(v2sf) =	vpush v5, $0xF  }
0x13a: {  	v19 =	vmul.f32 v20, v17;
	v5 =	vld [tilespmem:s6+$0x8880];
	v13 =	vmul.f32 v16, v13  }
0x13b: {  	v16 =	vld [tilespmem:s6+$0x8890];
	(xrf2) =	vadd.scan.msk.f32 $0xffff, v10  }
0x13c: {  	v10 =	vadd.f32 v13, v19;
	v13 =	vld [tilespmem:s5+$0xA10];
	s5 =	spop (v2sf);
	v17, _, _ =	vpop (xrf2)  }
0x13d: {  	v20 =	vmul.f32 v18, v14;
	v12 =	vmul.f32 v21, v12;
	v18 =	vld [tilespmem:s5+$0x8A00]  }
0x13e: {  	v19 =	vld [tilespmem:s5+$0x8A10];
	(xrf2) =	vadd.scan.msk.f32 $0xffff, v10  }
0x13f: {  	v20 =	vadd.f32 v12, v20;
	v12 =	vld [tilespmem:s29+$0xB90];
	s5 =	spop (v2sf);
	v14, _, _ =	vpop (xrf2)  }
0x140: {  	v5 =	vmul.f32 v5, v9;
	v4 =	vmul.f32 v16, v4;
	v9 =	vld [tilespmem:s5+$0x8B80]  }
0x141: {  	v16 =	vld [tilespmem:s5+$0x8B90];
	(xrf2) =	vadd.scan.msk.f32 $0xffff, v20  }
0x142: {  	v4 =	vadd.f32 v4, v5;
	v5 =	vld [tilespmem:s26+$0xD10];
	v10, _, _ =	vpop (xrf2);
	s5 =	spop (v2sf)  }
0x143: {  	v6 =	vmul.f32 v18, v6;
	v20 =	vmul.f32 v19, v13;
	v18 =	vld [tilespmem:s5+$0x8D00]  }
0x144: {  	v19 =	vld [tilespmem:s5+$0x8D10];
	(xrf2) =	vadd.scan.msk.f32 $0xffff, v4  }
0x145: {  	v4 =	vadd.f32 v20, v6;
	v6 =	vld [tilespmem:s25+$0xE90];
	v13, _, _ =	vpop (xrf2);
	s5 =	spop (v2sf)  }
0x146: {  	v3 =	vmul.f32 v9, v3;
	v20 =	vmul.f32 v16, v12;
	v12 =	vld [tilespmem:s5+$0x8E80]  }
0x147: {  	v16 =	vld [tilespmem:s5+$0x8E90];
	(xrf2) =	vadd.scan.msk.f32 $0xffff, v4;
	s5 =	spop (v2sf)  }
0x148: {  	v3 =	vadd.f32 v20, v3;
	v4 =	vld [tilespmem:s5+$0xF80];
	v9, _, _ =	vpop (xrf2);
	s6 =	spop (v2sf)  }
0x149: {  	v2 =	vmul.f32 v18, v2;
	v20 =	vmul.f32 v19, v5;
	v18 =	vld [tilespmem:s6+$0x8F80]  }
0x14a: {  	v19 =	vld [tilespmem:s5+$0xF90];
	(xrf2) =	vadd.scan.msk.f32 $0xffff, v3  }
0x14b: {  	v2 =	vadd.f32 v20, v2;
	v3 =	vld [tilespmem:s6+$0x8F90];
	v5, _, _ =	vpop (xrf2)  }
0x14c: {  	v1 =	vmul.f32 v12, v1;
	v6 =	vmul.f32 v16, v6  }
0x14d: {  	(xrf2) =	vadd.scan.msk.f32 $0xffff, v2  }
0x14e: {  	v1 =	vadd.f32 v6, v1;
	v2 =	vmul.f32 v18, v4;
	v4, _, _ =	vpop (xrf2)  }
0x14f: {  	v12 =	vbroadcast v5, $0xF;
	v4 =	vbroadcast v4, $0xF  }
0x150: {  	v6 =	vbroadcast v9, $0xF;
	v3 =	vmul.f32 v3, v19;
	(xrf2) =	vadd.scan.msk.f32 $0xffff, v1  }
0x151: {  	v1 =	vsel vm0, v12, v4;
	v4 =	vbroadcast v13, $0xF;
	v5, _, _ =	vpop (xrf2)  }
0x152: {  	v1 =	vsel vm1, v1, v6;
	v6 =	vbroadcast v5, $0xF;
	v2 =	vadd.f32 v3, v2  }
0x153: {  	v3 =	vbroadcast v10, $0xF;
	v1 =	vsel vm2, v1, v4  }
0x154: {  	v1 =	vsel vm3, v1, v6;
	v6 =	vbroadcast v14, $0xF;
	v5, _, _ =	vpop (xrf2);
	(xrf2) =	vadd.scan.msk.f32 $0xffff, v2  }
0x155: {  	v1 =	vsel vm4, v1, v3;
	v2 =	vbroadcast v5, $0xF  }
0x156: {  	v3 =	vbroadcast v17, $0xF;
	v1 =	vsel vm5, v1, v6  }
0x157: {  	v1 =	vsel vm6, v1, v2;
	v2 =	vbroadcast v15, $0xF;
	v4, _, _ =	vpop (xrf2)  }
0x158: {  	v1 =	vsel vm7, v1, v3;
	v3 =	vbroadcast v4, $0xF  }
0x159: {  	v1 =	vsel vm8, v1, v2;
	v2 =	vbroadcast v7, $0xF  }
0x15a: {  	v1 =	vsel vm9, v1, v3;
	v3 =	vbroadcast v8, $0xF;
	v4, _, _ =	vpop (xrf2)  }
0x15b: {  	v1 =	vsel vm10, v1, v2;
	v4 =	vbroadcast v4, $0xF  }
0x15c: {  	v1 =	vsel vm11, v1, v3;
	v3 =	vbroadcast v11, $0xF  }
0x15d: {  	v1 =	vsel vm12, v1, v4  }
0x15e: {  	v1 =	vsel vm13, v1, v3;
	v2, _, _ =	vpop (xrf2)  }
0x15f: {  	s23 =	sadd.s32 $0x10, s23;
	v1 =	vsel vm14, v1, v2  }
0x160: {  	s1 =	sadd.s32 $0x10, s1;
	[tilespmem:s23+$0x0] =	vst v1  }
0x161: {  	s22 =	sadd.s32 $0x10, s22;
	v2 =	vld [tilespmem:s1+$0x0]  }
0x162: {  	v3 =	vld [tilespmem:s22+$0x0];
	_ =	sdelay $0x3  }
0x163: {  	v2 =	vshrl.u32 v2, $0xD  }
0x164: {  	s5 =	sshra.s32 s30, $0x2;
	v2 =	vand.u32 $0x7FFE0, v2;
	v1 =	vsub.f32 v1, v3  }
0x165: {  	v4 =	vadd.s32 s5, v2  }
0x166: {  	(v2sf) =	vpush v4, $0xE;
	v1 =	vmul.f32 v1, v1;
	_ =	sdelay $0x1  }
0x167: {  	(v2sf) =	vpush v4, $0xD;
	v0 =	vadd.f32 v1, v0  }
0x168: {  	(v2sf) =	vpush v4, $0xC;
	_ =	sdelay $0x1  }
0x169: {  	(v2sf) =	vpush v4, $0xB;
	_ =	sdelay $0x1  }
0x16a: {  	s24 =	sadd.s32 $0x10, s24;
	(v2sf) =	vpush v4, $0xA  }
0x16b: {  	v1 =	vld [tilespmem:s24+$0x0];
	(v2sf) =	vpush v4, $0x9;
	_ =	sdelay $0x1  }
0x16c: {  	(v2sf) =	vpush v4, $0x8;
	_ =	sdelay $0x1  }
0x16d: {  	(v2sf) =	vpush v4, $0x7  }
0x16e: {  	v1 =	vshrl.u32 v1, $0xA;
	(v2sf) =	vpush v4, $0x6  }
0x16f: {  	v1 =	vand.u32 $0x3FFFE0, v1  }
0x170: {  	v5 =	vadd.s32 s5, v1;
	(v2sf) =	vpush v4, $0x5;
	s5 =	spop (v2sf)  }
0x171: {  	v22 =	vld [tilespmem:s5+$0xF00];
	(v2sf) =	vpush v5, $0xE  }
0x172: {  	v24 =	vld [tilespmem:s5+$0xF10];
	s25 =	spop (v2sf)  }
0x173: {  	v1 =	vld [tilespmem:s25+$0xE80];
	s5 =	spop (v2sf)  }
0x174: {  	v17 =	vld [tilespmem:s5+$0xE00];
	(v2sf) =	vpush v5, $0xC  }
0x175: {  	v18 =	vld [tilespmem:s5+$0xE10];
	s5 =	spop (v2sf)  }
0x176: {  	v13 =	vld [tilespmem:s5+$0xD80];
	(v2sf) =	vpush v4, $0x4  }
0x177: {  	v15 =	vld [tilespmem:s5+$0xD90];
	s26 =	spop (v2sf);
	(v2sf) =	vpush v5, $0xB  }
0x178: {  	v2 =	vld [tilespmem:s26+$0xD00];
	s5 =	spop (v2sf)  }
0x179: {  	v14 =	vld [tilespmem:s5+$0xC80];
	(v2sf) =	vpush v4, $0x3  }
0x17a: {  	v16 =	vld [tilespmem:s5+$0xC90];
	s5 =	spop (v2sf);
	(v2sf) =	vpush v5, $0x9  }
0x17b: {  	v11 =	vld [tilespmem:s5+$0xC00]  }
0x17c: {  	v12 =	vld [tilespmem:s5+$0xC10];
	s29 =	spop (v2sf)  }
0x17d: {  	v3 =	vld [tilespmem:s29+$0xB80];
	s5 =	spop (v2sf);
	(v2sf) =	vpush v5, $0x8  }
0x17e: {  	v8 =	vld [tilespmem:s5+$0xB00]  }
0x17f: {  	v9 =	vld [tilespmem:s5+$0xB10];
	(v2sf) =	vpush v4, $0x2;
	s5 =	spop (v2sf)  }
0x180: {  	v7 =	vld [tilespmem:s5+$0xA80];
	(v2sf) =	vpush v5, $0x6;
	s6 =	spop (v2sf)  }
0x181: {  	v23 =	vld [tilespmem:s6+$0x8F00]  }
0x182: {  	v25 =	vld [tilespmem:s6+$0x8F10]  }
0x183: {  	v10 =	vld [tilespmem:s5+$0xA90];
	(v2sf) =	vpush v5, $0x5;
	s5 =	spop (v2sf)  }
.Ltmp0:
0x184: {  	v20 =	vld [tilespmem:s5+$0x8E00];
	(pc) =	sbr.rel @p1 .LBB2_2-.Ltmp0, $4  }
0x185: {  	v21 =	vld [tilespmem:s5+$0x8E10];
	(v2sf) =	vpush v4, $0x0;
	s5 =	spop (v2sf)  }
0x186: {  	v6 =	vld [tilespmem:s5+$0xA00];
	(v2sf) =	vpush v5, $0x3;
	s6 =	spop (v2sf)  }
0x187: {  	v23 =	vmul.f32 v23, v22;
	v19 =	vld [tilespmem:s6+$0x8D80];
	v24 =	vmul.f32 v25, v24  }
0x188: {  	s30 =	sadd.s32 $0x2000, s30;
	v22 =	vld [tilespmem:s6+$0x8D90];
	s6 =	spop (v2sf)  }
0x189: {  	v25 =	vld [tilespmem:s6+$0x980];
	(v2sf) =	vpush v5, $0x2  }
0x18a: {  	s1 =	spop (v2sf);
	v28 =	vld [tilespmem:s6+$0x990]  }
0x18b: {  	v26 =	vld [tilespmem:s1+$0x8C80];
	(v2sf) =	vpush v4, $0x1  }
0x18c: {  	v27 =	vld [tilespmem:s1+$0x8C90];
	s6 =	spop (v2sf)  }
0x18d: {  	(v2sf) =	vpush v5, $0x0;
	v29 =	vld [tilespmem:s6+$0x8C00]  }
0x18e: {  	v30 =	vld [tilespmem:s6+$0x8C10];
	s7 =	spop (v2sf)  }
0x18f: {  	(v2sf) =	vpush v5, $0x1;
	v31 =	vld [tilespmem:s7+$0x900]  }
0x190: {  	s24 =	spop (v2sf);
	v34 =	vld [tilespmem:s7+$0x910]  }
0x191: {  	v32 =	vld [tilespmem:s24+$0x8B00]  }
0x192: {  	(v2sf) =	vpush v5, $0x4;
	v33 =	vld [tilespmem:s24+$0x8B10];
	s6 =	spop (v2sf)  }
0x193: {  	v35 =	vld [tilespmem:s6+$0x8A80]  }
0x194: {  	v36 =	vld [tilespmem:s6+$0x8A90];
	s7 =	spop (v2sf)  }
0x195: {  	v37 =	vld [tilespmem:s7+$0x800]  }
0x196: {  	(v2sf) =	vpush v5, $0x7;
	s24 =	spop (v2sf);
	v40 =	vld [tilespmem:s7+$0x810]  }
0x197: {  	v38 =	vld [tilespmem:s24+$0x8980]  }
0x198: {  	v39 =	vld [tilespmem:s24+$0x8990];
	s7 =	spop (v2sf)  }
0x199: {  	v41 =	vld [tilespmem:s7+$0x8900]  }
0x19a: {  	v17 =	vmul.f32 v20, v17;
	(v2sf) =	vpush v5, $0xA;
	v20 =	vld [tilespmem:s7+$0x8910];
	s24 =	spop (v2sf)  }
0x19b: {  	v23 =	vadd.f32 v24, v23;
	v18 =	vmul.f32 v21, v18;
	(v2sf) =	vpush v5, $0xD;
	v21 =	vld [tilespmem:s24+$0x880]  }
0x19c: {  	s7 =	spop (v2sf);
	(v2sf) =	vpush v4, $0xF;
	v4 =	vmul.f32 v26, v14;
	v14 =	vmul.f32 v27, v16;
	v16 =	vld [tilespmem:s24+$0x890]  }
0x19d: {  	v17 =	vadd.f32 v18, v17;
	v13 =	vmul.f32 v19, v13;
	v15 =	vmul.f32 v22, v15;
	v18 =	vld [tilespmem:s7+$0x8800]  }
0x19e: {  	v11 =	vmul.f32 v29, v11;
	v19 =	vld [tilespmem:s7+$0x8810];
	s24 =	spop (v2sf)  }
0x19f: {  	(xrf2) =	vadd.scan.msk.f32 $0xffff, v23;
	v12 =	vmul.f32 v30, v12;
	(v2sf) =	vpush v5, $0xF;
	v5 =	vadd.f32 v15, v13;
	v13 =	vld [tilespmem:s24+$0x8880]  }
0x1a0: {  	(xrf2) =	vadd.scan.msk.f32 $0xffff, v17;
	v8 =	vmul.f32 v32, v8;
	v9 =	vmul.f32 v33, v9;
	v4 =	vadd.f32 v14, v4;
	v14 =	vld [tilespmem:s24+$0x8890]  }
0x1a1: {  	v7 =	vmul.f32 v35, v7;
	v10 =	vmul.f32 v36, v10;
	(xrf2) =	vadd.scan.msk.f32 $0xffff, v5;
	v5 =	vadd.f32 v12, v11;
	v11 =	vld [tilespmem:s5+$0xA10];
	s5 =	spop (v2sf)  }
0x1a2: {  	(xrf2) =	vadd.scan.msk.f32 $0xffff, v4;
	v4 =	vadd.f32 v9, v8;
	v8 =	vmul.f32 v38, v25;
	v9 =	vmul.f32 v39, v28;
	v12 =	vld [tilespmem:s5+$0x8A00]  }
0x1a3: {  	(xrf2) =	vadd.scan.msk.f32 $0xffff, v5;
	v5 =	vadd.f32 v10, v7;
	v7 =	vmul.f32 v41, v31;
	v10 =	vmul.f32 v20, v34;
	v15 =	vld [tilespmem:s5+$0x8A10]  }
0x1a4: {  	(xrf2) =	vadd.scan.msk.f32 $0xffff, v4;
	v4 =	vadd.f32 v9, v8;
	v8 =	vmul.f32 v18, v37;
	v9 =	vmul.f32 v19, v40  }
0x1a5: {  	v17 =	vld [tilespmem:s29+$0xB90];
	s6 =	spop (v2sf);
	(xrf2) =	vadd.scan.msk.f32 $0xffff, v5;
	v5 =	vadd.f32 v10, v7  }
0x1a6: {  	v7 =	vmul.f32 v13, v21;
	v10 =	vmul.f32 v14, v16;
	v13 =	vld [tilespmem:s6+$0x8B80];
	(xrf2) =	vadd.scan.msk.f32 $0xffff, v4;
	v4 =	vadd.f32 v9, v8  }
0x1a7: {  	v8 =	vld [tilespmem:s6+$0x8B90];
	(xrf2) =	vadd.scan.msk.f32 $0xffff, v5  }
0x1a8: {  	v5 =	vadd.f32 v10, v7;
	(xrf2) =	vadd.scan.msk.f32 $0xffff, v4;
	v4 =	vmul.f32 v12, v6;
	v6 =	vmul.f32 v15, v11  }
0x1a9: {  	v7 =	vld [tilespmem:s26+$0xD10]  }
0x1aa: {  	v4 =	vadd.f32 v6, v4;
	v6 =	vld [tilespmem:s25+$0xE90];
	s7 =	spop (v2sf)  }
0x1ab: {  	v10, _, _ =	vpop (xrf2);
	(xrf2) =	vadd.scan.msk.f32 $0xffff, v5;
	v11 =	vld [tilespmem:s7+$0x8D10];
	s24 =	spop (v2sf)  }
0x1ac: {  	v3 =	vmul.f32 v13, v3;
	v5, _, _ =	vpop (xrf2);
	v8 =	vmul.f32 v8, v17;
	v15 =	vld [tilespmem:s24+$0x8E90]  }
0x1ad: {  	v9 =	vld [tilespmem:s7+$0x8D00];
	v12, _, _ =	vpop (xrf2)  }
0x1ae: {  	v13 =	vld [tilespmem:s24+$0x8E80];
	v14, _, _ =	vpop (xrf2);
	v3 =	vadd.f32 v8, v3  }
0x1af: {  	(xrf2) =	vadd.scan.msk.f32 $0xffff, v4;
	v4, _, _ =	vpop (xrf2)  }
0x1b0: {  	s25 =	spop (v2sf);
	v16, _, _ =	vpop (xrf2)  }
0x1b1: {  	v8 =	vld [tilespmem:s25+$0xF80];
	v7 =	vmul.f32 v11, v7;
	v11, _, _ =	vpop (xrf2);
	v6 =	vmul.f32 v15, v6  }
0x1b2: {  	s26 =	spop (v2sf);
	v17 =	vld [tilespmem:s25+$0xF90];
	v2 =	vmul.f32 v9, v2;
	(xrf2) =	vadd.scan.msk.f32 $0xffff, v3;
	v3, _, _ =	vpop (xrf2)  }
0x1b3: {  	v9 =	vld [tilespmem:s26+$0x8F80];
	v1 =	vmul.f32 v13, v1;
	v18, _, _ =	vpop (xrf2)  }
0x1b4: {  	v2 =	vadd.f32 v7, v2;
	v7 =	vld [tilespmem:s26+$0x8F90];
	v13, _, _ =	vpop (xrf2)  }
0x1b5: {  	v1 =	vadd.f32 v6, v1;
	v6, _, _ =	vpop (xrf2)  }
0x1b6: {  	(xrf2) =	vadd.scan.msk.f32 $0xffff, v2;
	v6 =	vbroadcast v6, $0xF;
	_ =	sdelay $0x1  }
0x1b7: {  	v2 =	vmul.f32 v9, v8;
	v8 =	vbroadcast v13, $0xF  }
0x1b8: {  	v9 =	vbroadcast v18, $0xF;
	(xrf2) =	vadd.scan.msk.f32 $0xffff, v1;
	v7 =	vmul.f32 v7, v17  }
0x1b9: {  	v3 =	vbroadcast v3, $0xF;
	v1 =	vsel vm0, v8, v6;
	v6, _, _ =	vpop (xrf2)  }
0x1ba: {  	v1 =	vsel vm1, v1, v9;
	v6 =	vbroadcast v6, $0xF  }
0x1bb: {  	v2 =	vadd.f32 v7, v2;
	v1 =	vsel vm2, v1, v3;
	v3 =	vbroadcast v11, $0xF  }
0x1bc: {  	v7, _, _ =	vpop (xrf2);
	v1 =	vsel vm3, v1, v6;
	v6 =	vbroadcast v16, $0xF  }
0x1bd: {  	(xrf2) =	vadd.scan.msk.f32 $0xffff, v2;
	v2 =	vbroadcast v7, $0xF;
	v1 =	vsel vm4, v1, v3  }
0x1be: {  	v3 =	vbroadcast v4, $0xF;
	v1 =	vsel vm5, v1, v6  }
0x1bf: {  	v4, _, _ =	vpop (xrf2);
	v1 =	vsel vm6, v1, v2;
	v2 =	vbroadcast v14, $0xF  }
0x1c0: {  	v1 =	vsel vm7, v1, v3;
	v3 =	vbroadcast v4, $0xF  }
0x1c1: {  	v1 =	vsel vm8, v1, v2;
	v2 =	vbroadcast v12, $0xF  }
0x1c2: {  	v4, _, _ =	vpop (xrf2);
	v1 =	vsel vm9, v1, v3  }
0x1c3: {  	v3 =	vbroadcast v5, $0xF;
	v1 =	vsel vm10, v1, v2;
	v2 =	vbroadcast v4, $0xF;
	_ =	sdelay $0x1  }
0x1c4: {  	v1 =	vsel vm11, v1, v3;
	v3 =	vbroadcast v10, $0xF  }
0x1c5: {  	v1 =	vsel vm12, v1, v2  }
0x1c6: {  	v1 =	vsel vm13, v1, v3;
	v2, _, _ =	vpop (xrf2)  }
0x1c7: {  	s5 =	sadd.s32 $0x10, s23;
	v1 =	vsel vm14, v1, v2  }
0x1c8: {  	s6 =	sadd.s32 $0x10, s22;
	[tilespmem:s5+$0x0] =	vst v1  }
0x1c9: {  	v2 =	vld [tilespmem:s6+$0x0];
	_ =	sdelay $0x4  }
0x1ca: {  	v1 =	vsub.f32 v1, v2;
	_ =	sdelay $0x1  }
0x1cb: {  	v1 =	vmul.f32 v1, v1;
	_ =	sdelay $0x1  }
0x1cc: {  	v0 =	vadd.f32 v1, v0;
	_ =	sdelay $0x1  }
0x1cd: {  	s22 =	simm.s32 $0x500;
	s7 =	simm.s32 $0x800;
	[tilespmem:$0x10C00] =	vst v0  }
0x1ce: {  	[tilespmem:s7], [sflag:$0x1] =	stream.indirect.gather [hbm4b:s3+s19], $0x80, s22, s19, $0xb8;
	[tilespmem:$0x10D30] =	vst v63  }
0x1cf: {  	s23 =	simm.s32 $0x8800;
	s24 =	simm.s32 $0x700  }
0x1d0: {  	[tilespmem:s23], [sflag:$0x1] =	stream.indirect.gather [hbm4b:s4+s19], $0x80, s24, s19, $0xb8;
	[tilespmem:$0x10D30] =	vst v63  }
0x1d1: {  	s25 =	simm.s32 $0x580  }
0x1d2: {  	[tilespmem:s31], [sflag:$0x1] =	stream.indirect.gather [hbm4b:s3+s19], $0x80, s25, s19, $0xb8;
	[tilespmem:$0x10D30] =	vst v63  }
0x1d3: {  	s26 =	simm.s32 $0x780  }
0x1d4: {  	[tilespmem:s20], [sflag:$0x1] =	stream.indirect.gather [hbm4b:s4+s19], $0x80, s26, s19, $0xb8;
	[tilespmem:$0x10D30] =	vst v63  }
0x1d5: {  	_ =	swait.ge [sflag:s21], $0x4000  }
0x1d6: {  	[sflag:s21] =	ssyncset.done $0x0  }
0x1d7: {  	[sflag:s21] =	ssyncadd.s32 $0xFFFFC000  }
0x1d8: {  	_ =	swait.ge [sflag:s21], $0x4000  }
0x1d9: {  	[sflag:s21] =	ssyncset.done $0x0  }
0x1da: {  	[sflag:s21] =	ssyncadd.s32 $0xFFFFC000  }
0x1db: {  	_ =	swait.ge [sflag:s21], $0x4000  }
0x1dc: {  	[sflag:s21] =	ssyncset.done $0x0  }
0x1dd: {  	[sflag:s21] =	ssyncadd.s32 $0xFFFFC000  }
0x1de: {  	_ =	swait.ge [sflag:s21], $0x4000  }
0x1df: {  	[sflag:s21] =	ssyncset.done $0x0  }
0x1e0: {  	s5 =	simm.s32 $0x100;
	[sflag:s21] =	ssyncadd.s32 $0xFFFFC000  }
0x1e1: {  	v0 =	vld [tilespmem:s5+$0x0];
	_ =	sdelay $0x4  }
0x1e2: {  	v0 =	vshrl.u32 v0, $0xD  }
0x1e3: {  	s6 =	simm.s32 $0x0;
	v0 =	vand.u32 $0x7FFE0, v0  }
0x1e4: {  	v3 =	vadd.s32 s6, v0  }
0x1e5: {  	(v2sf) =	vpush v3, $0xE  }
0x1e6: {  	(v2sf) =	vpush v3, $0xD  }
0x1e7: {  	(v2sf) =	vpush v3, $0xC;
	_ =	sdelay $0x1  }
0x1e8: {  	(v2sf) =	vpush v3, $0xB  }
0x1e9: {  	(v2sf) =	vpush v3, $0xA  }
0x1ea: {  	s7 =	simm.s32 $0x300;
	(v2sf) =	vpush v3, $0x9  }
0x1eb: {  	v0 =	vld [tilespmem:s7+$0x0]  }
0x1ec: {  	(v2sf) =	vpush v3, $0x8;
	_ =	sdelay $0x1  }
0x1ed: {  	(v2sf) =	vpush v3, $0x7  }
0x1ee: {  	(v2sf) =	vpush v3, $0x6  }
0x1ef: {  	v0 =	vshrl.u32 v0, $0xA  }
0x1f0: {  	v0 =	vand.u32 $0x3FFFE0, v0;
	(v2sf) =	vpush v3, $0x5  }
0x1f1: {  	v4 =	vadd.s32 s6, v0  }
0x1f2: {  	(v2sf) =	vpush v4, $0xE;
	s22 =	spop (v2sf)  }
0x1f3: {  	v5 =	vld [tilespmem:s22+$0xF00];
	s1 =	spop (v2sf)  }
0x1f4: {  	(v2sf) =	vpush v4, $0xC;
	v6 =	vld [tilespmem:s22+$0xF10];
	s23 =	spop (v2sf)  }
0x1f5: {  	v7 =	vld [tilespmem:s23+$0xE00]  }
0x1f6: {  	(v2sf) =	vpush v3, $0x4;
	v8 =	vld [tilespmem:s23+$0xE10];
	s24 =	spop (v2sf)  }
0x1f7: {  	(v2sf) =	vpush v4, $0xB;
	v9 =	vld [tilespmem:s24+$0xD80];
	s5 =	spop (v2sf)  }
0x1f8: {  	v10 =	vld [tilespmem:s24+$0xD90];
	s25 =	spop (v2sf)  }
0x1f9: {  	(v2sf) =	vpush v3, $0x3;
	v11 =	vld [tilespmem:s25+$0xC80]  }
0x1fa: {  	v12 =	vld [tilespmem:s25+$0xC90];
	s26 =	spop (v2sf)  }
0x1fb: {  	(v2sf) =	vpush v4, $0x9;
	v13 =	vld [tilespmem:s26+$0xC00]  }
0x1fc: {  	v14 =	vld [tilespmem:s26+$0xC10];
	s22 =	spop (v2sf)  }
0x1fd: {  	(v2sf) =	vpush v4, $0x8;
	v2 =	vld [tilespmem:s22+$0xB80];
	s7 =	spop (v2sf)  }
0x1fe: {  	v15 =	vld [tilespmem:s7+$0xB00]  }
0x1ff: {  	(v2sf) =	vpush v3, $0x2;
	v16 =	vld [tilespmem:s7+$0xB10];
	s23 =	spop (v2sf)  }
0x200: {  	v17 =	vld [tilespmem:s23+$0xA80]  }
0x201: {  	(v2sf) =	vpush v4, $0x6;
	s7 =	spop (v2sf);
	v20 =	vld [tilespmem:s23+$0xA90]  }
0x202: {  	v18 =	vld [tilespmem:s7+$0x8F00]  }
0x203: {  	(v2sf) =	vpush v4, $0x5;
	v19 =	vld [tilespmem:s7+$0x8F10];
	s24 =	spop (v2sf)  }
0x204: {  	v21 =	vld [tilespmem:s24+$0x8E00]  }
0x205: {  	(v2sf) =	vpush v3, $0x0;
	v22 =	vld [tilespmem:s24+$0x8E10];
	s23 =	spop (v2sf)  }
0x206: {  	v23 =	vld [tilespmem:s23+$0xA00];
	s25 =	spop (v2sf)  }
0x207: {  	(v2sf) =	vpush v4, $0x3;
	v24 =	vld [tilespmem:s25+$0x8D80]  }
0x208: {  	v25 =	vld [tilespmem:s25+$0x8D90];
	s26 =	spop (v2sf)  }
0x209: {  	(v2sf) =	vpush v4, $0x2;
	v26 =	vld [tilespmem:s26+$0x980]  }
0x20a: {  	s24 =	spop (v2sf);
	v51 =	vld [tilespmem:s26+$0x990]  }
0x20b: {  	(v2sf) =	vpush v3, $0x1;
	v27 =	vld [tilespmem:s24+$0x8C80]  }
0x20c: {  	v50 =	vld [tilespmem:s24+$0x8C90];
	s25 =	spop (v2sf)  }
0x20d: {  	(v2sf) =	vpush v4, $0x0;
	v52 =	vld [tilespmem:s25+$0x8C00]  }
0x20e: {  	v53 =	vld [tilespmem:s25+$0x8C10];
	s26 =	spop (v2sf)  }
0x20f: {  	(v2sf) =	vpush v4, $0x1;
	v54 =	vld [tilespmem:s26+$0x900]  }
0x210: {  	s24 =	spop (v2sf);
	v57 =	vld [tilespmem:s26+$0x910]  }
0x211: {  	v55 =	vld [tilespmem:s24+$0x8B00]  }
0x212: {  	v56 =	vld [tilespmem:s24+$0x8B10];
	s25 =	spop (v2sf);
	(v2sf) =	vpush v4, $0x4  }
0x213: {  	v58 =	vld [tilespmem:s25+$0x8A80]  }
0x214: {  	v59 =	vld [tilespmem:s25+$0x8A90];
	s26 =	spop (v2sf)  }
0x215: {  	(v2sf) =	vpush v4, $0x7;
	v60 =	vld [tilespmem:s26+$0x800]  }
0x216: {  	v63 =	vld [tilespmem:s26+$0x810];
	s24 =	spop (v2sf)  }
0x217: {  	v61 =	vld [tilespmem:s24+$0x8980]  }
0x218: {  	v62 =	vld [tilespmem:s24+$0x8990];
	s25 =	spop (v2sf)  }
0x219: {  	v5 =	vmul.f32 v18, v5;
	(v2sf) =	vpush v4, $0xA;
	v18 =	vld [tilespmem:s25+$0x8900]  }
0x21a: {  	v6 =	vmul.f32 v19, v6;
	(v2sf) =	vpush v4, $0xD;
	v19 =	vld [tilespmem:s25+$0x8910];
	s26 =	spop (v2sf)  }
0x21b: {  	v7 =	vmul.f32 v21, v7;
	v8 =	vmul.f32 v22, v8;
	(v2sf) =	vpush v3, $0xF;
	v21 =	vld [tilespmem:s26+$0x880]  }
0x21c: {  	v5 =	vadd.f32 v6, v5;
	s24 =	spop (v2sf);
	(v2sf) =	vpush v4, $0xF;
	v4 =	vld [tilespmem:s26+$0x890]  }
0x21d: {  	v6 =	vadd.f32 v8, v7;
	v8 =	vmul.f32 v24, v9;
	v9 =	vmul.f32 v25, v10;
	v7 =	vld [tilespmem:s24+$0x8800]  }
0x21e: {  	v10 =	vmul.f32 v27, v11;
	v11 =	vmul.f32 v50, v12;
	v3 =	vld [tilespmem:s24+$0x8810];
	s25 =	spop (v2sf)  }
0x21f: {  	(xrf2) =	vadd.scan.msk.f32 $0xffff, v5;
	v5 =	vadd.f32 v9, v8;
	v8 =	vmul.f32 v52, v13;
	v9 =	vmul.f32 v53, v14;
	v12 =	vld [tilespmem:s25+$0x8880]  }
0x220: {  	(xrf2) =	vadd.scan.msk.f32 $0xffff, v6;
	v6 =	vadd.f32 v11, v10;
	v10 =	vmul.f32 v55, v15;
	v11 =	vmul.f32 v56, v16;
	v13 =	vld [tilespmem:s25+$0x8890]  }
0x221: {  	(xrf2) =	vadd.scan.msk.f32 $0xffff, v5;
	v14 =	vld [tilespmem:s23+$0xA10];
	v5 =	vadd.f32 v9, v8;
	v8 =	vmul.f32 v58, v17;
	v9 =	vmul.f32 v59, v20;
	s26 =	spop (v2sf)  }
0x222: {  	(xrf2) =	vadd.scan.msk.f32 $0xffff, v6;
	v6 =	vadd.f32 v11, v10;
	v10 =	vmul.f32 v61, v26;
	v11 =	vmul.f32 v62, v51;
	v15 =	vld [tilespmem:s26+$0x8A00]  }
0x223: {  	(xrf2) =	vadd.scan.msk.f32 $0xffff, v5;
	v5 =	vadd.f32 v9, v8;
	v8 =	vmul.f32 v18, v54;
	v9 =	vmul.f32 v19, v57;
	v16 =	vld [tilespmem:s26+$0x8A10]  }
0x224: {  	(xrf2) =	vadd.scan.msk.f32 $0xffff, v6;
	v6 =	vadd.f32 v11, v10;
	v10 =	vld [tilespmem:s22+$0xB90];
	s7 =	spop (v2sf);
	v7 =	vmul.f32 v7, v60;
	v3 =	vmul.f32 v3, v63  }
0x225: {  	(xrf2) =	vadd.scan.msk.f32 $0xffff, v5;
	v5 =	vadd.f32 v9, v8;
	v9 =	vld [tilespmem:s7+$0x8B80];
	v8 =	vmul.f32 v12, v21;
	v4 =	vmul.f32 v13, v4  }
0x226: {  	(xrf2) =	vadd.scan.msk.f32 $0xffff, v6;
	v6 =	vld [tilespmem:s7+$0x8B90];
	v3 =	vadd.f32 v3, v7  }
0x227: {  	v0 =	vld [tilespmem:s1+$0xE80];
	(xrf2) =	vadd.scan.msk.f32 $0xffff, v5;
	v4 =	vadd.f32 v4, v8  }
0x228: {  	v1 =	vld [tilespmem:s5+$0xD00];
	(xrf2) =	vadd.scan.msk.f32 $0xffff, v3;
	v3 =	vmul.f32 v15, v23;
	v7 =	vmul.f32 v16, v14  }
0x229: {  	v5 =	vld [tilespmem:s5+$0xD10];
	s22 =	spop (v2sf)  }
0x22a: {  	v11, _, _ =	vpop (xrf2);
	v8 =	vld [tilespmem:s22+$0x8D00];
	(xrf2) =	vadd.scan.msk.f32 $0xffff, v4;
	v3 =	vadd.f32 v7, v3  }
0x22b: {  	v12 =	vld [tilespmem:s22+$0x8D10];
	s23 =	spop (v2sf);
	v2 =	vmul.f32 v9, v2;
	v6 =	vmul.f32 v6, v10;
	v4, _, _ =	vpop (xrf2)  }
0x22c: {  	v9 =	vld [tilespmem:s23+$0x8E80];
	v13, _, _ =	vpop (xrf2)  }
0x22d: {  	v14 =	vld [tilespmem:s23+$0x8E90];
	v2 =	vadd.f32 v6, v2;
	s24 =	spop (v2sf);
	v10, _, _ =	vpop (xrf2)  }
0x22e: {  	(xrf2) =	vadd.scan.msk.f32 $0xffff, v3;
	v6 =	vld [tilespmem:s24+$0xF80];
	s25 =	spop (v2sf);
	v3, _, _ =	vpop (xrf2)  }
0x22f: {  	v1 =	vmul.f32 v8, v1;
	v8 =	vld [tilespmem:s25+$0x8F80];
	v15, _, _ =	vpop (xrf2)  }
0x230: {  	v7 =	vld [tilespmem:s1+$0xE90];
	v5 =	vmul.f32 v12, v5;
	v12, _, _ =	vpop (xrf2)  }
0x231: {  	(xrf2) =	vadd.scan.msk.f32 $0xffff, v2;
	v2, _, _ =	vpop (xrf2)  }
0x232: {  	v1 =	vadd.f32 v5, v1;
	v17, _, _ =	vpop (xrf2)  }
0x233: {  	v0 =	vmul.f32 v9, v0;
	v9, _, _ =	vpop (xrf2)  }
0x234: {  	(xrf2) =	vadd.scan.msk.f32 $0xffff, v1;
	v1 =	vmul.f32 v8, v6;
	v6, _, _ =	vpop (xrf2)  }
0x235: {  	v16 =	vld [tilespmem:s24+$0xF90];
	v7 =	vmul.f32 v14, v7;
	v6 =	vbroadcast v6, $0xF  }
0x236: {  	v5 =	vld [tilespmem:s25+$0x8F90]  }
0x237: {  	v0 =	vadd.f32 v7, v0;
	v7 =	vbroadcast v9, $0xF;
	_ =	sdelay $0x1  }
0x238: {  	(xrf2) =	vadd.scan.msk.f32 $0xffff, v0;
	v0 =	vsel vm0, v7, v6;
	v6, _, _ =	vpop (xrf2)  }
0x239: {  	v8 =	vbroadcast v17, $0xF;
	v6 =	vbroadcast v6, $0xF  }
0x23a: {  	v2 =	vbroadcast v2, $0xF;
	v5 =	vmul.f32 v5, v16  }
0x23b: {  	v0 =	vsel vm1, v0, v8  }
0x23c: {  	v1 =	vadd.f32 v5, v1;
	v0 =	vsel vm2, v0, v2;
	v2 =	vbroadcast v12, $0xF  }
0x23d: {  	v5 =	vbroadcast v15, $0xF;
	v0 =	vsel vm3, v0, v6;
	v6, _, _ =	vpop (xrf2)  }
0x23e: {  	(xrf2) =	vadd.scan.msk.f32 $0xffff, v1;
	v0 =	vsel vm4, v0, v2;
	v1 =	vbroadcast v6, $0xF  }
0x23f: {  	v2 =	vbroadcast v3, $0xF;
	v0 =	vsel vm5, v0, v5  }
0x240: {  	v3, _, _ =	vpop (xrf2);
	v0 =	vsel vm6, v0, v1;
	v1 =	vbroadcast v10, $0xF  }
0x241: {  	v0 =	vsel vm7, v0, v2;
	v2 =	vbroadcast v3, $0xF  }
0x242: {  	v0 =	vsel vm8, v0, v1;
	v1 =	vbroadcast v13, $0xF  }
0x243: {  	v3, _, _ =	vpop (xrf2);
	v0 =	vsel vm9, v0, v2  }
0x244: {  	v2 =	vbroadcast v4, $0xF;
	v0 =	vsel vm10, v0, v1;
	v1 =	vbroadcast v3, $0xF;
	_ =	sdelay $0x1  }
0x245: {  	v0 =	vsel vm11, v0, v2;
	v2 =	vbroadcast v11, $0xF  }
0x246: {  	v0 =	vsel vm12, v0, v1  }
0x247: {  	v0 =	vsel vm13, v0, v2;
	v1, _, _ =	vpop (xrf2)  }
0x248: {  	s22 =	simm.s32 $0x10B00;
	v0 =	vsel vm14, v0, v1  }
0x249: {  	v19 =	vld [tilespmem:$0x10C00];
	s1 =	simm.s32 $0x110;
	[tilespmem:s22+$0x0] =	vst v0  }
0x24a: {  	v1 =	vld [tilespmem:s1+$0x0];
	_ =	sdelay $0x4  }
0x24b: {  	v1 =	vshrl.u32 v1, $0xD  }
0x24c: {  	s26 =	simm.s32 $0x800;
	v1 =	vand.u32 $0x7FFE0, v1  }
0x24d: {  	v4 =	vadd.s32 s26, v1  }
0x24e: {  	(v2sf) =	vpush v4, $0xE;
	_ =	sdelay $0x1  }
0x24f: {  	(v2sf) =	vpush v4, $0xD  }
0x250: {  	(v2sf) =	vpush v4, $0xC;
	_ =	sdelay $0x1  }
0x251: {  	(v2sf) =	vpush v4, $0xB;
	_ =	sdelay $0x1  }
0x252: {  	s24 =	simm.s32 $0x310;
	(v2sf) =	vpush v4, $0xA  }
0x253: {  	v1 =	vld [tilespmem:s24+$0x0];
	(v2sf) =	vpush v4, $0x9;
	_ =	sdelay $0x1  }
0x254: {  	(v2sf) =	vpush v4, $0x8;
	_ =	sdelay $0x1  }
0x255: {  	(v2sf) =	vpush v4, $0x7  }
0x256: {  	v1 =	vshrl.u32 v1, $0xA;
	(v2sf) =	vpush v4, $0x6  }
0x257: {  	s23 =	simm.s32 $0x10900;
	v1 =	vand.u32 $0x3FFFE0, v1  }
0x258: {  	v6 =	vld [tilespmem:s23+$0x0];
	v5 =	vadd.s32 s26, v1;
	(v2sf) =	vpush v4, $0x5;
	s6 =	spop (v2sf)  }
0x259: {  	(v2sf) =	vpush v5, $0xE;
	v22 =	vld [tilespmem:s6+$0xF00]  }
0x25a: {  	v24 =	vld [tilespmem:s6+$0xF10];
	s25 =	spop (v2sf)  }
0x25b: {  	(v2sf) =	vpush v5, $0xC;
	v1 =	vld [tilespmem:s25+$0xE80];
	s7 =	spop (v2sf)  }
0x25c: {  	(v2sf) =	vpush v4, $0x4;
	v17 =	vld [tilespmem:s7+$0xE00]  }
0x25d: {  	v18 =	vld [tilespmem:s7+$0xE10];
	s26 =	spop (v2sf)  }
0x25e: {  	v13 =	vld [tilespmem:s26+$0xD80]  }
0x25f: {  	v15 =	vld [tilespmem:s26+$0xD90];
	s26 =	spop (v2sf);
	(v2sf) =	vpush v5, $0xB  }
0x260: {  	v2 =	vld [tilespmem:s26+$0xD00];
	s6 =	spop (v2sf)  }
0x261: {  	(v2sf) =	vpush v4, $0x3;
	v14 =	vld [tilespmem:s6+$0xC80]  }
0x262: {  	v16 =	vld [tilespmem:s6+$0xC90];
	s7 =	spop (v2sf);
	(v2sf) =	vpush v5, $0x9  }
0x263: {  	v11 =	vld [tilespmem:s7+$0xC00]  }
0x264: {  	v12 =	vld [tilespmem:s7+$0xC10];
	s29 =	spop (v2sf)  }
0x265: {  	(v2sf) =	vpush v5, $0x8;
	v3 =	vld [tilespmem:s29+$0xB80];
	s6 =	spop (v2sf)  }
0x266: {  	v8 =	vld [tilespmem:s6+$0xB00]  }
0x267: {  	(v2sf) =	vpush v4, $0x2;
	v9 =	vld [tilespmem:s6+$0xB10];
	s5 =	spop (v2sf)  }
0x268: {  	(v2sf) =	vpush v5, $0x6;
	v7 =	vld [tilespmem:s5+$0xA80];
	s7 =	spop (v2sf)  }
0x269: {  	v23 =	vld [tilespmem:s7+$0x8F00]  }
0x26a: {  	v25 =	vld [tilespmem:s7+$0x8F10];
	s6 =	spop (v2sf)  }
0x26b: {  	v0 =	vsub.f32 v0, v6;
	v10 =	vld [tilespmem:s5+$0xA90];
	s5 =	spop (v2sf);
	(v2sf) =	vpush v5, $0x5  }
0x26c: {  	v20 =	vld [tilespmem:s6+$0x8E00]  }
0x26d: {  	v0 =	vmul.f32 v0, v0;
	v21 =	vld [tilespmem:s6+$0x8E10];
	(v2sf) =	vpush v4, $0x0  }
0x26e: {  	v6 =	vld [tilespmem:s5+$0xA00];
	(v2sf) =	vpush v5, $0x3;
	s7 =	spop (v2sf)  }
0x26f: {  	v0 =	vadd.f32 v0, v19;
	v23 =	vmul.f32 v23, v22;
	v24 =	vmul.f32 v25, v24;
	v19 =	vld [tilespmem:s7+$0x8D80]  }
0x270: {  	s30 =	simm.s32 $0x4000;
	v22 =	vld [tilespmem:s7+$0x8D90];
	s6 =	spop (v2sf)  }
.LBB2_4:
0x271: {  	p1 =	sne.s32 s30, $0x1E000;
	v25 =	vld [tilespmem:s6+$0x980];
	v23 =	vadd.f32 v24, v23;
	(v2sf) =	vpush v5, $0x2;
	s7 =	spop (v2sf)  }
0x272: {  	v17 =	vmul.f32 v20, v17;
	v24 =	vld [tilespmem:s7+$0x8C80];
	v18 =	vmul.f32 v21, v18  }
0x273: {  	v20 =	vld [tilespmem:s7+$0x8C90];
	(v2sf) =	vpush v4, $0x1;
	(xrf2) =	vadd.scan.msk.f32 $0xffff, v23  }
0x274: {  	v21 =	vld [tilespmem:s6+$0x990];
	v17 =	vadd.f32 v18, v17;
	(v2sf) =	vpush v5, $0x0;
	s6 =	spop (v2sf)  }
0x275: {  	v13 =	vmul.f32 v19, v13;
	v18 =	vld [tilespmem:s6+$0x8C00];
	v15 =	vmul.f32 v22, v15  }
0x276: {  	v19 =	vld [tilespmem:s6+$0x8C10];
	s6 =	spop (v2sf);
	(xrf2) =	vadd.scan.msk.f32 $0xffff, v17  }
0x277: {  	v17 =	vld [tilespmem:s6+$0x900];
	v13 =	vadd.f32 v15, v13;
	(v2sf) =	vpush v5, $0x1;
	s7 =	spop (v2sf)  }
0x278: {  	v14 =	vmul.f32 v24, v14;
	v15 =	vld [tilespmem:s7+$0x8B00];
	v16 =	vmul.f32 v20, v16  }
0x279: {  	v20 =	vld [tilespmem:s7+$0x8B10];
	(xrf2) =	vadd.scan.msk.f32 $0xffff, v13  }
0x27a: {  	v13 =	vld [tilespmem:s6+$0x910];
	v14 =	vadd.f32 v16, v14;
	s6 =	spop (v2sf);
	(v2sf) =	vpush v5, $0x4  }
0x27b: {  	v22 =	vmul.f32 v18, v11;
	v16 =	vld [tilespmem:s6+$0x8A80];
	v12 =	vmul.f32 v19, v12  }
0x27c: {  	v18 =	vld [tilespmem:s6+$0x8A90];
	s6 =	spop (v2sf);
	(xrf2) =	vadd.scan.msk.f32 $0xffff, v14  }
0x27d: {  	v14 =	vld [tilespmem:s6+$0x800];
	v12 =	vadd.f32 v12, v22;
	s7 =	spop (v2sf);
	(v2sf) =	vpush v5, $0x7;
	v11, _, _ =	vpop (xrf2)  }
0x27e: {  	v22 =	vmul.f32 v15, v8;
	v19 =	vld [tilespmem:s7+$0x8980];
	v9 =	vmul.f32 v20, v9  }
0x27f: {  	v15 =	vld [tilespmem:s7+$0x8990];
	(xrf2) =	vadd.scan.msk.f32 $0xffff, v12  }
0x280: {  	v12 =	vld [tilespmem:s6+$0x810];
	v9 =	vadd.f32 v9, v22;
	s6 =	spop (v2sf);
	(v2sf) =	vpush v5, $0xA;
	v8, _, _ =	vpop (xrf2)  }
0x281: {  	v22 =	vmul.f32 v16, v7;
	v20 =	vld [tilespmem:s6+$0x8900];
	v10 =	vmul.f32 v18, v10  }
0x282: {  	v16 =	vld [tilespmem:s6+$0x8910];
	s6 =	spop (v2sf);
	(xrf2) =	vadd.scan.msk.f32 $0xffff, v9  }
0x283: {  	v9 =	vld [tilespmem:s6+$0x880];
	v10 =	vadd.f32 v10, v22;
	s7 =	spop (v2sf);
	v7, _, _ =	vpop (xrf2);
	(v2sf) =	vpush v5, $0xD  }
0x284: {  	v19 =	vmul.f32 v19, v25;
	v18 =	vld [tilespmem:s7+$0x8800];
	v22 =	vmul.f32 v15, v21  }
0x285: {  	v21 =	vld [tilespmem:s7+$0x8810];
	(xrf2) =	vadd.scan.msk.f32 $0xffff, v10;
	(v2sf) =	vpush v4, $0xF  }
0x286: {  	v4 =	vld [tilespmem:s6+$0x890];
	v10 =	vadd.f32 v22, v19;
	s6 =	spop (v2sf);
	v15, _, _ =	vpop (xrf2);
	(v2sf) =	vpush v5, $0xF  }
0x287: {  	v19 =	vmul.f32 v20, v17;
	v5 =	vld [tilespmem:s6+$0x8880];
	v13 =	vmul.f32 v16, v13  }
0x288: {  	v16 =	vld [tilespmem:s6+$0x8890];
	(xrf2) =	vadd.scan.msk.f32 $0xffff, v10  }
0x289: {  	v10 =	vadd.f32 v13, v19;
	v13 =	vld [tilespmem:s5+$0xA10];
	s5 =	spop (v2sf);
	v17, _, _ =	vpop (xrf2)  }
0x28a: {  	v20 =	vmul.f32 v18, v14;
	v12 =	vmul.f32 v21, v12;
	v18 =	vld [tilespmem:s5+$0x8A00]  }
0x28b: {  	v19 =	vld [tilespmem:s5+$0x8A10];
	(xrf2) =	vadd.scan.msk.f32 $0xffff, v10  }
0x28c: {  	v20 =	vadd.f32 v12, v20;
	v12 =	vld [tilespmem:s29+$0xB90];
	s5 =	spop (v2sf);
	v14, _, _ =	vpop (xrf2)  }
0x28d: {  	v5 =	vmul.f32 v5, v9;
	v4 =	vmul.f32 v16, v4;
	v9 =	vld [tilespmem:s5+$0x8B80]  }
0x28e: {  	v16 =	vld [tilespmem:s5+$0x8B90];
	(xrf2) =	vadd.scan.msk.f32 $0xffff, v20  }
0x28f: {  	v4 =	vadd.f32 v4, v5;
	v5 =	vld [tilespmem:s26+$0xD10];
	v10, _, _ =	vpop (xrf2);
	s5 =	spop (v2sf)  }
0x290: {  	v6 =	vmul.f32 v18, v6;
	v20 =	vmul.f32 v19, v13;
	v18 =	vld [tilespmem:s5+$0x8D00]  }
0x291: {  	v19 =	vld [tilespmem:s5+$0x8D10];
	(xrf2) =	vadd.scan.msk.f32 $0xffff, v4  }
0x292: {  	v4 =	vadd.f32 v20, v6;
	v6 =	vld [tilespmem:s25+$0xE90];
	v13, _, _ =	vpop (xrf2);
	s5 =	spop (v2sf)  }
0x293: {  	v3 =	vmul.f32 v9, v3;
	v20 =	vmul.f32 v16, v12;
	v12 =	vld [tilespmem:s5+$0x8E80]  }
0x294: {  	v16 =	vld [tilespmem:s5+$0x8E90];
	(xrf2) =	vadd.scan.msk.f32 $0xffff, v4;
	s5 =	spop (v2sf)  }
0x295: {  	v3 =	vadd.f32 v20, v3;
	v4 =	vld [tilespmem:s5+$0xF80];
	v9, _, _ =	vpop (xrf2);
	s6 =	spop (v2sf)  }
0x296: {  	v2 =	vmul.f32 v18, v2;
	v20 =	vmul.f32 v19, v5;
	v18 =	vld [tilespmem:s6+$0x8F80]  }
0x297: {  	v19 =	vld [tilespmem:s5+$0xF90];
	(xrf2) =	vadd.scan.msk.f32 $0xffff, v3  }
0x298: {  	v2 =	vadd.f32 v20, v2;
	v3 =	vld [tilespmem:s6+$0x8F90];
	v5, _, _ =	vpop (xrf2)  }
0x299: {  	v1 =	vmul.f32 v12, v1;
	v6 =	vmul.f32 v16, v6  }
0x29a: {  	(xrf2) =	vadd.scan.msk.f32 $0xffff, v2  }
0x29b: {  	v1 =	vadd.f32 v6, v1;
	v2 =	vmul.f32 v18, v4;
	v4, _, _ =	vpop (xrf2)  }
0x29c: {  	v12 =	vbroadcast v5, $0xF;
	v4 =	vbroadcast v4, $0xF  }
0x29d: {  	v6 =	vbroadcast v9, $0xF;
	v3 =	vmul.f32 v3, v19;
	(xrf2) =	vadd.scan.msk.f32 $0xffff, v1  }
0x29e: {  	v1 =	vsel vm0, v12, v4;
	v4 =	vbroadcast v13, $0xF;
	v5, _, _ =	vpop (xrf2)  }
0x29f: {  	v1 =	vsel vm1, v1, v6;
	v6 =	vbroadcast v5, $0xF;
	v2 =	vadd.f32 v3, v2  }
0x2a0: {  	v3 =	vbroadcast v10, $0xF;
	v1 =	vsel vm2, v1, v4  }
0x2a1: {  	v1 =	vsel vm3, v1, v6;
	v6 =	vbroadcast v14, $0xF;
	v5, _, _ =	vpop (xrf2);
	(xrf2) =	vadd.scan.msk.f32 $0xffff, v2  }
0x2a2: {  	v1 =	vsel vm4, v1, v3;
	v2 =	vbroadcast v5, $0xF  }
0x2a3: {  	v3 =	vbroadcast v17, $0xF;
	v1 =	vsel vm5, v1, v6  }
0x2a4: {  	v1 =	vsel vm6, v1, v2;
	v2 =	vbroadcast v15, $0xF;
	v4, _, _ =	vpop (xrf2)  }
0x2a5: {  	v1 =	vsel vm7, v1, v3;
	v3 =	vbroadcast v4, $0xF  }
0x2a6: {  	v1 =	vsel vm8, v1, v2;
	v2 =	vbroadcast v7, $0xF  }
0x2a7: {  	v1 =	vsel vm9, v1, v3;
	v3 =	vbroadcast v8, $0xF;
	v4, _, _ =	vpop (xrf2)  }
0x2a8: {  	v1 =	vsel vm10, v1, v2;
	v4 =	vbroadcast v4, $0xF  }
0x2a9: {  	v1 =	vsel vm11, v1, v3;
	v3 =	vbroadcast v11, $0xF  }
0x2aa: {  	v1 =	vsel vm12, v1, v4  }
0x2ab: {  	v1 =	vsel vm13, v1, v3;
	v2, _, _ =	vpop (xrf2)  }
0x2ac: {  	s22 =	sadd.s32 $0x10, s22;
	v1 =	vsel vm14, v1, v2  }
0x2ad: {  	s1 =	sadd.s32 $0x10, s1;
	[tilespmem:s22+$0x0] =	vst v1  }
0x2ae: {  	s23 =	sadd.s32 $0x10, s23;
	v2 =	vld [tilespmem:s1+$0x0]  }
0x2af: {  	v3 =	vld [tilespmem:s23+$0x0];
	_ =	sdelay $0x3  }
0x2b0: {  	v2 =	vshrl.u32 v2, $0xD  }
0x2b1: {  	s5 =	sshra.s32 s30, $0x2;
	v2 =	vand.u32 $0x7FFE0, v2;
	v1 =	vsub.f32 v1, v3  }
0x2b2: {  	v4 =	vadd.s32 s5, v2  }
0x2b3: {  	(v2sf) =	vpush v4, $0xE;
	v1 =	vmul.f32 v1, v1;
	_ =	sdelay $0x1  }
0x2b4: {  	(v2sf) =	vpush v4, $0xD;
	v0 =	vadd.f32 v1, v0  }
0x2b5: {  	(v2sf) =	vpush v4, $0xC;
	_ =	sdelay $0x1  }
0x2b6: {  	(v2sf) =	vpush v4, $0xB;
	_ =	sdelay $0x1  }
0x2b7: {  	s24 =	sadd.s32 $0x10, s24;
	(v2sf) =	vpush v4, $0xA  }
0x2b8: {  	v1 =	vld [tilespmem:s24+$0x0];
	(v2sf) =	vpush v4, $0x9;
	_ =	sdelay $0x1  }
0x2b9: {  	(v2sf) =	vpush v4, $0x8;
	_ =	sdelay $0x1  }
0x2ba: {  	(v2sf) =	vpush v4, $0x7  }
0x2bb: {  	v1 =	vshrl.u32 v1, $0xA;
	(v2sf) =	vpush v4, $0x6  }
0x2bc: {  	v1 =	vand.u32 $0x3FFFE0, v1  }
0x2bd: {  	v5 =	vadd.s32 s5, v1;
	(v2sf) =	vpush v4, $0x5;
	s5 =	spop (v2sf)  }
0x2be: {  	v22 =	vld [tilespmem:s5+$0xF00];
	(v2sf) =	vpush v5, $0xE  }
0x2bf: {  	v24 =	vld [tilespmem:s5+$0xF10];
	s25 =	spop (v2sf)  }
0x2c0: {  	v1 =	vld [tilespmem:s25+$0xE80];
	s5 =	spop (v2sf)  }
0x2c1: {  	v17 =	vld [tilespmem:s5+$0xE00];
	(v2sf) =	vpush v5, $0xC  }
0x2c2: {  	v18 =	vld [tilespmem:s5+$0xE10];
	s5 =	spop (v2sf)  }
0x2c3: {  	v13 =	vld [tilespmem:s5+$0xD80];
	(v2sf) =	vpush v4, $0x4  }
0x2c4: {  	v15 =	vld [tilespmem:s5+$0xD90];
	s26 =	spop (v2sf);
	(v2sf) =	vpush v5, $0xB  }
0x2c5: {  	v2 =	vld [tilespmem:s26+$0xD00];
	s5 =	spop (v2sf)  }
0x2c6: {  	v14 =	vld [tilespmem:s5+$0xC80];
	(v2sf) =	vpush v4, $0x3  }
0x2c7: {  	v16 =	vld [tilespmem:s5+$0xC90];
	s5 =	spop (v2sf);
	(v2sf) =	vpush v5, $0x9  }
0x2c8: {  	v11 =	vld [tilespmem:s5+$0xC00]  }
0x2c9: {  	v12 =	vld [tilespmem:s5+$0xC10];
	s29 =	spop (v2sf)  }
0x2ca: {  	v3 =	vld [tilespmem:s29+$0xB80];
	s5 =	spop (v2sf);
	(v2sf) =	vpush v5, $0x8  }
0x2cb: {  	v8 =	vld [tilespmem:s5+$0xB00]  }
0x2cc: {  	v9 =	vld [tilespmem:s5+$0xB10];
	(v2sf) =	vpush v4, $0x2;
	s5 =	spop (v2sf)  }
0x2cd: {  	v7 =	vld [tilespmem:s5+$0xA80];
	(v2sf) =	vpush v5, $0x6;
	s6 =	spop (v2sf)  }
0x2ce: {  	v23 =	vld [tilespmem:s6+$0x8F00]  }
0x2cf: {  	v25 =	vld [tilespmem:s6+$0x8F10]  }
0x2d0: {  	v10 =	vld [tilespmem:s5+$0xA90];
	(v2sf) =	vpush v5, $0x5;
	s5 =	spop (v2sf)  }
.Ltmp1:
0x2d1: {  	v20 =	vld [tilespmem:s5+$0x8E00];
	(pc) =	sbr.rel @p1 .LBB2_4-.Ltmp1, $4  }
0x2d2: {  	v21 =	vld [tilespmem:s5+$0x8E10];
	(v2sf) =	vpush v4, $0x0;
	s5 =	spop (v2sf)  }
0x2d3: {  	v6 =	vld [tilespmem:s5+$0xA00];
	(v2sf) =	vpush v5, $0x3;
	s6 =	spop (v2sf)  }
0x2d4: {  	v23 =	vmul.f32 v23, v22;
	v19 =	vld [tilespmem:s6+$0x8D80];
	v24 =	vmul.f32 v25, v24  }
0x2d5: {  	s30 =	sadd.s32 $0x2000, s30;
	v22 =	vld [tilespmem:s6+$0x8D90];
	s6 =	spop (v2sf)  }
0x2d6: {  	v25 =	vld [tilespmem:s6+$0x980];
	(v2sf) =	vpush v5, $0x2  }
0x2d7: {  	s1 =	spop (v2sf);
	v28 =	vld [tilespmem:s6+$0x990]  }
0x2d8: {  	v26 =	vld [tilespmem:s1+$0x8C80];
	(v2sf) =	vpush v4, $0x1  }
0x2d9: {  	v27 =	vld [tilespmem:s1+$0x8C90];
	s24 =	spop (v2sf)  }
0x2da: {  	(v2sf) =	vpush v5, $0x0;
	v29 =	vld [tilespmem:s24+$0x8C00]  }
0x2db: {  	v30 =	vld [tilespmem:s24+$0x8C10];
	s30 =	spop (v2sf)  }
0x2dc: {  	(v2sf) =	vpush v5, $0x1;
	v31 =	vld [tilespmem:s30+$0x900]  }
0x2dd: {  	s7 =	spop (v2sf);
	v34 =	vld [tilespmem:s30+$0x910]  }
0x2de: {  	v32 =	vld [tilespmem:s7+$0x8B00]  }
0x2df: {  	v33 =	vld [tilespmem:s7+$0x8B10];
	s24 =	spop (v2sf);
	(v2sf) =	vpush v5, $0x4  }
0x2e0: {  	v35 =	vld [tilespmem:s24+$0x8A80]  }
0x2e1: {  	v36 =	vld [tilespmem:s24+$0x8A90];
	s30 =	spop (v2sf)  }
0x2e2: {  	v37 =	vld [tilespmem:s30+$0x800];
	s7 =	spop (v2sf);
	(v2sf) =	vpush v5, $0x7  }
0x2e3: {  	v40 =	vld [tilespmem:s30+$0x810]  }
0x2e4: {  	v38 =	vld [tilespmem:s7+$0x8980]  }
0x2e5: {  	v39 =	vld [tilespmem:s7+$0x8990];
	(v2sf) =	vpush v5, $0xA;
	s24 =	spop (v2sf)  }
0x2e6: {  	v41 =	vld [tilespmem:s24+$0x8900]  }
0x2e7: {  	v46 =	vld [tilespmem:s24+$0x8910];
	s30 =	spop (v2sf)  }
0x2e8: {  	v17 =	vmul.f32 v20, v17;
	v18 =	vmul.f32 v21, v18;
	(v2sf) =	vpush v5, $0xD;
	v47 =	vld [tilespmem:s30+$0x880]  }
0x2e9: {  	v23 =	vadd.f32 v24, v23;
	v13 =	vmul.f32 v19, v13;
	v15 =	vmul.f32 v22, v15;
	s7 =	spop (v2sf);
	v50 =	vld [tilespmem:s30+$0x890]  }
0x2ea: {  	v17 =	vadd.f32 v18, v17;
	(v2sf) =	vpush v4, $0xF;
	v48 =	vld [tilespmem:s7+$0x8800]  }
0x2eb: {  	v14 =	vmul.f32 v26, v14;
	v16 =	vmul.f32 v27, v16;
	v13 =	vadd.f32 v15, v13;
	v49 =	vld [tilespmem:s7+$0x8810];
	s24 =	spop (v2sf)  }
0x2ec: {  	(xrf2) =	vadd.scan.msk.f32 $0xffff, v23;
	v11 =	vmul.f32 v29, v11;
	v12 =	vmul.f32 v30, v12;
	(v2sf) =	vpush v5, $0xF;
	v51 =	vld [tilespmem:s24+$0x8880]  }
0x2ed: {  	(xrf2) =	vadd.scan.msk.f32 $0xffff, v17;
	v14 =	vadd.f32 v16, v14;
	v8 =	vmul.f32 v32, v8;
	v9 =	vmul.f32 v33, v9;
	v52 =	vld [tilespmem:s24+$0x8890]  }
0x2ee: {  	v53 =	vld [tilespmem:s5+$0xA10];
	(xrf2) =	vadd.scan.msk.f32 $0xffff, v13;
	v11 =	vadd.f32 v12, v11;
	v7 =	vmul.f32 v35, v7;
	v10 =	vmul.f32 v36, v10;
	s30 =	spop (v2sf)  }
0x2ef: {  	(xrf2) =	vadd.scan.msk.f32 $0xffff, v14;
	v8 =	vadd.f32 v9, v8;
	v54 =	vmul.f32 v38, v25;
	v55 =	vmul.f32 v39, v28;
	v56 =	vld [tilespmem:s30+$0x8A00]  }
0x2f0: {  	(xrf2) =	vadd.scan.msk.f32 $0xffff, v11;
	v7 =	vadd.f32 v10, v7;
	v57 =	vmul.f32 v41, v31;
	v58 =	vmul.f32 v46, v34;
	v59 =	vld [tilespmem:s30+$0x8A10]  }
0x2f1: {  	v62 =	vld [tilespmem:s29+$0xB90];
	(xrf2) =	vadd.scan.msk.f32 $0xffff, v8;
	v60 =	vadd.f32 v55, v54;
	v61 =	vmul.f32 v48, v37;
	v4 =	vmul.f32 v49, v40;
	s5 =	spop (v2sf)  }
0x2f2: {  	(xrf2) =	vadd.scan.msk.f32 $0xffff, v7;
	v63 =	vadd.f32 v58, v57;
	v18 =	vmul.f32 v51, v47;
	v5 =	vmul.f32 v52, v50;
	v19 =	vld [tilespmem:s5+$0x8B80]  }
0x2f3: {  	(xrf2) =	vadd.scan.msk.f32 $0xffff, v60;
	v4 =	vadd.f32 v4, v61;
	v20 =	vld [tilespmem:s5+$0x8B90]  }
0x2f4: {  	v21 =	vld [tilespmem:s26+$0xD10];
	(xrf2) =	vadd.scan.msk.f32 $0xffff, v63;
	v5 =	vadd.f32 v5, v18;
	s6 =	spop (v2sf)  }
0x2f5: {  	(xrf2) =	vadd.scan.msk.f32 $0xffff, v4;
	v24 =	vld [tilespmem:s6+$0x8D00];
	v22 =	vmul.f32 v56, v6;
	v23 =	vmul.f32 v59, v53  }
0x2f6: {  	v25, _, _ =	vpop (xrf2);
	v26 =	vld [tilespmem:s6+$0x8D10];
	(xrf2) =	vadd.scan.msk.f32 $0xffff, v5  }
0x2f7: {  	v28 =	vld [tilespmem:s25+$0xE90];
	v27, _, _ =	vpop (xrf2);
	s7 =	spop (v2sf);
	v4 =	vadd.f32 v23, v22  }
0x2f8: {  	v29, _, _ =	vpop (xrf2);
	v30 =	vld [tilespmem:s7+$0x8E80];
	v3 =	vmul.f32 v19, v3;
	v8 =	vmul.f32 v20, v62  }
0x2f9: {  	v31, _, _ =	vpop (xrf2);
	v32 =	vld [tilespmem:s7+$0x8E90];
	s24 =	spop (v2sf);
	(xrf2) =	vadd.scan.msk.f32 $0xffff, v4  }
0x2fa: {  	v33, _, _ =	vpop (xrf2);
	v34 =	vld [tilespmem:s24+$0xF80];
	v3 =	vadd.f32 v8, v3  }
0x2fb: {  	v35, _, _ =	vpop (xrf2);
	s25 =	spop (v2sf);
	v38 =	vld [tilespmem:s24+$0xF90];
	v2 =	vmul.f32 v24, v2;
	v7 =	vmul.f32 v26, v21  }
0x2fc: {  	v37, _, _ =	vpop (xrf2);
	v36 =	vld [tilespmem:s25+$0x8F80];
	(xrf2) =	vadd.scan.msk.f32 $0xffff, v3  }
0x2fd: {  	v39, _, _ =	vpop (xrf2);
	v40 =	vld [tilespmem:s25+$0x8F90];
	v2 =	vadd.f32 v7, v2  }
0x2fe: {  	v41, _, _ =	vpop (xrf2);
	v1 =	vmul.f32 v30, v1;
	v6 =	vmul.f32 v32, v28  }
0x2ff: {  	v42, _, _ =	vpop (xrf2);
	(xrf2) =	vadd.scan.msk.f32 $0xffff, v2  }
0x300: {  	v46 =	vbroadcast v41, $0xF;
	v1 =	vadd.f32 v6, v1;
	v44, _, _ =	vpop (xrf2)  }
0x301: {  	v45 =	vbroadcast v42, $0xF;
	v6 =	vbroadcast v44, $0xF  }
0x302: {  	v43 =	vmul.f32 v36, v34;
	v7 =	vmul.f32 v40, v38;
	(xrf2) =	vadd.scan.msk.f32 $0xffff, v1  }
0x303: {  	v3 =	vbroadcast v39, $0xF;
	v47 =	vsel vm0, v45, v6;
	v48, _, _ =	vpop (xrf2)  }
0x304: {  	v2 =	vadd.f32 v7, v43;
	v1 =	vsel vm1, v47, v46;
	v6 =	vbroadcast v48, $0xF  }
0x305: {  	v49 =	vbroadcast v37, $0xF;
	v1 =	vsel vm2, v1, v3  }
0x306: {  	v50 =	vbroadcast v35, $0xF;
	(xrf2) =	vadd.scan.msk.f32 $0xffff, v2;
	v1 =	vsel vm3, v1, v6;
	v51, _, _ =	vpop (xrf2)  }
0x307: {  	v1 =	vsel vm4, v1, v49;
	v52 =	vbroadcast v51, $0xF  }
0x308: {  	v53 =	vbroadcast v33, $0xF;
	v1 =	vsel vm5, v1, v50  }
0x309: {  	v54 =	vbroadcast v31, $0xF;
	v55, _, _ =	vpop (xrf2);
	v1 =	vsel vm6, v1, v52  }
0x30a: {  	v56 =	vbroadcast v55, $0xF;
	v1 =	vsel vm7, v1, v53  }
0x30b: {  	v57 =	vbroadcast v29, $0xF;
	v1 =	vsel vm8, v1, v54  }
0x30c: {  	v58 =	vbroadcast v27, $0xF;
	v59, _, _ =	vpop (xrf2);
	v1 =	vsel vm9, v1, v56  }
0x30d: {  	v60 =	vbroadcast v59, $0xF;
	v1 =	vsel vm10, v1, v57  }
0x30e: {  	v61 =	vbroadcast v25, $0xF;
	v1 =	vsel vm11, v1, v58  }
0x30f: {  	v1 =	vsel vm12, v1, v60  }
0x310: {  	v62, _, _ =	vpop (xrf2);
	v1 =	vsel vm13, v1, v61  }
0x311: {  	s26 =	sadd.s32 $0x10, s22;
	v1 =	vsel vm14, v1, v62  }
0x312: {  	s29 =	sadd.s32 $0x10, s23;
	[tilespmem:s26+$0x0] =	vst v1  }
0x313: {  	v63 =	vld [tilespmem:s29+$0x0];
	_ =	sdelay $0x4  }
0x314: {  	v1 =	vsub.f32 v1, v63;
	_ =	sdelay $0x1  }
0x315: {  	v1 =	vmul.f32 v1, v1;
	_ =	sdelay $0x1  }
0x316: {  	v0 =	vadd.f32 v1, v0;
	_ =	sdelay $0x1  }
0x317: {  	[tilespmem:$0x10C00] =	vst v0  }
0x318: {  	[hbm4b:s14+s2] =	stream.linear.scatter [tilespmem:s28], [sflag:$0x2], $0x200, $0x38;
	[tilespmem:$0x10D30] =	vst v63  }
0x319: {  	_ =	swait.ge [sflag:s18], $0x200  }
0x31a: {  	[sflag:s18] =	ssyncset.done $0x0  }
0x31b: {  	s30 =	simm.s32 $0x10C00;
	[sflag:s18] =	ssyncadd.s32 $0xFFFFFE00  }
0x31c: {  	[spmem:s15] =	stream.linear.scatter [tilespmem:s30], [sflag:$0x2], $0x10, $0x38;
	[tilespmem:$0x10D30] =	vst v63  }
0x31d: {  	_ =	swait.ge [sflag:s18], $0x10  }
0x31e: {  	[sflag:s18] =	ssyncset.done $0x0  }
0x31f: {  	[sflag:s18] =	ssyncadd.s32 $0xFFFFFFF0  }
0x320: {  	[bflag:$0x0] =	sbarrier.arrive $0xFFFF  }
0x321: {  	s1 =	simm.s32 @!p0 $0x10C10;
	s5 =	rddreg [dreg:$0x6]  }
0x322: {  	[tilespmem:s1], [sflag:$0x2] =	stream.linear.gather @!p0 [spmem:s5], $0x100, $0x38;
	[tilespmem:$0x10D30] =	vst v63  }
0x323: {  	s1 =	simm.s32 @!p0 $0x2  }
0x324: {  	_ =	swait.ge @!p0 [sflag:s1], $0x100  }
0x325: {  	[sflag:s1] =	ssyncset.done @!p0 $0x0  }
0x326: {  	[sflag:s1] =	ssyncadd.s32 @!p0 $0xFFFFFF00  }
0x327: {  	v0 =	vld @!p0 [tilespmem:$0x10C10]  }
0x328: {  	v1 =	vld @!p0 [tilespmem:$0x10C20];
	_ =	sdelay $0x1  }
0x329: {  	v2 =	vld @!p0 [tilespmem:$0x10C30];
	_ =	sdelay $0x1  }
0x32a: {  	v3 =	vld @!p0 [tilespmem:$0x10C40]  }
0x32b: {  	v0 =	vadd.f32 @!p0 v1, v0  }
0x32c: {  	v1 =	vld @!p0 [tilespmem:$0x10C50]  }
0x32d: {  	v0 =	vadd.f32 @!p0 v2, v0  }
0x32e: {  	v2 =	vld @!p0 [tilespmem:$0x10C60]  }
0x32f: {  	v0 =	vadd.f32 @!p0 v3, v0  }
0x330: {  	v3 =	vld @!p0 [tilespmem:$0x10C70]  }
0x331: {  	v0 =	vadd.f32 @!p0 v1, v0  }
0x332: {  	v1 =	vld @!p0 [tilespmem:$0x10C80]  }
0x333: {  	v0 =	vadd.f32 @!p0 v2, v0  }
0x334: {  	v2 =	vld @!p0 [tilespmem:$0x10C90]  }
0x335: {  	v0 =	vadd.f32 @!p0 v3, v0  }
0x336: {  	v3 =	vld @!p0 [tilespmem:$0x10CA0]  }
0x337: {  	v0 =	vadd.f32 @!p0 v1, v0  }
0x338: {  	v1 =	vld @!p0 [tilespmem:$0x10CB0]  }
0x339: {  	v0 =	vadd.f32 @!p0 v2, v0  }
0x33a: {  	v2 =	vld @!p0 [tilespmem:$0x10CC0]  }
0x33b: {  	v0 =	vadd.f32 @!p0 v3, v0  }
0x33c: {  	v3 =	vld @!p0 [tilespmem:$0x10CD0]  }
0x33d: {  	v0 =	vadd.f32 @!p0 v1, v0  }
0x33e: {  	v1 =	vld @!p0 [tilespmem:$0x10CE0]  }
0x33f: {  	v0 =	vadd.f32 @!p0 v2, v0  }
0x340: {  	v2 =	vld @!p0 [tilespmem:$0x10CF0]  }
0x341: {  	v0 =	vadd.f32 @!p0 v3, v0  }
0x342: {  	v3 =	vld @!p0 [tilespmem:$0x10D00]  }
0x343: {  	v0 =	vadd.f32 @!p0 v1, v0;
	_ =	sdelay $0x1  }
0x344: {  	v0 =	vadd.f32 @!p0 v2, v0;
	_ =	sdelay $0x1  }
0x345: {  	s0 =	sadd.s32 $0x1, s0;
	v0 =	vadd.f32 @!p0 v3, v0  }
0x346: {  	p1 =	sne.s32 s0, s17  }
.Ltmp2:
0x347: {  	s6 =	simm.s32 @!p0 $0x10D10;
	s5 =	simm.s32 @!p0 $0x0;
	[tilespmem:$0x10D10] =	vst @!p0 v0;
	(pc) =	sbr.rel @p1 .LBB2_1-.Ltmp2, $4  }
0x348: {  	[hbm4b:s16+s5] =	stream.linear.scatter @!p0 [tilespmem:s6], [sflag:$0x2], $0x10, $0x38;
	[tilespmem:$0x10D30] =	vst v63  }
0x349: {  	_ =	swait.ge @!p0 [sflag:s1], $0x10  }
0x34a: {  	[sflag:s1] =	ssyncset.done @!p0 $0x0  }
0x34b: {  	[sflag:s1] =	ssyncadd.s32 @!p0 $0xFFFFFFF0  }
0x34c: {  	_ =	sfence.sel $0x180000  }
0x34d: {  	[bflag:$0x0] =	sbarrier.arrive $0xFFFF  }
0x34e: {  	_ =	strace $0x90000047  }
0x34f: {  	[bflag:$0x2] =	sbarrier.arrive $0xFFFF  }
0x350: {  	s0 =	rddreg [dreg:$0x7]  }
0x351: {  	s0 =	sadd.s32 @!p0 $0x100000, s0  }
0x352: {  	[sflag:s0] =	ssyncadd.tile.s32 @!p0 $0x1;
	_ =	shalt  }
.Lfunc_end2:
_tile_overlayer_lowered:
.L_overlay_start_2:
0x353: {  	(tag) =	ssettag $0x2  }
0x354: {  	s0 =	rddreg [dreg:$0x0];
	s2 =	stileid.u32  }
0x355: {  	s1 =	rddreg [dreg:$0x1];
	p0 =	sne.s32 s2, $0x0  }
0x356: {  	s3 =	rddreg [dreg:$0x2];
	[bflag:$0x3] =	sbarrier.arrive $0xFFFF;
	s2 =	simm.s32 @!p0 $0x1C02  }
0x357: {  	[timem:s3], [sflag:s2] =	dma.local @!p0 [hbm:s0], s1  }
0x358: {  	s0 =	simm.s32 @!p0 $0x2  }
0x359: {  	_ =	swait.ge @!p0 [sflag:s0], s1  }
0x35a: {  	s1 =	ssub.s32 @!p0 $0x0, s1;
	[sflag:s0] =	ssyncset.done @!p0 $0x0  }
0x35b: {  	[sflag:s0] =	ssyncadd.s32 @!p0 s1  }
0x35c: {  	[bflag:$0x3] =	sbarrier.arrive $0xFFFF  }
0x35d: {  	_ =	shalt  }

</sc_bundles>
